<compile_context>
chip_gen: v7x
topology: tpu7x:2x2x1
jax: 0.10.2.dev20260603
libtpu: 0.0.44.dev20260713+nightly
codegen_flags: <defaults>
</compile_context>

<pallas_src>
import jax
import jax.numpy as jnp
from jax import lax
from jax.experimental import pallas as pl
from jax.experimental.pallas import tpu as pltpu
from jax.experimental.pallas import tpu_sc as plsc

NN = 100000
EE = 3200000
NC, NS, LANES = 2, 16, 16
NW = NC * NS
NP = 102400
EPT = EE // NW
DCH = 400
DNCH = EPT // DCH
KCH = 400
KNCH = EPT // KCH
NPT = NP // NS
WCH = 800
RW = NP // 8
BRW = 1600
RC = NP // 128
BRC = 200

_SC_PARAMS = pltpu.CompilerParams(use_tc_tiling_on_sc=False,
                                  needs_layout_passes=False)
_MESH = dict(mesh=plsc.VectorSubcoreMesh(core_axis_name="c",
                                         subcore_axis_name="s"),
             compiler_params=_SC_PARAMS)



def _sc_deg_body(col_hbm, ew_hbm, outw_hbm, outc_hbm, acc,
                 idxb0, valb0, idxb1, valb1, zb, wbuf, sem0, sem1):
    cid = lax.axis_index("c")
    sid = lax.axis_index("s")
    wid = sid * NC + cid
    ebase = wid * EPT

    def zb_body(j, _):
        zb[pl.ds(j * LANES, LANES)] = jnp.zeros((LANES,), jnp.float32)
        return 0
    lax.fori_loop(0, WCH // LANES, zb_body, 0)

    def zs_body(j, _):
        pltpu.sync_copy(zb, acc.at[pl.ds(sid * NPT + j * WCH, WCH)])
        return 0
    lax.fori_loop(0, NPT // WCH, zs_body, 0)
    plsc.subcore_barrier()

    def issue(j, idxb, valb, sem):
        b = ebase + j * DCH
        pltpu.async_copy(col_hbm.at[pl.ds(b, DCH)], idxb, sem)
        pltpu.async_copy(ew_hbm.at[pl.ds(b, DCH)], valb, sem)

    def drain(j, idxb, valb, sem):
        b = ebase + j * DCH
        pltpu.make_async_copy(col_hbm.at[pl.ds(b, DCH)], idxb, sem).wait()
        pltpu.make_async_copy(ew_hbm.at[pl.ds(b, DCH)], valb, sem).wait()

    issue(0, idxb0, valb0, sem0)
    issue(1, idxb1, valb1, sem1)

    def pair(t, _):
        j0 = 2 * t
        drain(j0, idxb0, valb0, sem0)
        pltpu.sync_copy(valb0, acc.at[idxb0], add=True)

        @pl.when(j0 + 2 < DNCH)
        def _():
            issue(j0 + 2, idxb0, valb0, sem0)

        drain(j0 + 1, idxb1, valb1, sem1)
        pltpu.sync_copy(valb1, acc.at[idxb1], add=True)

        @pl.when(j0 + 3 < DNCH)
        def _():
            issue(j0 + 3, idxb1, valb1, sem1)
        return 0
    lax.fori_loop(0, DNCH // 2, pair, 0)
    plsc.subcore_barrier()

    def wb_body(j, _):
        off = sid * NPT + j * WCH
        pltpu.sync_copy(acc.at[pl.ds(off, WCH)], zb)
        pltpu.sync_copy(zb, outc_hbm.at[pl.ds(cid * NP + off, WCH)])

        def expand(g, _):
            dv = zb[pl.ds(g * LANES, LANES)]
            for k in range(LANES):
                wbuf[g * LANES + k] = jnp.full((LANES,), dv[k], jnp.float32)
            return 0
        lax.fori_loop(0, WCH // LANES, expand, 0)
        pltpu.sync_copy(wbuf, outw_hbm.at[pl.ds(cid * NP + off, WCH)])
        return 0
    lax.fori_loop(0, NPT // WCH, wb_body, 0)


_deg_call = pl.kernel(
    _sc_deg_body,
    out_type=[jax.ShapeDtypeStruct((2 * NP, 16), jnp.float32),
              jax.ShapeDtypeStruct((2 * NP,), jnp.float32)],
    scratch_types=[
        pltpu.VMEM_SHARED((NP,), jnp.float32),
        pltpu.VMEM((DCH,), jnp.int32),
        pltpu.VMEM((DCH,), jnp.float32),
        pltpu.VMEM((DCH,), jnp.int32),
        pltpu.VMEM((DCH,), jnp.float32),
        pltpu.VMEM((WCH,), jnp.float32),
        pltpu.VMEM((WCH, 16), jnp.float32),
        pltpu.SemaphoreType.DMA,
        pltpu.SemaphoreType.DMA,
    ],
    **_MESH,
)


def _sc_pass16_body(row_hbm, col_hbm, ew_hbm, zs_hbm, out_hbm,
                    acc, rowb0, colb0, ewb0, rows0,
                    rowb1, colb1, ewb1, rows1,
                    lsem0, lsem1, gsem0, gsem1):
    cid = lax.axis_index("c")
    sid = lax.axis_index("s")
    wid = sid * NC + cid
    ebase = wid * EPT

    def zr(j, _):
        rows0[j] = jnp.zeros((LANES,), jnp.float32)
        return 0
    lax.fori_loop(0, KCH, zr, 0)

    def zs_body(j, _):
        pltpu.sync_copy(rows0.at[pl.ds(0, KCH)],
                        acc.at[pl.ds(sid * NPT + j * KCH, KCH)])
        return 0
    lax.fori_loop(0, NPT // KCH, zs_body, 0)
    plsc.subcore_barrier()

    def issue_lin(j, rowb, colb, ewb, sem):
        b = ebase + j * KCH
        pltpu.async_copy(row_hbm.at[pl.ds(b, KCH)], rowb, sem)
        pltpu.async_copy(col_hbm.at[pl.ds(b, KCH)], colb, sem)
        pltpu.async_copy(ew_hbm.at[pl.ds(b, KCH)], ewb, sem)

    def drain_lin(j, rowb, colb, ewb, sem):
        b = ebase + j * KCH
        pltpu.make_async_copy(row_hbm.at[pl.ds(b, KCH)], rowb, sem).wait()
        pltpu.make_async_copy(col_hbm.at[pl.ds(b, KCH)], colb, sem).wait()
        pltpu.make_async_copy(ew_hbm.at[pl.ds(b, KCH)], ewb, sem).wait()

    def compute(rows, ewb, colb):
        def sc_body(j, _):
            b = j * LANES
            wv = ewb[pl.ds(b, LANES)]
            for k in range(LANES):
                rows[b + k] = rows[b + k] * wv[k]
            return 0
        lax.fori_loop(0, KCH // LANES, sc_body, 0)
        pltpu.sync_copy(rows, acc.at[colb], add=True)

    issue_lin(0, rowb0, colb0, ewb0, lsem0)
    issue_lin(1, rowb1, colb1, ewb1, lsem1)
    drain_lin(0, rowb0, colb0, ewb0, lsem0)
    pltpu.async_copy(zs_hbm.at[rowb0], rows0, gsem0)

    def pair(t, _):
        j0 = 2 * t
        drain_lin(j0 + 1, rowb1, colb1, ewb1, lsem1)
        pltpu.async_copy(zs_hbm.at[rowb1], rows1, gsem1)
        pltpu.make_async_copy(zs_hbm.at[rowb0], rows0, gsem0).wait()
        compute(rows0, ewb0, colb0)

        @pl.when(j0 + 2 < KNCH)
        def _():
            issue_lin(j0 + 2, rowb0, colb0, ewb0, lsem0)

        @pl.when(j0 + 2 < KNCH)
        def _():
            drain_lin(j0 + 2, rowb0, colb0, ewb0, lsem0)
            pltpu.async_copy(zs_hbm.at[rowb0], rows0, gsem0)

        pltpu.make_async_copy(zs_hbm.at[rowb1], rows1, gsem1).wait()
        compute(rows1, ewb1, colb1)

        @pl.when(j0 + 3 < KNCH)
        def _():
            issue_lin(j0 + 3, rowb1, colb1, ewb1, lsem1)
        return 0
    lax.fori_loop(0, KNCH // 2, pair, 0)
    plsc.subcore_barrier()

    def wb(j, _):
        off = sid * NPT + j * KCH
        pltpu.sync_copy(acc.at[pl.ds(off, KCH)], rows0.at[pl.ds(0, KCH)])
        pltpu.sync_copy(rows0.at[pl.ds(0, KCH)],
                        out_hbm.at[pl.ds(cid * NP + off, KCH)])
        return 0
    lax.fori_loop(0, NPT // KCH, wb, 0)


_pass16_call = pl.kernel(
    _sc_pass16_body,
    out_type=jax.ShapeDtypeStruct((2 * NP, 16), jnp.float32),
    scratch_types=[
        pltpu.VMEM_SHARED((NP, 16), jnp.float32),
        pltpu.VMEM((KCH,), jnp.int32),
        pltpu.VMEM((KCH,), jnp.int32),
        pltpu.VMEM((KCH,), jnp.float32),
        pltpu.VMEM((KCH, 16), jnp.float32),
        pltpu.VMEM((KCH,), jnp.int32),
        pltpu.VMEM((KCH,), jnp.int32),
        pltpu.VMEM((KCH,), jnp.float32),
        pltpu.VMEM((KCH, 16), jnp.float32),
        pltpu.SemaphoreType.DMA,
        pltpu.SemaphoreType.DMA,
        pltpu.SemaphoreType.DMA,
        pltpu.SemaphoreType.DMA,
    ],
    **_MESH,
)


def _sc_pass1_body(row_hbm, col_hbm, ew_hbm, zs3_hbm, out_hbm,
                   acc, table, rowb0, colb0, ewb0, scl0,
                   rowb1, colb1, ewb1, scl1, wbb, sem0, sem1):
    cid = lax.axis_index("c")
    sid = lax.axis_index("s")
    wid = sid * NC + cid
    ebase = wid * EPT

    pltpu.sync_copy(zs3_hbm, table)

    def zb_body(j, _):
        wbb[pl.ds(j * LANES, LANES)] = jnp.zeros((LANES,), jnp.float32)
        return 0
    lax.fori_loop(0, WCH // LANES, zb_body, 0)

    def zs_body(j, _):
        pltpu.sync_copy(wbb, acc.at[pl.ds(sid * NPT + j * WCH, WCH)])
        return 0
    lax.fori_loop(0, NPT // WCH, zs_body, 0)
    plsc.subcore_barrier()

    def issue(j, rowb, colb, ewb, sem):
        b = ebase + j * DCH
        pltpu.async_copy(row_hbm.at[pl.ds(b, DCH)], rowb, sem)
        pltpu.async_copy(col_hbm.at[pl.ds(b, DCH)], colb, sem)
        pltpu.async_copy(ew_hbm.at[pl.ds(b, DCH)], ewb, sem)

    def drain(j, rowb, colb, ewb, sem):
        b = ebase + j * DCH
        pltpu.make_async_copy(row_hbm.at[pl.ds(b, DCH)], rowb, sem).wait()
        pltpu.make_async_copy(col_hbm.at[pl.ds(b, DCH)], colb, sem).wait()
        pltpu.make_async_copy(ew_hbm.at[pl.ds(b, DCH)], ewb, sem).wait()

    def compute(rowb, colb, ewb, scl):
        def g(j, _):
            r = rowb[pl.ds(j * LANES, LANES)]
            v = plsc.load_gather(table, [r])
            w = ewb[pl.ds(j * LANES, LANES)]
            scl[pl.ds(j * LANES, LANES)] = v * w
            return 0
        lax.fori_loop(0, DCH // LANES, g, 0)
        pltpu.sync_copy(scl, acc.at[colb], add=True)

    issue(0, rowb0, colb0, ewb0, sem0)
    issue(1, rowb1, colb1, ewb1, sem1)

    def pair(t, _):
        j0 = 2 * t
        drain(j0, rowb0, colb0, ewb0, sem0)
        compute(rowb0, colb0, ewb0, scl0)

        @pl.when(j0 + 2 < DNCH)
        def _():
            issue(j0 + 2, rowb0, colb0, ewb0, sem0)

        drain(j0 + 1, rowb1, colb1, ewb1, sem1)
        compute(rowb1, colb1, ewb1, scl1)

        @pl.when(j0 + 3 < DNCH)
        def _():
            issue(j0 + 3, rowb1, colb1, ewb1, sem1)
        return 0
    lax.fori_loop(0, DNCH // 2, pair, 0)
    plsc.subcore_barrier()

    def wb(j, _):
        off = sid * NPT + j * WCH
        pltpu.sync_copy(acc.at[pl.ds(off, WCH)], wbb)
        pltpu.sync_copy(wbb, out_hbm.at[pl.ds(cid * NP + off, WCH)])
        return 0
    lax.fori_loop(0, NPT // WCH, wb, 0)


_pass1_call = pl.kernel(
    _sc_pass1_body,
    out_type=jax.ShapeDtypeStruct((2 * NP,), jnp.float32),
    scratch_types=[
        pltpu.VMEM_SHARED((NP,), jnp.float32),
        pltpu.VMEM((NP,), jnp.float32),
        pltpu.VMEM((DCH,), jnp.int32),
        pltpu.VMEM((DCH,), jnp.int32),
        pltpu.VMEM((DCH,), jnp.float32),
        pltpu.VMEM((DCH,), jnp.float32),
        pltpu.VMEM((DCH,), jnp.int32),
        pltpu.VMEM((DCH,), jnp.int32),
        pltpu.VMEM((DCH,), jnp.float32),
        pltpu.VMEM((DCH,), jnp.float32),
        pltpu.VMEM((WCH,), jnp.float32),
        pltpu.SemaphoreType.DMA,
        pltpu.SemaphoreType.DMA,
    ],
    **_MESH,
)



BLK = BRW * 128
NGW = RW // BRW


def _t1_body(d0_ref, d1_ref, x_ref, bd1_ref, dis_ref, zs1_ref):
    deg = d0_ref[...] + d1_ref[...] + 2.0
    dis = jnp.where(deg > 0, lax.rsqrt(deg), 0.0).reshape(BRW, 128)
    dis_ref[...] = dis
    z = jnp.dot(x_ref[...], bd1_ref[...], preferred_element_type=jnp.float32)
    zs1_ref[...] = (dis * z).reshape(BLK)


_t1_call = pl.pallas_call(
    _t1_body,
    grid=(NGW,),
    in_specs=[
        pl.BlockSpec((BLK,), lambda i: (i,)),
        pl.BlockSpec((BLK,), lambda i: (NGW + i,)),
        pl.BlockSpec((BRW, 128), lambda i: (i, 0)),
        pl.BlockSpec((128, 128), lambda i: (0, 0)),
    ],
    out_specs=[
        pl.BlockSpec((BRW, 128), lambda i: (i, 0)),
        pl.BlockSpec((BLK,), lambda i: (i,)),
    ],
    out_shape=[
        jax.ShapeDtypeStruct((RW, 128), jnp.float32),
        jax.ShapeDtypeStruct((NP * 16,), jnp.float32),
    ],
)


def _t2_body(a0_ref, a1_ref, zs_ref, dis_ref, b_ref, bd_ref, zsn_ref):
    dis = dis_ref[...]
    s = (a0_ref[...] + a1_ref[...] + 2.0 * zs_ref[...]).reshape(BRW, 128)
    h = jnp.maximum(dis * s + b_ref[...], 0.0)
    zsn_ref[...] = (dis * jnp.dot(h, bd_ref[...],
                                  preferred_element_type=jnp.float32)
                    ).reshape(BLK)


_t2_call = pl.pallas_call(
    _t2_body,
    grid=(NGW,),
    in_specs=[
        pl.BlockSpec((BLK,), lambda i: (i,)),
        pl.BlockSpec((BLK,), lambda i: (NGW + i,)),
        pl.BlockSpec((BLK,), lambda i: (i,)),
        pl.BlockSpec((BRW, 128), lambda i: (i, 0)),
        pl.BlockSpec((1, 128), lambda i: (0, 0)),
        pl.BlockSpec((128, 128), lambda i: (0, 0)),
    ],
    out_specs=pl.BlockSpec((BLK,), lambda i: (i,)),
    out_shape=jax.ShapeDtypeStruct((NP * 16,), jnp.float32),
)


def _t3_body(a0_ref, a1_ref, zs_ref, dis_ref, b_ref, bd3_ref, zs3_ref, ps_ref):
    i = pl.program_id(0)
    dis = dis_ref[...]
    s = (a0_ref[...] + a1_ref[...] + 2.0 * zs_ref[...]).reshape(BRW, 128)
    h = jnp.maximum(dis * s + b_ref[...], 0.0)
    u = lax.broadcasted_iota(jnp.int32, (BRW, 128), 0) + i * BRW
    l = lax.broadcasted_iota(jnp.int32, (BRW, 128), 1)
    node = u * 8 + l // 16
    hm = jnp.where(node < NN, h, 0.0)
    zs3_ref[...] = (dis * jnp.dot(h, bd3_ref[...],
                                  preferred_element_type=jnp.float32)
                    ).reshape(BLK)

    @pl.when(i == 0)
    def _():
        ps_ref[...] = jnp.zeros((1, 128), jnp.float32)

    ps_ref[...] += jnp.sum(hm, axis=0, keepdims=True)


_t3_call = pl.pallas_call(
    _t3_body,
    grid=(NGW,),
    in_specs=[
        pl.BlockSpec((BLK,), lambda i: (i,)),
        pl.BlockSpec((BLK,), lambda i: (NGW + i,)),
        pl.BlockSpec((BLK,), lambda i: (i,)),
        pl.BlockSpec((BRW, 128), lambda i: (i, 0)),
        pl.BlockSpec((1, 128), lambda i: (0, 0)),
        pl.BlockSpec((128, 128), lambda i: (0, 0)),
    ],
    out_specs=[
        pl.BlockSpec((BLK,), lambda i: (i,)),
        pl.BlockSpec((1, 128), lambda i: (0, 0)),
    ],
    out_shape=[
        jax.ShapeDtypeStruct((NP * 16,), jnp.float32),
        jax.ShapeDtypeStruct((1, 128), jnp.float32),
    ],
)



def _kc_body(c0_ref, c1_ref, zs3_ref, d0_ref, d1_ref, b3_ref, ch_ref,
             lg_ref, m_ref):
    i = pl.program_id(0)
    deg = d0_ref[...] + d1_ref[...] + 2.0
    dis = jnp.where(deg > 0, lax.rsqrt(deg), 0.0)
    c = dis * (c0_ref[...] + c1_ref[...] + 2.0 * zs3_ref[...]) + b3_ref[...]
    lg = jnp.where(ch_ref[...], c, -1e9)
    lg_ref[...] = lg

    @pl.when(i == 0)
    def _():
        m_ref[...] = jnp.full((1, 1), -3e38, jnp.float32)

    m_ref[...] = jnp.maximum(m_ref[...], jnp.max(lg, keepdims=True))


_kc_call = pl.pallas_call(
    _kc_body,
    grid=(RC // BRC,),
    in_specs=[
        pl.BlockSpec((BRC, 128), lambda i: (i, 0)),
        pl.BlockSpec((BRC, 128), lambda i: (i, 0)),
        pl.BlockSpec((BRC, 128), lambda i: (i, 0)),
        pl.BlockSpec((BRC, 128), lambda i: (i, 0)),
        pl.BlockSpec((BRC, 128), lambda i: (i, 0)),
        pl.BlockSpec((1, 1), lambda i: (0, 0)),
        pl.BlockSpec((BRC, 128), lambda i: (i, 0)),
    ],
    out_specs=[
        pl.BlockSpec((BRC, 128), lambda i: (i, 0)),
        pl.BlockSpec((1, 1), lambda i: (0, 0)),
    ],
    out_shape=[
        jax.ShapeDtypeStruct((RC, 128), jnp.float32),
        jax.ShapeDtypeStruct((1, 1), jnp.float32),
    ],
)


def _ke_body(lg_ref, m_ref, e_ref, s_ref):
    i = pl.program_id(0)
    e = jnp.exp(lg_ref[...] - m_ref[...])
    e_ref[...] = e

    @pl.when(i == 0)
    def _():
        s_ref[...] = jnp.zeros((1, 1), jnp.float32)

    s_ref[...] += jnp.sum(e, keepdims=True)


_ke_call = pl.pallas_call(
    _ke_body,
    grid=(RC // BRC,),
    in_specs=[
        pl.BlockSpec((BRC, 128), lambda i: (i, 0)),
        pl.BlockSpec((1, 1), lambda i: (0, 0)),
    ],
    out_specs=[
        pl.BlockSpec((BRC, 128), lambda i: (i, 0)),
        pl.BlockSpec((1, 1), lambda i: (0, 0)),
    ],
    out_shape=[
        jax.ShapeDtypeStruct((RC, 128), jnp.float32),
        jax.ShapeDtypeStruct((1, 1), jnp.float32),
    ],
)


def _kf_body(e_ref, s_ref, ch_ref, ps_ref, fcw_ref, fcb_ref,
             choice_ref, val_ref):
    i = pl.program_id(0)
    p = e_ref[...] / s_ref[...]
    choice_ref[...] = jnp.where(ch_ref[...], p, 0.0)

    @pl.when(i == 0)
    def _():
        v = jnp.sum(ps_ref[...] * fcw_ref[...], keepdims=True) * (1.0 / NN)
        val_ref[...] = v + fcb_ref[...]


_kf_call = pl.pallas_call(
    _kf_body,
    grid=(RC // BRC,),
    in_specs=[
        pl.BlockSpec((BRC, 128), lambda i: (i, 0)),
        pl.BlockSpec((1, 1), lambda i: (0, 0)),
        pl.BlockSpec((BRC, 128), lambda i: (i, 0)),
        pl.BlockSpec((1, 128), lambda i: (0, 0)),
        pl.BlockSpec((1, 128), lambda i: (0, 0)),
        pl.BlockSpec((1, 1), lambda i: (0, 0)),
    ],
    out_specs=[
        pl.BlockSpec((BRC, 128), lambda i: (i, 0)),
        pl.BlockSpec((1, 1), lambda i: (0, 0)),
    ],
    out_shape=[
        jax.ShapeDtypeStruct((RC, 128), jnp.float32),
        jax.ShapeDtypeStruct((1, 1), jnp.float32),
    ],
)



@jax.jit
def _run(x, edge_attr, W1, b1, W2, b2, W3, b3, fc_W, fc_b, edge_index, choices):
    row = edge_index[0]
    col = edge_index[1]

    eye8 = jnp.eye(8, dtype=jnp.float32)
    xp = jnp.pad(x, ((0, NP - NN), (0, 13))).reshape(RW, 128)
    bd1 = jnp.kron(eye8, jnp.pad(W1, ((0, 13), (0, 0))))
    bd2 = jnp.kron(eye8, W2)
    bd3 = jnp.kron(eye8, jnp.pad(W3, ((0, 0), (0, 15))))
    b1r = jnp.tile(b1, 8).reshape(1, 128)
    b2r = jnp.tile(b2, 8).reshape(1, 128)
    fcw = jnp.tile(fc_W[:, 0], 8).reshape(1, 128)
    chc = jnp.pad(choices, (0, NP - NN)).reshape(RC, 128)

    degw, degc = _deg_call(col, edge_attr)
    degwf = degw.reshape(2 * NP * 16)

    dis, zs1 = _t1_call(degwf, degwf, xp, bd1)
    acc1 = _pass16_call(row, col, edge_attr, zs1.reshape(NP, 16))
    acc1f = acc1.reshape(2 * NP * 16)
    zs2 = _t2_call(acc1f, acc1f, zs1, dis, b1r, bd2)
    acc2 = _pass16_call(row, col, edge_attr, zs2.reshape(NP, 16))
    acc2f = acc2.reshape(2 * NP * 16)
    zs3, ps = _t3_call(acc2f, acc2f, zs2, dis, b2r, bd3)

    zs3c = zs3.reshape(NP, 16)[:, 0]
    cacc = _pass1_call(row, col, edge_attr, zs3c)

    lg, m = _kc_call(cacc[:NP].reshape(RC, 128), cacc[NP:].reshape(RC, 128),
                     zs3c.reshape(RC, 128),
                     degc[:NP].reshape(RC, 128), degc[NP:].reshape(RC, 128),
                     b3.reshape(1, 1), chc)
    e, s = _ke_call(lg, m)
    choice, value = _kf_call(e, s, chc, ps, fcw, fc_b.reshape(1, 1))
    return choice.reshape(NP)[:NN], value


def kernel(x, edge_attr, W1, b1, W2, b2, W3, b3, fc_W, fc_b, edge_index, choices):
    return _run(x, edge_attr, W1, b1, W2, b2, W3, b3, fc_W, fc_b,
                edge_index, choices)

# --- scband reference (transcript-rebuilt; emitter-appended) ---
"""Pipeline reference for scband-weighted-gcnpolicy-network-7670811590827 (READ-ONLY COPY).

The authoritative reference and input builder live on the scoring server;
editing this copy changes nothing except your own understanding.
"""

import jax, jax.numpy as jnp
import numpy as np

N = 100000
E = 3200000


def gcn_conv(x, row, col, ew, W, b, n):
    # GCNConv with improved=True: self-loop weight 2.0, symmetric normalization
    loop = jnp.arange(n, dtype=row.dtype)
    r = jnp.concatenate([row, loop])
    c = jnp.concatenate([col, loop])
    w = jnp.concatenate([ew, jnp.full((n,), 2.0, dtype=ew.dtype)])
    deg = jnp.zeros((n,), x.dtype).at[c].add(w)
    safe_deg = jnp.where(deg > 0, deg, 1.0)
    dis = jnp.where(deg > 0, jax.lax.rsqrt(safe_deg), 0.0)
    norm = dis[r] * w * dis[c]
    h = x @ W
    out = jnp.zeros((n, W.shape[1]), x.dtype).at[c].add(norm[:, None] * h[r])
    return out + b


def setup_inputs(seed: int = 0):
    key = jax.random.key(seed)
    ks = jax.random.split(key, 10)
    x = jax.random.normal(ks[0], (N, 3), dtype=jnp.float32)
    edge_index = jax.random.randint(ks[1], (2, E), 0, N, dtype=jnp.int32)
    edge_attr = jax.random.uniform(ks[2], (E,), dtype=jnp.float32)
    choices = jax.random.randint(ks[3], (N,), 0, 2) > 0
    s1 = float(1.0 / np.sqrt(3.0))
    s2 = float(1.0 / np.sqrt(16.0))
    W1 = jax.random.uniform(ks[4], (3, 16), jnp.float32, -s1, s1)
    b1 = jnp.zeros((16,), jnp.float32)
    W2 = jax.random.uniform(ks[5], (16, 16), jnp.float32, -s2, s2)
    b2 = jnp.zeros((16,), jnp.float32)
    W3 = jax.random.uniform(ks[6], (16, 1), jnp.float32, -s2, s2)
    b3 = jnp.zeros((1,), jnp.float32)
    fc_W = jax.random.uniform(ks[7], (16, 1), jnp.float32, -s2, s2)
    fc_b = jnp.zeros((1,), jnp.float32)
    return {"x": x, "edge_attr": edge_attr, "W1": W1, "b1": b1, "W2": W2, "b2": b2,
            "W3": W3, "b3": b3, "fc_W": fc_W, "fc_b": fc_b,
            "edge_index": edge_index, "choices": choices}


def reference(x, edge_attr, W1, b1, W2, b2, W3, b3, fc_W, fc_b, edge_index, choices):
    row, col = edge_index[0], edge_index[1]
    h = jax.nn.relu(gcn_conv(x, row, col, edge_attr, W1, b1, N))
    h = jax.nn.relu(gcn_conv(h, row, col, edge_attr, W2, b2, N))
    c = gcn_conv(h, row, col, edge_attr, W3, b3, N)
    c1 = c[:, 0]
    # masked softmax (static-shape equivalent of masked_select + softmax):
    logits = jnp.where(choices, c1, -1e9)
    p = jax.nn.softmax(logits, axis=0)
    choice = jnp.where(choices, p, 0.0)
    # global_mean_pool with all-zero batch = mean over all nodes
    v = jnp.mean(h, axis=0, keepdims=True)
    value = v @ fc_W + fc_b
    return (choice, value)

if __name__ == "__main__":
    import jax
    _d = setup_inputs()
    print(jax.jit(kernel)(*tuple(_d.values())))

</pallas_src>

<mosaic_0001>
#map = affine_map<(d0, d1) -> (0)>
#map1 = affine_map<(d0, d1) -> (0, 0)>
module attributes {stable_mosaic.version = 14 : i64} {
  func.func @_sc_pass16_body(%arg0: i32, %arg1: i32, %arg2: memref<3200000xi32, #tpu.memory_space<hbm>>, %arg3: memref<3200000xi32, #tpu.memory_space<hbm>>, %arg4: memref<3200000xf32, #tpu.memory_space<hbm>>, %arg5: memref<102400x16xf32, #tpu.memory_space<hbm>>, %arg6: memref<204800x16xf32, #tpu.memory_space<hbm>>, %arg7: memref<102400x16xf32, #tpu.memory_space<vmem_shared>>, %arg8: memref<400xi32, #tpu.memory_space<vmem>>, %arg9: memref<400xi32, #tpu.memory_space<vmem>>, %arg10: memref<400xf32, #tpu.memory_space<vmem>>, %arg11: memref<400x16xf32, #tpu.memory_space<vmem>>, %arg12: memref<400xi32, #tpu.memory_space<vmem>>, %arg13: memref<400xi32, #tpu.memory_space<vmem>>, %arg14: memref<400xf32, #tpu.memory_space<vmem>>, %arg15: memref<400x16xf32, #tpu.memory_space<vmem>>, %arg16: memref<!tpu.dma_semaphore, #tpu.memory_space<semaphore_mem>>, %arg17: memref<!tpu.dma_semaphore, #tpu.memory_space<semaphore_mem>>, %arg18: memref<!tpu.dma_semaphore, #tpu.memory_space<semaphore_mem>>, %arg19: memref<!tpu.dma_semaphore, #tpu.memory_space<semaphore_mem>>) attributes {dimension_semantics = [#tpu.dimension_semantics<core_parallel>, #tpu.dimension_semantics<subcore_parallel>], iteration_bounds = array<i64: 2, 16>, scalar_prefetch = 0 : i64, scratch_operands = 13 : i64, tpu.core_type = #tpu.core_type<sc_vector_subcore>, window_params = [{transform_indices = #map}, {transform_indices = #map}, {transform_indices = #map}, {transform_indices = #map1}, {transform_indices = #map1}]} {
    %mul3A = arith.constant 2 : i32
    %mul3A_0 = arith.muli %arg1, %mul3A : i32
    %add3A = arith.addi %mul3A_0, %arg0 : i32
    %mul3A_1 = arith.constant 100000 : i32
    %mul3A_2 = arith.muli %add3A, %mul3A_1 : i32
    %scan3A = arith.constant 0 : i32
    %scan3A_3 = arith.constant 0 : i32
    %scan3A_4 = arith.constant 400 : i32
    %scan3A_5 = arith.addi %scan3A_3, %scan3A_4 : i32
    %scan3A_6 = arith.constant 1 : i32
    %scan3A_7 = scf.for %scan3A_56 = %scan3A_3 to %scan3A_5 step %scan3A_6 iter_args(%scan3A_57 = %scan3A) -> (i32)  : i32 {
      %broadcast_in_dim3A = arith.constant 0.000000e+00 : f32
      %broadcast_in_dim3A_58 = vector.broadcast %broadcast_in_dim3A : f32 to vector<16xf32>
      %swap3A = arith.index_cast %scan3A_56 : i32 to index
      %swap3A_59 = arith.constant 0 : index
      %swap3A_60 = tpu.vector_load %arg11[%swap3A, %swap3A_59] {strides = array<i32>} : memref<400x16xf32, #tpu.memory_space<vmem>>, vector<16xf32>,
      tpu.vector_store %arg11[%swap3A, %swap3A_59], %broadcast_in_dim3A_58 {strides = array<i32>} : memref<400x16xf32, #tpu.memory_space<vmem>>, vector<16xf32>,
      %scan3A_61 = arith.constant 0 : i32
      scf.yield %scan3A_61 : i32
    }
    %scan3A_8 = arith.constant 400 : i32
    %scan3A_9 = arith.constant 0 : i32
    %scan3A_10 = arith.constant 0 : i32
    %scan3A_11 = arith.constant 16 : i32
    %scan3A_12 = arith.addi %scan3A_10, %scan3A_11 : i32
    %scan3A_13 = arith.constant 1 : i32
    %scan3A_14 = scf.for %scan3A_56 = %scan3A_10 to %scan3A_12 step %scan3A_13 iter_args(%scan3A_57 = %scan3A_9) -> (i32)  : i32 {
      %mul3A_58 = arith.constant 6400 : i32
      %mul3A_59 = arith.muli %arg1, %mul3A_58 : i32
      %mul3A_60 = arith.constant 400 : i32
      %mul3A_61 = arith.muli %scan3A_56, %mul3A_60 : i32
      %add3A_62 = arith.addi %mul3A_59, %mul3A_61 : i32
      "tpu.region"() ({
        %run_scoped3A = tpu.sem_alloc : memref<!tpu.dma_semaphore, #tpu.memory_space<semaphore_mem>>
        %dma_start3A_64 = arith.constant 0 : i32
        %dma_start3A_65 = arith.constant 0 : i32
        %dma_start3A_66 = tpu.memref_slice %arg11[%dma_start3A_64, %dma_start3A_65] : memref<400x16xf32, #tpu.memory_space<vmem>> -> memref<400x16xf32, #tpu.memory_space<vmem>>
        %dma_start3A_67 = arith.constant 0 : i32
        %dma_start3A_68 = tpu.memref_slice %arg7[%add3A_62, %dma_start3A_67] : memref<102400x16xf32, #tpu.memory_space<vmem_shared>> -> memref<400x16xf32, #tpu.memory_space<vmem_shared>>
        %dma_start3A_69 = arith.constant 0 : i32
        %dma_start3A_70 = tpu.memref_slice %arg7[%add3A_62, %dma_start3A_69] : memref<102400x16xf32, #tpu.memory_space<vmem_shared>> -> memref<400x16xf32, #tpu.memory_space<vmem_shared>>
        %dma_start3A_71 = arith.constant 0 : i32
        %dma_start3A_72 = arith.constant 0 : i32
        %dma_start3A_73 = tpu.memref_slice %arg11[%dma_start3A_71, %dma_start3A_72] : memref<400x16xf32, #tpu.memory_space<vmem>> -> memref<400x16xf32, #tpu.memory_space<vmem>>
        tpu.enqueue_dma source(%dma_start3A_73 : memref<400x16xf32, #tpu.memory_space<vmem>>) target(%dma_start3A_70 : memref<400x16xf32, #tpu.memory_space<vmem_shared>>) target_semaphore(%run_scoped3A : memref<!tpu.dma_semaphore, #tpu.memory_space<semaphore_mem>>)
        %dma_wait3A_74 = arith.constant 0 : i32
        %dma_wait3A_75 = arith.constant 0 : i32
        %dma_wait3A_76 = tpu.memref_slice %arg11[%dma_wait3A_74, %dma_wait3A_75] : memref<400x16xf32, #tpu.memory_space<vmem>> -> memref<400x16xf32, #tpu.memory_space<vmem>>
        %dma_wait3A_77 = arith.constant 0 : i32
        %dma_wait3A_78 = tpu.memref_slice %arg7[%add3A_62, %dma_wait3A_77] : memref<102400x16xf32, #tpu.memory_space<vmem_shared>> -> memref<400x16xf32, #tpu.memory_space<vmem_shared>>
        %dma_wait3A_79 = arith.constant 0 : i32
        %dma_wait3A_80 = tpu.memref_slice %arg7[%add3A_62, %dma_wait3A_79] : memref<102400x16xf32, #tpu.memory_space<vmem_shared>> -> memref<400x16xf32, #tpu.memory_space<vmem_shared>>
        %dma_wait3A_81 = arith.constant 0 : i32
        %dma_wait3A_82 = arith.constant 0 : i32
        %dma_wait3A_83 = tpu.memref_slice %arg11[%dma_wait3A_81, %dma_wait3A_82] : memref<400x16xf32, #tpu.memory_space<vmem>> -> memref<400x16xf32, #tpu.memory_space<vmem>>
        tpu.wait_dma2 semaphore(%run_scoped3A : memref<!tpu.dma_semaphore, #tpu.memory_space<semaphore_mem>>) src(%dma_wait3A_83 : memref<400x16xf32, #tpu.memory_space<vmem>>) dst(%dma_wait3A_80 : memref<400x16xf32, #tpu.memory_space<vmem_shared>>)
        tpu.yield
      }) : () -> ()
      %scan3A_63 = arith.constant 0 : i32
      scf.yield %scan3A_63 : i32
    }
    %scan3A_15 = arith.constant 16 : i32
    %barrier3A = arith.constant 0 : index
    tpu.barrier barrier_id(%barrier3A)
    %add3A_16 = arith.constant 0 : i32
    %add3A_17 = arith.addi %mul3A_2, %add3A_16 : i32
    %dma_start3A = tpu.memref_slice %arg2[%add3A_17] : memref<3200000xi32, #tpu.memory_space<hbm>> -> memref<400xi32, #tpu.memory_space<hbm>>
    %dma_start3A_18 = tpu.memref_slice %arg2[%add3A_17] : memref<3200000xi32, #tpu.memory_space<hbm>> -> memref<400xi32, #tpu.memory_space<hbm>>
    tpu.enqueue_dma source(%dma_start3A_18 : memref<400xi32, #tpu.memory_space<hbm>>) target(%arg8 : memref<400xi32, #tpu.memory_space<vmem>>) target_semaphore(%arg16 : memref<!tpu.dma_semaphore, #tpu.memory_space<semaphore_mem>>)
    %dma_start3A_19 = tpu.memref_slice %arg3[%add3A_17] : memref<3200000xi32, #tpu.memory_space<hbm>> -> memref<400xi32, #tpu.memory_space<hbm>>
    %dma_start3A_20 = tpu.memref_slice %arg3[%add3A_17] : memref<3200000xi32, #tpu.memory_space<hbm>> -> memref<400xi32, #tpu.memory_space<hbm>>
    tpu.enqueue_dma source(%dma_start3A_20 : memref<400xi32, #tpu.memory_space<hbm>>) target(%arg9 : memref<400xi32, #tpu.memory_space<vmem>>) target_semaphore(%arg16 : memref<!tpu.dma_semaphore, #tpu.memory_space<semaphore_mem>>)
    %dma_start3A_21 = tpu.memref_slice %arg4[%add3A_17] : memref<3200000xf32, #tpu.memory_space<hbm>> -> memref<400xf32, #tpu.memory_space<hbm>>
    %dma_start3A_22 = tpu.memref_slice %arg4[%add3A_17] : memref<3200000xf32, #tpu.memory_space<hbm>> -> memref<400xf32, #tpu.memory_space<hbm>>
    tpu.enqueue_dma source(%dma_start3A_22 : memref<400xf32, #tpu.memory_space<hbm>>) target(%arg10 : memref<400xf32, #tpu.memory_space<vmem>>) target_semaphore(%arg16 : memref<!tpu.dma_semaphore, #tpu.memory_space<semaphore_mem>>)
    %add3A_23 = arith.constant 400 : i32
    %add3A_24 = arith.addi %mul3A_2, %add3A_23 : i32
    %dma_start3A_25 = tpu.memref_slice %arg2[%add3A_24] : memref<3200000xi32, #tpu.memory_space<hbm>> -> memref<400xi32, #tpu.memory_space<hbm>>
    %dma_start3A_26 = tpu.memref_slice %arg2[%add3A_24] : memref<3200000xi32, #tpu.memory_space<hbm>> -> memref<400xi32, #tpu.memory_space<hbm>>
    tpu.enqueue_dma source(%dma_start3A_26 : memref<400xi32, #tpu.memory_space<hbm>>) target(%arg12 : memref<400xi32, #tpu.memory_space<vmem>>) target_semaphore(%arg17 : memref<!tpu.dma_semaphore, #tpu.memory_space<semaphore_mem>>)
    %dma_start3A_27 = tpu.memref_slice %arg3[%add3A_24] : memref<3200000xi32, #tpu.memory_space<hbm>> -> memref<400xi32, #tpu.memory_space<hbm>>
    %dma_start3A_28 = tpu.memref_slice %arg3[%add3A_24] : memref<3200000xi32, #tpu.memory_space<hbm>> -> memref<400xi32, #tpu.memory_space<hbm>>
    tpu.enqueue_dma source(%dma_start3A_28 : memref<400xi32, #tpu.memory_space<hbm>>) target(%arg13 : memref<400xi32, #tpu.memory_space<vmem>>) target_semaphore(%arg17 : memref<!tpu.dma_semaphore, #tpu.memory_space<semaphore_mem>>)
    %dma_start3A_29 = tpu.memref_slice %arg4[%add3A_24] : memref<3200000xf32, #tpu.memory_space<hbm>> -> memref<400xf32, #tpu.memory_space<hbm>>
    %dma_start3A_30 = tpu.memref_slice %arg4[%add3A_24] : memref<3200000xf32, #tpu.memory_space<hbm>> -> memref<400xf32, #tpu.memory_space<hbm>>
    tpu.enqueue_dma source(%dma_start3A_30 : memref<400xf32, #tpu.memory_space<hbm>>) target(%arg14 : memref<400xf32, #tpu.memory_space<vmem>>) target_semaphore(%arg17 : memref<!tpu.dma_semaphore, #tpu.memory_space<semaphore_mem>>)
    %add3A_31 = arith.constant 0 : i32
    %add3A_32 = arith.addi %mul3A_2, %add3A_31 : i32
    %dma_wait3A = tpu.memref_slice %arg2[%add3A_32] : memref<3200000xi32, #tpu.memory_space<hbm>> -> memref<400xi32, #tpu.memory_space<hbm>>
    %dma_wait3A_33 = tpu.memref_slice %arg2[%add3A_32] : memref<3200000xi32, #tpu.memory_space<hbm>> -> memref<400xi32, #tpu.memory_space<hbm>>
    tpu.wait_dma2 semaphore(%arg16 : memref<!tpu.dma_semaphore, #tpu.memory_space<semaphore_mem>>) src(%dma_wait3A_33 : memref<400xi32, #tpu.memory_space<hbm>>) dst(%arg8 : memref<400xi32, #tpu.memory_space<vmem>>)
    %dma_wait3A_34 = tpu.memref_slice %arg3[%add3A_32] : memref<3200000xi32, #tpu.memory_space<hbm>> -> memref<400xi32, #tpu.memory_space<hbm>>
    %dma_wait3A_35 = tpu.memref_slice %arg3[%add3A_32] : memref<3200000xi32, #tpu.memory_space<hbm>> -> memref<400xi32, #tpu.memory_space<hbm>>
    tpu.wait_dma2 semaphore(%arg16 : memref<!tpu.dma_semaphore, #tpu.memory_space<semaphore_mem>>) src(%dma_wait3A_35 : memref<400xi32, #tpu.memory_space<hbm>>) dst(%arg9 : memref<400xi32, #tpu.memory_space<vmem>>)
    %dma_wait3A_36 = tpu.memref_slice %arg4[%add3A_32] : memref<3200000xf32, #tpu.memory_space<hbm>> -> memref<400xf32, #tpu.memory_space<hbm>>
    %dma_wait3A_37 = tpu.memref_slice %arg4[%add3A_32] : memref<3200000xf32, #tpu.memory_space<hbm>> -> memref<400xf32, #tpu.memory_space<hbm>>
    tpu.wait_dma2 semaphore(%arg16 : memref<!tpu.dma_semaphore, #tpu.memory_space<semaphore_mem>>) src(%dma_wait3A_37 : memref<400xf32, #tpu.memory_space<hbm>>) dst(%arg10 : memref<400xf32, #tpu.memory_space<vmem>>)
    %dma_start3A_38 = arith.constant 0 : i32
    %dma_start3A_39 = arith.constant 0 : i32
    %dma_start3A_40 = tpu.memref_slice %arg5[%dma_start3A_38, %dma_start3A_39] : memref<102400x16xf32, #tpu.memory_space<hbm>> -> memref<102400x16xf32, #tpu.memory_space<hbm>>
    tpu.enqueue_indirect_dma source(%dma_start3A_40 : memref<102400x16xf32, #tpu.memory_space<hbm>>) target(%arg11 : memref<400x16xf32, #tpu.memory_space<vmem>>) offsets(%arg8 : memref<400xi32, #tpu.memory_space<vmem>>) semaphore(%arg18 : memref<!tpu.dma_semaphore, #tpu.memory_space<semaphore_mem>>)
    %scan3A_41 = arith.constant 0 : i32
    %scan3A_42 = arith.constant 0 : i32
    %scan3A_43 = arith.constant 125 : i32
    %scan3A_44 = arith.addi %scan3A_42, %scan3A_43 : i32
    %scan3A_45 = arith.constant 1 : i32
    %scan3A_46 = scf.for %scan3A_56 = %scan3A_42 to %scan3A_44 step %scan3A_45 iter_args(%scan3A_57 = %scan3A_41) -> (i32)  : i32 {
      %mul3A_58 = arith.constant 2 : i32
      %mul3A_59 = arith.muli %mul3A_58, %scan3A_56 : i32
      %add3A_60 = arith.constant 1 : i32
      %add3A_61 = arith.addi %mul3A_59, %add3A_60 : i32
      %mul3A_62 = arith.constant 400 : i32
      %mul3A_63 = arith.muli %add3A_61, %mul3A_62 : i32
      %add3A_64 = arith.addi %mul3A_2, %mul3A_63 : i32
      %dma_wait3A_65 = tpu.memref_slice %arg2[%add3A_64] : memref<3200000xi32, #tpu.memory_space<hbm>> -> memref<400xi32, #tpu.memory_space<hbm>>
      %dma_wait3A_66 = tpu.memref_slice %arg2[%add3A_64] : memref<3200000xi32, #tpu.memory_space<hbm>> -> memref<400xi32, #tpu.memory_space<hbm>>
      tpu.wait_dma2 semaphore(%arg17 : memref<!tpu.dma_semaphore, #tpu.memory_space<semaphore_mem>>) src(%dma_wait3A_66 : memref<400xi32, #tpu.memory_space<hbm>>) dst(%arg12 : memref<400xi32, #tpu.memory_space<vmem>>)
      %dma_wait3A_67 = tpu.memref_slice %arg3[%add3A_64] : memref<3200000xi32, #tpu.memory_space<hbm>> -> memref<400xi32, #tpu.memory_space<hbm>>
      %dma_wait3A_68 = tpu.memref_slice %arg3[%add3A_64] : memref<3200000xi32, #tpu.memory_space<hbm>> -> memref<400xi32, #tpu.memory_space<hbm>>
      tpu.wait_dma2 semaphore(%arg17 : memref<!tpu.dma_semaphore, #tpu.memory_space<semaphore_mem>>) src(%dma_wait3A_68 : memref<400xi32, #tpu.memory_space<hbm>>) dst(%arg13 : memref<400xi32, #tpu.memory_space<vmem>>)
      %dma_wait3A_69 = tpu.memref_slice %arg4[%add3A_64] : memref<3200000xf32, #tpu.memory_space<hbm>> -> memref<400xf32, #tpu.memory_space<hbm>>
      %dma_wait3A_70 = tpu.memref_slice %arg4[%add3A_64] : memref<3200000xf32, #tpu.memory_space<hbm>> -> memref<400xf32, #tpu.memory_space<hbm>>
      tpu.wait_dma2 semaphore(%arg17 : memref<!tpu.dma_semaphore, #tpu.memory_space<semaphore_mem>>) src(%dma_wait3A_70 : memref<400xf32, #tpu.memory_space<hbm>>) dst(%arg14 : memref<400xf32, #tpu.memory_space<vmem>>)
      %dma_start3A_71 = arith.constant 0 : i32
      %dma_start3A_72 = arith.constant 0 : i32
      %dma_start3A_73 = tpu.memref_slice %arg5[%dma_start3A_71, %dma_start3A_72] : memref<102400x16xf32, #tpu.memory_space<hbm>> -> memref<102400x16xf32, #tpu.memory_space<hbm>>
      tpu.enqueue_indirect_dma source(%dma_start3A_73 : memref<102400x16xf32, #tpu.memory_space<hbm>>) target(%arg15 : memref<400x16xf32, #tpu.memory_space<vmem>>) offsets(%arg12 : memref<400xi32, #tpu.memory_space<vmem>>) semaphore(%arg19 : memref<!tpu.dma_semaphore, #tpu.memory_space<semaphore_mem>>)
      %dma_wait3A_74 = arith.constant 0 : i32
      %dma_wait3A_75 = arith.constant 0 : i32
      %dma_wait3A_76 = tpu.memref_slice %arg5[%dma_wait3A_74, %dma_wait3A_75] : memref<102400x16xf32, #tpu.memory_space<hbm>> -> memref<102400x16xf32, #tpu.memory_space<hbm>>
      tpu.wait_indirect_dma semaphore(%arg18 : memref<!tpu.dma_semaphore, #tpu.memory_space<semaphore_mem>>) src(%dma_wait3A_76 : memref<102400x16xf32, #tpu.memory_space<hbm>>) dst(%arg11 : memref<400x16xf32, #tpu.memory_space<vmem>>)
      %scan3A_77 = arith.constant 0 : i32
      %scan3A_78 = arith.constant 0 : i32
      %scan3A_79 = arith.constant 25 : i32
      %scan3A_80 = arith.addi %scan3A_78, %scan3A_79 : i32
      %scan3A_81 = arith.constant 1 : i32
      %scan3A_82 = scf.for %scan3A_113 = %scan3A_78 to %scan3A_80 step %scan3A_81 iter_args(%scan3A_114 = %scan3A_77) -> (i32)  : i32 {
        %mul3A_115 = arith.constant 16 : i32
        %mul3A_116 = arith.muli %scan3A_113, %mul3A_115 : i32
        %get3A = arith.index_cast %mul3A_116 : i32 to index
        %get3A_117 = tpu.vector_load %arg10[%get3A] {strides = array<i32>} : memref<400xf32, #tpu.memory_space<vmem>>, vector<16xf32>,
        %add3A_118 = arith.constant 0 : i32
        %add3A_119 = arith.addi %mul3A_116, %add3A_118 : i32
        %get3A_120 = arith.index_cast %add3A_119 : i32 to index
        %get3A_121 = arith.constant 0 : index
        %get3A_122 = tpu.vector_load %arg11[%get3A_120, %get3A_121] {strides = array<i32>} : memref<400x16xf32, #tpu.memory_space<vmem>>, vector<16xf32>,
        %slice3A = vector.extract_strided_slice %get3A_117 {offsets = [0], sizes = [1], strides = [1]} : vector<16xf32> to vector<1xf32>
        %squeeze3A = vector.extract %slice3A[0] : f32 from vector<1xf32>
        %mul3A_123 = vector.broadcast %squeeze3A : f32 to vector<16xf32>
        %mul3A_124 = arith.mulf %get3A_122, %mul3A_123 : vector<16xf32>
        %add3A_125 = arith.constant 0 : i32
        %add3A_126 = arith.addi %mul3A_116, %add3A_125 : i32
        %swap3A = arith.index_cast %add3A_126 : i32 to index
        %swap3A_127 = arith.constant 0 : index
        %swap3A_128 = tpu.vector_load %arg11[%swap3A, %swap3A_127] {strides = array<i32>} : memref<400x16xf32, #tpu.memory_space<vmem>>, vector<16xf32>,
        tpu.vector_store %arg11[%swap3A, %swap3A_127], %mul3A_124 {strides = array<i32>} : memref<400x16xf32, #tpu.memory_space<vmem>>, vector<16xf32>,
        %add3A_129 = arith.constant 1 : i32
        %add3A_130 = arith.addi %mul3A_116, %add3A_129 : i32
        %get3A_131 = arith.index_cast %add3A_130 : i32 to index
        %get3A_132 = arith.constant 0 : index
        %get3A_133 = tpu.vector_load %arg11[%get3A_131, %get3A_132] {strides = array<i32>} : memref<400x16xf32, #tpu.memory_space<vmem>>, vector<16xf32>,
        %slice3A_134 = vector.extract_strided_slice %get3A_117 {offsets = [1], sizes = [1], strides = [1]} : vector<16xf32> to vector<1xf32>
        %squeeze3A_135 = vector.extract %slice3A_134[0] : f32 from vector<1xf32>
        %mul3A_136 = vector.broadcast %squeeze3A_135 : f32 to vector<16xf32>
        %mul3A_137 = arith.mulf %get3A_133, %mul3A_136 : vector<16xf32>
        %add3A_138 = arith.constant 1 : i32
        %add3A_139 = arith.addi %mul3A_116, %add3A_138 : i32
        %swap3A_140 = arith.index_cast %add3A_139 : i32 to index
        %swap3A_141 = arith.constant 0 : index
        %swap3A_142 = tpu.vector_load %arg11[%swap3A_140, %swap3A_141] {strides = array<i32>} : memref<400x16xf32, #tpu.memory_space<vmem>>, vector<16xf32>,
        tpu.vector_store %arg11[%swap3A_140, %swap3A_141], %mul3A_137 {strides = array<i32>} : memref<400x16xf32, #tpu.memory_space<vmem>>, vector<16xf32>,
        %add3A_143 = arith.constant 2 : i32
        %add3A_144 = arith.addi %mul3A_116, %add3A_143 : i32
        %get3A_145 = arith.index_cast %add3A_144 : i32 to index
        %get3A_146 = arith.constant 0 : index
        %get3A_147 = tpu.vector_load %arg11[%get3A_145, %get3A_146] {strides = array<i32>} : memref<400x16xf32, #tpu.memory_space<vmem>>, vector<16xf32>,
        %slice3A_148 = vector.extract_strided_slice %get3A_117 {offsets = [2], sizes = [1], strides = [1]} : vector<16xf32> to vector<1xf32>
        %squeeze3A_149 = vector.extract %slice3A_148[0] : f32 from vector<1xf32>
        %mul3A_150 = vector.broadcast %squeeze3A_149 : f32 to vector<16xf32>
        %mul3A_151 = arith.mulf %get3A_147, %mul3A_150 : vector<16xf32>
        %add3A_152 = arith.constant 2 : i32
        %add3A_153 = arith.addi %mul3A_116, %add3A_152 : i32
        %swap3A_154 = arith.index_cast %add3A_153 : i32 to index
        %swap3A_155 = arith.constant 0 : index
        %swap3A_156 = tpu.vector_load %arg11[%swap3A_154, %swap3A_155] {strides = array<i32>} : memref<400x16xf32, #tpu.memory_space<vmem>>, vector<16xf32>,
        tpu.vector_store %arg11[%swap3A_154, %swap3A_155], %mul3A_151 {strides = array<i32>} : memref<400x16xf32, #tpu.memory_space<vmem>>, vector<16xf32>,
        %add3A_157 = arith.constant 3 : i32
        %add3A_158 = arith.addi %mul3A_116, %add3A_157 : i32
        %get3A_159 = arith.index_cast %add3A_158 : i32 to index
        %get3A_160 = arith.constant 0 : index
        %get3A_161 = tpu.vector_load %arg11[%get3A_159, %get3A_160] {strides = array<i32>} : memref<400x16xf32, #tpu.memory_space<vmem>>, vector<16xf32>,
        %slice3A_162 = vector.extract_strided_slice %get3A_117 {offsets = [3], sizes = [1], strides = [1]} : vector<16xf32> to vector<1xf32>
        %squeeze3A_163 = vector.extract %slice3A_162[0] : f32 from vector<1xf32>
        %mul3A_164 = vector.broadcast %squeeze3A_163 : f32 to vector<16xf32>
        %mul3A_165 = arith.mulf %get3A_161, %mul3A_164 : vector<16xf32>
        %add3A_166 = arith.constant 3 : i32
        %add3A_167 = arith.addi %mul3A_116, %add3A_166 : i32
        %swap3A_168 = arith.index_cast %add3A_167 : i32 to index
        %swap3A_169 = arith.constant 0 : index
        %swap3A_170 = tpu.vector_load %arg11[%swap3A_168, %swap3A_169] {strides = array<i32>} : memref<400x16xf32, #tpu.memory_space<vmem>>, vector<16xf32>,
        tpu.vector_store %arg11[%swap3A_168, %swap3A_169], %mul3A_165 {strides = array<i32>} : memref<400x16xf32, #tpu.memory_space<vmem>>, vector<16xf32>,
        %add3A_171 = arith.constant 4 : i32
        %add3A_172 = arith.addi %mul3A_116, %add3A_171 : i32
        %get3A_173 = arith.index_cast %add3A_172 : i32 to index
        %get3A_174 = arith.constant 0 : index
        %get3A_175 = tpu.vector_load %arg11[%get3A_173, %get3A_174] {strides = array<i32>} : memref<400x16xf32, #tpu.memory_space<vmem>>, vector<16xf32>,
        %slice3A_176 = vector.extract_strided_slice %get3A_117 {offsets = [4], sizes = [1], strides = [1]} : vector<16xf32> to vector<1xf32>
        %squeeze3A_177 = vector.extract %slice3A_176[0] : f32 from vector<1xf32>
        %mul3A_178 = vector.broadcast %squeeze3A_177 : f32 to vector<16xf32>
        %mul3A_179 = arith.mulf %get3A_175, %mul3A_178 : vector<16xf32>
        %add3A_180 = arith.constant 4 : i32
        %add3A_181 = arith.addi %mul3A_116, %add3A_180 : i32
        %swap3A_182 = arith.index_cast %add3A_181 : i32 to index
        %swap3A_183 = arith.constant 0 : index
        %swap3A_184 = tpu.vector_load %arg11[%swap3A_182, %swap3A_183] {strides = array<i32>} : memref<400x16xf32, #tpu.memory_space<vmem>>, vector<16xf32>,
        tpu.vector_store %arg11[%swap3A_182, %swap3A_183], %mul3A_179 {strides = array<i32>} : memref<400x16xf32, #tpu.memory_space<vmem>>, vector<16xf32>,
        %add3A_185 = arith.constant 5 : i32
        %add3A_186 = arith.addi %mul3A_116, %add3A_185 : i32
        %get3A_187 = arith.index_cast %add3A_186 : i32 to index
        %get3A_188 = arith.constant 0 : index
        %get3A_189 = tpu.vector_load %arg11[%get3A_187, %get3A_188] {strides = array<i32>} : memref<400x16xf32, #tpu.memory_space<vmem>>, vector<16xf32>,
        %slice3A_190 = vector.extract_strided_slice %get3A_117 {offsets = [5], sizes = [1], strides = [1]} : vector<16xf32> to vector<1xf32>
        %squeeze3A_191 = vector.extract %slice3A_190[0] : f32 from vector<1xf32>
        %mul3A_192 = vector.broadcast %squeeze3A_191 : f32 to vector<16xf32>
        %mul3A_193 = arith.mulf %get3A_189, %mul3A_192 : vector<16xf32>
        %add3A_194 = arith.constant 5 : i32
        %add3A_195 = arith.addi %mul3A_116, %add3A_194 : i32
        %swap3A_196 = arith.index_cast %add3A_195 : i32 to index
        %swap3A_197 = arith.constant 0 : index
        %swap3A_198 = tpu.vector_load %arg11[%swap3A_196, %swap3A_197] {strides = array<i32>} : memref<400x16xf32, #tpu.memory_space<vmem>>, vector<16xf32>,
        tpu.vector_store %arg11[%swap3A_196, %swap3A_197], %mul3A_193 {strides = array<i32>} : memref<400x16xf32, #tpu.memory_space<vmem>>, vector<16xf32>,
        %add3A_199 = arith.constant 6 : i32
        %add3A_200 = arith.addi %mul3A_116, %add3A_199 : i32
        %get3A_201 = arith.index_cast %add3A_200 : i32 to index
        %get3A_202 = arith.constant 0 : index
        %get3A_203 = tpu.vector_load %arg11[%get3A_201, %get3A_202] {strides = array<i32>} : memref<400x16xf32, #tpu.memory_space<vmem>>, vector<16xf32>,
        %slice3A_204 = vector.extract_strided_slice %get3A_117 {offsets = [6], sizes = [1], strides = [1]} : vector<16xf32> to vector<1xf32>
        %squeeze3A_205 = vector.extract %slice3A_204[0] : f32 from vector<1xf32>
        %mul3A_206 = vector.broadcast %squeeze3A_205 : f32 to vector<16xf32>
        %mul3A_207 = arith.mulf %get3A_203, %mul3A_206 : vector<16xf32>
        %add3A_208 = arith.constant 6 : i32
        %add3A_209 = arith.addi %mul3A_116, %add3A_208 : i32
        %swap3A_210 = arith.index_cast %add3A_209 : i32 to index
        %swap3A_211 = arith.constant 0 : index
        %swap3A_212 = tpu.vector_load %arg11[%swap3A_210, %swap3A_211] {strides = array<i32>} : memref<400x16xf32, #tpu.memory_space<vmem>>, vector<16xf32>,
        tpu.vector_store %arg11[%swap3A_210, %swap3A_211], %mul3A_207 {strides = array<i32>} : memref<400x16xf32, #tpu.memory_space<vmem>>, vector<16xf32>,
        %add3A_213 = arith.constant 7 : i32
        %add3A_214 = arith.addi %mul3A_116, %add3A_213 : i32
        %get3A_215 = arith.index_cast %add3A_214 : i32 to index
        %get3A_216 = arith.constant 0 : index
        %get3A_217 = tpu.vector_load %arg11[%get3A_215, %get3A_216] {strides = array<i32>} : memref<400x16xf32, #tpu.memory_space<vmem>>, vector<16xf32>,
        %slice3A_218 = vector.extract_strided_slice %get3A_117 {offsets = [7], sizes = [1], strides = [1]} : vector<16xf32> to vector<1xf32>
        %squeeze3A_219 = vector.extract %slice3A_218[0] : f32 from vector<1xf32>
        %mul3A_220 = vector.broadcast %squeeze3A_219 : f32 to vector<16xf32>
        %mul3A_221 = arith.mulf %get3A_217, %mul3A_220 : vector<16xf32>
        %add3A_222 = arith.constant 7 : i32
        %add3A_223 = arith.addi %mul3A_116, %add3A_222 : i32
        %swap3A_224 = arith.index_cast %add3A_223 : i32 to index
        %swap3A_225 = arith.constant 0 : index
        %swap3A_226 = tpu.vector_load %arg11[%swap3A_224, %swap3A_225] {strides = array<i32>} : memref<400x16xf32, #tpu.memory_space<vmem>>, vector<16xf32>,
        tpu.vector_store %arg11[%swap3A_224, %swap3A_225], %mul3A_221 {strides = array<i32>} : memref<400x16xf32, #tpu.memory_space<vmem>>, vector<16xf32>,
        %add3A_227 = arith.constant 8 : i32
        %add3A_228 = arith.addi %mul3A_116, %add3A_227 : i32
        %get3A_229 = arith.index_cast %add3A_228 : i32 to index
        %get3A_230 = arith.constant 0 : index
        %get3A_231 = tpu.vector_load %arg11[%get3A_229, %get3A_230] {strides = array<i32>} : memref<400x16xf32, #tpu.memory_space<vmem>>, vector<16xf32>,
        %slice3A_232 = vector.extract_strided_slice %get3A_117 {offsets = [8], sizes = [1], strides = [1]} : vector<16xf32> to vector<1xf32>
        %squeeze3A_233 = vector.extract %slice3A_232[0] : f32 from vector<1xf32>
        %mul3A_234 = vector.broadcast %squeeze3A_233 : f32 to vector<16xf32>
        %mul3A_235 = arith.mulf %get3A_231, %mul3A_234 : vector<16xf32>
        %add3A_236 = arith.constant 8 : i32
        %add3A_237 = arith.addi %mul3A_116, %add3A_236 : i32
        %swap3A_238 = arith.index_cast %add3A_237 : i32 to index
        %swap3A_239 = arith.constant 0 : index
        %swap3A_240 = tpu.vector_load %arg11[%swap3A_238, %swap3A_239] {strides = array<i32>} : memref<400x16xf32, #tpu.memory_space<vmem>>, vector<16xf32>,
        tpu.vector_store %arg11[%swap3A_238, %swap3A_239], %mul3A_235 {strides = array<i32>} : memref<400x16xf32, #tpu.memory_space<vmem>>, vector<16xf32>,
        %add3A_241 = arith.constant 9 : i32
        %add3A_242 = arith.addi %mul3A_116, %add3A_241 : i32
        %get3A_243 = arith.index_cast %add3A_242 : i32 to index
        %get3A_244 = arith.constant 0 : index
        %get3A_245 = tpu.vector_load %arg11[%get3A_243, %get3A_244] {strides = array<i32>} : memref<400x16xf32, #tpu.memory_space<vmem>>, vector<16xf32>,
        %slice3A_246 = vector.extract_strided_slice %get3A_117 {offsets = [9], sizes = [1], strides = [1]} : vector<16xf32> to vector<1xf32>
        %squeeze3A_247 = vector.extract %slice3A_246[0] : f32 from vector<1xf32>
        %mul3A_248 = vector.broadcast %squeeze3A_247 : f32 to vector<16xf32>
        %mul3A_249 = arith.mulf %get3A_245, %mul3A_248 : vector<16xf32>
        %add3A_250 = arith.constant 9 : i32
        %add3A_251 = arith.addi %mul3A_116, %add3A_250 : i32
        %swap3A_252 = arith.index_cast %add3A_251 : i32 to index
        %swap3A_253 = arith.constant 0 : index
        %swap3A_254 = tpu.vector_load %arg11[%swap3A_252, %swap3A_253] {strides = array<i32>} : memref<400x16xf32, #tpu.memory_space<vmem>>, vector<16xf32>,
        tpu.vector_store %arg11[%swap3A_252, %swap3A_253], %mul3A_249 {strides = array<i32>} : memref<400x16xf32, #tpu.memory_space<vmem>>, vector<16xf32>,
        %add3A_255 = arith.constant 10 : i32
        %add3A_256 = arith.addi %mul3A_116, %add3A_255 : i32
        %get3A_257 = arith.index_cast %add3A_256 : i32 to index
        %get3A_258 = arith.constant 0 : index
        %get3A_259 = tpu.vector_load %arg11[%get3A_257, %get3A_258] {strides = array<i32>} : memref<400x16xf32, #tpu.memory_space<vmem>>, vector<16xf32>,
        %slice3A_260 = vector.extract_strided_slice %get3A_117 {offsets = [10], sizes = [1], strides = [1]} : vector<16xf32> to vector<1xf32>
        %squeeze3A_261 = vector.extract %slice3A_260[0] : f32 from vector<1xf32>
        %mul3A_262 = vector.broadcast %squeeze3A_261 : f32 to vector<16xf32>
        %mul3A_263 = arith.mulf %get3A_259, %mul3A_262 : vector<16xf32>
        %add3A_264 = arith.constant 10 : i32
        %add3A_265 = arith.addi %mul3A_116, %add3A_264 : i32
        %swap3A_266 = arith.index_cast %add3A_265 : i32 to index
        %swap3A_267 = arith.constant 0 : index
        %swap3A_268 = tpu.vector_load %arg11[%swap3A_266, %swap3A_267] {strides = array<i32>} : memref<400x16xf32, #tpu.memory_space<vmem>>, vector<16xf32>,
        tpu.vector_store %arg11[%swap3A_266, %swap3A_267], %mul3A_263 {strides = array<i32>} : memref<400x16xf32, #tpu.memory_space<vmem>>, vector<16xf32>,
        %add3A_269 = arith.constant 11 : i32
        %add3A_270 = arith.addi %mul3A_116, %add3A_269 : i32
        %get3A_271 = arith.index_cast %add3A_270 : i32 to index
        %get3A_272 = arith.constant 0 : index
        %get3A_273 = tpu.vector_load %arg11[%get3A_271, %get3A_272] {strides = array<i32>} : memref<400x16xf32, #tpu.memory_space<vmem>>, vector<16xf32>,
        %slice3A_274 = vector.extract_strided_slice %get3A_117 {offsets = [11], sizes = [1], strides = [1]} : vector<16xf32> to vector<1xf32>
        %squeeze3A_275 = vector.extract %slice3A_274[0] : f32 from vector<1xf32>
        %mul3A_276 = vector.broadcast %squeeze3A_275 : f32 to vector<16xf32>
        %mul3A_277 = arith.mulf %get3A_273, %mul3A_276 : vector<16xf32>
        %add3A_278 = arith.constant 11 : i32
        %add3A_279 = arith.addi %mul3A_116, %add3A_278 : i32
        %swap3A_280 = arith.index_cast %add3A_279 : i32 to index
        %swap3A_281 = arith.constant 0 : index
        %swap3A_282 = tpu.vector_load %arg11[%swap3A_280, %swap3A_281] {strides = array<i32>} : memref<400x16xf32, #tpu.memory_space<vmem>>, vector<16xf32>,
        tpu.vector_store %arg11[%swap3A_280, %swap3A_281], %mul3A_277 {strides = array<i32>} : memref<400x16xf32, #tpu.memory_space<vmem>>, vector<16xf32>,
        %add3A_283 = arith.constant 12 : i32
        %add3A_284 = arith.addi %mul3A_116, %add3A_283 : i32
        %get3A_285 = arith.index_cast %add3A_284 : i32 to index
        %get3A_286 = arith.constant 0 : index
        %get3A_287 = tpu.vector_load %arg11[%get3A_285, %get3A_286] {strides = array<i32>} : memref<400x16xf32, #tpu.memory_space<vmem>>, vector<16xf32>,
        %slice3A_288 = vector.extract_strided_slice %get3A_117 {offsets = [12], sizes = [1], strides = [1]} : vector<16xf32> to vector<1xf32>
        %squeeze3A_289 = vector.extract %slice3A_288[0] : f32 from vector<1xf32>
        %mul3A_290 = vector.broadcast %squeeze3A_289 : f32 to vector<16xf32>
        %mul3A_291 = arith.mulf %get3A_287, %mul3A_290 : vector<16xf32>
        %add3A_292 = arith.constant 12 : i32
        %add3A_293 = arith.addi %mul3A_116, %add3A_292 : i32
        %swap3A_294 = arith.index_cast %add3A_293 : i32 to index
        %swap3A_295 = arith.constant 0 : index
        %swap3A_296 = tpu.vector_load %arg11[%swap3A_294, %swap3A_295] {strides = array<i32>} : memref<400x16xf32, #tpu.memory_space<vmem>>, vector<16xf32>,
        tpu.vector_store %arg11[%swap3A_294, %swap3A_295], %mul3A_291 {strides = array<i32>} : memref<400x16xf32, #tpu.memory_space<vmem>>, vector<16xf32>,
        %add3A_297 = arith.constant 13 : i32
        %add3A_298 = arith.addi %mul3A_116, %add3A_297 : i32
        %get3A_299 = arith.index_cast %add3A_298 : i32 to index
        %get3A_300 = arith.constant 0 : index
        %get3A_301 = tpu.vector_load %arg11[%get3A_299, %get3A_300] {strides = array<i32>} : memref<400x16xf32, #tpu.memory_space<vmem>>, vector<16xf32>,
        %slice3A_302 = vector.extract_strided_slice %get3A_117 {offsets = [13], sizes = [1], strides = [1]} : vector<16xf32> to vector<1xf32>
        %squeeze3A_303 = vector.extract %slice3A_302[0] : f32 from vector<1xf32>
        %mul3A_304 = vector.broadcast %squeeze3A_303 : f32 to vector<16xf32>
        %mul3A_305 = arith.mulf %get3A_301, %mul3A_304 : vector<16xf32>
        %add3A_306 = arith.constant 13 : i32
        %add3A_307 = arith.addi %mul3A_116, %add3A_306 : i32
        %swap3A_308 = arith.index_cast %add3A_307 : i32 to index
        %swap3A_309 = arith.constant 0 : index
        %swap3A_310 = tpu.vector_load %arg11[%swap3A_308, %swap3A_309] {strides = array<i32>} : memref<400x16xf32, #tpu.memory_space<vmem>>, vector<16xf32>,
        tpu.vector_store %arg11[%swap3A_308, %swap3A_309], %mul3A_305 {strides = array<i32>} : memref<400x16xf32, #tpu.memory_space<vmem>>, vector<16xf32>,
        %add3A_311 = arith.constant 14 : i32
        %add3A_312 = arith.addi %mul3A_116, %add3A_311 : i32
        %get3A_313 = arith.index_cast %add3A_312 : i32 to index
        %get3A_314 = arith.constant 0 : index
        %get3A_315 = tpu.vector_load %arg11[%get3A_313, %get3A_314] {strides = array<i32>} : memref<400x16xf32, #tpu.memory_space<vmem>>, vector<16xf32>,
        %slice3A_316 = vector.extract_strided_slice %get3A_117 {offsets = [14], sizes = [1], strides = [1]} : vector<16xf32> to vector<1xf32>
        %squeeze3A_317 = vector.extract %slice3A_316[0] : f32 from vector<1xf32>
        %mul3A_318 = vector.broadcast %squeeze3A_317 : f32 to vector<16xf32>
        %mul3A_319 = arith.mulf %get3A_315, %mul3A_318 : vector<16xf32>
        %add3A_320 = arith.constant 14 : i32
        %add3A_321 = arith.addi %mul3A_116, %add3A_320 : i32
        %swap3A_322 = arith.index_cast %add3A_321 : i32 to index
        %swap3A_323 = arith.constant 0 : index
        %swap3A_324 = tpu.vector_load %arg11[%swap3A_322, %swap3A_323] {strides = array<i32>} : memref<400x16xf32, #tpu.memory_space<vmem>>, vector<16xf32>,
        tpu.vector_store %arg11[%swap3A_322, %swap3A_323], %mul3A_319 {strides = array<i32>} : memref<400x16xf32, #tpu.memory_space<vmem>>, vector<16xf32>,
        %add3A_325 = arith.constant 15 : i32
        %add3A_326 = arith.addi %mul3A_116, %add3A_325 : i32
        %get3A_327 = arith.index_cast %add3A_326 : i32 to index
        %get3A_328 = arith.constant 0 : index
        %get3A_329 = tpu.vector_load %arg11[%get3A_327, %get3A_328] {strides = array<i32>} : memref<400x16xf32, #tpu.memory_space<vmem>>, vector<16xf32>,
        %slice3A_330 = vector.extract_strided_slice %get3A_117 {offsets = [15], sizes = [1], strides = [1]} : vector<16xf32> to vector<1xf32>
        %squeeze3A_331 = vector.extract %slice3A_330[0] : f32 from vector<1xf32>
        %mul3A_332 = vector.broadcast %squeeze3A_331 : f32 to vector<16xf32>
        %mul3A_333 = arith.mulf %get3A_329, %mul3A_332 : vector<16xf32>
        %add3A_334 = arith.constant 15 : i32
        %add3A_335 = arith.addi %mul3A_116, %add3A_334 : i32
        %swap3A_336 = arith.index_cast %add3A_335 : i32 to index
        %swap3A_337 = arith.constant 0 : index
        %swap3A_338 = tpu.vector_load %arg11[%swap3A_336, %swap3A_337] {strides = array<i32>} : memref<400x16xf32, #tpu.memory_space<vmem>>, vector<16xf32>,
        tpu.vector_store %arg11[%swap3A_336, %swap3A_337], %mul3A_333 {strides = array<i32>} : memref<400x16xf32, #tpu.memory_space<vmem>>, vector<16xf32>,
        %scan3A_339 = arith.constant 0 : i32
        scf.yield %scan3A_339 : i32
      }
      %scan3A_83 = arith.constant 25 : i32
      "tpu.region"() ({
        %run_scoped3A = tpu.sem_alloc : memref<!tpu.dma_semaphore, #tpu.memory_space<semaphore_mem>>
        %dma_start3A_113 = arith.constant 0 : i32
        %dma_start3A_114 = arith.constant 0 : i32
        %dma_start3A_115 = tpu.memref_slice %arg7[%dma_start3A_113, %dma_start3A_114] : memref<102400x16xf32, #tpu.memory_space<vmem_shared>> -> memref<102400x16xf32, #tpu.memory_space<vmem_shared>>
        tpu.enqueue_indirect_dma source(%arg11 : memref<400x16xf32, #tpu.memory_space<vmem>>) target(%dma_start3A_115 : memref<102400x16xf32, #tpu.memory_space<vmem_shared>>) offsets(%arg9 : memref<400xi32, #tpu.memory_space<vmem>>) semaphore(%run_scoped3A : memref<!tpu.dma_semaphore, #tpu.memory_space<semaphore_mem>>) {add = true}
        %dma_wait3A_116 = arith.constant 0 : i32
        %dma_wait3A_117 = arith.constant 0 : i32
        %dma_wait3A_118 = tpu.memref_slice %arg7[%dma_wait3A_116, %dma_wait3A_117] : memref<102400x16xf32, #tpu.memory_space<vmem_shared>> -> memref<102400x16xf32, #tpu.memory_space<vmem_shared>>
        tpu.wait_indirect_dma semaphore(%run_scoped3A : memref<!tpu.dma_semaphore, #tpu.memory_space<semaphore_mem>>) src(%arg11 : memref<400x16xf32, #tpu.memory_space<vmem>>) dst(%dma_wait3A_118 : memref<102400x16xf32, #tpu.memory_space<vmem_shared>>)
        tpu.yield
      }) : () -> ()
      %add3A_84 = arith.constant 2 : i32
      %add3A_85 = arith.addi %mul3A_59, %add3A_84 : i32
      %lt3A = arith.constant 250 : i32
      %lt3A_86 = arith.cmpi slt, %add3A_85, %lt3A : i32
      %convert_element_type3A = arith.extui %lt3A_86 : i1 to i32
      %cond3A = arith.constant 0 : i32
      %cond3A_87 = arith.cmpi ne, %convert_element_type3A, %cond3A : i32
      scf.if %cond3A_87 {
        %add3A_113 = arith.constant 2 : i32
        %add3A_114 = arith.addi %mul3A_59, %add3A_113 : i32
        %mul3A_115 = arith.constant 400 : i32
        %mul3A_116 = arith.muli %add3A_114, %mul3A_115 : i32
        %add3A_117 = arith.addi %mul3A_2, %mul3A_116 : i32
        %dma_start3A_118 = tpu.memref_slice %arg2[%add3A_117] : memref<3200000xi32, #tpu.memory_space<hbm>> -> memref<400xi32, #tpu.memory_space<hbm>>
        %dma_start3A_119 = tpu.memref_slice %arg2[%add3A_117] : memref<3200000xi32, #tpu.memory_space<hbm>> -> memref<400xi32, #tpu.memory_space<hbm>>
        tpu.enqueue_dma source(%dma_start3A_119 : memref<400xi32, #tpu.memory_space<hbm>>) target(%arg8 : memref<400xi32, #tpu.memory_space<vmem>>) target_semaphore(%arg16 : memref<!tpu.dma_semaphore, #tpu.memory_space<semaphore_mem>>)
        %dma_start3A_120 = tpu.memref_slice %arg3[%add3A_117] : memref<3200000xi32, #tpu.memory_space<hbm>> -> memref<400xi32, #tpu.memory_space<hbm>>
        %dma_start3A_121 = tpu.memref_slice %arg3[%add3A_117] : memref<3200000xi32, #tpu.memory_space<hbm>> -> memref<400xi32, #tpu.memory_space<hbm>>
        tpu.enqueue_dma source(%dma_start3A_121 : memref<400xi32, #tpu.memory_space<hbm>>) target(%arg9 : memref<400xi32, #tpu.memory_space<vmem>>) target_semaphore(%arg16 : memref<!tpu.dma_semaphore, #tpu.memory_space<semaphore_mem>>)
        %dma_start3A_122 = tpu.memref_slice %arg4[%add3A_117] : memref<3200000xf32, #tpu.memory_space<hbm>> -> memref<400xf32, #tpu.memory_space<hbm>>
        %dma_start3A_123 = tpu.memref_slice %arg4[%add3A_117] : memref<3200000xf32, #tpu.memory_space<hbm>> -> memref<400xf32, #tpu.memory_space<hbm>>
        tpu.enqueue_dma source(%dma_start3A_123 : memref<400xf32, #tpu.memory_space<hbm>>) target(%arg10 : memref<400xf32, #tpu.memory_space<vmem>>) target_semaphore(%arg16 : memref<!tpu.dma_semaphore, #tpu.memory_space<semaphore_mem>>)
      } else {
      }
      %add3A_88 = arith.constant 2 : i32
      %add3A_89 = arith.addi %mul3A_59, %add3A_88 : i32
      %lt3A_90 = arith.constant 250 : i32
      %lt3A_91 = arith.cmpi slt, %add3A_89, %lt3A_90 : i32
      %convert_element_type3A_92 = arith.extui %lt3A_91 : i1 to i32
      %cond3A_93 = arith.constant 0 : i32
      %cond3A_94 = arith.cmpi ne, %convert_element_type3A_92, %cond3A_93 : i32
      scf.if %cond3A_94 {
        %add3A_113 = arith.constant 2 : i32
        %add3A_114 = arith.addi %mul3A_59, %add3A_113 : i32
        %mul3A_115 = arith.constant 400 : i32
        %mul3A_116 = arith.muli %add3A_114, %mul3A_115 : i32
        %add3A_117 = arith.addi %mul3A_2, %mul3A_116 : i32
        %dma_wait3A_118 = tpu.memref_slice %arg2[%add3A_117] : memref<3200000xi32, #tpu.memory_space<hbm>> -> memref<400xi32, #tpu.memory_space<hbm>>
        %dma_wait3A_119 = tpu.memref_slice %arg2[%add3A_117] : memref<3200000xi32, #tpu.memory_space<hbm>> -> memref<400xi32, #tpu.memory_space<hbm>>
        tpu.wait_dma2 semaphore(%arg16 : memref<!tpu.dma_semaphore, #tpu.memory_space<semaphore_mem>>) src(%dma_wait3A_119 : memref<400xi32, #tpu.memory_space<hbm>>) dst(%arg8 : memref<400xi32, #tpu.memory_space<vmem>>)
        %dma_wait3A_120 = tpu.memref_slice %arg3[%add3A_117] : memref<3200000xi32, #tpu.memory_space<hbm>> -> memref<400xi32, #tpu.memory_space<hbm>>
        %dma_wait3A_121 = tpu.memref_slice %arg3[%add3A_117] : memref<3200000xi32, #tpu.memory_space<hbm>> -> memref<400xi32, #tpu.memory_space<hbm>>
        tpu.wait_dma2 semaphore(%arg16 : memref<!tpu.dma_semaphore, #tpu.memory_space<semaphore_mem>>) src(%dma_wait3A_121 : memref<400xi32, #tpu.memory_space<hbm>>) dst(%arg9 : memref<400xi32, #tpu.memory_space<vmem>>)
        %dma_wait3A_122 = tpu.memref_slice %arg4[%add3A_117] : memref<3200000xf32, #tpu.memory_space<hbm>> -> memref<400xf32, #tpu.memory_space<hbm>>
        %dma_wait3A_123 = tpu.memref_slice %arg4[%add3A_117] : memref<3200000xf32, #tpu.memory_space<hbm>> -> memref<400xf32, #tpu.memory_space<hbm>>
        tpu.wait_dma2 semaphore(%arg16 : memref<!tpu.dma_semaphore, #tpu.memory_space<semaphore_mem>>) src(%dma_wait3A_123 : memref<400xf32, #tpu.memory_space<hbm>>) dst(%arg10 : memref<400xf32, #tpu.memory_space<vmem>>)
        %dma_start3A_124 = arith.constant 0 : i32
        %dma_start3A_125 = arith.constant 0 : i32
        %dma_start3A_126 = tpu.memref_slice %arg5[%dma_start3A_124, %dma_start3A_125] : memref<102400x16xf32, #tpu.memory_space<hbm>> -> memref<102400x16xf32, #tpu.memory_space<hbm>>
        tpu.enqueue_indirect_dma source(%dma_start3A_126 : memref<102400x16xf32, #tpu.memory_space<hbm>>) target(%arg11 : memref<400x16xf32, #tpu.memory_space<vmem>>) offsets(%arg8 : memref<400xi32, #tpu.memory_space<vmem>>) semaphore(%arg18 : memref<!tpu.dma_semaphore, #tpu.memory_space<semaphore_mem>>)
      } else {
      }
      %dma_wait3A_95 = arith.constant 0 : i32
      %dma_wait3A_96 = arith.constant 0 : i32
      %dma_wait3A_97 = tpu.memref_slice %arg5[%dma_wait3A_95, %dma_wait3A_96] : memref<102400x16xf32, #tpu.memory_space<hbm>> -> memref<102400x16xf32, #tpu.memory_space<hbm>>
      tpu.wait_indirect_dma semaphore(%arg19 : memref<!tpu.dma_semaphore, #tpu.memory_space<semaphore_mem>>) src(%dma_wait3A_97 : memref<102400x16xf32, #tpu.memory_space<hbm>>) dst(%arg15 : memref<400x16xf32, #tpu.memory_space<vmem>>)
      %scan3A_98 = arith.constant 0 : i32
      %scan3A_99 = arith.constant 0 : i32
      %scan3A_100 = arith.constant 25 : i32
      %scan3A_101 = arith.addi %scan3A_99, %scan3A_100 : i32
      %scan3A_102 = arith.constant 1 : i32
      %scan3A_103 = scf.for %scan3A_113 = %scan3A_99 to %scan3A_101 step %scan3A_102 iter_args(%scan3A_114 = %scan3A_98) -> (i32)  : i32 {
        %mul3A_115 = arith.constant 16 : i32
        %mul3A_116 = arith.muli %scan3A_113, %mul3A_115 : i32
        %get3A = arith.index_cast %mul3A_116 : i32 to index
        %get3A_117 = tpu.vector_load %arg14[%get3A] {strides = array<i32>} : memref<400xf32, #tpu.memory_space<vmem>>, vector<16xf32>,
        %add3A_118 = arith.constant 0 : i32
        %add3A_119 = arith.addi %mul3A_116, %add3A_118 : i32
        %get3A_120 = arith.index_cast %add3A_119 : i32 to index
        %get3A_121 = arith.constant 0 : index
        %get3A_122 = tpu.vector_load %arg15[%get3A_120, %get3A_121] {strides = array<i32>} : memref<400x16xf32, #tpu.memory_space<vmem>>, vector<16xf32>,
        %slice3A = vector.extract_strided_slice %get3A_117 {offsets = [0], sizes = [1], strides = [1]} : vector<16xf32> to vector<1xf32>
        %squeeze3A = vector.extract %slice3A[0] : f32 from vector<1xf32>
        %mul3A_123 = vector.broadcast %squeeze3A : f32 to vector<16xf32>
        %mul3A_124 = arith.mulf %get3A_122, %mul3A_123 : vector<16xf32>
        %add3A_125 = arith.constant 0 : i32
        %add3A_126 = arith.addi %mul3A_116, %add3A_125 : i32
        %swap3A = arith.index_cast %add3A_126 : i32 to index
        %swap3A_127 = arith.constant 0 : index
        %swap3A_128 = tpu.vector_load %arg15[%swap3A, %swap3A_127] {strides = array<i32>} : memref<400x16xf32, #tpu.memory_space<vmem>>, vector<16xf32>,
        tpu.vector_store %arg15[%swap3A, %swap3A_127], %mul3A_124 {strides = array<i32>} : memref<400x16xf32, #tpu.memory_space<vmem>>, vector<16xf32>,
        %add3A_129 = arith.constant 1 : i32
        %add3A_130 = arith.addi %mul3A_116, %add3A_129 : i32
        %get3A_131 = arith.index_cast %add3A_130 : i32 to index
        %get3A_132 = arith.constant 0 : index
        %get3A_133 = tpu.vector_load %arg15[%get3A_131, %get3A_132] {strides = array<i32>} : memref<400x16xf32, #tpu.memory_space<vmem>>, vector<16xf32>,
        %slice3A_134 = vector.extract_strided_slice %get3A_117 {offsets = [1], sizes = [1], strides = [1]} : vector<16xf32> to vector<1xf32>
        %squeeze3A_135 = vector.extract %slice3A_134[0] : f32 from vector<1xf32>
        %mul3A_136 = vector.broadcast %squeeze3A_135 : f32 to vector<16xf32>
        %mul3A_137 = arith.mulf %get3A_133, %mul3A_136 : vector<16xf32>
        %add3A_138 = arith.constant 1 : i32
        %add3A_139 = arith.addi %mul3A_116, %add3A_138 : i32
        %swap3A_140 = arith.index_cast %add3A_139 : i32 to index
        %swap3A_141 = arith.constant 0 : index
        %swap3A_142 = tpu.vector_load %arg15[%swap3A_140, %swap3A_141] {strides = array<i32>} : memref<400x16xf32, #tpu.memory_space<vmem>>, vector<16xf32>,
        tpu.vector_store %arg15[%swap3A_140, %swap3A_141], %mul3A_137 {strides = array<i32>} : memref<400x16xf32, #tpu.memory_space<vmem>>, vector<16xf32>,
        %add3A_143 = arith.constant 2 : i32
        %add3A_144 = arith.addi %mul3A_116, %add3A_143 : i32
        %get3A_145 = arith.index_cast %add3A_144 : i32 to index
        %get3A_146 = arith.constant 0 : index
        %get3A_147 = tpu.vector_load %arg15[%get3A_145, %get3A_146] {strides = array<i32>} : memref<400x16xf32, #tpu.memory_space<vmem>>, vector<16xf32>,
        %slice3A_148 = vector.extract_strided_slice %get3A_117 {offsets = [2], sizes = [1], strides = [1]} : vector<16xf32> to vector<1xf32>
        %squeeze3A_149 = vector.extract %slice3A_148[0] : f32 from vector<1xf32>
        %mul3A_150 = vector.broadcast %squeeze3A_149 : f32 to vector<16xf32>
        %mul3A_151 = arith.mulf %get3A_147, %mul3A_150 : vector<16xf32>
        %add3A_152 = arith.constant 2 : i32
        %add3A_153 = arith.addi %mul3A_116, %add3A_152 : i32
        %swap3A_154 = arith.index_cast %add3A_153 : i32 to index
        %swap3A_155 = arith.constant 0 : index
        %swap3A_156 = tpu.vector_load %arg15[%swap3A_154, %swap3A_155] {strides = array<i32>} : memref<400x16xf32, #tpu.memory_space<vmem>>, vector<16xf32>,
        tpu.vector_store %arg15[%swap3A_154, %swap3A_155], %mul3A_151 {strides = array<i32>} : memref<400x16xf32, #tpu.memory_space<vmem>>, vector<16xf32>,
        %add3A_157 = arith.constant 3 : i32
        %add3A_158 = arith.addi %mul3A_116, %add3A_157 : i32
        %get3A_159 = arith.index_cast %add3A_158 : i32 to index
        %get3A_160 = arith.constant 0 : index
        %get3A_161 = tpu.vector_load %arg15[%get3A_159, %get3A_160] {strides = array<i32>} : memref<400x16xf32, #tpu.memory_space<vmem>>, vector<16xf32>,
        %slice3A_162 = vector.extract_strided_slice %get3A_117 {offsets = [3], sizes = [1], strides = [1]} : vector<16xf32> to vector<1xf32>
        %squeeze3A_163 = vector.extract %slice3A_162[0] : f32 from vector<1xf32>
        %mul3A_164 = vector.broadcast %squeeze3A_163 : f32 to vector<16xf32>
        %mul3A_165 = arith.mulf %get3A_161, %mul3A_164 : vector<16xf32>
        %add3A_166 = arith.constant 3 : i32
        %add3A_167 = arith.addi %mul3A_116, %add3A_166 : i32
        %swap3A_168 = arith.index_cast %add3A_167 : i32 to index
        %swap3A_169 = arith.constant 0 : index
        %swap3A_170 = tpu.vector_load %arg15[%swap3A_168, %swap3A_169] {strides = array<i32>} : memref<400x16xf32, #tpu.memory_space<vmem>>, vector<16xf32>,
        tpu.vector_store %arg15[%swap3A_168, %swap3A_169], %mul3A_165 {strides = array<i32>} : memref<400x16xf32, #tpu.memory_space<vmem>>, vector<16xf32>,
        %add3A_171 = arith.constant 4 : i32
        %add3A_172 = arith.addi %mul3A_116, %add3A_171 : i32
        %get3A_173 = arith.index_cast %add3A_172 : i32 to index
        %get3A_174 = arith.constant 0 : index
        %get3A_175 = tpu.vector_load %arg15[%get3A_173, %get3A_174] {strides = array<i32>} : memref<400x16xf32, #tpu.memory_space<vmem>>, vector<16xf32>,
        %slice3A_176 = vector.extract_strided_slice %get3A_117 {offsets = [4], sizes = [1], strides = [1]} : vector<16xf32> to vector<1xf32>
        %squeeze3A_177 = vector.extract %slice3A_176[0] : f32 from vector<1xf32>
        %mul3A_178 = vector.broadcast %squeeze3A_177 : f32 to vector<16xf32>
        %mul3A_179 = arith.mulf %get3A_175, %mul3A_178 : vector<16xf32>
        %add3A_180 = arith.constant 4 : i32
        %add3A_181 = arith.addi %mul3A_116, %add3A_180 : i32
        %swap3A_182 = arith.index_cast %add3A_181 : i32 to index
        %swap3A_183 = arith.constant 0 : index
        %swap3A_184 = tpu.vector_load %arg15[%swap3A_182, %swap3A_183] {strides = array<i32>} : memref<400x16xf32, #tpu.memory_space<vmem>>, vector<16xf32>,
        tpu.vector_store %arg15[%swap3A_182, %swap3A_183], %mul3A_179 {strides = array<i32>} : memref<400x16xf32, #tpu.memory_space<vmem>>, vector<16xf32>,
        %add3A_185 = arith.constant 5 : i32
        %add3A_186 = arith.addi %mul3A_116, %add3A_185 : i32
        %get3A_187 = arith.index_cast %add3A_186 : i32 to index
        %get3A_188 = arith.constant 0 : index
        %get3A_189 = tpu.vector_load %arg15[%get3A_187, %get3A_188] {strides = array<i32>} : memref<400x16xf32, #tpu.memory_space<vmem>>, vector<16xf32>,
        %slice3A_190 = vector.extract_strided_slice %get3A_117 {offsets = [5], sizes = [1], strides = [1]} : vector<16xf32> to vector<1xf32>
        %squeeze3A_191 = vector.extract %slice3A_190[0] : f32 from vector<1xf32>
        %mul3A_192 = vector.broadcast %squeeze3A_191 : f32 to vector<16xf32>
        %mul3A_193 = arith.mulf %get3A_189, %mul3A_192 : vector<16xf32>
        %add3A_194 = arith.constant 5 : i32
        %add3A_195 = arith.addi %mul3A_116, %add3A_194 : i32
        %swap3A_196 = arith.index_cast %add3A_195 : i32 to index
        %swap3A_197 = arith.constant 0 : index
        %swap3A_198 = tpu.vector_load %arg15[%swap3A_196, %swap3A_197] {strides = array<i32>} : memref<400x16xf32, #tpu.memory_space<vmem>>, vector<16xf32>,
        tpu.vector_store %arg15[%swap3A_196, %swap3A_197], %mul3A_193 {strides = array<i32>} : memref<400x16xf32, #tpu.memory_space<vmem>>, vector<16xf32>,
        %add3A_199 = arith.constant 6 : i32
        %add3A_200 = arith.addi %mul3A_116, %add3A_199 : i32
        %get3A_201 = arith.index_cast %add3A_200 : i32 to index
        %get3A_202 = arith.constant 0 : index
        %get3A_203 = tpu.vector_load %arg15[%get3A_201, %get3A_202] {strides = array<i32>} : memref<400x16xf32, #tpu.memory_space<vmem>>, vector<16xf32>,
        %slice3A_204 = vector.extract_strided_slice %get3A_117 {offsets = [6], sizes = [1], strides = [1]} : vector<16xf32> to vector<1xf32>
        %squeeze3A_205 = vector.extract %slice3A_204[0] : f32 from vector<1xf32>
        %mul3A_206 = vector.broadcast %squeeze3A_205 : f32 to vector<16xf32>
        %mul3A_207 = arith.mulf %get3A_203, %mul3A_206 : vector<16xf32>
        %add3A_208 = arith.constant 6 : i32
        %add3A_209 = arith.addi %mul3A_116, %add3A_208 : i32
        %swap3A_210 = arith.index_cast %add3A_209 : i32 to index
        %swap3A_211 = arith.constant 0 : index
        %swap3A_212 = tpu.vector_load %arg15[%swap3A_210, %swap3A_211] {strides = array<i32>} : memref<400x16xf32, #tpu.memory_space<vmem>>, vector<16xf32>,
        tpu.vector_store %arg15[%swap3A_210, %swap3A_211], %mul3A_207 {strides = array<i32>} : memref<400x16xf32, #tpu.memory_space<vmem>>, vector<16xf32>,
        %add3A_213 = arith.constant 7 : i32
        %add3A_214 = arith.addi %mul3A_116, %add3A_213 : i32
        %get3A_215 = arith.index_cast %add3A_214 : i32 to index
        %get3A_216 = arith.constant 0 : index
        %get3A_217 = tpu.vector_load %arg15[%get3A_215, %get3A_216] {strides = array<i32>} : memref<400x16xf32, #tpu.memory_space<vmem>>, vector<16xf32>,
        %slice3A_218 = vector.extract_strided_slice %get3A_117 {offsets = [7], sizes = [1], strides = [1]} : vector<16xf32> to vector<1xf32>
        %squeeze3A_219 = vector.extract %slice3A_218[0] : f32 from vector<1xf32>
        %mul3A_220 = vector.broadcast %squeeze3A_219 : f32 to vector<16xf32>
        %mul3A_221 = arith.mulf %get3A_217, %mul3A_220 : vector<16xf32>
        %add3A_222 = arith.constant 7 : i32
        %add3A_223 = arith.addi %mul3A_116, %add3A_222 : i32
        %swap3A_224 = arith.index_cast %add3A_223 : i32 to index
        %swap3A_225 = arith.constant 0 : index
        %swap3A_226 = tpu.vector_load %arg15[%swap3A_224, %swap3A_225] {strides = array<i32>} : memref<400x16xf32, #tpu.memory_space<vmem>>, vector<16xf32>,
        tpu.vector_store %arg15[%swap3A_224, %swap3A_225], %mul3A_221 {strides = array<i32>} : memref<400x16xf32, #tpu.memory_space<vmem>>, vector<16xf32>,
        %add3A_227 = arith.constant 8 : i32
        %add3A_228 = arith.addi %mul3A_116, %add3A_227 : i32
        %get3A_229 = arith.index_cast %add3A_228 : i32 to index
        %get3A_230 = arith.constant 0 : index
        %get3A_231 = tpu.vector_load %arg15[%get3A_229, %get3A_230] {strides = array<i32>} : memref<400x16xf32, #tpu.memory_space<vmem>>, vector<16xf32>,
        %slice3A_232 = vector.extract_strided_slice %get3A_117 {offsets = [8], sizes = [1], strides = [1]} : vector<16xf32> to vector<1xf32>
        %squeeze3A_233 = vector.extract %slice3A_232[0] : f32 from vector<1xf32>
        %mul3A_234 = vector.broadcast %squeeze3A_233 : f32 to vector<16xf32>
        %mul3A_235 = arith.mulf %get3A_231, %mul3A_234 : vector<16xf32>
        %add3A_236 = arith.constant 8 : i32
        %add3A_237 = arith.addi %mul3A_116, %add3A_236 : i32
        %swap3A_238 = arith.index_cast %add3A_237 : i32 to index
        %swap3A_239 = arith.constant 0 : index
        %swap3A_240 = tpu.vector_load %arg15[%swap3A_238, %swap3A_239] {strides = array<i32>} : memref<400x16xf32, #tpu.memory_space<vmem>>, vector<16xf32>,
        tpu.vector_store %arg15[%swap3A_238, %swap3A_239], %mul3A_235 {strides = array<i32>} : memref<400x16xf32, #tpu.memory_space<vmem>>, vector<16xf32>,
        %add3A_241 = arith.constant 9 : i32
        %add3A_242 = arith.addi %mul3A_116, %add3A_241 : i32
        %get3A_243 = arith.index_cast %add3A_242 : i32 to index
        %get3A_244 = arith.constant 0 : index
        %get3A_245 = tpu.vector_load %arg15[%get3A_243, %get3A_244] {strides = array<i32>} : memref<400x16xf32, #tpu.memory_space<vmem>>, vector<16xf32>,
        %slice3A_246 = vector.extract_strided_slice %get3A_117 {offsets = [9], sizes = [1], strides = [1]} : vector<16xf32> to vector<1xf32>
        %squeeze3A_247 = vector.extract %slice3A_246[0] : f32 from vector<1xf32>
        %mul3A_248 = vector.broadcast %squeeze3A_247 : f32 to vector<16xf32>
        %mul3A_249 = arith.mulf %get3A_245, %mul3A_248 : vector<16xf32>
        %add3A_250 = arith.constant 9 : i32
        %add3A_251 = arith.addi %mul3A_116, %add3A_250 : i32
        %swap3A_252 = arith.index_cast %add3A_251 : i32 to index
        %swap3A_253 = arith.constant 0 : index
        %swap3A_254 = tpu.vector_load %arg15[%swap3A_252, %swap3A_253] {strides = array<i32>} : memref<400x16xf32, #tpu.memory_space<vmem>>, vector<16xf32>,
        tpu.vector_store %arg15[%swap3A_252, %swap3A_253], %mul3A_249 {strides = array<i32>} : memref<400x16xf32, #tpu.memory_space<vmem>>, vector<16xf32>,
        %add3A_255 = arith.constant 10 : i32
        %add3A_256 = arith.addi %mul3A_116, %add3A_255 : i32
        %get3A_257 = arith.index_cast %add3A_256 : i32 to index
        %get3A_258 = arith.constant 0 : index
        %get3A_259 = tpu.vector_load %arg15[%get3A_257, %get3A_258] {strides = array<i32>} : memref<400x16xf32, #tpu.memory_space<vmem>>, vector<16xf32>,
        %slice3A_260 = vector.extract_strided_slice %get3A_117 {offsets = [10], sizes = [1], strides = [1]} : vector<16xf32> to vector<1xf32>
        %squeeze3A_261 = vector.extract %slice3A_260[0] : f32 from vector<1xf32>
        %mul3A_262 = vector.broadcast %squeeze3A_261 : f32 to vector<16xf32>
        %mul3A_263 = arith.mulf %get3A_259, %mul3A_262 : vector<16xf32>
        %add3A_264 = arith.constant 10 : i32
        %add3A_265 = arith.addi %mul3A_116, %add3A_264 : i32
        %swap3A_266 = arith.index_cast %add3A_265 : i32 to index
        %swap3A_267 = arith.constant 0 : index
        %swap3A_268 = tpu.vector_load %arg15[%swap3A_266, %swap3A_267] {strides = array<i32>} : memref<400x16xf32, #tpu.memory_space<vmem>>, vector<16xf32>,
        tpu.vector_store %arg15[%swap3A_266, %swap3A_267], %mul3A_263 {strides = array<i32>} : memref<400x16xf32, #tpu.memory_space<vmem>>, vector<16xf32>,
        %add3A_269 = arith.constant 11 : i32
        %add3A_270 = arith.addi %mul3A_116, %add3A_269 : i32
        %get3A_271 = arith.index_cast %add3A_270 : i32 to index
        %get3A_272 = arith.constant 0 : index
        %get3A_273 = tpu.vector_load %arg15[%get3A_271, %get3A_272] {strides = array<i32>} : memref<400x16xf32, #tpu.memory_space<vmem>>, vector<16xf32>,
        %slice3A_274 = vector.extract_strided_slice %get3A_117 {offsets = [11], sizes = [1], strides = [1]} : vector<16xf32> to vector<1xf32>
        %squeeze3A_275 = vector.extract %slice3A_274[0] : f32 from vector<1xf32>
        %mul3A_276 = vector.broadcast %squeeze3A_275 : f32 to vector<16xf32>
        %mul3A_277 = arith.mulf %get3A_273, %mul3A_276 : vector<16xf32>
        %add3A_278 = arith.constant 11 : i32
        %add3A_279 = arith.addi %mul3A_116, %add3A_278 : i32
        %swap3A_280 = arith.index_cast %add3A_279 : i32 to index
        %swap3A_281 = arith.constant 0 : index
        %swap3A_282 = tpu.vector_load %arg15[%swap3A_280, %swap3A_281] {strides = array<i32>} : memref<400x16xf32, #tpu.memory_space<vmem>>, vector<16xf32>,
        tpu.vector_store %arg15[%swap3A_280, %swap3A_281], %mul3A_277 {strides = array<i32>} : memref<400x16xf32, #tpu.memory_space<vmem>>, vector<16xf32>,
        %add3A_283 = arith.constant 12 : i32
        %add3A_284 = arith.addi %mul3A_116, %add3A_283 : i32
        %get3A_285 = arith.index_cast %add3A_284 : i32 to index
        %get3A_286 = arith.constant 0 : index
        %get3A_287 = tpu.vector_load %arg15[%get3A_285, %get3A_286] {strides = array<i32>} : memref<400x16xf32, #tpu.memory_space<vmem>>, vector<16xf32>,
        %slice3A_288 = vector.extract_strided_slice %get3A_117 {offsets = [12], sizes = [1], strides = [1]} : vector<16xf32> to vector<1xf32>
        %squeeze3A_289 = vector.extract %slice3A_288[0] : f32 from vector<1xf32>
        %mul3A_290 = vector.broadcast %squeeze3A_289 : f32 to vector<16xf32>
        %mul3A_291 = arith.mulf %get3A_287, %mul3A_290 : vector<16xf32>
        %add3A_292 = arith.constant 12 : i32
        %add3A_293 = arith.addi %mul3A_116, %add3A_292 : i32
        %swap3A_294 = arith.index_cast %add3A_293 : i32 to index
        %swap3A_295 = arith.constant 0 : index
        %swap3A_296 = tpu.vector_load %arg15[%swap3A_294, %swap3A_295] {strides = array<i32>} : memref<400x16xf32, #tpu.memory_space<vmem>>, vector<16xf32>,
        tpu.vector_store %arg15[%swap3A_294, %swap3A_295], %mul3A_291 {strides = array<i32>} : memref<400x16xf32, #tpu.memory_space<vmem>>, vector<16xf32>,
        %add3A_297 = arith.constant 13 : i32
        %add3A_298 = arith.addi %mul3A_116, %add3A_297 : i32
        %get3A_299 = arith.index_cast %add3A_298 : i32 to index
        %get3A_300 = arith.constant 0 : index
        %get3A_301 = tpu.vector_load %arg15[%get3A_299, %get3A_300] {strides = array<i32>} : memref<400x16xf32, #tpu.memory_space<vmem>>, vector<16xf32>,
        %slice3A_302 = vector.extract_strided_slice %get3A_117 {offsets = [13], sizes = [1], strides = [1]} : vector<16xf32> to vector<1xf32>
        %squeeze3A_303 = vector.extract %slice3A_302[0] : f32 from vector<1xf32>
        %mul3A_304 = vector.broadcast %squeeze3A_303 : f32 to vector<16xf32>
        %mul3A_305 = arith.mulf %get3A_301, %mul3A_304 : vector<16xf32>
        %add3A_306 = arith.constant 13 : i32
        %add3A_307 = arith.addi %mul3A_116, %add3A_306 : i32
        %swap3A_308 = arith.index_cast %add3A_307 : i32 to index
        %swap3A_309 = arith.constant 0 : index
        %swap3A_310 = tpu.vector_load %arg15[%swap3A_308, %swap3A_309] {strides = array<i32>} : memref<400x16xf32, #tpu.memory_space<vmem>>, vector<16xf32>,
        tpu.vector_store %arg15[%swap3A_308, %swap3A_309], %mul3A_305 {strides = array<i32>} : memref<400x16xf32, #tpu.memory_space<vmem>>, vector<16xf32>,
        %add3A_311 = arith.constant 14 : i32
        %add3A_312 = arith.addi %mul3A_116, %add3A_311 : i32
        %get3A_313 = arith.index_cast %add3A_312 : i32 to index
        %get3A_314 = arith.constant 0 : index
        %get3A_315 = tpu.vector_load %arg15[%get3A_313, %get3A_314] {strides = array<i32>} : memref<400x16xf32, #tpu.memory_space<vmem>>, vector<16xf32>,
        %slice3A_316 = vector.extract_strided_slice %get3A_117 {offsets = [14], sizes = [1], strides = [1]} : vector<16xf32> to vector<1xf32>
        %squeeze3A_317 = vector.extract %slice3A_316[0] : f32 from vector<1xf32>
        %mul3A_318 = vector.broadcast %squeeze3A_317 : f32 to vector<16xf32>
        %mul3A_319 = arith.mulf %get3A_315, %mul3A_318 : vector<16xf32>
        %add3A_320 = arith.constant 14 : i32
        %add3A_321 = arith.addi %mul3A_116, %add3A_320 : i32
        %swap3A_322 = arith.index_cast %add3A_321 : i32 to index
        %swap3A_323 = arith.constant 0 : index
        %swap3A_324 = tpu.vector_load %arg15[%swap3A_322, %swap3A_323] {strides = array<i32>} : memref<400x16xf32, #tpu.memory_space<vmem>>, vector<16xf32>,
        tpu.vector_store %arg15[%swap3A_322, %swap3A_323], %mul3A_319 {strides = array<i32>} : memref<400x16xf32, #tpu.memory_space<vmem>>, vector<16xf32>,
        %add3A_325 = arith.constant 15 : i32
        %add3A_326 = arith.addi %mul3A_116, %add3A_325 : i32
        %get3A_327 = arith.index_cast %add3A_326 : i32 to index
        %get3A_328 = arith.constant 0 : index
        %get3A_329 = tpu.vector_load %arg15[%get3A_327, %get3A_328] {strides = array<i32>} : memref<400x16xf32, #tpu.memory_space<vmem>>, vector<16xf32>,
        %slice3A_330 = vector.extract_strided_slice %get3A_117 {offsets = [15], sizes = [1], strides = [1]} : vector<16xf32> to vector<1xf32>
        %squeeze3A_331 = vector.extract %slice3A_330[0] : f32 from vector<1xf32>
        %mul3A_332 = vector.broadcast %squeeze3A_331 : f32 to vector<16xf32>
        %mul3A_333 = arith.mulf %get3A_329, %mul3A_332 : vector<16xf32>
        %add3A_334 = arith.constant 15 : i32
        %add3A_335 = arith.addi %mul3A_116, %add3A_334 : i32
        %swap3A_336 = arith.index_cast %add3A_335 : i32 to index
        %swap3A_337 = arith.constant 0 : index
        %swap3A_338 = tpu.vector_load %arg15[%swap3A_336, %swap3A_337] {strides = array<i32>} : memref<400x16xf32, #tpu.memory_space<vmem>>, vector<16xf32>,
        tpu.vector_store %arg15[%swap3A_336, %swap3A_337], %mul3A_333 {strides = array<i32>} : memref<400x16xf32, #tpu.memory_space<vmem>>, vector<16xf32>,
        %scan3A_339 = arith.constant 0 : i32
        scf.yield %scan3A_339 : i32
      }
      %scan3A_104 = arith.constant 25 : i32
      "tpu.region"() ({
        %run_scoped3A = tpu.sem_alloc : memref<!tpu.dma_semaphore, #tpu.memory_space<semaphore_mem>>
        %dma_start3A_113 = arith.constant 0 : i32
        %dma_start3A_114 = arith.constant 0 : i32
        %dma_start3A_115 = tpu.memref_slice %arg7[%dma_start3A_113, %dma_start3A_114] : memref<102400x16xf32, #tpu.memory_space<vmem_shared>> -> memref<102400x16xf32, #tpu.memory_space<vmem_shared>>
        tpu.enqueue_indirect_dma source(%arg15 : memref<400x16xf32, #tpu.memory_space<vmem>>) target(%dma_start3A_115 : memref<102400x16xf32, #tpu.memory_space<vmem_shared>>) offsets(%arg13 : memref<400xi32, #tpu.memory_space<vmem>>) semaphore(%run_scoped3A : memref<!tpu.dma_semaphore, #tpu.memory_space<semaphore_mem>>) {add = true}
        %dma_wait3A_116 = arith.constant 0 : i32
        %dma_wait3A_117 = arith.constant 0 : i32
        %dma_wait3A_118 = tpu.memref_slice %arg7[%dma_wait3A_116, %dma_wait3A_117] : memref<102400x16xf32, #tpu.memory_space<vmem_shared>> -> memref<102400x16xf32, #tpu.memory_space<vmem_shared>>
        tpu.wait_indirect_dma semaphore(%run_scoped3A : memref<!tpu.dma_semaphore, #tpu.memory_space<semaphore_mem>>) src(%arg15 : memref<400x16xf32, #tpu.memory_space<vmem>>) dst(%dma_wait3A_118 : memref<102400x16xf32, #tpu.memory_space<vmem_shared>>)
        tpu.yield
      }) : () -> ()
      %add3A_105 = arith.constant 3 : i32
      %add3A_106 = arith.addi %mul3A_59, %add3A_105 : i32
      %lt3A_107 = arith.constant 250 : i32
      %lt3A_108 = arith.cmpi slt, %add3A_106, %lt3A_107 : i32
      %convert_element_type3A_109 = arith.extui %lt3A_108 : i1 to i32
      %cond3A_110 = arith.constant 0 : i32
      %cond3A_111 = arith.cmpi ne, %convert_element_type3A_109, %cond3A_110 : i32
      scf.if %cond3A_111 {
        %add3A_113 = arith.constant 3 : i32
        %add3A_114 = arith.addi %mul3A_59, %add3A_113 : i32
        %mul3A_115 = arith.constant 400 : i32
        %mul3A_116 = arith.muli %add3A_114, %mul3A_115 : i32
        %add3A_117 = arith.addi %mul3A_2, %mul3A_116 : i32
        %dma_start3A_118 = tpu.memref_slice %arg2[%add3A_117] : memref<3200000xi32, #tpu.memory_space<hbm>> -> memref<400xi32, #tpu.memory_space<hbm>>
        %dma_start3A_119 = tpu.memref_slice %arg2[%add3A_117] : memref<3200000xi32, #tpu.memory_space<hbm>> -> memref<400xi32, #tpu.memory_space<hbm>>
        tpu.enqueue_dma source(%dma_start3A_119 : memref<400xi32, #tpu.memory_space<hbm>>) target(%arg12 : memref<400xi32, #tpu.memory_space<vmem>>) target_semaphore(%arg17 : memref<!tpu.dma_semaphore, #tpu.memory_space<semaphore_mem>>)
        %dma_start3A_120 = tpu.memref_slice %arg3[%add3A_117] : memref<3200000xi32, #tpu.memory_space<hbm>> -> memref<400xi32, #tpu.memory_space<hbm>>
        %dma_start3A_121 = tpu.memref_slice %arg3[%add3A_117] : memref<3200000xi32, #tpu.memory_space<hbm>> -> memref<400xi32, #tpu.memory_space<hbm>>
        tpu.enqueue_dma source(%dma_start3A_121 : memref<400xi32, #tpu.memory_space<hbm>>) target(%arg13 : memref<400xi32, #tpu.memory_space<vmem>>) target_semaphore(%arg17 : memref<!tpu.dma_semaphore, #tpu.memory_space<semaphore_mem>>)
        %dma_start3A_122 = tpu.memref_slice %arg4[%add3A_117] : memref<3200000xf32, #tpu.memory_space<hbm>> -> memref<400xf32, #tpu.memory_space<hbm>>
        %dma_start3A_123 = tpu.memref_slice %arg4[%add3A_117] : memref<3200000xf32, #tpu.memory_space<hbm>> -> memref<400xf32, #tpu.memory_space<hbm>>
        tpu.enqueue_dma source(%dma_start3A_123 : memref<400xf32, #tpu.memory_space<hbm>>) target(%arg14 : memref<400xf32, #tpu.memory_space<vmem>>) target_semaphore(%arg17 : memref<!tpu.dma_semaphore, #tpu.memory_space<semaphore_mem>>)
      } else {
      }
      %scan3A_112 = arith.constant 0 : i32
      scf.yield %scan3A_112 : i32
    }
    %scan3A_47 = arith.constant 125 : i32
    %barrier3A_48 = arith.constant 0 : index
    tpu.barrier barrier_id(%barrier3A_48)
    %scan3A_49 = arith.constant 0 : i32
    %scan3A_50 = arith.constant 0 : i32
    %scan3A_51 = arith.constant 16 : i32
    %scan3A_52 = arith.addi %scan3A_50, %scan3A_51 : i32
    %scan3A_53 = arith.constant 1 : i32
    %scan3A_54 = scf.for %scan3A_56 = %scan3A_50 to %scan3A_52 step %scan3A_53 iter_args(%scan3A_57 = %scan3A_49) -> (i32)  : i32 {
      %mul3A_58 = arith.constant 6400 : i32
      %mul3A_59 = arith.muli %arg1, %mul3A_58 : i32
      %mul3A_60 = arith.constant 400 : i32
      %mul3A_61 = arith.muli %scan3A_56, %mul3A_60 : i32
      %add3A_62 = arith.addi %mul3A_59, %mul3A_61 : i32
      "tpu.region"() ({
        %run_scoped3A = tpu.sem_alloc : memref<!tpu.dma_semaphore, #tpu.memory_space<semaphore_mem>>
        %dma_start3A_67 = arith.constant 0 : i32
        %dma_start3A_68 = arith.constant 0 : i32
        %dma_start3A_69 = tpu.memref_slice %arg11[%dma_start3A_67, %dma_start3A_68] : memref<400x16xf32, #tpu.memory_space<vmem>> -> memref<400x16xf32, #tpu.memory_space<vmem>>
        %dma_start3A_70 = arith.constant 0 : i32
        %dma_start3A_71 = tpu.memref_slice %arg7[%add3A_62, %dma_start3A_70] : memref<102400x16xf32, #tpu.memory_space<vmem_shared>> -> memref<400x16xf32, #tpu.memory_space<vmem_shared>>
        %dma_start3A_72 = arith.constant 0 : i32
        %dma_start3A_73 = arith.constant 0 : i32
        %dma_start3A_74 = tpu.memref_slice %arg11[%dma_start3A_72, %dma_start3A_73] : memref<400x16xf32, #tpu.memory_space<vmem>> -> memref<400x16xf32, #tpu.memory_space<vmem>>
        %dma_start3A_75 = arith.constant 0 : i32
        %dma_start3A_76 = tpu.memref_slice %arg7[%add3A_62, %dma_start3A_75] : memref<102400x16xf32, #tpu.memory_space<vmem_shared>> -> memref<400x16xf32, #tpu.memory_space<vmem_shared>>
        tpu.enqueue_dma source(%dma_start3A_76 : memref<400x16xf32, #tpu.memory_space<vmem_shared>>) target(%dma_start3A_74 : memref<400x16xf32, #tpu.memory_space<vmem>>) target_semaphore(%run_scoped3A : memref<!tpu.dma_semaphore, #tpu.memory_space<semaphore_mem>>)
        %dma_wait3A_77 = arith.constant 0 : i32
        %dma_wait3A_78 = arith.constant 0 : i32
        %dma_wait3A_79 = tpu.memref_slice %arg11[%dma_wait3A_77, %dma_wait3A_78] : memref<400x16xf32, #tpu.memory_space<vmem>> -> memref<400x16xf32, #tpu.memory_space<vmem>>
        %dma_wait3A_80 = arith.constant 0 : i32
        %dma_wait3A_81 = tpu.memref_slice %arg7[%add3A_62, %dma_wait3A_80] : memref<102400x16xf32, #tpu.memory_space<vmem_shared>> -> memref<400x16xf32, #tpu.memory_space<vmem_shared>>
        %dma_wait3A_82 = arith.constant 0 : i32
        %dma_wait3A_83 = arith.constant 0 : i32
        %dma_wait3A_84 = tpu.memref_slice %arg11[%dma_wait3A_82, %dma_wait3A_83] : memref<400x16xf32, #tpu.memory_space<vmem>> -> memref<400x16xf32, #tpu.memory_space<vmem>>
        %dma_wait3A_85 = arith.constant 0 : i32
        %dma_wait3A_86 = tpu.memref_slice %arg7[%add3A_62, %dma_wait3A_85] : memref<102400x16xf32, #tpu.memory_space<vmem_shared>> -> memref<400x16xf32, #tpu.memory_space<vmem_shared>>
        tpu.wait_dma2 semaphore(%run_scoped3A : memref<!tpu.dma_semaphore, #tpu.memory_space<semaphore_mem>>) src(%dma_wait3A_86 : memref<400x16xf32, #tpu.memory_space<vmem_shared>>) dst(%dma_wait3A_84 : memref<400x16xf32, #tpu.memory_space<vmem>>)
        tpu.yield
      }) : () -> ()
      %mul3A_63 = arith.constant 102400 : i32
      %mul3A_64 = arith.muli %arg0, %mul3A_63 : i32
      %add3A_65 = arith.addi %mul3A_64, %add3A_62 : i32
      "tpu.region"() ({
        %run_scoped3A = tpu.sem_alloc : memref<!tpu.dma_semaphore, #tpu.memory_space<semaphore_mem>>
        %dma_start3A_67 = arith.constant 0 : i32
        %dma_start3A_68 = arith.constant 0 : i32
        %dma_start3A_69 = tpu.memref_slice %arg11[%dma_start3A_67, %dma_start3A_68] : memref<400x16xf32, #tpu.memory_space<vmem>> -> memref<400x16xf32, #tpu.memory_space<vmem>>
        %dma_start3A_70 = arith.constant 0 : i32
        %dma_start3A_71 = tpu.memref_slice %arg6[%add3A_65, %dma_start3A_70] : memref<204800x16xf32, #tpu.memory_space<hbm>> -> memref<400x16xf32, #tpu.memory_space<hbm>>
        %dma_start3A_72 = arith.constant 0 : i32
        %dma_start3A_73 = tpu.memref_slice %arg6[%add3A_65, %dma_start3A_72] : memref<204800x16xf32, #tpu.memory_space<hbm>> -> memref<400x16xf32, #tpu.memory_space<hbm>>
        %dma_start3A_74 = arith.constant 0 : i32
        %dma_start3A_75 = arith.constant 0 : i32
        %dma_start3A_76 = tpu.memref_slice %arg11[%dma_start3A_74, %dma_start3A_75] : memref<400x16xf32, #tpu.memory_space<vmem>> -> memref<400x16xf32, #tpu.memory_space<vmem>>
        tpu.enqueue_dma source(%dma_start3A_76 : memref<400x16xf32, #tpu.memory_space<vmem>>) target(%dma_start3A_73 : memref<400x16xf32, #tpu.memory_space<hbm>>) target_semaphore(%run_scoped3A : memref<!tpu.dma_semaphore, #tpu.memory_space<semaphore_mem>>)
        %dma_wait3A_77 = arith.constant 0 : i32
        %dma_wait3A_78 = arith.constant 0 : i32
        %dma_wait3A_79 = tpu.memref_slice %arg11[%dma_wait3A_77, %dma_wait3A_78] : memref<400x16xf32, #tpu.memory_space<vmem>> -> memref<400x16xf32, #tpu.memory_space<vmem>>
        %dma_wait3A_80 = arith.constant 0 : i32
        %dma_wait3A_81 = tpu.memref_slice %arg6[%add3A_65, %dma_wait3A_80] : memref<204800x16xf32, #tpu.memory_space<hbm>> -> memref<400x16xf32, #tpu.memory_space<hbm>>
        %dma_wait3A_82 = arith.constant 0 : i32
        %dma_wait3A_83 = tpu.memref_slice %arg6[%add3A_65, %dma_wait3A_82] : memref<204800x16xf32, #tpu.memory_space<hbm>> -> memref<400x16xf32, #tpu.memory_space<hbm>>
        %dma_wait3A_84 = arith.constant 0 : i32
        %dma_wait3A_85 = arith.constant 0 : i32
        %dma_wait3A_86 = tpu.memref_slice %arg11[%dma_wait3A_84, %dma_wait3A_85] : memref<400x16xf32, #tpu.memory_space<vmem>> -> memref<400x16xf32, #tpu.memory_space<vmem>>
        tpu.wait_dma2 semaphore(%run_scoped3A : memref<!tpu.dma_semaphore, #tpu.memory_space<semaphore_mem>>) src(%dma_wait3A_86 : memref<400x16xf32, #tpu.memory_space<vmem>>) dst(%dma_wait3A_83 : memref<400x16xf32, #tpu.memory_space<hbm>>)
        tpu.yield
      }) : () -> ()
      %scan3A_66 = arith.constant 0 : i32
      scf.yield %scan3A_66 : i32
    }
    %scan3A_55 = arith.constant 16 : i32
    return
  }
}

#map = affine_map<(d0, d1) -> (0)>
#map1 = affine_map<(d0, d1) -> (0, 0)>
module attributes {stable_mosaic.version = 14 : i64} {
  func.func @_sc_pass16_body(%arg0: i32, %arg1: i32, %arg2: memref<3200000xi32, #tpu.memory_space<hbm>>, %arg3: memref<3200000xi32, #tpu.memory_space<hbm>>, %arg4: memref<3200000xf32, #tpu.memory_space<hbm>>, %arg5: memref<102400x16xf32, #tpu.memory_space<hbm>>, %arg6: memref<204800x16xf32, #tpu.memory_space<hbm>>, %arg7: memref<102400x16xf32, #tpu.memory_space<vmem_shared>>, %arg8: memref<400xi32, #tpu.memory_space<vmem>>, %arg9: memref<400xi32, #tpu.memory_space<vmem>>, %arg10: memref<400xf32, #tpu.memory_space<vmem>>, %arg11: memref<400x16xf32, #tpu.memory_space<vmem>>, %arg12: memref<400xi32, #tpu.memory_space<vmem>>, %arg13: memref<400xi32, #tpu.memory_space<vmem>>, %arg14: memref<400xf32, #tpu.memory_space<vmem>>, %arg15: memref<400x16xf32, #tpu.memory_space<vmem>>, %arg16: memref<!tpu.dma_semaphore, #tpu.memory_space<semaphore_mem>>, %arg17: memref<!tpu.dma_semaphore, #tpu.memory_space<semaphore_mem>>, %arg18: memref<!tpu.dma_semaphore, #tpu.memory_space<semaphore_mem>>, %arg19: memref<!tpu.dma_semaphore, #tpu.memory_space<semaphore_mem>>) attributes {dimension_semantics = [#tpu.dimension_semantics<core_parallel>, #tpu.dimension_semantics<subcore_parallel>], iteration_bounds = array<i64: 2, 16>, scalar_prefetch = 0 : i64, scratch_operands = 13 : i64, tpu.core_type = #tpu.core_type<sc_vector_subcore>, window_params = [{transform_indices = #map}, {transform_indices = #map}, {transform_indices = #map}, {transform_indices = #map1}, {transform_indices = #map1}]} {
    %mul3A = arith.constant 2 : i32
    %mul3A_0 = arith.muli %arg1, %mul3A : i32
    %add3A = arith.addi %mul3A_0, %arg0 : i32
    %mul3A_1 = arith.constant 100000 : i32
    %mul3A_2 = arith.muli %add3A, %mul3A_1 : i32
    %scan3A = arith.constant 0 : i32
    %scan3A_3 = arith.constant 0 : i32
    %scan3A_4 = arith.constant 400 : i32
    %scan3A_5 = arith.addi %scan3A_3, %scan3A_4 : i32
    %scan3A_6 = arith.constant 1 : i32
    %scan3A_7 = scf.for %scan3A_56 = %scan3A_3 to %scan3A_5 step %scan3A_6 iter_args(%scan3A_57 = %scan3A) -> (i32)  : i32 {
      %broadcast_in_dim3A = arith.constant 0.000000e+00 : f32
      %broadcast_in_dim3A_58 = vector.broadcast %broadcast_in_dim3A : f32 to vector<16xf32>
      %swap3A = arith.index_cast %scan3A_56 : i32 to index
      %swap3A_59 = arith.constant 0 : index
      %swap3A_60 = tpu.vector_load %arg11[%swap3A, %swap3A_59] {strides = array<i32>} : memref<400x16xf32, #tpu.memory_space<vmem>>, vector<16xf32>,
      tpu.vector_store %arg11[%swap3A, %swap3A_59], %broadcast_in_dim3A_58 {strides = array<i32>} : memref<400x16xf32, #tpu.memory_space<vmem>>, vector<16xf32>,
      %scan3A_61 = arith.constant 0 : i32
      scf.yield %scan3A_61 : i32
    }
    %scan3A_8 = arith.constant 400 : i32
    %scan3A_9 = arith.constant 0 : i32
    %scan3A_10 = arith.constant 0 : i32
    %scan3A_11 = arith.constant 16 : i32
    %scan3A_12 = arith.addi %scan3A_10, %scan3A_11 : i32
    %scan3A_13 = arith.constant 1 : i32
    %scan3A_14 = scf.for %scan3A_56 = %scan3A_10 to %scan3A_12 step %scan3A_13 iter_args(%scan3A_57 = %scan3A_9) -> (i32)  : i32 {
      %mul3A_58 = arith.constant 6400 : i32
      %mul3A_59 = arith.muli %arg1, %mul3A_58 : i32
      %mul3A_60 = arith.constant 400 : i32
      %mul3A_61 = arith.muli %scan3A_56, %mul3A_60 : i32
      %add3A_62 = arith.addi %mul3A_59, %mul3A_61 : i32
      "tpu.region"() ({
        %run_scoped3A = tpu.sem_alloc : memref<!tpu.dma_semaphore, #tpu.memory_space<semaphore_mem>>
        %dma_start3A_64 = arith.constant 0 : i32
        %dma_start3A_65 = arith.constant 0 : i32
        %dma_start3A_66 = tpu.memref_slice %arg11[%dma_start3A_64, %dma_start3A_65] : memref<400x16xf32, #tpu.memory_space<vmem>> -> memref<400x16xf32, #tpu.memory_space<vmem>>
        %dma_start3A_67 = arith.constant 0 : i32
        %dma_start3A_68 = tpu.memref_slice %arg7[%add3A_62, %dma_start3A_67] : memref<102400x16xf32, #tpu.memory_space<vmem_shared>> -> memref<400x16xf32, #tpu.memory_space<vmem_shared>>
        %dma_start3A_69 = arith.constant 0 : i32
        %dma_start3A_70 = tpu.memref_slice %arg7[%add3A_62, %dma_start3A_69] : memref<102400x16xf32, #tpu.memory_space<vmem_shared>> -> memref<400x16xf32, #tpu.memory_space<vmem_shared>>
        %dma_start3A_71 = arith.constant 0 : i32
        %dma_start3A_72 = arith.constant 0 : i32
        %dma_start3A_73 = tpu.memref_slice %arg11[%dma_start3A_71, %dma_start3A_72] : memref<400x16xf32, #tpu.memory_space<vmem>> -> memref<400x16xf32, #tpu.memory_space<vmem>>
        tpu.enqueue_dma source(%dma_start3A_73 : memref<400x16xf32, #tpu.memory_space<vmem>>) target(%dma_start3A_70 : memref<400x16xf32, #tpu.memory_space<vmem_shared>>) target_semaphore(%run_scoped3A : memref<!tpu.dma_semaphore, #tpu.memory_space<semaphore_mem>>)
        %dma_wait3A_74 = arith.constant 0 : i32
        %dma_wait3A_75 = arith.constant 0 : i32
        %dma_wait3A_76 = tpu.memref_slice %arg11[%dma_wait3A_74, %dma_wait3A_75] : memref<400x16xf32, #tpu.memory_space<vmem>> -> memref<400x16xf32, #tpu.memory_space<vmem>>
        %dma_wait3A_77 = arith.constant 0 : i32
        %dma_wait3A_78 = tpu.memref_slice %arg7[%add3A_62, %dma_wait3A_77] : memref<102400x16xf32, #tpu.memory_space<vmem_shared>> -> memref<400x16xf32, #tpu.memory_space<vmem_shared>>
        %dma_wait3A_79 = arith.constant 0 : i32
        %dma_wait3A_80 = tpu.memref_slice %arg7[%add3A_62, %dma_wait3A_79] : memref<102400x16xf32, #tpu.memory_space<vmem_shared>> -> memref<400x16xf32, #tpu.memory_space<vmem_shared>>
        %dma_wait3A_81 = arith.constant 0 : i32
        %dma_wait3A_82 = arith.constant 0 : i32
        %dma_wait3A_83 = tpu.memref_slice %arg11[%dma_wait3A_81, %dma_wait3A_82] : memref<400x16xf32, #tpu.memory_space<vmem>> -> memref<400x16xf32, #tpu.memory_space<vmem>>
        tpu.wait_dma2 semaphore(%run_scoped3A : memref<!tpu.dma_semaphore, #tpu.memory_space<semaphore_mem>>) src(%dma_wait3A_83 : memref<400x16xf32, #tpu.memory_space<vmem>>) dst(%dma_wait3A_80 : memref<400x16xf32, #tpu.memory_space<vmem_shared>>)
        tpu.yield
      }) : () -> ()
      %scan3A_63 = arith.constant 0 : i32
      scf.yield %scan3A_63 : i32
    }
    %scan3A_15 = arith.constant 16 : i32
    %barrier3A = arith.constant 0 : index
    tpu.barrier barrier_id(%barrier3A)
    %add3A_16 = arith.constant 0 : i32
    %add3A_17 = arith.addi %mul3A_2, %add3A_16 : i32
    %dma_start3A = tpu.memref_slice %arg2[%add3A_17] : memref<3200000xi32, #tpu.memory_space<hbm>> -> memref<400xi32, #tpu.memory_space<hbm>>
    %dma_start3A_18 = tpu.memref_slice %arg2[%add3A_17] : memref<3200000xi32, #tpu.memory_space<hbm>> -> memref<400xi32, #tpu.memory_space<hbm>>
    tpu.enqueue_dma source(%dma_start3A_18 : memref<400xi32, #tpu.memory_space<hbm>>) target(%arg8 : memref<400xi32, #tpu.memory_space<vmem>>) target_semaphore(%arg16 : memref<!tpu.dma_semaphore, #tpu.memory_space<semaphore_mem>>)
    %dma_start3A_19 = tpu.memref_slice %arg3[%add3A_17] : memref<3200000xi32, #tpu.memory_space<hbm>> -> memref<400xi32, #tpu.memory_space<hbm>>
    %dma_start3A_20 = tpu.memref_slice %arg3[%add3A_17] : memref<3200000xi32, #tpu.memory_space<hbm>> -> memref<400xi32, #tpu.memory_space<hbm>>
    tpu.enqueue_dma source(%dma_start3A_20 : memref<400xi32, #tpu.memory_space<hbm>>) target(%arg9 : memref<400xi32, #tpu.memory_space<vmem>>) target_semaphore(%arg16 : memref<!tpu.dma_semaphore, #tpu.memory_space<semaphore_mem>>)
    %dma_start3A_21 = tpu.memref_slice %arg4[%add3A_17] : memref<3200000xf32, #tpu.memory_space<hbm>> -> memref<400xf32, #tpu.memory_space<hbm>>
    %dma_start3A_22 = tpu.memref_slice %arg4[%add3A_17] : memref<3200000xf32, #tpu.memory_space<hbm>> -> memref<400xf32, #tpu.memory_space<hbm>>
    tpu.enqueue_dma source(%dma_start3A_22 : memref<400xf32, #tpu.memory_space<hbm>>) target(%arg10 : memref<400xf32, #tpu.memory_space<vmem>>) target_semaphore(%arg16 : memref<!tpu.dma_semaphore, #tpu.memory_space<semaphore_mem>>)
    %add3A_23 = arith.constant 400 : i32
    %add3A_24 = arith.addi %mul3A_2, %add3A_23 : i32
    %dma_start3A_25 = tpu.memref_slice %arg2[%add3A_24] : memref<3200000xi32, #tpu.memory_space<hbm>> -> memref<400xi32, #tpu.memory_space<hbm>>
    %dma_start3A_26 = tpu.memref_slice %arg2[%add3A_24] : memref<3200000xi32, #tpu.memory_space<hbm>> -> memref<400xi32, #tpu.memory_space<hbm>>
    tpu.enqueue_dma source(%dma_start3A_26 : memref<400xi32, #tpu.memory_space<hbm>>) target(%arg12 : memref<400xi32, #tpu.memory_space<vmem>>) target_semaphore(%arg17 : memref<!tpu.dma_semaphore, #tpu.memory_space<semaphore_mem>>)
    %dma_start3A_27 = tpu.memref_slice %arg3[%add3A_24] : memref<3200000xi32, #tpu.memory_space<hbm>> -> memref<400xi32, #tpu.memory_space<hbm>>
    %dma_start3A_28 = tpu.memref_slice %arg3[%add3A_24] : memref<3200000xi32, #tpu.memory_space<hbm>> -> memref<400xi32, #tpu.memory_space<hbm>>
    tpu.enqueue_dma source(%dma_start3A_28 : memref<400xi32, #tpu.memory_space<hbm>>) target(%arg13 : memref<400xi32, #tpu.memory_space<vmem>>) target_semaphore(%arg17 : memref<!tpu.dma_semaphore, #tpu.memory_space<semaphore_mem>>)
    %dma_start3A_29 = tpu.memref_slice %arg4[%add3A_24] : memref<3200000xf32, #tpu.memory_space<hbm>> -> memref<400xf32, #tpu.memory_space<hbm>>
    %dma_start3A_30 = tpu.memref_slice %arg4[%add3A_24] : memref<3200000xf32, #tpu.memory_space<hbm>> -> memref<400xf32, #tpu.memory_space<hbm>>
    tpu.enqueue_dma source(%dma_start3A_30 : memref<400xf32, #tpu.memory_space<hbm>>) target(%arg14 : memref<400xf32, #tpu.memory_space<vmem>>) target_semaphore(%arg17 : memref<!tpu.dma_semaphore, #tpu.memory_space<semaphore_mem>>)
    %add3A_31 = arith.constant 0 : i32
    %add3A_32 = arith.addi %mul3A_2, %add3A_31 : i32
    %dma_wait3A = tpu.memref_slice %arg2[%add3A_32] : memref<3200000xi32, #tpu.memory_space<hbm>> -> memref<400xi32, #tpu.memory_space<hbm>>
    %dma_wait3A_33 = tpu.memref_slice %arg2[%add3A_32] : memref<3200000xi32, #tpu.memory_space<hbm>> -> memref<400xi32, #tpu.memory_space<hbm>>
    tpu.wait_dma2 semaphore(%arg16 : memref<!tpu.dma_semaphore, #tpu.memory_space<semaphore_mem>>) src(%dma_wait3A_33 : memref<400xi32, #tpu.memory_space<hbm>>) dst(%arg8 : memref<400xi32, #tpu.memory_space<vmem>>)
    %dma_wait3A_34 = tpu.memref_slice %arg3[%add3A_32] : memref<3200000xi32, #tpu.memory_space<hbm>> -> memref<400xi32, #tpu.memory_space<hbm>>
    %dma_wait3A_35 = tpu.memref_slice %arg3[%add3A_32] : memref<3200000xi32, #tpu.memory_space<hbm>> -> memref<400xi32, #tpu.memory_space<hbm>>
    tpu.wait_dma2 semaphore(%arg16 : memref<!tpu.dma_semaphore, #tpu.memory_space<semaphore_mem>>) src(%dma_wait3A_35 : memref<400xi32, #tpu.memory_space<hbm>>) dst(%arg9 : memref<400xi32, #tpu.memory_space<vmem>>)
    %dma_wait3A_36 = tpu.memref_slice %arg4[%add3A_32] : memref<3200000xf32, #tpu.memory_space<hbm>> -> memref<400xf32, #tpu.memory_space<hbm>>
    %dma_wait3A_37 = tpu.memref_slice %arg4[%add3A_32] : memref<3200000xf32, #tpu.memory_space<hbm>> -> memref<400xf32, #tpu.memory_space<hbm>>
    tpu.wait_dma2 semaphore(%arg16 : memref<!tpu.dma_semaphore, #tpu.memory_space<semaphore_mem>>) src(%dma_wait3A_37 : memref<400xf32, #tpu.memory_space<hbm>>) dst(%arg10 : memref<400xf32, #tpu.memory_space<vmem>>)
    %dma_start3A_38 = arith.constant 0 : i32
    %dma_start3A_39 = arith.constant 0 : i32
    %dma_start3A_40 = tpu.memref_slice %arg5[%dma_start3A_38, %dma_start3A_39] : memref<102400x16xf32, #tpu.memory_space<hbm>> -> memref<102400x16xf32, #tpu.memory_space<hbm>>
    tpu.enqueue_indirect_dma source(%dma_start3A_40 : memref<102400x16xf32, #tpu.memory_space<hbm>>) target(%arg11 : memref<400x16xf32, #tpu.memory_space<vmem>>) offsets(%arg8 : memref<400xi32, #tpu.memory_space<vmem>>) semaphore(%arg18 : memref<!tpu.dma_semaphore, #tpu.memory_space<semaphore_mem>>)
    %scan3A_41 = arith.constant 0 : i32
    %scan3A_42 = arith.constant 0 : i32
    %scan3A_43 = arith.constant 125 : i32
    %scan3A_44 = arith.addi %scan3A_42, %scan3A_43 : i32
    %scan3A_45 = arith.constant 1 : i32
    %scan3A_46 = scf.for %scan3A_56 = %scan3A_42 to %scan3A_44 step %scan3A_45 iter_args(%scan3A_57 = %scan3A_41) -> (i32)  : i32 {
      %mul3A_58 = arith.constant 2 : i32
      %mul3A_59 = arith.muli %mul3A_58, %scan3A_56 : i32
      %add3A_60 = arith.constant 1 : i32
      %add3A_61 = arith.addi %mul3A_59, %add3A_60 : i32
      %mul3A_62 = arith.constant 400 : i32
      %mul3A_63 = arith.muli %add3A_61, %mul3A_62 : i32
      %add3A_64 = arith.addi %mul3A_2, %mul3A_63 : i32
      %dma_wait3A_65 = tpu.memref_slice %arg2[%add3A_64] : memref<3200000xi32, #tpu.memory_space<hbm>> -> memref<400xi32, #tpu.memory_space<hbm>>
      %dma_wait3A_66 = tpu.memref_slice %arg2[%add3A_64] : memref<3200000xi32, #tpu.memory_space<hbm>> -> memref<400xi32, #tpu.memory_space<hbm>>
      tpu.wait_dma2 semaphore(%arg17 : memref<!tpu.dma_semaphore, #tpu.memory_space<semaphore_mem>>) src(%dma_wait3A_66 : memref<400xi32, #tpu.memory_space<hbm>>) dst(%arg12 : memref<400xi32, #tpu.memory_space<vmem>>)
      %dma_wait3A_67 = tpu.memref_slice %arg3[%add3A_64] : memref<3200000xi32, #tpu.memory_space<hbm>> -> memref<400xi32, #tpu.memory_space<hbm>>
      %dma_wait3A_68 = tpu.memref_slice %arg3[%add3A_64] : memref<3200000xi32, #tpu.memory_space<hbm>> -> memref<400xi32, #tpu.memory_space<hbm>>
      tpu.wait_dma2 semaphore(%arg17 : memref<!tpu.dma_semaphore, #tpu.memory_space<semaphore_mem>>) src(%dma_wait3A_68 : memref<400xi32, #tpu.memory_space<hbm>>) dst(%arg13 : memref<400xi32, #tpu.memory_space<vmem>>)
      %dma_wait3A_69 = tpu.memref_slice %arg4[%add3A_64] : memref<3200000xf32, #tpu.memory_space<hbm>> -> memref<400xf32, #tpu.memory_space<hbm>>
      %dma_wait3A_70 = tpu.memref_slice %arg4[%add3A_64] : memref<3200000xf32, #tpu.memory_space<hbm>> -> memref<400xf32, #tpu.memory_space<hbm>>
      tpu.wait_dma2 semaphore(%arg17 : memref<!tpu.dma_semaphore, #tpu.memory_space<semaphore_mem>>) src(%dma_wait3A_70 : memref<400xf32, #tpu.memory_space<hbm>>) dst(%arg14 : memref<400xf32, #tpu.memory_space<vmem>>)
      %dma_start3A_71 = arith.constant 0 : i32
      %dma_start3A_72 = arith.constant 0 : i32
      %dma_start3A_73 = tpu.memref_slice %arg5[%dma_start3A_71, %dma_start3A_72] : memref<102400x16xf32, #tpu.memory_space<hbm>> -> memref<102400x16xf32, #tpu.memory_space<hbm>>
      tpu.enqueue_indirect_dma source(%dma_start3A_73 : memref<102400x16xf32, #tpu.memory_space<hbm>>) target(%arg15 : memref<400x16xf32, #tpu.memory_space<vmem>>) offsets(%arg12 : memref<400xi32, #tpu.memory_space<vmem>>) semaphore(%arg19 : memref<!tpu.dma_semaphore, #tpu.memory_space<semaphore_mem>>)
      %dma_wait3A_74 = arith.constant 0 : i32
      %dma_wait3A_75 = arith.constant 0 : i32
      %dma_wait3A_76 = tpu.memref_slice %arg5[%dma_wait3A_74, %dma_wait3A_75] : memref<102400x16xf32, #tpu.memory_space<hbm>> -> memref<102400x16xf32, #tpu.memory_space<hbm>>
      tpu.wait_indirect_dma semaphore(%arg18 : memref<!tpu.dma_semaphore, #tpu.memory_space<semaphore_mem>>) src(%dma_wait3A_76 : memref<102400x16xf32, #tpu.memory_space<hbm>>) dst(%arg11 : memref<400x16xf32, #tpu.memory_space<vmem>>)
      %scan3A_77 = arith.constant 0 : i32
      %scan3A_78 = arith.constant 0 : i32
      %scan3A_79 = arith.constant 25 : i32
      %scan3A_80 = arith.addi %scan3A_78, %scan3A_79 : i32
      %scan3A_81 = arith.constant 1 : i32
      %scan3A_82 = scf.for %scan3A_113 = %scan3A_78 to %scan3A_80 step %scan3A_81 iter_args(%scan3A_114 = %scan3A_77) -> (i32)  : i32 {
        %mul3A_115 = arith.constant 16 : i32
        %mul3A_116 = arith.muli %scan3A_113, %mul3A_115 : i32
        %get3A = arith.index_cast %mul3A_116 : i32 to index
        %get3A_117 = tpu.vector_load %arg10[%get3A] {strides = array<i32>} : memref<400xf32, #tpu.memory_space<vmem>>, vector<16xf32>,
        %add3A_118 = arith.constant 0 : i32
        %add3A_119 = arith.addi %mul3A_116, %add3A_118 : i32
        %get3A_120 = arith.index_cast %add3A_119 : i32 to index
        %get3A_121 = arith.constant 0 : index
        %get3A_122 = tpu.vector_load %arg11[%get3A_120, %get3A_121] {strides = array<i32>} : memref<400x16xf32, #tpu.memory_space<vmem>>, vector<16xf32>,
        %slice3A = vector.extract_strided_slice %get3A_117 {offsets = [0], sizes = [1], strides = [1]} : vector<16xf32> to vector<1xf32>
        %squeeze3A = vector.extract %slice3A[0] : f32 from vector<1xf32>
        %mul3A_123 = vector.broadcast %squeeze3A : f32 to vector<16xf32>
        %mul3A_124 = arith.mulf %get3A_122, %mul3A_123 : vector<16xf32>
        %add3A_125 = arith.constant 0 : i32
        %add3A_126 = arith.addi %mul3A_116, %add3A_125 : i32
        %swap3A = arith.index_cast %add3A_126 : i32 to index
        %swap3A_127 = arith.constant 0 : index
        %swap3A_128 = tpu.vector_load %arg11[%swap3A, %swap3A_127] {strides = array<i32>} : memref<400x16xf32, #tpu.memory_space<vmem>>, vector<16xf32>,
        tpu.vector_store %arg11[%swap3A, %swap3A_127], %mul3A_124 {strides = array<i32>} : memref<400x16xf32, #tpu.memory_space<vmem>>, vector<16xf32>,
        %add3A_129 = arith.constant 1 : i32
        %add3A_130 = arith.addi %mul3A_116, %add3A_129 : i32
        %get3A_131 = arith.index_cast %add3A_130 : i32 to index
        %get3A_132 = arith.constant 0 : index
        %get3A_133 = tpu.vector_load %arg11[%get3A_131, %get3A_132] {strides = array<i32>} : memref<400x16xf32, #tpu.memory_space<vmem>>, vector<16xf32>,
        %slice3A_134 = vector.extract_strided_slice %get3A_117 {offsets = [1], sizes = [1], strides = [1]} : vector<16xf32> to vector<1xf32>
        %squeeze3A_135 = vector.extract %slice3A_134[0] : f32 from vector<1xf32>
        %mul3A_136 = vector.broadcast %squeeze3A_135 : f32 to vector<16xf32>
        %mul3A_137 = arith.mulf %get3A_133, %mul3A_136 : vector<16xf32>
        %add3A_138 = arith.constant 1 : i32
        %add3A_139 = arith.addi %mul3A_116, %add3A_138 : i32
        %swap3A_140 = arith.index_cast %add3A_139 : i32 to index
        %swap3A_141 = arith.constant 0 : index
        %swap3A_142 = tpu.vector_load %arg11[%swap3A_140, %swap3A_141] {strides = array<i32>} : memref<400x16xf32, #tpu.memory_space<vmem>>, vector<16xf32>,
        tpu.vector_store %arg11[%swap3A_140, %swap3A_141], %mul3A_137 {strides = array<i32>} : memref<400x16xf32, #tpu.memory_space<vmem>>, vector<16xf32>,
        %add3A_143 = arith.constant 2 : i32
        %add3A_144 = arith.addi %mul3A_116, %add3A_143 : i32
        %get3A_145 = arith.index_cast %add3A_144 : i32 to index
        %get3A_146 = arith.constant 0 : index
        %get3A_147 = tpu.vector_load %arg11[%get3A_145, %get3A_146] {strides = array<i32>} : memref<400x16xf32, #tpu.memory_space<vmem>>, vector<16xf32>,
        %slice3A_148 = vector.extract_strided_slice %get3A_117 {offsets = [2], sizes = [1], strides = [1]} : vector<16xf32> to vector<1xf32>
        %squeeze3A_149 = vector.extract %slice3A_148[0] : f32 from vector<1xf32>
        %mul3A_150 = vector.broadcast %squeeze3A_149 : f32 to vector<16xf32>
        %mul3A_151 = arith.mulf %get3A_147, %mul3A_150 : vector<16xf32>
        %add3A_152 = arith.constant 2 : i32
        %add3A_153 = arith.addi %mul3A_116, %add3A_152 : i32
        %swap3A_154 = arith.index_cast %add3A_153 : i32 to index
        %swap3A_155 = arith.constant 0 : index
        %swap3A_156 = tpu.vector_load %arg11[%swap3A_154, %swap3A_155] {strides = array<i32>} : memref<400x16xf32, #tpu.memory_space<vmem>>, vector<16xf32>,
        tpu.vector_store %arg11[%swap3A_154, %swap3A_155], %mul3A_151 {strides = array<i32>} : memref<400x16xf32, #tpu.memory_space<vmem>>, vector<16xf32>,
        %add3A_157 = arith.constant 3 : i32
        %add3A_158 = arith.addi %mul3A_116, %add3A_157 : i32
        %get3A_159 = arith.index_cast %add3A_158 : i32 to index
        %get3A_160 = arith.constant 0 : index
        %get3A_161 = tpu.vector_load %arg11[%get3A_159, %get3A_160] {strides = array<i32>} : memref<400x16xf32, #tpu.memory_space<vmem>>, vector<16xf32>,
        %slice3A_162 = vector.extract_strided_slice %get3A_117 {offsets = [3], sizes = [1], strides = [1]} : vector<16xf32> to vector<1xf32>
        %squeeze3A_163 = vector.extract %slice3A_162[0] : f32 from vector<1xf32>
        %mul3A_164 = vector.broadcast %squeeze3A_163 : f32 to vector<16xf32>
        %mul3A_165 = arith.mulf %get3A_161, %mul3A_164 : vector<16xf32>
        %add3A_166 = arith.constant 3 : i32
        %add3A_167 = arith.addi %mul3A_116, %add3A_166 : i32
        %swap3A_168 = arith.index_cast %add3A_167 : i32 to index
        %swap3A_169 = arith.constant 0 : index
        %swap3A_170 = tpu.vector_load %arg11[%swap3A_168, %swap3A_169] {strides = array<i32>} : memref<400x16xf32, #tpu.memory_space<vmem>>, vector<16xf32>,
        tpu.vector_store %arg11[%swap3A_168, %swap3A_169], %mul3A_165 {strides = array<i32>} : memref<400x16xf32, #tpu.memory_space<vmem>>, vector<16xf32>,
        %add3A_171 = arith.constant 4 : i32
        %add3A_172 = arith.addi %mul3A_116, %add3A_171 : i32
        %get3A_173 = arith.index_cast %add3A_172 : i32 to index
        %get3A_174 = arith.constant 0 : index
        %get3A_175 = tpu.vector_load %arg11[%get3A_173, %get3A_174] {strides = array<i32>} : memref<400x16xf32, #tpu.memory_space<vmem>>, vector<16xf32>,
        %slice3A_176 = vector.extract_strided_slice %get3A_117 {offsets = [4], sizes = [1], strides = [1]} : vector<16xf32> to vector<1xf32>
        %squeeze3A_177 = vector.extract %slice3A_176[0] : f32 from vector<1xf32>
        %mul3A_178 = vector.broadcast %squeeze3A_177 : f32 to vector<16xf32>
        %mul3A_179 = arith.mulf %get3A_175, %mul3A_178 : vector<16xf32>
        %add3A_180 = arith.constant 4 : i32
        %add3A_181 = arith.addi %mul3A_116, %add3A_180 : i32
        %swap3A_182 = arith.index_cast %add3A_181 : i32 to index
        %swap3A_183 = arith.constant 0 : index
        %swap3A_184 = tpu.vector_load %arg11[%swap3A_182, %swap3A_183] {strides = array<i32>} : memref<400x16xf32, #tpu.memory_space<vmem>>, vector<16xf32>,
        tpu.vector_store %arg11[%swap3A_182, %swap3A_183], %mul3A_179 {strides = array<i32>} : memref<400x16xf32, #tpu.memory_space<vmem>>, vector<16xf32>,
        %add3A_185 = arith.constant 5 : i32
        %add3A_186 = arith.addi %mul3A_116, %add3A_185 : i32
        %get3A_187 = arith.index_cast %add3A_186 : i32 to index
        %get3A_188 = arith.constant 0 : index
        %get3A_189 = tpu.vector_load %arg11[%get3A_187, %get3A_188] {strides = array<i32>} : memref<400x16xf32, #tpu.memory_space<vmem>>, vector<16xf32>,
        %slice3A_190 = vector.extract_strided_slice %get3A_117 {offsets = [5], sizes = [1], strides = [1]} : vector<16xf32> to vector<1xf32>
        %squeeze3A_191 = vector.extract %slice3A_190[0] : f32 from vector<1xf32>
        %mul3A_192 = vector.broadcast %squeeze3A_191 : f32 to vector<16xf32>
        %mul3A_193 = arith.mulf %get3A_189, %mul3A_192 : vector<16xf32>
        %add3A_194 = arith.constant 5 : i32
        %add3A_195 = arith.addi %mul3A_116, %add3A_194 : i32
        %swap3A_196 = arith.index_cast %add3A_195 : i32 to index
        %swap3A_197 = arith.constant 0 : index
        %swap3A_198 = tpu.vector_load %arg11[%swap3A_196, %swap3A_197] {strides = array<i32>} : memref<400x16xf32, #tpu.memory_space<vmem>>, vector<16xf32>,
        tpu.vector_store %arg11[%swap3A_196, %swap3A_197], %mul3A_193 {strides = array<i32>} : memref<400x16xf32, #tpu.memory_space<vmem>>, vector<16xf32>,
        %add3A_199 = arith.constant 6 : i32
        %add3A_200 = arith.addi %mul3A_116, %add3A_199 : i32
        %get3A_201 = arith.index_cast %add3A_200 : i32 to index
        %get3A_202 = arith.constant 0 : index
        %get3A_203 = tpu.vector_load %arg11[%get3A_201, %get3A_202] {strides = array<i32>} : memref<400x16xf32, #tpu.memory_space<vmem>>, vector<16xf32>,
        %slice3A_204 = vector.extract_strided_slice %get3A_117 {offsets = [6], sizes = [1], strides = [1]} : vector<16xf32> to vector<1xf32>
        %squeeze3A_205 = vector.extract %slice3A_204[0] : f32 from vector<1xf32>
        %mul3A_206 = vector.broadcast %squeeze3A_205 : f32 to vector<16xf32>
        %mul3A_207 = arith.mulf %get3A_203, %mul3A_206 : vector<16xf32>
        %add3A_208 = arith.constant 6 : i32
        %add3A_209 = arith.addi %mul3A_116, %add3A_208 : i32
        %swap3A_210 = arith.index_cast %add3A_209 : i32 to index
        %swap3A_211 = arith.constant 0 : index
        %swap3A_212 = tpu.vector_load %arg11[%swap3A_210, %swap3A_211] {strides = array<i32>} : memref<400x16xf32, #tpu.memory_space<vmem>>, vector<16xf32>,
        tpu.vector_store %arg11[%swap3A_210, %swap3A_211], %mul3A_207 {strides = array<i32>} : memref<400x16xf32, #tpu.memory_space<vmem>>, vector<16xf32>,
        %add3A_213 = arith.constant 7 : i32
        %add3A_214 = arith.addi %mul3A_116, %add3A_213 : i32
        %get3A_215 = arith.index_cast %add3A_214 : i32 to index
        %get3A_216 = arith.constant 0 : index
        %get3A_217 = tpu.vector_load %arg11[%get3A_215, %get3A_216] {strides = array<i32>} : memref<400x16xf32, #tpu.memory_space<vmem>>, vector<16xf32>,
        %slice3A_218 = vector.extract_strided_slice %get3A_117 {offsets = [7], sizes = [1], strides = [1]} : vector<16xf32> to vector<1xf32>
        %squeeze3A_219 = vector.extract %slice3A_218[0] : f32 from vector<1xf32>
        %mul3A_220 = vector.broadcast %squeeze3A_219 : f32 to vector<16xf32>
        %mul3A_221 = arith.mulf %get3A_217, %mul3A_220 : vector<16xf32>
        %add3A_222 = arith.constant 7 : i32
        %add3A_223 = arith.addi %mul3A_116, %add3A_222 : i32
        %swap3A_224 = arith.index_cast %add3A_223 : i32 to index
        %swap3A_225 = arith.constant 0 : index
        %swap3A_226 = tpu.vector_load %arg11[%swap3A_224, %swap3A_225] {strides = array<i32>} : memref<400x16xf32, #tpu.memory_space<vmem>>, vector<16xf32>,
        tpu.vector_store %arg11[%swap3A_224, %swap3A_225], %mul3A_221 {strides = array<i32>} : memref<400x16xf32, #tpu.memory_space<vmem>>, vector<16xf32>,
        %add3A_227 = arith.constant 8 : i32
        %add3A_228 = arith.addi %mul3A_116, %add3A_227 : i32
        %get3A_229 = arith.index_cast %add3A_228 : i32 to index
        %get3A_230 = arith.constant 0 : index
        %get3A_231 = tpu.vector_load %arg11[%get3A_229, %get3A_230] {strides = array<i32>} : memref<400x16xf32, #tpu.memory_space<vmem>>, vector<16xf32>,
        %slice3A_232 = vector.extract_strided_slice %get3A_117 {offsets = [8], sizes = [1], strides = [1]} : vector<16xf32> to vector<1xf32>
        %squeeze3A_233 = vector.extract %slice3A_232[0] : f32 from vector<1xf32>
        %mul3A_234 = vector.broadcast %squeeze3A_233 : f32 to vector<16xf32>
        %mul3A_235 = arith.mulf %get3A_231, %mul3A_234 : vector<16xf32>
        %add3A_236 = arith.constant 8 : i32
        %add3A_237 = arith.addi %mul3A_116, %add3A_236 : i32
        %swap3A_238 = arith.index_cast %add3A_237 : i32 to index
        %swap3A_239 = arith.constant 0 : index
        %swap3A_240 = tpu.vector_load %arg11[%swap3A_238, %swap3A_239] {strides = array<i32>} : memref<400x16xf32, #tpu.memory_space<vmem>>, vector<16xf32>,
        tpu.vector_store %arg11[%swap3A_238, %swap3A_239], %mul3A_235 {strides = array<i32>} : memref<400x16xf32, #tpu.memory_space<vmem>>, vector<16xf32>,
        %add3A_241 = arith.constant 9 : i32
        %add3A_242 = arith.addi %mul3A_116, %add3A_241 : i32
        %get3A_243 = arith.index_cast %add3A_242 : i32 to index
        %get3A_244 = arith.constant 0 : index
        %get3A_245 = tpu.vector_load %arg11[%get3A_243, %get3A_244] {strides = array<i32>} : memref<400x16xf32, #tpu.memory_space<vmem>>, vector<16xf32>,
        %slice3A_246 = vector.extract_strided_slice %get3A_117 {offsets = [9], sizes = [1], strides = [1]} : vector<16xf32> to vector<1xf32>
        %squeeze3A_247 = vector.extract %slice3A_246[0] : f32 from vector<1xf32>
        %mul3A_248 = vector.broadcast %squeeze3A_247 : f32 to vector<16xf32>
        %mul3A_249 = arith.mulf %get3A_245, %mul3A_248 : vector<16xf32>
        %add3A_250 = arith.constant 9 : i32
        %add3A_251 = arith.addi %mul3A_116, %add3A_250 : i32
        %swap3A_252 = arith.index_cast %add3A_251 : i32 to index
        %swap3A_253 = arith.constant 0 : index
        %swap3A_254 = tpu.vector_load %arg11[%swap3A_252, %swap3A_253] {strides = array<i32>} : memref<400x16xf32, #tpu.memory_space<vmem>>, vector<16xf32>,
        tpu.vector_store %arg11[%swap3A_252, %swap3A_253], %mul3A_249 {strides = array<i32>} : memref<400x16xf32, #tpu.memory_space<vmem>>, vector<16xf32>,
        %add3A_255 = arith.constant 10 : i32
        %add3A_256 = arith.addi %mul3A_116, %add3A_255 : i32
        %get3A_257 = arith.index_cast %add3A_256 : i32 to index
        %get3A_258 = arith.constant 0 : index
        %get3A_259 = tpu.vector_load %arg11[%get3A_257, %get3A_258] {strides = array<i32>} : memref<400x16xf32, #tpu.memory_space<vmem>>, vector<16xf32>,
        %slice3A_260 = vector.extract_strided_slice %get3A_117 {offsets = [10], sizes = [1], strides = [1]} : vector<16xf32> to vector<1xf32>
        %squeeze3A_261 = vector.extract %slice3A_260[0] : f32 from vector<1xf32>
        %mul3A_262 = vector.broadcast %squeeze3A_261 : f32 to vector<16xf32>
        %mul3A_263 = arith.mulf %get3A_259, %mul3A_262 : vector<16xf32>
        %add3A_264 = arith.constant 10 : i32
        %add3A_265 = arith.addi %mul3A_116, %add3A_264 : i32
        %swap3A_266 = arith.index_cast %add3A_265 : i32 to index
        %swap3A_267 = arith.constant 0 : index
        %swap3A_268 = tpu.vector_load %arg11[%swap3A_266, %swap3A_267] {strides = array<i32>} : memref<400x16xf32, #tpu.memory_space<vmem>>, vector<16xf32>,
        tpu.vector_store %arg11[%swap3A_266, %swap3A_267], %mul3A_263 {strides = array<i32>} : memref<400x16xf32, #tpu.memory_space<vmem>>, vector<16xf32>,
        %add3A_269 = arith.constant 11 : i32
        %add3A_270 = arith.addi %mul3A_116, %add3A_269 : i32
        %get3A_271 = arith.index_cast %add3A_270 : i32 to index
        %get3A_272 = arith.constant 0 : index
        %get3A_273 = tpu.vector_load %arg11[%get3A_271, %get3A_272] {strides = array<i32>} : memref<400x16xf32, #tpu.memory_space<vmem>>, vector<16xf32>,
        %slice3A_274 = vector.extract_strided_slice %get3A_117 {offsets = [11], sizes = [1], strides = [1]} : vector<16xf32> to vector<1xf32>
        %squeeze3A_275 = vector.extract %slice3A_274[0] : f32 from vector<1xf32>
        %mul3A_276 = vector.broadcast %squeeze3A_275 : f32 to vector<16xf32>
        %mul3A_277 = arith.mulf %get3A_273, %mul3A_276 : vector<16xf32>
        %add3A_278 = arith.constant 11 : i32
        %add3A_279 = arith.addi %mul3A_116, %add3A_278 : i32
        %swap3A_280 = arith.index_cast %add3A_279 : i32 to index
        %swap3A_281 = arith.constant 0 : index
        %swap3A_282 = tpu.vector_load %arg11[%swap3A_280, %swap3A_281] {strides = array<i32>} : memref<400x16xf32, #tpu.memory_space<vmem>>, vector<16xf32>,
        tpu.vector_store %arg11[%swap3A_280, %swap3A_281], %mul3A_277 {strides = array<i32>} : memref<400x16xf32, #tpu.memory_space<vmem>>, vector<16xf32>,
        %add3A_283 = arith.constant 12 : i32
        %add3A_284 = arith.addi %mul3A_116, %add3A_283 : i32
        %get3A_285 = arith.index_cast %add3A_284 : i32 to index
        %get3A_286 = arith.constant 0 : index
        %get3A_287 = tpu.vector_load %arg11[%get3A_285, %get3A_286] {strides = array<i32>} : memref<400x16xf32, #tpu.memory_space<vmem>>, vector<16xf32>,
        %slice3A_288 = vector.extract_strided_slice %get3A_117 {offsets = [12], sizes = [1], strides = [1]} : vector<16xf32> to vector<1xf32>
        %squeeze3A_289 = vector.extract %slice3A_288[0] : f32 from vector<1xf32>
        %mul3A_290 = vector.broadcast %squeeze3A_289 : f32 to vector<16xf32>
        %mul3A_291 = arith.mulf %get3A_287, %mul3A_290 : vector<16xf32>
        %add3A_292 = arith.constant 12 : i32
        %add3A_293 = arith.addi %mul3A_116, %add3A_292 : i32
        %swap3A_294 = arith.index_cast %add3A_293 : i32 to index
        %swap3A_295 = arith.constant 0 : index
        %swap3A_296 = tpu.vector_load %arg11[%swap3A_294, %swap3A_295] {strides = array<i32>} : memref<400x16xf32, #tpu.memory_space<vmem>>, vector<16xf32>,
        tpu.vector_store %arg11[%swap3A_294, %swap3A_295], %mul3A_291 {strides = array<i32>} : memref<400x16xf32, #tpu.memory_space<vmem>>, vector<16xf32>,
        %add3A_297 = arith.constant 13 : i32
        %add3A_298 = arith.addi %mul3A_116, %add3A_297 : i32
        %get3A_299 = arith.index_cast %add3A_298 : i32 to index
        %get3A_300 = arith.constant 0 : index
        %get3A_301 = tpu.vector_load %arg11[%get3A_299, %get3A_300] {strides = array<i32>} : memref<400x16xf32, #tpu.memory_space<vmem>>, vector<16xf32>,
        %slice3A_302 = vector.extract_strided_slice %get3A_117 {offsets = [13], sizes = [1], strides = [1]} : vector<16xf32> to vector<1xf32>
        %squeeze3A_303 = vector.extract %slice3A_302[0] : f32 from vector<1xf32>
        %mul3A_304 = vector.broadcast %squeeze3A_303 : f32 to vector<16xf32>
        %mul3A_305 = arith.mulf %get3A_301, %mul3A_304 : vector<16xf32>
        %add3A_306 = arith.constant 13 : i32
        %add3A_307 = arith.addi %mul3A_116, %add3A_306 : i32
        %swap3A_308 = arith.index_cast %add3A_307 : i32 to index
        %swap3A_309 = arith.constant 0 : index
        %swap3A_310 = tpu.vector_load %arg11[%swap3A_308, %swap3A_309] {strides = array<i32>} : memref<400x16xf32, #tpu.memory_space<vmem>>, vector<16xf32>,
        tpu.vector_store %arg11[%swap3A_308, %swap3A_309], %mul3A_305 {strides = array<i32>} : memref<400x16xf32, #tpu.memory_space<vmem>>, vector<16xf32>,
        %add3A_311 = arith.constant 14 : i32
        %add3A_312 = arith.addi %mul3A_116, %add3A_311 : i32
        %get3A_313 = arith.index_cast %add3A_312 : i32 to index
        %get3A_314 = arith.constant 0 : index
        %get3A_315 = tpu.vector_load %arg11[%get3A_313, %get3A_314] {strides = array<i32>} : memref<400x16xf32, #tpu.memory_space<vmem>>, vector<16xf32>,
        %slice3A_316 = vector.extract_strided_slice %get3A_117 {offsets = [14], sizes = [1], strides = [1]} : vector<16xf32> to vector<1xf32>
        %squeeze3A_317 = vector.extract %slice3A_316[0] : f32 from vector<1xf32>
        %mul3A_318 = vector.broadcast %squeeze3A_317 : f32 to vector<16xf32>
        %mul3A_319 = arith.mulf %get3A_315, %mul3A_318 : vector<16xf32>
        %add3A_320 = arith.constant 14 : i32
        %add3A_321 = arith.addi %mul3A_116, %add3A_320 : i32
        %swap3A_322 = arith.index_cast %add3A_321 : i32 to index
        %swap3A_323 = arith.constant 0 : index
        %swap3A_324 = tpu.vector_load %arg11[%swap3A_322, %swap3A_323] {strides = array<i32>} : memref<400x16xf32, #tpu.memory_space<vmem>>, vector<16xf32>,
        tpu.vector_store %arg11[%swap3A_322, %swap3A_323], %mul3A_319 {strides = array<i32>} : memref<400x16xf32, #tpu.memory_space<vmem>>, vector<16xf32>,
        %add3A_325 = arith.constant 15 : i32
        %add3A_326 = arith.addi %mul3A_116, %add3A_325 : i32
        %get3A_327 = arith.index_cast %add3A_326 : i32 to index
        %get3A_328 = arith.constant 0 : index
        %get3A_329 = tpu.vector_load %arg11[%get3A_327, %get3A_328] {strides = array<i32>} : memref<400x16xf32, #tpu.memory_space<vmem>>, vector<16xf32>,
        %slice3A_330 = vector.extract_strided_slice %get3A_117 {offsets = [15], sizes = [1], strides = [1]} : vector<16xf32> to vector<1xf32>
        %squeeze3A_331 = vector.extract %slice3A_330[0] : f32 from vector<1xf32>
        %mul3A_332 = vector.broadcast %squeeze3A_331 : f32 to vector<16xf32>
        %mul3A_333 = arith.mulf %get3A_329, %mul3A_332 : vector<16xf32>
        %add3A_334 = arith.constant 15 : i32
        %add3A_335 = arith.addi %mul3A_116, %add3A_334 : i32
        %swap3A_336 = arith.index_cast %add3A_335 : i32 to index
        %swap3A_337 = arith.constant 0 : index
        %swap3A_338 = tpu.vector_load %arg11[%swap3A_336, %swap3A_337] {strides = array<i32>} : memref<400x16xf32, #tpu.memory_space<vmem>>, vector<16xf32>,
        tpu.vector_store %arg11[%swap3A_336, %swap3A_337], %mul3A_333 {strides = array<i32>} : memref<400x16xf32, #tpu.memory_space<vmem>>, vector<16xf32>,
        %scan3A_339 = arith.constant 0 : i32
        scf.yield %scan3A_339 : i32
      }
      %scan3A_83 = arith.constant 25 : i32
      "tpu.region"() ({
        %run_scoped3A = tpu.sem_alloc : memref<!tpu.dma_semaphore, #tpu.memory_space<semaphore_mem>>
        %dma_start3A_113 = arith.constant 0 : i32
        %dma_start3A_114 = arith.constant 0 : i32
        %dma_start3A_115 = tpu.memref_slice %arg7[%dma_start3A_113, %dma_start3A_114] : memref<102400x16xf32, #tpu.memory_space<vmem_shared>> -> memref<102400x16xf32, #tpu.memory_space<vmem_shared>>
        tpu.enqueue_indirect_dma source(%arg11 : memref<400x16xf32, #tpu.memory_space<vmem>>) target(%dma_start3A_115 : memref<102400x16xf32, #tpu.memory_space<vmem_shared>>) offsets(%arg9 : memref<400xi32, #tpu.memory_space<vmem>>) semaphore(%run_scoped3A : memref<!tpu.dma_semaphore, #tpu.memory_space<semaphore_mem>>) {add = true}
        %dma_wait3A_116 = arith.constant 0 : i32
        %dma_wait3A_117 = arith.constant 0 : i32
        %dma_wait3A_118 = tpu.memref_slice %arg7[%dma_wait3A_116, %dma_wait3A_117] : memref<102400x16xf32, #tpu.memory_space<vmem_shared>> -> memref<102400x16xf32, #tpu.memory_space<vmem_shared>>
        tpu.wait_indirect_dma semaphore(%run_scoped3A : memref<!tpu.dma_semaphore, #tpu.memory_space<semaphore_mem>>) src(%arg11 : memref<400x16xf32, #tpu.memory_space<vmem>>) dst(%dma_wait3A_118 : memref<102400x16xf32, #tpu.memory_space<vmem_shared>>)
        tpu.yield
      }) : () -> ()
      %add3A_84 = arith.constant 2 : i32
      %add3A_85 = arith.addi %mul3A_59, %add3A_84 : i32
      %lt3A = arith.constant 250 : i32
      %lt3A_86 = arith.cmpi slt, %add3A_85, %lt3A : i32
      %convert_element_type3A = arith.extui %lt3A_86 : i1 to i32
      %cond3A = arith.constant 0 : i32
      %cond3A_87 = arith.cmpi ne, %convert_element_type3A, %cond3A : i32
      scf.if %cond3A_87 {
        %add3A_113 = arith.constant 2 : i32
        %add3A_114 = arith.addi %mul3A_59, %add3A_113 : i32
        %mul3A_115 = arith.constant 400 : i32
        %mul3A_116 = arith.muli %add3A_114, %mul3A_115 : i32
        %add3A_117 = arith.addi %mul3A_2, %mul3A_116 : i32
        %dma_start3A_118 = tpu.memref_slice %arg2[%add3A_117] : memref<3200000xi32, #tpu.memory_space<hbm>> -> memref<400xi32, #tpu.memory_space<hbm>>
        %dma_start3A_119 = tpu.memref_slice %arg2[%add3A_117] : memref<3200000xi32, #tpu.memory_space<hbm>> -> memref<400xi32, #tpu.memory_space<hbm>>
        tpu.enqueue_dma source(%dma_start3A_119 : memref<400xi32, #tpu.memory_space<hbm>>) target(%arg8 : memref<400xi32, #tpu.memory_space<vmem>>) target_semaphore(%arg16 : memref<!tpu.dma_semaphore, #tpu.memory_space<semaphore_mem>>)
        %dma_start3A_120 = tpu.memref_slice %arg3[%add3A_117] : memref<3200000xi32, #tpu.memory_space<hbm>> -> memref<400xi32, #tpu.memory_space<hbm>>
        %dma_start3A_121 = tpu.memref_slice %arg3[%add3A_117] : memref<3200000xi32, #tpu.memory_space<hbm>> -> memref<400xi32, #tpu.memory_space<hbm>>
        tpu.enqueue_dma source(%dma_start3A_121 : memref<400xi32, #tpu.memory_space<hbm>>) target(%arg9 : memref<400xi32, #tpu.memory_space<vmem>>) target_semaphore(%arg16 : memref<!tpu.dma_semaphore, #tpu.memory_space<semaphore_mem>>)
        %dma_start3A_122 = tpu.memref_slice %arg4[%add3A_117] : memref<3200000xf32, #tpu.memory_space<hbm>> -> memref<400xf32, #tpu.memory_space<hbm>>
        %dma_start3A_123 = tpu.memref_slice %arg4[%add3A_117] : memref<3200000xf32, #tpu.memory_space<hbm>> -> memref<400xf32, #tpu.memory_space<hbm>>
        tpu.enqueue_dma source(%dma_start3A_123 : memref<400xf32, #tpu.memory_space<hbm>>) target(%arg10 : memref<400xf32, #tpu.memory_space<vmem>>) target_semaphore(%arg16 : memref<!tpu.dma_semaphore, #tpu.memory_space<semaphore_mem>>)
      } else {
      }
      %add3A_88 = arith.constant 2 : i32
      %add3A_89 = arith.addi %mul3A_59, %add3A_88 : i32
      %lt3A_90 = arith.constant 250 : i32
      %lt3A_91 = arith.cmpi slt, %add3A_89, %lt3A_90 : i32
      %convert_element_type3A_92 = arith.extui %lt3A_91 : i1 to i32
      %cond3A_93 = arith.constant 0 : i32
      %cond3A_94 = arith.cmpi ne, %convert_element_type3A_92, %cond3A_93 : i32
      scf.if %cond3A_94 {
        %add3A_113 = arith.constant 2 : i32
        %add3A_114 = arith.addi %mul3A_59, %add3A_113 : i32
        %mul3A_115 = arith.constant 400 : i32
        %mul3A_116 = arith.muli %add3A_114, %mul3A_115 : i32
        %add3A_117 = arith.addi %mul3A_2, %mul3A_116 : i32
        %dma_wait3A_118 = tpu.memref_slice %arg2[%add3A_117] : memref<3200000xi32, #tpu.memory_space<hbm>> -> memref<400xi32, #tpu.memory_space<hbm>>
        %dma_wait3A_119 = tpu.memref_slice %arg2[%add3A_117] : memref<3200000xi32, #tpu.memory_space<hbm>> -> memref<400xi32, #tpu.memory_space<hbm>>
        tpu.wait_dma2 semaphore(%arg16 : memref<!tpu.dma_semaphore, #tpu.memory_space<semaphore_mem>>) src(%dma_wait3A_119 : memref<400xi32, #tpu.memory_space<hbm>>) dst(%arg8 : memref<400xi32, #tpu.memory_space<vmem>>)
        %dma_wait3A_120 = tpu.memref_slice %arg3[%add3A_117] : memref<3200000xi32, #tpu.memory_space<hbm>> -> memref<400xi32, #tpu.memory_space<hbm>>
        %dma_wait3A_121 = tpu.memref_slice %arg3[%add3A_117] : memref<3200000xi32, #tpu.memory_space<hbm>> -> memref<400xi32, #tpu.memory_space<hbm>>
        tpu.wait_dma2 semaphore(%arg16 : memref<!tpu.dma_semaphore, #tpu.memory_space<semaphore_mem>>) src(%dma_wait3A_121 : memref<400xi32, #tpu.memory_space<hbm>>) dst(%arg9 : memref<400xi32, #tpu.memory_space<vmem>>)
        %dma_wait3A_122 = tpu.memref_slice %arg4[%add3A_117] : memref<3200000xf32, #tpu.memory_space<hbm>> -> memref<400xf32, #tpu.memory_space<hbm>>
        %dma_wait3A_123 = tpu.memref_slice %arg4[%add3A_117] : memref<3200000xf32, #tpu.memory_space<hbm>> -> memref<400xf32, #tpu.memory_space<hbm>>
        tpu.wait_dma2 semaphore(%arg16 : memref<!tpu.dma_semaphore, #tpu.memory_space<semaphore_mem>>) src(%dma_wait3A_123 : memref<400xf32, #tpu.memory_space<hbm>>) dst(%arg10 : memref<400xf32, #tpu.memory_space<vmem>>)
        %dma_start3A_124 = arith.constant 0 : i32
        %dma_start3A_125 = arith.constant 0 : i32
        %dma_start3A_126 = tpu.memref_slice %arg5[%dma_start3A_124, %dma_start3A_125] : memref<102400x16xf32, #tpu.memory_space<hbm>> -> memref<102400x16xf32, #tpu.memory_space<hbm>>
        tpu.enqueue_indirect_dma source(%dma_start3A_126 : memref<102400x16xf32, #tpu.memory_space<hbm>>) target(%arg11 : memref<400x16xf32, #tpu.memory_space<vmem>>) offsets(%arg8 : memref<400xi32, #tpu.memory_space<vmem>>) semaphore(%arg18 : memref<!tpu.dma_semaphore, #tpu.memory_space<semaphore_mem>>)
      } else {
      }
      %dma_wait3A_95 = arith.constant 0 : i32
      %dma_wait3A_96 = arith.constant 0 : i32
      %dma_wait3A_97 = tpu.memref_slice %arg5[%dma_wait3A_95, %dma_wait3A_96] : memref<102400x16xf32, #tpu.memory_space<hbm>> -> memref<102400x16xf32, #tpu.memory_space<hbm>>
      tpu.wait_indirect_dma semaphore(%arg19 : memref<!tpu.dma_semaphore, #tpu.memory_space<semaphore_mem>>) src(%dma_wait3A_97 : memref<102400x16xf32, #tpu.memory_space<hbm>>) dst(%arg15 : memref<400x16xf32, #tpu.memory_space<vmem>>)
      %scan3A_98 = arith.constant 0 : i32
      %scan3A_99 = arith.constant 0 : i32
      %scan3A_100 = arith.constant 25 : i32
      %scan3A_101 = arith.addi %scan3A_99, %scan3A_100 : i32
      %scan3A_102 = arith.constant 1 : i32
      %scan3A_103 = scf.for %scan3A_113 = %scan3A_99 to %scan3A_101 step %scan3A_102 iter_args(%scan3A_114 = %scan3A_98) -> (i32)  : i32 {
        %mul3A_115 = arith.constant 16 : i32
        %mul3A_116 = arith.muli %scan3A_113, %mul3A_115 : i32
        %get3A = arith.index_cast %mul3A_116 : i32 to index
        %get3A_117 = tpu.vector_load %arg14[%get3A] {strides = array<i32>} : memref<400xf32, #tpu.memory_space<vmem>>, vector<16xf32>,
        %add3A_118 = arith.constant 0 : i32
        %add3A_119 = arith.addi %mul3A_116, %add3A_118 : i32
        %get3A_120 = arith.index_cast %add3A_119 : i32 to index
        %get3A_121 = arith.constant 0 : index
        %get3A_122 = tpu.vector_load %arg15[%get3A_120, %get3A_121] {strides = array<i32>} : memref<400x16xf32, #tpu.memory_space<vmem>>, vector<16xf32>,
        %slice3A = vector.extract_strided_slice %get3A_117 {offsets = [0], sizes = [1], strides = [1]} : vector<16xf32> to vector<1xf32>
        %squeeze3A = vector.extract %slice3A[0] : f32 from vector<1xf32>
        %mul3A_123 = vector.broadcast %squeeze3A : f32 to vector<16xf32>
        %mul3A_124 = arith.mulf %get3A_122, %mul3A_123 : vector<16xf32>
        %add3A_125 = arith.constant 0 : i32
        %add3A_126 = arith.addi %mul3A_116, %add3A_125 : i32
        %swap3A = arith.index_cast %add3A_126 : i32 to index
        %swap3A_127 = arith.constant 0 : index
        %swap3A_128 = tpu.vector_load %arg15[%swap3A, %swap3A_127] {strides = array<i32>} : memref<400x16xf32, #tpu.memory_space<vmem>>, vector<16xf32>,
        tpu.vector_store %arg15[%swap3A, %swap3A_127], %mul3A_124 {strides = array<i32>} : memref<400x16xf32, #tpu.memory_space<vmem>>, vector<16xf32>,
        %add3A_129 = arith.constant 1 : i32
        %add3A_130 = arith.addi %mul3A_116, %add3A_129 : i32
        %get3A_131 = arith.index_cast %add3A_130 : i32 to index
        %get3A_132 = arith.constant 0 : index
        %get3A_133 = tpu.vector_load %arg15[%get3A_131, %get3A_132] {strides = array<i32>} : memref<400x16xf32, #tpu.memory_space<vmem>>, vector<16xf32>,
        %slice3A_134 = vector.extract_strided_slice %get3A_117 {offsets = [1], sizes = [1], strides = [1]} : vector<16xf32> to vector<1xf32>
        %squeeze3A_135 = vector.extract %slice3A_134[0] : f32 from vector<1xf32>
        %mul3A_136 = vector.broadcast %squeeze3A_135 : f32 to vector<16xf32>
        %mul3A_137 = arith.mulf %get3A_133, %mul3A_136 : vector<16xf32>
        %add3A_138 = arith.constant 1 : i32
        %add3A_139 = arith.addi %mul3A_116, %add3A_138 : i32
        %swap3A_140 = arith.index_cast %add3A_139 : i32 to index
        %swap3A_141 = arith.constant 0 : index
        %swap3A_142 = tpu.vector_load %arg15[%swap3A_140, %swap3A_141] {strides = array<i32>} : memref<400x16xf32, #tpu.memory_space<vmem>>, vector<16xf32>,
        tpu.vector_store %arg15[%swap3A_140, %swap3A_141], %mul3A_137 {strides = array<i32>} : memref<400x16xf32, #tpu.memory_space<vmem>>, vector<16xf32>,
        %add3A_143 = arith.constant 2 : i32
        %add3A_144 = arith.addi %mul3A_116, %add3A_143 : i32
        %get3A_145 = arith.index_cast %add3A_144 : i32 to index
        %get3A_146 = arith.constant 0 : index
        %get3A_147 = tpu.vector_load %arg15[%get3A_145, %get3A_146] {strides = array<i32>} : memref<400x16xf32, #tpu.memory_space<vmem>>, vector<16xf32>,
        %slice3A_148 = vector.extract_strided_slice %get3A_117 {offsets = [2], sizes = [1], strides = [1]} : vector<16xf32> to vector<1xf32>
        %squeeze3A_149 = vector.extract %slice3A_148[0] : f32 from vector<1xf32>
        %mul3A_150 = vector.broadcast %squeeze3A_149 : f32 to vector<16xf32>
        %mul3A_151 = arith.mulf %get3A_147, %mul3A_150 : vector<16xf32>
        %add3A_152 = arith.constant 2 : i32
        %add3A_153 = arith.addi %mul3A_116, %add3A_152 : i32
        %swap3A_154 = arith.index_cast %add3A_153 : i32 to index
        %swap3A_155 = arith.constant 0 : index
        %swap3A_156 = tpu.vector_load %arg15[%swap3A_154, %swap3A_155] {strides = array<i32>} : memref<400x16xf32, #tpu.memory_space<vmem>>, vector<16xf32>,
        tpu.vector_store %arg15[%swap3A_154, %swap3A_155], %mul3A_151 {strides = array<i32>} : memref<400x16xf32, #tpu.memory_space<vmem>>, vector<16xf32>,
        %add3A_157 = arith.constant 3 : i32
        %add3A_158 = arith.addi %mul3A_116, %add3A_157 : i32
        %get3A_159 = arith.index_cast %add3A_158 : i32 to index
        %get3A_160 = arith.constant 0 : index
        %get3A_161 = tpu.vector_load %arg15[%get3A_159, %get3A_160] {strides = array<i32>} : memref<400x16xf32, #tpu.memory_space<vmem>>, vector<16xf32>,
        %slice3A_162 = vector.extract_strided_slice %get3A_117 {offsets = [3], sizes = [1], strides = [1]} : vector<16xf32> to vector<1xf32>
        %squeeze3A_163 = vector.extract %slice3A_162[0] : f32 from vector<1xf32>
        %mul3A_164 = vector.broadcast %squeeze3A_163 : f32 to vector<16xf32>
        %mul3A_165 = arith.mulf %get3A_161, %mul3A_164 : vector<16xf32>
        %add3A_166 = arith.constant 3 : i32
        %add3A_167 = arith.addi %mul3A_116, %add3A_166 : i32
        %swap3A_168 = arith.index_cast %add3A_167 : i32 to index
        %swap3A_169 = arith.constant 0 : index
        %swap3A_170 = tpu.vector_load %arg15[%swap3A_168, %swap3A_169] {strides = array<i32>} : memref<400x16xf32, #tpu.memory_space<vmem>>, vector<16xf32>,
        tpu.vector_store %arg15[%swap3A_168, %swap3A_169], %mul3A_165 {strides = array<i32>} : memref<400x16xf32, #tpu.memory_space<vmem>>, vector<16xf32>,
        %add3A_171 = arith.constant 4 : i32
        %add3A_172 = arith.addi %mul3A_116, %add3A_171 : i32
        %get3A_173 = arith.index_cast %add3A_172 : i32 to index
        %get3A_174 = arith.constant 0 : index
        %get3A_175 = tpu.vector_load %arg15[%get3A_173, %get3A_174] {strides = array<i32>} : memref<400x16xf32, #tpu.memory_space<vmem>>, vector<16xf32>,
        %slice3A_176 = vector.extract_strided_slice %get3A_117 {offsets = [4], sizes = [1], strides = [1]} : vector<16xf32> to vector<1xf32>
        %squeeze3A_177 = vector.extract %slice3A_176[0] : f32 from vector<1xf32>
        %mul3A_178 = vector.broadcast %squeeze3A_177 : f32 to vector<16xf32>
        %mul3A_179 = arith.mulf %get3A_175, %mul3A_178 : vector<16xf32>
        %add3A_180 = arith.constant 4 : i32
        %add3A_181 = arith.addi %mul3A_116, %add3A_180 : i32
        %swap3A_182 = arith.index_cast %add3A_181 : i32 to index
        %swap3A_183 = arith.constant 0 : index
        %swap3A_184 = tpu.vector_load %arg15[%swap3A_182, %swap3A_183] {strides = array<i32>} : memref<400x16xf32, #tpu.memory_space<vmem>>, vector<16xf32>,
        tpu.vector_store %arg15[%swap3A_182, %swap3A_183], %mul3A_179 {strides = array<i32>} : memref<400x16xf32, #tpu.memory_space<vmem>>, vector<16xf32>,
        %add3A_185 = arith.constant 5 : i32
        %add3A_186 = arith.addi %mul3A_116, %add3A_185 : i32
        %get3A_187 = arith.index_cast %add3A_186 : i32 to index
        %get3A_188 = arith.constant 0 : index
        %get3A_189 = tpu.vector_load %arg15[%get3A_187, %get3A_188] {strides = array<i32>} : memref<400x16xf32, #tpu.memory_space<vmem>>, vector<16xf32>,
        %slice3A_190 = vector.extract_strided_slice %get3A_117 {offsets = [5], sizes = [1], strides = [1]} : vector<16xf32> to vector<1xf32>
        %squeeze3A_191 = vector.extract %slice3A_190[0] : f32 from vector<1xf32>
        %mul3A_192 = vector.broadcast %squeeze3A_191 : f32 to vector<16xf32>
        %mul3A_193 = arith.mulf %get3A_189, %mul3A_192 : vector<16xf32>
        %add3A_194 = arith.constant 5 : i32
        %add3A_195 = arith.addi %mul3A_116, %add3A_194 : i32
        %swap3A_196 = arith.index_cast %add3A_195 : i32 to index
        %swap3A_197 = arith.constant 0 : index
        %swap3A_198 = tpu.vector_load %arg15[%swap3A_196, %swap3A_197] {strides = array<i32>} : memref<400x16xf32, #tpu.memory_space<vmem>>, vector<16xf32>,
        tpu.vector_store %arg15[%swap3A_196, %swap3A_197], %mul3A_193 {strides = array<i32>} : memref<400x16xf32, #tpu.memory_space<vmem>>, vector<16xf32>,
        %add3A_199 = arith.constant 6 : i32
        %add3A_200 = arith.addi %mul3A_116, %add3A_199 : i32
        %get3A_201 = arith.index_cast %add3A_200 : i32 to index
        %get3A_202 = arith.constant 0 : index
        %get3A_203 = tpu.vector_load %arg15[%get3A_201, %get3A_202] {strides = array<i32>} : memref<400x16xf32, #tpu.memory_space<vmem>>, vector<16xf32>,
        %slice3A_204 = vector.extract_strided_slice %get3A_117 {offsets = [6], sizes = [1], strides = [1]} : vector<16xf32> to vector<1xf32>
        %squeeze3A_205 = vector.extract %slice3A_204[0] : f32 from vector<1xf32>
        %mul3A_206 = vector.broadcast %squeeze3A_205 : f32 to vector<16xf32>
        %mul3A_207 = arith.mulf %get3A_203, %mul3A_206 : vector<16xf32>
        %add3A_208 = arith.constant 6 : i32
        %add3A_209 = arith.addi %mul3A_116, %add3A_208 : i32
        %swap3A_210 = arith.index_cast %add3A_209 : i32 to index
        %swap3A_211 = arith.constant 0 : index
        %swap3A_212 = tpu.vector_load %arg15[%swap3A_210, %swap3A_211] {strides = array<i32>} : memref<400x16xf32, #tpu.memory_space<vmem>>, vector<16xf32>,
        tpu.vector_store %arg15[%swap3A_210, %swap3A_211], %mul3A_207 {strides = array<i32>} : memref<400x16xf32, #tpu.memory_space<vmem>>, vector<16xf32>,
        %add3A_213 = arith.constant 7 : i32
        %add3A_214 = arith.addi %mul3A_116, %add3A_213 : i32
        %get3A_215 = arith.index_cast %add3A_214 : i32 to index
        %get3A_216 = arith.constant 0 : index
        %get3A_217 = tpu.vector_load %arg15[%get3A_215, %get3A_216] {strides = array<i32>} : memref<400x16xf32, #tpu.memory_space<vmem>>, vector<16xf32>,
        %slice3A_218 = vector.extract_strided_slice %get3A_117 {offsets = [7], sizes = [1], strides = [1]} : vector<16xf32> to vector<1xf32>
        %squeeze3A_219 = vector.extract %slice3A_218[0] : f32 from vector<1xf32>
        %mul3A_220 = vector.broadcast %squeeze3A_219 : f32 to vector<16xf32>
        %mul3A_221 = arith.mulf %get3A_217, %mul3A_220 : vector<16xf32>
        %add3A_222 = arith.constant 7 : i32
        %add3A_223 = arith.addi %mul3A_116, %add3A_222 : i32
        %swap3A_224 = arith.index_cast %add3A_223 : i32 to index
        %swap3A_225 = arith.constant 0 : index
        %swap3A_226 = tpu.vector_load %arg15[%swap3A_224, %swap3A_225] {strides = array<i32>} : memref<400x16xf32, #tpu.memory_space<vmem>>, vector<16xf32>,
        tpu.vector_store %arg15[%swap3A_224, %swap3A_225], %mul3A_221 {strides = array<i32>} : memref<400x16xf32, #tpu.memory_space<vmem>>, vector<16xf32>,
        %add3A_227 = arith.constant 8 : i32
        %add3A_228 = arith.addi %mul3A_116, %add3A_227 : i32
        %get3A_229 = arith.index_cast %add3A_228 : i32 to index
        %get3A_230 = arith.constant 0 : index
        %get3A_231 = tpu.vector_load %arg15[%get3A_229, %get3A_230] {strides = array<i32>} : memref<400x16xf32, #tpu.memory_space<vmem>>, vector<16xf32>,
        %slice3A_232 = vector.extract_strided_slice %get3A_117 {offsets = [8], sizes = [1], strides = [1]} : vector<16xf32> to vector<1xf32>
        %squeeze3A_233 = vector.extract %slice3A_232[0] : f32 from vector<1xf32>
        %mul3A_234 = vector.broadcast %squeeze3A_233 : f32 to vector<16xf32>
        %mul3A_235 = arith.mulf %get3A_231, %mul3A_234 : vector<16xf32>
        %add3A_236 = arith.constant 8 : i32
        %add3A_237 = arith.addi %mul3A_116, %add3A_236 : i32
        %swap3A_238 = arith.index_cast %add3A_237 : i32 to index
        %swap3A_239 = arith.constant 0 : index
        %swap3A_240 = tpu.vector_load %arg15[%swap3A_238, %swap3A_239] {strides = array<i32>} : memref<400x16xf32, #tpu.memory_space<vmem>>, vector<16xf32>,
        tpu.vector_store %arg15[%swap3A_238, %swap3A_239], %mul3A_235 {strides = array<i32>} : memref<400x16xf32, #tpu.memory_space<vmem>>, vector<16xf32>,
        %add3A_241 = arith.constant 9 : i32
        %add3A_242 = arith.addi %mul3A_116, %add3A_241 : i32
        %get3A_243 = arith.index_cast %add3A_242 : i32 to index
        %get3A_244 = arith.constant 0 : index
        %get3A_245 = tpu.vector_load %arg15[%get3A_243, %get3A_244] {strides = array<i32>} : memref<400x16xf32, #tpu.memory_space<vmem>>, vector<16xf32>,
        %slice3A_246 = vector.extract_strided_slice %get3A_117 {offsets = [9], sizes = [1], strides = [1]} : vector<16xf32> to vector<1xf32>
        %squeeze3A_247 = vector.extract %slice3A_246[0] : f32 from vector<1xf32>
        %mul3A_248 = vector.broadcast %squeeze3A_247 : f32 to vector<16xf32>
        %mul3A_249 = arith.mulf %get3A_245, %mul3A_248 : vector<16xf32>
        %add3A_250 = arith.constant 9 : i32
        %add3A_251 = arith.addi %mul3A_116, %add3A_250 : i32
        %swap3A_252 = arith.index_cast %add3A_251 : i32 to index
        %swap3A_253 = arith.constant 0 : index
        %swap3A_254 = tpu.vector_load %arg15[%swap3A_252, %swap3A_253] {strides = array<i32>} : memref<400x16xf32, #tpu.memory_space<vmem>>, vector<16xf32>,
        tpu.vector_store %arg15[%swap3A_252, %swap3A_253], %mul3A_249 {strides = array<i32>} : memref<400x16xf32, #tpu.memory_space<vmem>>, vector<16xf32>,
        %add3A_255 = arith.constant 10 : i32
        %add3A_256 = arith.addi %mul3A_116, %add3A_255 : i32
        %get3A_257 = arith.index_cast %add3A_256 : i32 to index
        %get3A_258 = arith.constant 0 : index
        %get3A_259 = tpu.vector_load %arg15[%get3A_257, %get3A_258] {strides = array<i32>} : memref<400x16xf32, #tpu.memory_space<vmem>>, vector<16xf32>,
        %slice3A_260 = vector.extract_strided_slice %get3A_117 {offsets = [10], sizes = [1], strides = [1]} : vector<16xf32> to vector<1xf32>
        %squeeze3A_261 = vector.extract %slice3A_260[0] : f32 from vector<1xf32>
        %mul3A_262 = vector.broadcast %squeeze3A_261 : f32 to vector<16xf32>
        %mul3A_263 = arith.mulf %get3A_259, %mul3A_262 : vector<16xf32>
        %add3A_264 = arith.constant 10 : i32
        %add3A_265 = arith.addi %mul3A_116, %add3A_264 : i32
        %swap3A_266 = arith.index_cast %add3A_265 : i32 to index
        %swap3A_267 = arith.constant 0 : index
        %swap3A_268 = tpu.vector_load %arg15[%swap3A_266, %swap3A_267] {strides = array<i32>} : memref<400x16xf32, #tpu.memory_space<vmem>>, vector<16xf32>,
        tpu.vector_store %arg15[%swap3A_266, %swap3A_267], %mul3A_263 {strides = array<i32>} : memref<400x16xf32, #tpu.memory_space<vmem>>, vector<16xf32>,
        %add3A_269 = arith.constant 11 : i32
        %add3A_270 = arith.addi %mul3A_116, %add3A_269 : i32
        %get3A_271 = arith.index_cast %add3A_270 : i32 to index
        %get3A_272 = arith.constant 0 : index
        %get3A_273 = tpu.vector_load %arg15[%get3A_271, %get3A_272] {strides = array<i32>} : memref<400x16xf32, #tpu.memory_space<vmem>>, vector<16xf32>,
        %slice3A_274 = vector.extract_strided_slice %get3A_117 {offsets = [11], sizes = [1], strides = [1]} : vector<16xf32> to vector<1xf32>
        %squeeze3A_275 = vector.extract %slice3A_274[0] : f32 from vector<1xf32>
        %mul3A_276 = vector.broadcast %squeeze3A_275 : f32 to vector<16xf32>
        %mul3A_277 = arith.mulf %get3A_273, %mul3A_276 : vector<16xf32>
        %add3A_278 = arith.constant 11 : i32
        %add3A_279 = arith.addi %mul3A_116, %add3A_278 : i32
        %swap3A_280 = arith.index_cast %add3A_279 : i32 to index
        %swap3A_281 = arith.constant 0 : index
        %swap3A_282 = tpu.vector_load %arg15[%swap3A_280, %swap3A_281] {strides = array<i32>} : memref<400x16xf32, #tpu.memory_space<vmem>>, vector<16xf32>,
        tpu.vector_store %arg15[%swap3A_280, %swap3A_281], %mul3A_277 {strides = array<i32>} : memref<400x16xf32, #tpu.memory_space<vmem>>, vector<16xf32>,
        %add3A_283 = arith.constant 12 : i32
        %add3A_284 = arith.addi %mul3A_116, %add3A_283 : i32
        %get3A_285 = arith.index_cast %add3A_284 : i32 to index
        %get3A_286 = arith.constant 0 : index
        %get3A_287 = tpu.vector_load %arg15[%get3A_285, %get3A_286] {strides = array<i32>} : memref<400x16xf32, #tpu.memory_space<vmem>>, vector<16xf32>,
        %slice3A_288 = vector.extract_strided_slice %get3A_117 {offsets = [12], sizes = [1], strides = [1]} : vector<16xf32> to vector<1xf32>
        %squeeze3A_289 = vector.extract %slice3A_288[0] : f32 from vector<1xf32>
        %mul3A_290 = vector.broadcast %squeeze3A_289 : f32 to vector<16xf32>
        %mul3A_291 = arith.mulf %get3A_287, %mul3A_290 : vector<16xf32>
        %add3A_292 = arith.constant 12 : i32
        %add3A_293 = arith.addi %mul3A_116, %add3A_292 : i32
        %swap3A_294 = arith.index_cast %add3A_293 : i32 to index
        %swap3A_295 = arith.constant 0 : index
        %swap3A_296 = tpu.vector_load %arg15[%swap3A_294, %swap3A_295] {strides = array<i32>} : memref<400x16xf32, #tpu.memory_space<vmem>>, vector<16xf32>,
        tpu.vector_store %arg15[%swap3A_294, %swap3A_295], %mul3A_291 {strides = array<i32>} : memref<400x16xf32, #tpu.memory_space<vmem>>, vector<16xf32>,
        %add3A_297 = arith.constant 13 : i32
        %add3A_298 = arith.addi %mul3A_116, %add3A_297 : i32
        %get3A_299 = arith.index_cast %add3A_298 : i32 to index
        %get3A_300 = arith.constant 0 : index
        %get3A_301 = tpu.vector_load %arg15[%get3A_299, %get3A_300] {strides = array<i32>} : memref<400x16xf32, #tpu.memory_space<vmem>>, vector<16xf32>,
        %slice3A_302 = vector.extract_strided_slice %get3A_117 {offsets = [13], sizes = [1], strides = [1]} : vector<16xf32> to vector<1xf32>
        %squeeze3A_303 = vector.extract %slice3A_302[0] : f32 from vector<1xf32>
        %mul3A_304 = vector.broadcast %squeeze3A_303 : f32 to vector<16xf32>
        %mul3A_305 = arith.mulf %get3A_301, %mul3A_304 : vector<16xf32>
        %add3A_306 = arith.constant 13 : i32
        %add3A_307 = arith.addi %mul3A_116, %add3A_306 : i32
        %swap3A_308 = arith.index_cast %add3A_307 : i32 to index
        %swap3A_309 = arith.constant 0 : index
        %swap3A_310 = tpu.vector_load %arg15[%swap3A_308, %swap3A_309] {strides = array<i32>} : memref<400x16xf32, #tpu.memory_space<vmem>>, vector<16xf32>,
        tpu.vector_store %arg15[%swap3A_308, %swap3A_309], %mul3A_305 {strides = array<i32>} : memref<400x16xf32, #tpu.memory_space<vmem>>, vector<16xf32>,
        %add3A_311 = arith.constant 14 : i32
        %add3A_312 = arith.addi %mul3A_116, %add3A_311 : i32
        %get3A_313 = arith.index_cast %add3A_312 : i32 to index
        %get3A_314 = arith.constant 0 : index
        %get3A_315 = tpu.vector_load %arg15[%get3A_313, %get3A_314] {strides = array<i32>} : memref<400x16xf32, #tpu.memory_space<vmem>>, vector<16xf32>,
        %slice3A_316 = vector.extract_strided_slice %get3A_117 {offsets = [14], sizes = [1], strides = [1]} : vector<16xf32> to vector<1xf32>
        %squeeze3A_317 = vector.extract %slice3A_316[0] : f32 from vector<1xf32>
        %mul3A_318 = vector.broadcast %squeeze3A_317 : f32 to vector<16xf32>
        %mul3A_319 = arith.mulf %get3A_315, %mul3A_318 : vector<16xf32>
        %add3A_320 = arith.constant 14 : i32
        %add3A_321 = arith.addi %mul3A_116, %add3A_320 : i32
        %swap3A_322 = arith.index_cast %add3A_321 : i32 to index
        %swap3A_323 = arith.constant 0 : index
        %swap3A_324 = tpu.vector_load %arg15[%swap3A_322, %swap3A_323] {strides = array<i32>} : memref<400x16xf32, #tpu.memory_space<vmem>>, vector<16xf32>,
        tpu.vector_store %arg15[%swap3A_322, %swap3A_323], %mul3A_319 {strides = array<i32>} : memref<400x16xf32, #tpu.memory_space<vmem>>, vector<16xf32>,
        %add3A_325 = arith.constant 15 : i32
        %add3A_326 = arith.addi %mul3A_116, %add3A_325 : i32
        %get3A_327 = arith.index_cast %add3A_326 : i32 to index
        %get3A_328 = arith.constant 0 : index
        %get3A_329 = tpu.vector_load %arg15[%get3A_327, %get3A_328] {strides = array<i32>} : memref<400x16xf32, #tpu.memory_space<vmem>>, vector<16xf32>,
        %slice3A_330 = vector.extract_strided_slice %get3A_117 {offsets = [15], sizes = [1], strides = [1]} : vector<16xf32> to vector<1xf32>
        %squeeze3A_331 = vector.extract %slice3A_330[0] : f32 from vector<1xf32>
        %mul3A_332 = vector.broadcast %squeeze3A_331 : f32 to vector<16xf32>
        %mul3A_333 = arith.mulf %get3A_329, %mul3A_332 : vector<16xf32>
        %add3A_334 = arith.constant 15 : i32
        %add3A_335 = arith.addi %mul3A_116, %add3A_334 : i32
        %swap3A_336 = arith.index_cast %add3A_335 : i32 to index
        %swap3A_337 = arith.constant 0 : index
        %swap3A_338 = tpu.vector_load %arg15[%swap3A_336, %swap3A_337] {strides = array<i32>} : memref<400x16xf32, #tpu.memory_space<vmem>>, vector<16xf32>,
        tpu.vector_store %arg15[%swap3A_336, %swap3A_337], %mul3A_333 {strides = array<i32>} : memref<400x16xf32, #tpu.memory_space<vmem>>, vector<16xf32>,
        %scan3A_339 = arith.constant 0 : i32
        scf.yield %scan3A_339 : i32
      }
      %scan3A_104 = arith.constant 25 : i32
      "tpu.region"() ({
        %run_scoped3A = tpu.sem_alloc : memref<!tpu.dma_semaphore, #tpu.memory_space<semaphore_mem>>
        %dma_start3A_113 = arith.constant 0 : i32
        %dma_start3A_114 = arith.constant 0 : i32
        %dma_start3A_115 = tpu.memref_slice %arg7[%dma_start3A_113, %dma_start3A_114] : memref<102400x16xf32, #tpu.memory_space<vmem_shared>> -> memref<102400x16xf32, #tpu.memory_space<vmem_shared>>
        tpu.enqueue_indirect_dma source(%arg15 : memref<400x16xf32, #tpu.memory_space<vmem>>) target(%dma_start3A_115 : memref<102400x16xf32, #tpu.memory_space<vmem_shared>>) offsets(%arg13 : memref<400xi32, #tpu.memory_space<vmem>>) semaphore(%run_scoped3A : memref<!tpu.dma_semaphore, #tpu.memory_space<semaphore_mem>>) {add = true}
        %dma_wait3A_116 = arith.constant 0 : i32
        %dma_wait3A_117 = arith.constant 0 : i32
        %dma_wait3A_118 = tpu.memref_slice %arg7[%dma_wait3A_116, %dma_wait3A_117] : memref<102400x16xf32, #tpu.memory_space<vmem_shared>> -> memref<102400x16xf32, #tpu.memory_space<vmem_shared>>
        tpu.wait_indirect_dma semaphore(%run_scoped3A : memref<!tpu.dma_semaphore, #tpu.memory_space<semaphore_mem>>) src(%arg15 : memref<400x16xf32, #tpu.memory_space<vmem>>) dst(%dma_wait3A_118 : memref<102400x16xf32, #tpu.memory_space<vmem_shared>>)
        tpu.yield
      }) : () -> ()
      %add3A_105 = arith.constant 3 : i32
      %add3A_106 = arith.addi %mul3A_59, %add3A_105 : i32
      %lt3A_107 = arith.constant 250 : i32
      %lt3A_108 = arith.cmpi slt, %add3A_106, %lt3A_107 : i32
      %convert_element_type3A_109 = arith.extui %lt3A_108 : i1 to i32
      %cond3A_110 = arith.constant 0 : i32
      %cond3A_111 = arith.cmpi ne, %convert_element_type3A_109, %cond3A_110 : i32
      scf.if %cond3A_111 {
        %add3A_113 = arith.constant 3 : i32
        %add3A_114 = arith.addi %mul3A_59, %add3A_113 : i32
        %mul3A_115 = arith.constant 400 : i32
        %mul3A_116 = arith.muli %add3A_114, %mul3A_115 : i32
        %add3A_117 = arith.addi %mul3A_2, %mul3A_116 : i32
        %dma_start3A_118 = tpu.memref_slice %arg2[%add3A_117] : memref<3200000xi32, #tpu.memory_space<hbm>> -> memref<400xi32, #tpu.memory_space<hbm>>
        %dma_start3A_119 = tpu.memref_slice %arg2[%add3A_117] : memref<3200000xi32, #tpu.memory_space<hbm>> -> memref<400xi32, #tpu.memory_space<hbm>>
        tpu.enqueue_dma source(%dma_start3A_119 : memref<400xi32, #tpu.memory_space<hbm>>) target(%arg12 : memref<400xi32, #tpu.memory_space<vmem>>) target_semaphore(%arg17 : memref<!tpu.dma_semaphore, #tpu.memory_space<semaphore_mem>>)
        %dma_start3A_120 = tpu.memref_slice %arg3[%add3A_117] : memref<3200000xi32, #tpu.memory_space<hbm>> -> memref<400xi32, #tpu.memory_space<hbm>>
        %dma_start3A_121 = tpu.memref_slice %arg3[%add3A_117] : memref<3200000xi32, #tpu.memory_space<hbm>> -> memref<400xi32, #tpu.memory_space<hbm>>
        tpu.enqueue_dma source(%dma_start3A_121 : memref<400xi32, #tpu.memory_space<hbm>>) target(%arg13 : memref<400xi32, #tpu.memory_space<vmem>>) target_semaphore(%arg17 : memref<!tpu.dma_semaphore, #tpu.memory_space<semaphore_mem>>)
        %dma_start3A_122 = tpu.memref_slice %arg4[%add3A_117] : memref<3200000xf32, #tpu.memory_space<hbm>> -> memref<400xf32, #tpu.memory_space<hbm>>
        %dma_start3A_123 = tpu.memref_slice %arg4[%add3A_117] : memref<3200000xf32, #tpu.memory_space<hbm>> -> memref<400xf32, #tpu.memory_space<hbm>>
        tpu.enqueue_dma source(%dma_start3A_123 : memref<400xf32, #tpu.memory_space<hbm>>) target(%arg14 : memref<400xf32, #tpu.memory_space<vmem>>) target_semaphore(%arg17 : memref<!tpu.dma_semaphore, #tpu.memory_space<semaphore_mem>>)
      } else {
      }
      %scan3A_112 = arith.constant 0 : i32
      scf.yield %scan3A_112 : i32
    }
    %scan3A_47 = arith.constant 125 : i32
    %barrier3A_48 = arith.constant 0 : index
    tpu.barrier barrier_id(%barrier3A_48)
    %scan3A_49 = arith.constant 0 : i32
    %scan3A_50 = arith.constant 0 : i32
    %scan3A_51 = arith.constant 16 : i32
    %scan3A_52 = arith.addi %scan3A_50, %scan3A_51 : i32
    %scan3A_53 = arith.constant 1 : i32
    %scan3A_54 = scf.for %scan3A_56 = %scan3A_50 to %scan3A_52 step %scan3A_53 iter_args(%scan3A_57 = %scan3A_49) -> (i32)  : i32 {
      %mul3A_58 = arith.constant 6400 : i32
      %mul3A_59 = arith.muli %arg1, %mul3A_58 : i32
      %mul3A_60 = arith.constant 400 : i32
      %mul3A_61 = arith.muli %scan3A_56, %mul3A_60 : i32
      %add3A_62 = arith.addi %mul3A_59, %mul3A_61 : i32
      "tpu.region"() ({
        %run_scoped3A = tpu.sem_alloc : memref<!tpu.dma_semaphore, #tpu.memory_space<semaphore_mem>>
        %dma_start3A_67 = arith.constant 0 : i32
        %dma_start3A_68 = arith.constant 0 : i32
        %dma_start3A_69 = tpu.memref_slice %arg11[%dma_start3A_67, %dma_start3A_68] : memref<400x16xf32, #tpu.memory_space<vmem>> -> memref<400x16xf32, #tpu.memory_space<vmem>>
        %dma_start3A_70 = arith.constant 0 : i32
        %dma_start3A_71 = tpu.memref_slice %arg7[%add3A_62, %dma_start3A_70] : memref<102400x16xf32, #tpu.memory_space<vmem_shared>> -> memref<400x16xf32, #tpu.memory_space<vmem_shared>>
        %dma_start3A_72 = arith.constant 0 : i32
        %dma_start3A_73 = arith.constant 0 : i32
        %dma_start3A_74 = tpu.memref_slice %arg11[%dma_start3A_72, %dma_start3A_73] : memref<400x16xf32, #tpu.memory_space<vmem>> -> memref<400x16xf32, #tpu.memory_space<vmem>>
        %dma_start3A_75 = arith.constant 0 : i32
        %dma_start3A_76 = tpu.memref_slice %arg7[%add3A_62, %dma_start3A_75] : memref<102400x16xf32, #tpu.memory_space<vmem_shared>> -> memref<400x16xf32, #tpu.memory_space<vmem_shared>>
        tpu.enqueue_dma source(%dma_start3A_76 : memref<400x16xf32, #tpu.memory_space<vmem_shared>>) target(%dma_start3A_74 : memref<400x16xf32, #tpu.memory_space<vmem>>) target_semaphore(%run_scoped3A : memref<!tpu.dma_semaphore, #tpu.memory_space<semaphore_mem>>)
        %dma_wait3A_77 = arith.constant 0 : i32
        %dma_wait3A_78 = arith.constant 0 : i32
        %dma_wait3A_79 = tpu.memref_slice %arg11[%dma_wait3A_77, %dma_wait3A_78] : memref<400x16xf32, #tpu.memory_space<vmem>> -> memref<400x16xf32, #tpu.memory_space<vmem>>
        %dma_wait3A_80 = arith.constant 0 : i32
        %dma_wait3A_81 = tpu.memref_slice %arg7[%add3A_62, %dma_wait3A_80] : memref<102400x16xf32, #tpu.memory_space<vmem_shared>> -> memref<400x16xf32, #tpu.memory_space<vmem_shared>>
        %dma_wait3A_82 = arith.constant 0 : i32
        %dma_wait3A_83 = arith.constant 0 : i32
        %dma_wait3A_84 = tpu.memref_slice %arg11[%dma_wait3A_82, %dma_wait3A_83] : memref<400x16xf32, #tpu.memory_space<vmem>> -> memref<400x16xf32, #tpu.memory_space<vmem>>
        %dma_wait3A_85 = arith.constant 0 : i32
        %dma_wait3A_86 = tpu.memref_slice %arg7[%add3A_62, %dma_wait3A_85] : memref<102400x16xf32, #tpu.memory_space<vmem_shared>> -> memref<400x16xf32, #tpu.memory_space<vmem_shared>>
        tpu.wait_dma2 semaphore(%run_scoped3A : memref<!tpu.dma_semaphore, #tpu.memory_space<semaphore_mem>>) src(%dma_wait3A_86 : memref<400x16xf32, #tpu.memory_space<vmem_shared>>) dst(%dma_wait3A_84 : memref<400x16xf32, #tpu.memory_space<vmem>>)
        tpu.yield
      }) : () -> ()
      %mul3A_63 = arith.constant 102400 : i32
      %mul3A_64 = arith.muli %arg0, %mul3A_63 : i32
      %add3A_65 = arith.addi %mul3A_64, %add3A_62 : i32
      "tpu.region"() ({
        %run_scoped3A = tpu.sem_alloc : memref<!tpu.dma_semaphore, #tpu.memory_space<semaphore_mem>>
        %dma_start3A_67 = arith.constant 0 : i32
        %dma_start3A_68 = arith.constant 0 : i32
        %dma_start3A_69 = tpu.memref_slice %arg11[%dma_start3A_67, %dma_start3A_68] : memref<400x16xf32, #tpu.memory_space<vmem>> -> memref<400x16xf32, #tpu.memory_space<vmem>>
        %dma_start3A_70 = arith.constant 0 : i32
        %dma_start3A_71 = tpu.memref_slice %arg6[%add3A_65, %dma_start3A_70] : memref<204800x16xf32, #tpu.memory_space<hbm>> -> memref<400x16xf32, #tpu.memory_space<hbm>>
        %dma_start3A_72 = arith.constant 0 : i32
        %dma_start3A_73 = tpu.memref_slice %arg6[%add3A_65, %dma_start3A_72] : memref<204800x16xf32, #tpu.memory_space<hbm>> -> memref<400x16xf32, #tpu.memory_space<hbm>>
        %dma_start3A_74 = arith.constant 0 : i32
        %dma_start3A_75 = arith.constant 0 : i32
        %dma_start3A_76 = tpu.memref_slice %arg11[%dma_start3A_74, %dma_start3A_75] : memref<400x16xf32, #tpu.memory_space<vmem>> -> memref<400x16xf32, #tpu.memory_space<vmem>>
        tpu.enqueue_dma source(%dma_start3A_76 : memref<400x16xf32, #tpu.memory_space<vmem>>) target(%dma_start3A_73 : memref<400x16xf32, #tpu.memory_space<hbm>>) target_semaphore(%run_scoped3A : memref<!tpu.dma_semaphore, #tpu.memory_space<semaphore_mem>>)
        %dma_wait3A_77 = arith.constant 0 : i32
        %dma_wait3A_78 = arith.constant 0 : i32
        %dma_wait3A_79 = tpu.memref_slice %arg11[%dma_wait3A_77, %dma_wait3A_78] : memref<400x16xf32, #tpu.memory_space<vmem>> -> memref<400x16xf32, #tpu.memory_space<vmem>>
        %dma_wait3A_80 = arith.constant 0 : i32
        %dma_wait3A_81 = tpu.memref_slice %arg6[%add3A_65, %dma_wait3A_80] : memref<204800x16xf32, #tpu.memory_space<hbm>> -> memref<400x16xf32, #tpu.memory_space<hbm>>
        %dma_wait3A_82 = arith.constant 0 : i32
        %dma_wait3A_83 = tpu.memref_slice %arg6[%add3A_65, %dma_wait3A_82] : memref<204800x16xf32, #tpu.memory_space<hbm>> -> memref<400x16xf32, #tpu.memory_space<hbm>>
        %dma_wait3A_84 = arith.constant 0 : i32
        %dma_wait3A_85 = arith.constant 0 : i32
        %dma_wait3A_86 = tpu.memref_slice %arg11[%dma_wait3A_84, %dma_wait3A_85] : memref<400x16xf32, #tpu.memory_space<vmem>> -> memref<400x16xf32, #tpu.memory_space<vmem>>
        tpu.wait_dma2 semaphore(%run_scoped3A : memref<!tpu.dma_semaphore, #tpu.memory_space<semaphore_mem>>) src(%dma_wait3A_86 : memref<400x16xf32, #tpu.memory_space<vmem>>) dst(%dma_wait3A_83 : memref<400x16xf32, #tpu.memory_space<hbm>>)
        tpu.yield
      }) : () -> ()
      %scan3A_66 = arith.constant 0 : i32
      scf.yield %scan3A_66 : i32
    }
    %scan3A_55 = arith.constant 16 : i32
    return
  }
}

#map = affine_map<(d0, d1) -> (0)>
#map1 = affine_map<(d0, d1) -> (0, 0)>
module attributes {stable_mosaic.version = 14 : i64} {
  func.func @_sc_deg_body(%arg0: i32, %arg1: i32, %arg2: memref<3200000xi32, #tpu.memory_space<hbm>>, %arg3: memref<3200000xf32, #tpu.memory_space<hbm>>, %arg4: memref<204800x16xf32, #tpu.memory_space<hbm>>, %arg5: memref<204800xf32, #tpu.memory_space<hbm>>, %arg6: memref<102400xf32, #tpu.memory_space<vmem_shared>>, %arg7: memref<400xi32, #tpu.memory_space<vmem>>, %arg8: memref<400xf32, #tpu.memory_space<vmem>>, %arg9: memref<400xi32, #tpu.memory_space<vmem>>, %arg10: memref<400xf32, #tpu.memory_space<vmem>>, %arg11: memref<800xf32, #tpu.memory_space<vmem>>, %arg12: memref<800x16xf32, #tpu.memory_space<vmem>>, %arg13: memref<!tpu.dma_semaphore, #tpu.memory_space<semaphore_mem>>, %arg14: memref<!tpu.dma_semaphore, #tpu.memory_space<semaphore_mem>>) attributes {dimension_semantics = [#tpu.dimension_semantics<core_parallel>, #tpu.dimension_semantics<subcore_parallel>], iteration_bounds = array<i64: 2, 16>, scalar_prefetch = 0 : i64, scratch_operands = 9 : i64, tpu.core_type = #tpu.core_type<sc_vector_subcore>, window_params = [{transform_indices = #map}, {transform_indices = #map}, {transform_indices = #map1}, {transform_indices = #map}]} {
    %mul3A = arith.constant 2 : i32
    %mul3A_0 = arith.muli %arg1, %mul3A : i32
    %add3A = arith.addi %mul3A_0, %arg0 : i32
    %mul3A_1 = arith.constant 100000 : i32
    %mul3A_2 = arith.muli %add3A, %mul3A_1 : i32
    %scan3A = arith.constant 0 : i32
    %scan3A_3 = arith.constant 0 : i32
    %scan3A_4 = arith.constant 50 : i32
    %scan3A_5 = arith.addi %scan3A_3, %scan3A_4 : i32
    %scan3A_6 = arith.constant 1 : i32
    %scan3A_7 = scf.for %scan3A_42 = %scan3A_3 to %scan3A_5 step %scan3A_6 iter_args(%scan3A_43 = %scan3A) -> (i32)  : i32 {
      %broadcast_in_dim3A = arith.constant 0.000000e+00 : f32
      %broadcast_in_dim3A_44 = vector.broadcast %broadcast_in_dim3A : f32 to vector<16xf32>
      %mul3A_45 = arith.constant 16 : i32
      %mul3A_46 = arith.muli %scan3A_42, %mul3A_45 : i32
      %swap3A = arith.index_cast %mul3A_46 : i32 to index
      %swap3A_47 = tpu.vector_load %arg11[%swap3A] {strides = array<i32>} : memref<800xf32, #tpu.memory_space<vmem>>, vector<16xf32>,
      tpu.vector_store %arg11[%swap3A], %broadcast_in_dim3A_44 {strides = array<i32>} : memref<800xf32, #tpu.memory_space<vmem>>, vector<16xf32>,
      %scan3A_48 = arith.constant 0 : i32
      scf.yield %scan3A_48 : i32
    }
    %scan3A_8 = arith.constant 50 : i32
    %scan3A_9 = arith.constant 0 : i32
    %scan3A_10 = arith.constant 0 : i32
    %scan3A_11 = arith.constant 8 : i32
    %scan3A_12 = arith.addi %scan3A_10, %scan3A_11 : i32
    %scan3A_13 = arith.constant 1 : i32
    %scan3A_14 = scf.for %scan3A_42 = %scan3A_10 to %scan3A_12 step %scan3A_13 iter_args(%scan3A_43 = %scan3A_9) -> (i32)  : i32 {
      %mul3A_44 = arith.constant 6400 : i32
      %mul3A_45 = arith.muli %arg1, %mul3A_44 : i32
      %mul3A_46 = arith.constant 800 : i32
      %mul3A_47 = arith.muli %scan3A_42, %mul3A_46 : i32
      %add3A_48 = arith.addi %mul3A_45, %mul3A_47 : i32
      "tpu.region"() ({
        %run_scoped3A = tpu.sem_alloc : memref<!tpu.dma_semaphore, #tpu.memory_space<semaphore_mem>>
        %dma_start3A_50 = tpu.memref_slice %arg6[%add3A_48] : memref<102400xf32, #tpu.memory_space<vmem_shared>> -> memref<800xf32, #tpu.memory_space<vmem_shared>>
        %dma_start3A_51 = tpu.memref_slice %arg6[%add3A_48] : memref<102400xf32, #tpu.memory_space<vmem_shared>> -> memref<800xf32, #tpu.memory_space<vmem_shared>>
        tpu.enqueue_dma source(%arg11 : memref<800xf32, #tpu.memory_space<vmem>>) target(%dma_start3A_51 : memref<800xf32, #tpu.memory_space<vmem_shared>>) target_semaphore(%run_scoped3A : memref<!tpu.dma_semaphore, #tpu.memory_space<semaphore_mem>>)
        %dma_wait3A = tpu.memref_slice %arg6[%add3A_48] : memref<102400xf32, #tpu.memory_space<vmem_shared>> -> memref<800xf32, #tpu.memory_space<vmem_shared>>
        %dma_wait3A_52 = tpu.memref_slice %arg6[%add3A_48] : memref<102400xf32, #tpu.memory_space<vmem_shared>> -> memref<800xf32, #tpu.memory_space<vmem_shared>>
        tpu.wait_dma2 semaphore(%run_scoped3A : memref<!tpu.dma_semaphore, #tpu.memory_space<semaphore_mem>>) src(%arg11 : memref<800xf32, #tpu.memory_space<vmem>>) dst(%dma_wait3A_52 : memref<800xf32, #tpu.memory_space<vmem_shared>>)
        tpu.yield
      }) : () -> ()
      %scan3A_49 = arith.constant 0 : i32
      scf.yield %scan3A_49 : i32
    }
    %scan3A_15 = arith.constant 8 : i32
    %barrier3A = arith.constant 0 : index
    tpu.barrier barrier_id(%barrier3A)
    %add3A_16 = arith.constant 0 : i32
    %add3A_17 = arith.addi %mul3A_2, %add3A_16 : i32
    %dma_start3A = tpu.memref_slice %arg2[%add3A_17] : memref<3200000xi32, #tpu.memory_space<hbm>> -> memref<400xi32, #tpu.memory_space<hbm>>
    %dma_start3A_18 = tpu.memref_slice %arg2[%add3A_17] : memref<3200000xi32, #tpu.memory_space<hbm>> -> memref<400xi32, #tpu.memory_space<hbm>>
    tpu.enqueue_dma source(%dma_start3A_18 : memref<400xi32, #tpu.memory_space<hbm>>) target(%arg7 : memref<400xi32, #tpu.memory_space<vmem>>) target_semaphore(%arg13 : memref<!tpu.dma_semaphore, #tpu.memory_space<semaphore_mem>>)
    %dma_start3A_19 = tpu.memref_slice %arg3[%add3A_17] : memref<3200000xf32, #tpu.memory_space<hbm>> -> memref<400xf32, #tpu.memory_space<hbm>>
    %dma_start3A_20 = tpu.memref_slice %arg3[%add3A_17] : memref<3200000xf32, #tpu.memory_space<hbm>> -> memref<400xf32, #tpu.memory_space<hbm>>
    tpu.enqueue_dma source(%dma_start3A_20 : memref<400xf32, #tpu.memory_space<hbm>>) target(%arg8 : memref<400xf32, #tpu.memory_space<vmem>>) target_semaphore(%arg13 : memref<!tpu.dma_semaphore, #tpu.memory_space<semaphore_mem>>)
    %add3A_21 = arith.constant 400 : i32
    %add3A_22 = arith.addi %mul3A_2, %add3A_21 : i32
    %dma_start3A_23 = tpu.memref_slice %arg2[%add3A_22] : memref<3200000xi32, #tpu.memory_space<hbm>> -> memref<400xi32, #tpu.memory_space<hbm>>
    %dma_start3A_24 = tpu.memref_slice %arg2[%add3A_22] : memref<3200000xi32, #tpu.memory_space<hbm>> -> memref<400xi32, #tpu.memory_space<hbm>>
    tpu.enqueue_dma source(%dma_start3A_24 : memref<400xi32, #tpu.memory_space<hbm>>) target(%arg9 : memref<400xi32, #tpu.memory_space<vmem>>) target_semaphore(%arg14 : memref<!tpu.dma_semaphore, #tpu.memory_space<semaphore_mem>>)
    %dma_start3A_25 = tpu.memref_slice %arg3[%add3A_22] : memref<3200000xf32, #tpu.memory_space<hbm>> -> memref<400xf32, #tpu.memory_space<hbm>>
    %dma_start3A_26 = tpu.memref_slice %arg3[%add3A_22] : memref<3200000xf32, #tpu.memory_space<hbm>> -> memref<400xf32, #tpu.memory_space<hbm>>
    tpu.enqueue_dma source(%dma_start3A_26 : memref<400xf32, #tpu.memory_space<hbm>>) target(%arg10 : memref<400xf32, #tpu.memory_space<vmem>>) target_semaphore(%arg14 : memref<!tpu.dma_semaphore, #tpu.memory_space<semaphore_mem>>)
    %scan3A_27 = arith.constant 0 : i32
    %scan3A_28 = arith.constant 0 : i32
    %scan3A_29 = arith.constant 125 : i32
    %scan3A_30 = arith.addi %scan3A_28, %scan3A_29 : i32
    %scan3A_31 = arith.constant 1 : i32
    %scan3A_32 = scf.for %scan3A_42 = %scan3A_28 to %scan3A_30 step %scan3A_31 iter_args(%scan3A_43 = %scan3A_27) -> (i32)  : i32 {
      %mul3A_44 = arith.constant 2 : i32
      %mul3A_45 = arith.muli %mul3A_44, %scan3A_42 : i32
      %mul3A_46 = arith.constant 400 : i32
      %mul3A_47 = arith.muli %mul3A_45, %mul3A_46 : i32
      %add3A_48 = arith.addi %mul3A_2, %mul3A_47 : i32
      %dma_wait3A = tpu.memref_slice %arg2[%add3A_48] : memref<3200000xi32, #tpu.memory_space<hbm>> -> memref<400xi32, #tpu.memory_space<hbm>>
      %dma_wait3A_49 = tpu.memref_slice %arg2[%add3A_48] : memref<3200000xi32, #tpu.memory_space<hbm>> -> memref<400xi32, #tpu.memory_space<hbm>>
      tpu.wait_dma2 semaphore(%arg13 : memref<!tpu.dma_semaphore, #tpu.memory_space<semaphore_mem>>) src(%dma_wait3A_49 : memref<400xi32, #tpu.memory_space<hbm>>) dst(%arg7 : memref<400xi32, #tpu.memory_space<vmem>>)
      %dma_wait3A_50 = tpu.memref_slice %arg3[%add3A_48] : memref<3200000xf32, #tpu.memory_space<hbm>> -> memref<400xf32, #tpu.memory_space<hbm>>
      %dma_wait3A_51 = tpu.memref_slice %arg3[%add3A_48] : memref<3200000xf32, #tpu.memory_space<hbm>> -> memref<400xf32, #tpu.memory_space<hbm>>
      tpu.wait_dma2 semaphore(%arg13 : memref<!tpu.dma_semaphore, #tpu.memory_space<semaphore_mem>>) src(%dma_wait3A_51 : memref<400xf32, #tpu.memory_space<hbm>>) dst(%arg8 : memref<400xf32, #tpu.memory_space<vmem>>)
      "tpu.region"() ({
        %run_scoped3A = tpu.sem_alloc : memref<!tpu.dma_semaphore, #tpu.memory_space<semaphore_mem>>
        %dma_start3A_73 = arith.constant 0 : i32
        %dma_start3A_74 = tpu.memref_slice %arg6[%dma_start3A_73] : memref<102400xf32, #tpu.memory_space<vmem_shared>> -> memref<102400xf32, #tpu.memory_space<vmem_shared>>
        tpu.enqueue_indirect_dma source(%arg8 : memref<400xf32, #tpu.memory_space<vmem>>) target(%dma_start3A_74 : memref<102400xf32, #tpu.memory_space<vmem_shared>>) offsets(%arg7 : memref<400xi32, #tpu.memory_space<vmem>>) semaphore(%run_scoped3A : memref<!tpu.dma_semaphore, #tpu.memory_space<semaphore_mem>>) {add = true}
        %dma_wait3A_75 = arith.constant 0 : i32
        %dma_wait3A_76 = tpu.memref_slice %arg6[%dma_wait3A_75] : memref<102400xf32, #tpu.memory_space<vmem_shared>> -> memref<102400xf32, #tpu.memory_space<vmem_shared>>
        tpu.wait_indirect_dma semaphore(%run_scoped3A : memref<!tpu.dma_semaphore, #tpu.memory_space<semaphore_mem>>) src(%arg8 : memref<400xf32, #tpu.memory_space<vmem>>) dst(%dma_wait3A_76 : memref<102400xf32, #tpu.memory_space<vmem_shared>>)
        tpu.yield
      }) : () -> ()
      %add3A_52 = arith.constant 2 : i32
      %add3A_53 = arith.addi %mul3A_45, %add3A_52 : i32
      %lt3A = arith.constant 250 : i32
      %lt3A_54 = arith.cmpi slt, %add3A_53, %lt3A : i32
      %convert_element_type3A = arith.extui %lt3A_54 : i1 to i32
      %cond3A = arith.constant 0 : i32
      %cond3A_55 = arith.cmpi ne, %convert_element_type3A, %cond3A : i32
      scf.if %cond3A_55 {
        %add3A_73 = arith.constant 2 : i32
        %add3A_74 = arith.addi %mul3A_45, %add3A_73 : i32
        %mul3A_75 = arith.constant 400 : i32
        %mul3A_76 = arith.muli %add3A_74, %mul3A_75 : i32
        %add3A_77 = arith.addi %mul3A_2, %mul3A_76 : i32
        %dma_start3A_78 = tpu.memref_slice %arg2[%add3A_77] : memref<3200000xi32, #tpu.memory_space<hbm>> -> memref<400xi32, #tpu.memory_space<hbm>>
        %dma_start3A_79 = tpu.memref_slice %arg2[%add3A_77] : memref<3200000xi32, #tpu.memory_space<hbm>> -> memref<400xi32, #tpu.memory_space<hbm>>
        tpu.enqueue_dma source(%dma_start3A_79 : memref<400xi32, #tpu.memory_space<hbm>>) target(%arg7 : memref<400xi32, #tpu.memory_space<vmem>>) target_semaphore(%arg13 : memref<!tpu.dma_semaphore, #tpu.memory_space<semaphore_mem>>)
        %dma_start3A_80 = tpu.memref_slice %arg3[%add3A_77] : memref<3200000xf32, #tpu.memory_space<hbm>> -> memref<400xf32, #tpu.memory_space<hbm>>
        %dma_start3A_81 = tpu.memref_slice %arg3[%add3A_77] : memref<3200000xf32, #tpu.memory_space<hbm>> -> memref<400xf32, #tpu.memory_space<hbm>>
        tpu.enqueue_dma source(%dma_start3A_81 : memref<400xf32, #tpu.memory_space<hbm>>) target(%arg8 : memref<400xf32, #tpu.memory_space<vmem>>) target_semaphore(%arg13 : memref<!tpu.dma_semaphore, #tpu.memory_space<semaphore_mem>>)
      } else {
      }
      %add3A_56 = arith.constant 1 : i32
      %add3A_57 = arith.addi %mul3A_45, %add3A_56 : i32
      %mul3A_58 = arith.constant 400 : i32
      %mul3A_59 = arith.muli %add3A_57, %mul3A_58 : i32
      %add3A_60 = arith.addi %mul3A_2, %mul3A_59 : i32
      %dma_wait3A_61 = tpu.memref_slice %arg2[%add3A_60] : memref<3200000xi32, #tpu.memory_space<hbm>> -> memref<400xi32, #tpu.memory_space<hbm>>
      %dma_wait3A_62 = tpu.memref_slice %arg2[%add3A_60] : memref<3200000xi32, #tpu.memory_space<hbm>> -> memref<400xi32, #tpu.memory_space<hbm>>
      tpu.wait_dma2 semaphore(%arg14 : memref<!tpu.dma_semaphore, #tpu.memory_space<semaphore_mem>>) src(%dma_wait3A_62 : memref<400xi32, #tpu.memory_space<hbm>>) dst(%arg9 : memref<400xi32, #tpu.memory_space<vmem>>)
      %dma_wait3A_63 = tpu.memref_slice %arg3[%add3A_60] : memref<3200000xf32, #tpu.memory_space<hbm>> -> memref<400xf32, #tpu.memory_space<hbm>>
      %dma_wait3A_64 = tpu.memref_slice %arg3[%add3A_60] : memref<3200000xf32, #tpu.memory_space<hbm>> -> memref<400xf32, #tpu.memory_space<hbm>>
      tpu.wait_dma2 semaphore(%arg14 : memref<!tpu.dma_semaphore, #tpu.memory_space<semaphore_mem>>) src(%dma_wait3A_64 : memref<400xf32, #tpu.memory_space<hbm>>) dst(%arg10 : memref<400xf32, #tpu.memory_space<vmem>>)
      "tpu.region"() ({
        %run_scoped3A = tpu.sem_alloc : memref<!tpu.dma_semaphore, #tpu.memory_space<semaphore_mem>>
        %dma_start3A_73 = arith.constant 0 : i32
        %dma_start3A_74 = tpu.memref_slice %arg6[%dma_start3A_73] : memref<102400xf32, #tpu.memory_space<vmem_shared>> -> memref<102400xf32, #tpu.memory_space<vmem_shared>>
        tpu.enqueue_indirect_dma source(%arg10 : memref<400xf32, #tpu.memory_space<vmem>>) target(%dma_start3A_74 : memref<102400xf32, #tpu.memory_space<vmem_shared>>) offsets(%arg9 : memref<400xi32, #tpu.memory_space<vmem>>) semaphore(%run_scoped3A : memref<!tpu.dma_semaphore, #tpu.memory_space<semaphore_mem>>) {add = true}
        %dma_wait3A_75 = arith.constant 0 : i32
        %dma_wait3A_76 = tpu.memref_slice %arg6[%dma_wait3A_75] : memref<102400xf32, #tpu.memory_space<vmem_shared>> -> memref<102400xf32, #tpu.memory_space<vmem_shared>>
        tpu.wait_indirect_dma semaphore(%run_scoped3A : memref<!tpu.dma_semaphore, #tpu.memory_space<semaphore_mem>>) src(%arg10 : memref<400xf32, #tpu.memory_space<vmem>>) dst(%dma_wait3A_76 : memref<102400xf32, #tpu.memory_space<vmem_shared>>)
        tpu.yield
      }) : () -> ()
      %add3A_65 = arith.constant 3 : i32
      %add3A_66 = arith.addi %mul3A_45, %add3A_65 : i32
      %lt3A_67 = arith.constant 250 : i32
      %lt3A_68 = arith.cmpi slt, %add3A_66, %lt3A_67 : i32
      %convert_element_type3A_69 = arith.extui %lt3A_68 : i1 to i32
      %cond3A_70 = arith.constant 0 : i32
      %cond3A_71 = arith.cmpi ne, %convert_element_type3A_69, %cond3A_70 : i32
      scf.if %cond3A_71 {
        %add3A_73 = arith.constant 3 : i32
        %add3A_74 = arith.addi %mul3A_45, %add3A_73 : i32
        %mul3A_75 = arith.constant 400 : i32
        %mul3A_76 = arith.muli %add3A_74, %mul3A_75 : i32
        %add3A_77 = arith.addi %mul3A_2, %mul3A_76 : i32
        %dma_start3A_78 = tpu.memref_slice %arg2[%add3A_77] : memref<3200000xi32, #tpu.memory_space<hbm>> -> memref<400xi32, #tpu.memory_space<hbm>>
        %dma_start3A_79 = tpu.memref_slice %arg2[%add3A_77] : memref<3200000xi32, #tpu.memory_space<hbm>> -> memref<400xi32, #tpu.memory_space<hbm>>
        tpu.enqueue_dma source(%dma_start3A_79 : memref<400xi32, #tpu.memory_space<hbm>>) target(%arg9 : memref<400xi32, #tpu.memory_space<vmem>>) target_semaphore(%arg14 : memref<!tpu.dma_semaphore, #tpu.memory_space<semaphore_mem>>)
        %dma_start3A_80 = tpu.memref_slice %arg3[%add3A_77] : memref<3200000xf32, #tpu.memory_space<hbm>> -> memref<400xf32, #tpu.memory_space<hbm>>
        %dma_start3A_81 = tpu.memref_slice %arg3[%add3A_77] : memref<3200000xf32, #tpu.memory_space<hbm>> -> memref<400xf32, #tpu.memory_space<hbm>>
        tpu.enqueue_dma source(%dma_start3A_81 : memref<400xf32, #tpu.memory_space<hbm>>) target(%arg10 : memref<400xf32, #tpu.memory_space<vmem>>) target_semaphore(%arg14 : memref<!tpu.dma_semaphore, #tpu.memory_space<semaphore_mem>>)
      } else {
      }
      %scan3A_72 = arith.constant 0 : i32
      scf.yield %scan3A_72 : i32
    }
    %scan3A_33 = arith.constant 125 : i32
    %barrier3A_34 = arith.constant 0 : index
    tpu.barrier barrier_id(%barrier3A_34)
    %scan3A_35 = arith.constant 0 : i32
    %scan3A_36 = arith.constant 0 : i32
    %scan3A_37 = arith.constant 8 : i32
    %scan3A_38 = arith.addi %scan3A_36, %scan3A_37 : i32
    %scan3A_39 = arith.constant 1 : i32
    %scan3A_40 = scf.for %scan3A_42 = %scan3A_36 to %scan3A_38 step %scan3A_39 iter_args(%scan3A_43 = %scan3A_35) -> (i32)  : i32 {
      %mul3A_44 = arith.constant 6400 : i32
      %mul3A_45 = arith.muli %arg1, %mul3A_44 : i32
      %mul3A_46 = arith.constant 800 : i32
      %mul3A_47 = arith.muli %scan3A_42, %mul3A_46 : i32
      %add3A_48 = arith.addi %mul3A_45, %mul3A_47 : i32
      "tpu.region"() ({
        %run_scoped3A = tpu.sem_alloc : memref<!tpu.dma_semaphore, #tpu.memory_space<semaphore_mem>>
        %dma_start3A_63 = tpu.memref_slice %arg6[%add3A_48] : memref<102400xf32, #tpu.memory_space<vmem_shared>> -> memref<800xf32, #tpu.memory_space<vmem_shared>>
        %dma_start3A_64 = tpu.memref_slice %arg6[%add3A_48] : memref<102400xf32, #tpu.memory_space<vmem_shared>> -> memref<800xf32, #tpu.memory_space<vmem_shared>>
        tpu.enqueue_dma source(%dma_start3A_64 : memref<800xf32, #tpu.memory_space<vmem_shared>>) target(%arg11 : memref<800xf32, #tpu.memory_space<vmem>>) target_semaphore(%run_scoped3A : memref<!tpu.dma_semaphore, #tpu.memory_space<semaphore_mem>>)
        %dma_wait3A = tpu.memref_slice %arg6[%add3A_48] : memref<102400xf32, #tpu.memory_space<vmem_shared>> -> memref<800xf32, #tpu.memory_space<vmem_shared>>
        %dma_wait3A_65 = tpu.memref_slice %arg6[%add3A_48] : memref<102400xf32, #tpu.memory_space<vmem_shared>> -> memref<800xf32, #tpu.memory_space<vmem_shared>>
        tpu.wait_dma2 semaphore(%run_scoped3A : memref<!tpu.dma_semaphore, #tpu.memory_space<semaphore_mem>>) src(%dma_wait3A_65 : memref<800xf32, #tpu.memory_space<vmem_shared>>) dst(%arg11 : memref<800xf32, #tpu.memory_space<vmem>>)
        tpu.yield
      }) : () -> ()
      %mul3A_49 = arith.constant 102400 : i32
      %mul3A_50 = arith.muli %arg0, %mul3A_49 : i32
      %add3A_51 = arith.addi %mul3A_50, %add3A_48 : i32
      "tpu.region"() ({
        %run_scoped3A = tpu.sem_alloc : memref<!tpu.dma_semaphore, #tpu.memory_space<semaphore_mem>>
        %dma_start3A_63 = tpu.memref_slice %arg5[%add3A_51] : memref<204800xf32, #tpu.memory_space<hbm>> -> memref<800xf32, #tpu.memory_space<hbm>>
        %dma_start3A_64 = tpu.memref_slice %arg5[%add3A_51] : memref<204800xf32, #tpu.memory_space<hbm>> -> memref<800xf32, #tpu.memory_space<hbm>>
        tpu.enqueue_dma source(%arg11 : memref<800xf32, #tpu.memory_space<vmem>>) target(%dma_start3A_64 : memref<800xf32, #tpu.memory_space<hbm>>) target_semaphore(%run_scoped3A : memref<!tpu.dma_semaphore, #tpu.memory_space<semaphore_mem>>)
        %dma_wait3A = tpu.memref_slice %arg5[%add3A_51] : memref<204800xf32, #tpu.memory_space<hbm>> -> memref<800xf32, #tpu.memory_space<hbm>>
        %dma_wait3A_65 = tpu.memref_slice %arg5[%add3A_51] : memref<204800xf32, #tpu.memory_space<hbm>> -> memref<800xf32, #tpu.memory_space<hbm>>
        tpu.wait_dma2 semaphore(%run_scoped3A : memref<!tpu.dma_semaphore, #tpu.memory_space<semaphore_mem>>) src(%arg11 : memref<800xf32, #tpu.memory_space<vmem>>) dst(%dma_wait3A_65 : memref<800xf32, #tpu.memory_space<hbm>>)
        tpu.yield
      }) : () -> ()
      %scan3A_52 = arith.constant 0 : i32
      %scan3A_53 = arith.constant 0 : i32
      %scan3A_54 = arith.constant 50 : i32
      %scan3A_55 = arith.addi %scan3A_53, %scan3A_54 : i32
      %scan3A_56 = arith.constant 1 : i32
      %scan3A_57 = scf.for %scan3A_63 = %scan3A_53 to %scan3A_55 step %scan3A_56 iter_args(%scan3A_64 = %scan3A_52) -> (i32)  : i32 {
        %mul3A_65 = arith.constant 16 : i32
        %mul3A_66 = arith.muli %scan3A_63, %mul3A_65 : i32
        %get3A = arith.index_cast %mul3A_66 : i32 to index
        %get3A_67 = tpu.vector_load %arg11[%get3A] {strides = array<i32>} : memref<800xf32, #tpu.memory_space<vmem>>, vector<16xf32>,
        %slice3A = vector.extract_strided_slice %get3A_67 {offsets = [0], sizes = [1], strides = [1]} : vector<16xf32> to vector<1xf32>
        %squeeze3A = vector.extract %slice3A[0] : f32 from vector<1xf32>
        %broadcast_in_dim3A = vector.broadcast %squeeze3A : f32 to vector<16xf32>
        %mul3A_68 = arith.constant 16 : i32
        %mul3A_69 = arith.muli %scan3A_63, %mul3A_68 : i32
        %add3A_70 = arith.constant 0 : i32
        %add3A_71 = arith.addi %mul3A_69, %add3A_70 : i32
        %swap3A = arith.index_cast %add3A_71 : i32 to index
        %swap3A_72 = arith.constant 0 : index
        %swap3A_73 = tpu.vector_load %arg12[%swap3A, %swap3A_72] {strides = array<i32>} : memref<800x16xf32, #tpu.memory_space<vmem>>, vector<16xf32>,
        tpu.vector_store %arg12[%swap3A, %swap3A_72], %broadcast_in_dim3A {strides = array<i32>} : memref<800x16xf32, #tpu.memory_space<vmem>>, vector<16xf32>,
        %slice3A_74 = vector.extract_strided_slice %get3A_67 {offsets = [1], sizes = [1], strides = [1]} : vector<16xf32> to vector<1xf32>
        %squeeze3A_75 = vector.extract %slice3A_74[0] : f32 from vector<1xf32>
        %broadcast_in_dim3A_76 = vector.broadcast %squeeze3A_75 : f32 to vector<16xf32>
        %mul3A_77 = arith.constant 16 : i32
        %mul3A_78 = arith.muli %scan3A_63, %mul3A_77 : i32
        %add3A_79 = arith.constant 1 : i32
        %add3A_80 = arith.addi %mul3A_78, %add3A_79 : i32
        %swap3A_81 = arith.index_cast %add3A_80 : i32 to index
        %swap3A_82 = arith.constant 0 : index
        %swap3A_83 = tpu.vector_load %arg12[%swap3A_81, %swap3A_82] {strides = array<i32>} : memref<800x16xf32, #tpu.memory_space<vmem>>, vector<16xf32>,
        tpu.vector_store %arg12[%swap3A_81, %swap3A_82], %broadcast_in_dim3A_76 {strides = array<i32>} : memref<800x16xf32, #tpu.memory_space<vmem>>, vector<16xf32>,
        %slice3A_84 = vector.extract_strided_slice %get3A_67 {offsets = [2], sizes = [1], strides = [1]} : vector<16xf32> to vector<1xf32>
        %squeeze3A_85 = vector.extract %slice3A_84[0] : f32 from vector<1xf32>
        %broadcast_in_dim3A_86 = vector.broadcast %squeeze3A_85 : f32 to vector<16xf32>
        %mul3A_87 = arith.constant 16 : i32
        %mul3A_88 = arith.muli %scan3A_63, %mul3A_87 : i32
        %add3A_89 = arith.constant 2 : i32
        %add3A_90 = arith.addi %mul3A_88, %add3A_89 : i32
        %swap3A_91 = arith.index_cast %add3A_90 : i32 to index
        %swap3A_92 = arith.constant 0 : index
        %swap3A_93 = tpu.vector_load %arg12[%swap3A_91, %swap3A_92] {strides = array<i32>} : memref<800x16xf32, #tpu.memory_space<vmem>>, vector<16xf32>,
        tpu.vector_store %arg12[%swap3A_91, %swap3A_92], %broadcast_in_dim3A_86 {strides = array<i32>} : memref<800x16xf32, #tpu.memory_space<vmem>>, vector<16xf32>,
        %slice3A_94 = vector.extract_strided_slice %get3A_67 {offsets = [3], sizes = [1], strides = [1]} : vector<16xf32> to vector<1xf32>
        %squeeze3A_95 = vector.extract %slice3A_94[0] : f32 from vector<1xf32>
        %broadcast_in_dim3A_96 = vector.broadcast %squeeze3A_95 : f32 to vector<16xf32>
        %mul3A_97 = arith.constant 16 : i32
        %mul3A_98 = arith.muli %scan3A_63, %mul3A_97 : i32
        %add3A_99 = arith.constant 3 : i32
        %add3A_100 = arith.addi %mul3A_98, %add3A_99 : i32
        %swap3A_101 = arith.index_cast %add3A_100 : i32 to index
        %swap3A_102 = arith.constant 0 : index
        %swap3A_103 = tpu.vector_load %arg12[%swap3A_101, %swap3A_102] {strides = array<i32>} : memref<800x16xf32, #tpu.memory_space<vmem>>, vector<16xf32>,
        tpu.vector_store %arg12[%swap3A_101, %swap3A_102], %broadcast_in_dim3A_96 {strides = array<i32>} : memref<800x16xf32, #tpu.memory_space<vmem>>, vector<16xf32>,
        %slice3A_104 = vector.extract_strided_slice %get3A_67 {offsets = [4], sizes = [1], strides = [1]} : vector<16xf32> to vector<1xf32>
        %squeeze3A_105 = vector.extract %slice3A_104[0] : f32 from vector<1xf32>
        %broadcast_in_dim3A_106 = vector.broadcast %squeeze3A_105 : f32 to vector<16xf32>
        %mul3A_107 = arith.constant 16 : i32
        %mul3A_108 = arith.muli %scan3A_63, %mul3A_107 : i32
        %add3A_109 = arith.constant 4 : i32
        %add3A_110 = arith.addi %mul3A_108, %add3A_109 : i32
        %swap3A_111 = arith.index_cast %add3A_110 : i32 to index
        %swap3A_112 = arith.constant 0 : index
        %swap3A_113 = tpu.vector_load %arg12[%swap3A_111, %swap3A_112] {strides = array<i32>} : memref<800x16xf32, #tpu.memory_space<vmem>>, vector<16xf32>,
        tpu.vector_store %arg12[%swap3A_111, %swap3A_112], %broadcast_in_dim3A_106 {strides = array<i32>} : memref<800x16xf32, #tpu.memory_space<vmem>>, vector<16xf32>,
        %slice3A_114 = vector.extract_strided_slice %get3A_67 {offsets = [5], sizes = [1], strides = [1]} : vector<16xf32> to vector<1xf32>
        %squeeze3A_115 = vector.extract %slice3A_114[0] : f32 from vector<1xf32>
        %broadcast_in_dim3A_116 = vector.broadcast %squeeze3A_115 : f32 to vector<16xf32>
        %mul3A_117 = arith.constant 16 : i32
        %mul3A_118 = arith.muli %scan3A_63, %mul3A_117 : i32
        %add3A_119 = arith.constant 5 : i32
        %add3A_120 = arith.addi %mul3A_118, %add3A_119 : i32
        %swap3A_121 = arith.index_cast %add3A_120 : i32 to index
        %swap3A_122 = arith.constant 0 : index
        %swap3A_123 = tpu.vector_load %arg12[%swap3A_121, %swap3A_122] {strides = array<i32>} : memref<800x16xf32, #tpu.memory_space<vmem>>, vector<16xf32>,
        tpu.vector_store %arg12[%swap3A_121, %swap3A_122], %broadcast_in_dim3A_116 {strides = array<i32>} : memref<800x16xf32, #tpu.memory_space<vmem>>, vector<16xf32>,
        %slice3A_124 = vector.extract_strided_slice %get3A_67 {offsets = [6], sizes = [1], strides = [1]} : vector<16xf32> to vector<1xf32>
        %squeeze3A_125 = vector.extract %slice3A_124[0] : f32 from vector<1xf32>
        %broadcast_in_dim3A_126 = vector.broadcast %squeeze3A_125 : f32 to vector<16xf32>
        %mul3A_127 = arith.constant 16 : i32
        %mul3A_128 = arith.muli %scan3A_63, %mul3A_127 : i32
        %add3A_129 = arith.constant 6 : i32
        %add3A_130 = arith.addi %mul3A_128, %add3A_129 : i32
        %swap3A_131 = arith.index_cast %add3A_130 : i32 to index
        %swap3A_132 = arith.constant 0 : index
        %swap3A_133 = tpu.vector_load %arg12[%swap3A_131, %swap3A_132] {strides = array<i32>} : memref<800x16xf32, #tpu.memory_space<vmem>>, vector<16xf32>,
        tpu.vector_store %arg12[%swap3A_131, %swap3A_132], %broadcast_in_dim3A_126 {strides = array<i32>} : memref<800x16xf32, #tpu.memory_space<vmem>>, vector<16xf32>,
        %slice3A_134 = vector.extract_strided_slice %get3A_67 {offsets = [7], sizes = [1], strides = [1]} : vector<16xf32> to vector<1xf32>
        %squeeze3A_135 = vector.extract %slice3A_134[0] : f32 from vector<1xf32>
        %broadcast_in_dim3A_136 = vector.broadcast %squeeze3A_135 : f32 to vector<16xf32>
        %mul3A_137 = arith.constant 16 : i32
        %mul3A_138 = arith.muli %scan3A_63, %mul3A_137 : i32
        %add3A_139 = arith.constant 7 : i32
        %add3A_140 = arith.addi %mul3A_138, %add3A_139 : i32
        %swap3A_141 = arith.index_cast %add3A_140 : i32 to index
        %swap3A_142 = arith.constant 0 : index
        %swap3A_143 = tpu.vector_load %arg12[%swap3A_141, %swap3A_142] {strides = array<i32>} : memref<800x16xf32, #tpu.memory_space<vmem>>, vector<16xf32>,
        tpu.vector_store %arg12[%swap3A_141, %swap3A_142], %broadcast_in_dim3A_136 {strides = array<i32>} : memref<800x16xf32, #tpu.memory_space<vmem>>, vector<16xf32>,
        %slice3A_144 = vector.extract_strided_slice %get3A_67 {offsets = [8], sizes = [1], strides = [1]} : vector<16xf32> to vector<1xf32>
        %squeeze3A_145 = vector.extract %slice3A_144[0] : f32 from vector<1xf32>
        %broadcast_in_dim3A_146 = vector.broadcast %squeeze3A_145 : f32 to vector<16xf32>
        %mul3A_147 = arith.constant 16 : i32
        %mul3A_148 = arith.muli %scan3A_63, %mul3A_147 : i32
        %add3A_149 = arith.constant 8 : i32
        %add3A_150 = arith.addi %mul3A_148, %add3A_149 : i32
        %swap3A_151 = arith.index_cast %add3A_150 : i32 to index
        %swap3A_152 = arith.constant 0 : index
        %swap3A_153 = tpu.vector_load %arg12[%swap3A_151, %swap3A_152] {strides = array<i32>} : memref<800x16xf32, #tpu.memory_space<vmem>>, vector<16xf32>,
        tpu.vector_store %arg12[%swap3A_151, %swap3A_152], %broadcast_in_dim3A_146 {strides = array<i32>} : memref<800x16xf32, #tpu.memory_space<vmem>>, vector<16xf32>,
        %slice3A_154 = vector.extract_strided_slice %get3A_67 {offsets = [9], sizes = [1], strides = [1]} : vector<16xf32> to vector<1xf32>
        %squeeze3A_155 = vector.extract %slice3A_154[0] : f32 from vector<1xf32>
        %broadcast_in_dim3A_156 = vector.broadcast %squeeze3A_155 : f32 to vector<16xf32>
        %mul3A_157 = arith.constant 16 : i32
        %mul3A_158 = arith.muli %scan3A_63, %mul3A_157 : i32
        %add3A_159 = arith.constant 9 : i32
        %add3A_160 = arith.addi %mul3A_158, %add3A_159 : i32
        %swap3A_161 = arith.index_cast %add3A_160 : i32 to index
        %swap3A_162 = arith.constant 0 : index
        %swap3A_163 = tpu.vector_load %arg12[%swap3A_161, %swap3A_162] {strides = array<i32>} : memref<800x16xf32, #tpu.memory_space<vmem>>, vector<16xf32>,
        tpu.vector_store %arg12[%swap3A_161, %swap3A_162], %broadcast_in_dim3A_156 {strides = array<i32>} : memref<800x16xf32, #tpu.memory_space<vmem>>, vector<16xf32>,
        %slice3A_164 = vector.extract_strided_slice %get3A_67 {offsets = [10], sizes = [1], strides = [1]} : vector<16xf32> to vector<1xf32>
        %squeeze3A_165 = vector.extract %slice3A_164[0] : f32 from vector<1xf32>
        %broadcast_in_dim3A_166 = vector.broadcast %squeeze3A_165 : f32 to vector<16xf32>
        %mul3A_167 = arith.constant 16 : i32
        %mul3A_168 = arith.muli %scan3A_63, %mul3A_167 : i32
        %add3A_169 = arith.constant 10 : i32
        %add3A_170 = arith.addi %mul3A_168, %add3A_169 : i32
        %swap3A_171 = arith.index_cast %add3A_170 : i32 to index
        %swap3A_172 = arith.constant 0 : index
        %swap3A_173 = tpu.vector_load %arg12[%swap3A_171, %swap3A_172] {strides = array<i32>} : memref<800x16xf32, #tpu.memory_space<vmem>>, vector<16xf32>,
        tpu.vector_store %arg12[%swap3A_171, %swap3A_172], %broadcast_in_dim3A_166 {strides = array<i32>} : memref<800x16xf32, #tpu.memory_space<vmem>>, vector<16xf32>,
        %slice3A_174 = vector.extract_strided_slice %get3A_67 {offsets = [11], sizes = [1], strides = [1]} : vector<16xf32> to vector<1xf32>
        %squeeze3A_175 = vector.extract %slice3A_174[0] : f32 from vector<1xf32>
        %broadcast_in_dim3A_176 = vector.broadcast %squeeze3A_175 : f32 to vector<16xf32>
        %mul3A_177 = arith.constant 16 : i32
        %mul3A_178 = arith.muli %scan3A_63, %mul3A_177 : i32
        %add3A_179 = arith.constant 11 : i32
        %add3A_180 = arith.addi %mul3A_178, %add3A_179 : i32
        %swap3A_181 = arith.index_cast %add3A_180 : i32 to index
        %swap3A_182 = arith.constant 0 : index
        %swap3A_183 = tpu.vector_load %arg12[%swap3A_181, %swap3A_182] {strides = array<i32>} : memref<800x16xf32, #tpu.memory_space<vmem>>, vector<16xf32>,
        tpu.vector_store %arg12[%swap3A_181, %swap3A_182], %broadcast_in_dim3A_176 {strides = array<i32>} : memref<800x16xf32, #tpu.memory_space<vmem>>, vector<16xf32>,
        %slice3A_184 = vector.extract_strided_slice %get3A_67 {offsets = [12], sizes = [1], strides = [1]} : vector<16xf32> to vector<1xf32>
        %squeeze3A_185 = vector.extract %slice3A_184[0] : f32 from vector<1xf32>
        %broadcast_in_dim3A_186 = vector.broadcast %squeeze3A_185 : f32 to vector<16xf32>
        %mul3A_187 = arith.constant 16 : i32
        %mul3A_188 = arith.muli %scan3A_63, %mul3A_187 : i32
        %add3A_189 = arith.constant 12 : i32
        %add3A_190 = arith.addi %mul3A_188, %add3A_189 : i32
        %swap3A_191 = arith.index_cast %add3A_190 : i32 to index
        %swap3A_192 = arith.constant 0 : index
        %swap3A_193 = tpu.vector_load %arg12[%swap3A_191, %swap3A_192] {strides = array<i32>} : memref<800x16xf32, #tpu.memory_space<vmem>>, vector<16xf32>,
        tpu.vector_store %arg12[%swap3A_191, %swap3A_192], %broadcast_in_dim3A_186 {strides = array<i32>} : memref<800x16xf32, #tpu.memory_space<vmem>>, vector<16xf32>,
        %slice3A_194 = vector.extract_strided_slice %get3A_67 {offsets = [13], sizes = [1], strides = [1]} : vector<16xf32> to vector<1xf32>
        %squeeze3A_195 = vector.extract %slice3A_194[0] : f32 from vector<1xf32>
        %broadcast_in_dim3A_196 = vector.broadcast %squeeze3A_195 : f32 to vector<16xf32>
        %mul3A_197 = arith.constant 16 : i32
        %mul3A_198 = arith.muli %scan3A_63, %mul3A_197 : i32
        %add3A_199 = arith.constant 13 : i32
        %add3A_200 = arith.addi %mul3A_198, %add3A_199 : i32
        %swap3A_201 = arith.index_cast %add3A_200 : i32 to index
        %swap3A_202 = arith.constant 0 : index
        %swap3A_203 = tpu.vector_load %arg12[%swap3A_201, %swap3A_202] {strides = array<i32>} : memref<800x16xf32, #tpu.memory_space<vmem>>, vector<16xf32>,
        tpu.vector_store %arg12[%swap3A_201, %swap3A_202], %broadcast_in_dim3A_196 {strides = array<i32>} : memref<800x16xf32, #tpu.memory_space<vmem>>, vector<16xf32>,
        %slice3A_204 = vector.extract_strided_slice %get3A_67 {offsets = [14], sizes = [1], strides = [1]} : vector<16xf32> to vector<1xf32>
        %squeeze3A_205 = vector.extract %slice3A_204[0] : f32 from vector<1xf32>
        %broadcast_in_dim3A_206 = vector.broadcast %squeeze3A_205 : f32 to vector<16xf32>
        %mul3A_207 = arith.constant 16 : i32
        %mul3A_208 = arith.muli %scan3A_63, %mul3A_207 : i32
        %add3A_209 = arith.constant 14 : i32
        %add3A_210 = arith.addi %mul3A_208, %add3A_209 : i32
        %swap3A_211 = arith.index_cast %add3A_210 : i32 to index
        %swap3A_212 = arith.constant 0 : index
        %swap3A_213 = tpu.vector_load %arg12[%swap3A_211, %swap3A_212] {strides = array<i32>} : memref<800x16xf32, #tpu.memory_space<vmem>>, vector<16xf32>,
        tpu.vector_store %arg12[%swap3A_211, %swap3A_212], %broadcast_in_dim3A_206 {strides = array<i32>} : memref<800x16xf32, #tpu.memory_space<vmem>>, vector<16xf32>,
        %slice3A_214 = vector.extract_strided_slice %get3A_67 {offsets = [15], sizes = [1], strides = [1]} : vector<16xf32> to vector<1xf32>
        %squeeze3A_215 = vector.extract %slice3A_214[0] : f32 from vector<1xf32>
        %broadcast_in_dim3A_216 = vector.broadcast %squeeze3A_215 : f32 to vector<16xf32>
        %mul3A_217 = arith.constant 16 : i32
        %mul3A_218 = arith.muli %scan3A_63, %mul3A_217 : i32
        %add3A_219 = arith.constant 15 : i32
        %add3A_220 = arith.addi %mul3A_218, %add3A_219 : i32
        %swap3A_221 = arith.index_cast %add3A_220 : i32 to index
        %swap3A_222 = arith.constant 0 : index
        %swap3A_223 = tpu.vector_load %arg12[%swap3A_221, %swap3A_222] {strides = array<i32>} : memref<800x16xf32, #tpu.memory_space<vmem>>, vector<16xf32>,
        tpu.vector_store %arg12[%swap3A_221, %swap3A_222], %broadcast_in_dim3A_216 {strides = array<i32>} : memref<800x16xf32, #tpu.memory_space<vmem>>, vector<16xf32>,
        %scan3A_224 = arith.constant 0 : i32
        scf.yield %scan3A_224 : i32
      }
      %scan3A_58 = arith.constant 50 : i32
      %mul3A_59 = arith.constant 102400 : i32
      %mul3A_60 = arith.muli %arg0, %mul3A_59 : i32
      %add3A_61 = arith.addi %mul3A_60, %add3A_48 : i32
      "tpu.region"() ({
        %run_scoped3A = tpu.sem_alloc : memref<!tpu.dma_semaphore, #tpu.memory_space<semaphore_mem>>
        %dma_start3A_63 = arith.constant 0 : i32
        %dma_start3A_64 = tpu.memref_slice %arg4[%add3A_61, %dma_start3A_63] : memref<204800x16xf32, #tpu.memory_space<hbm>> -> memref<800x16xf32, #tpu.memory_space<hbm>>
        %dma_start3A_65 = arith.constant 0 : i32
        %dma_start3A_66 = tpu.memref_slice %arg4[%add3A_61, %dma_start3A_65] : memref<204800x16xf32, #tpu.memory_space<hbm>> -> memref<800x16xf32, #tpu.memory_space<hbm>>
        tpu.enqueue_dma source(%arg12 : memref<800x16xf32, #tpu.memory_space<vmem>>) target(%dma_start3A_66 : memref<800x16xf32, #tpu.memory_space<hbm>>) target_semaphore(%run_scoped3A : memref<!tpu.dma_semaphore, #tpu.memory_space<semaphore_mem>>)
        %dma_wait3A = arith.constant 0 : i32
        %dma_wait3A_67 = tpu.memref_slice %arg4[%add3A_61, %dma_wait3A] : memref<204800x16xf32, #tpu.memory_space<hbm>> -> memref<800x16xf32, #tpu.memory_space<hbm>>
        %dma_wait3A_68 = arith.constant 0 : i32
        %dma_wait3A_69 = tpu.memref_slice %arg4[%add3A_61, %dma_wait3A_68] : memref<204800x16xf32, #tpu.memory_space<hbm>> -> memref<800x16xf32, #tpu.memory_space<hbm>>
        tpu.wait_dma2 semaphore(%run_scoped3A : memref<!tpu.dma_semaphore, #tpu.memory_space<semaphore_mem>>) src(%arg12 : memref<800x16xf32, #tpu.memory_space<vmem>>) dst(%dma_wait3A_69 : memref<800x16xf32, #tpu.memory_space<hbm>>)
        tpu.yield
      }) : () -> ()
      %scan3A_62 = arith.constant 0 : i32
      scf.yield %scan3A_62 : i32
    }
    %scan3A_41 = arith.constant 8 : i32
    return
  }
}

#map = affine_map<(d0, d1) -> (0)>
module attributes {stable_mosaic.version = 14 : i64} {
  func.func @_sc_pass1_body(%arg0: i32, %arg1: i32, %arg2: memref<3200000xi32, #tpu.memory_space<hbm>>, %arg3: memref<3200000xi32, #tpu.memory_space<hbm>>, %arg4: memref<3200000xf32, #tpu.memory_space<hbm>>, %arg5: memref<102400xf32, #tpu.memory_space<hbm>>, %arg6: memref<204800xf32, #tpu.memory_space<hbm>>, %arg7: memref<102400xf32, #tpu.memory_space<vmem_shared>>, %arg8: memref<102400xf32, #tpu.memory_space<vmem>>, %arg9: memref<400xi32, #tpu.memory_space<vmem>>, %arg10: memref<400xi32, #tpu.memory_space<vmem>>, %arg11: memref<400xf32, #tpu.memory_space<vmem>>, %arg12: memref<400xf32, #tpu.memory_space<vmem>>, %arg13: memref<400xi32, #tpu.memory_space<vmem>>, %arg14: memref<400xi32, #tpu.memory_space<vmem>>, %arg15: memref<400xf32, #tpu.memory_space<vmem>>, %arg16: memref<400xf32, #tpu.memory_space<vmem>>, %arg17: memref<800xf32, #tpu.memory_space<vmem>>, %arg18: memref<!tpu.dma_semaphore, #tpu.memory_space<semaphore_mem>>, %arg19: memref<!tpu.dma_semaphore, #tpu.memory_space<semaphore_mem>>) attributes {dimension_semantics = [#tpu.dimension_semantics<core_parallel>, #tpu.dimension_semantics<subcore_parallel>], iteration_bounds = array<i64: 2, 16>, scalar_prefetch = 0 : i64, scratch_operands = 13 : i64, tpu.core_type = #tpu.core_type<sc_vector_subcore>, window_params = [{transform_indices = #map}, {transform_indices = #map}, {transform_indices = #map}, {transform_indices = #map}, {transform_indices = #map}]} {
    %mul3A = arith.constant 2 : i32
    %mul3A_0 = arith.muli %arg1, %mul3A : i32
    %add3A = arith.addi %mul3A_0, %arg0 : i32
    %mul3A_1 = arith.constant 100000 : i32
    %mul3A_2 = arith.muli %add3A, %mul3A_1 : i32
    "tpu.region"() ({
      %run_scoped3A = tpu.sem_alloc : memref<!tpu.dma_semaphore, #tpu.memory_space<semaphore_mem>>
      tpu.enqueue_dma source(%arg5 : memref<102400xf32, #tpu.memory_space<hbm>>) target(%arg8 : memref<102400xf32, #tpu.memory_space<vmem>>) target_semaphore(%run_scoped3A : memref<!tpu.dma_semaphore, #tpu.memory_space<semaphore_mem>>)
      tpu.wait_dma2 semaphore(%run_scoped3A : memref<!tpu.dma_semaphore, #tpu.memory_space<semaphore_mem>>) src(%arg5 : memref<102400xf32, #tpu.memory_space<hbm>>) dst(%arg8 : memref<102400xf32, #tpu.memory_space<vmem>>)
      tpu.yield
    }) : () -> ()
    %scan3A = arith.constant 0 : i32
    %scan3A_3 = arith.constant 0 : i32
    %scan3A_4 = arith.constant 50 : i32
    %scan3A_5 = arith.addi %scan3A_3, %scan3A_4 : i32
    %scan3A_6 = arith.constant 1 : i32
    %scan3A_7 = scf.for %scan3A_46 = %scan3A_3 to %scan3A_5 step %scan3A_6 iter_args(%scan3A_47 = %scan3A) -> (i32)  : i32 {
      %broadcast_in_dim3A = arith.constant 0.000000e+00 : f32
      %broadcast_in_dim3A_48 = vector.broadcast %broadcast_in_dim3A : f32 to vector<16xf32>
      %mul3A_49 = arith.constant 16 : i32
      %mul3A_50 = arith.muli %scan3A_46, %mul3A_49 : i32
      %swap3A = arith.index_cast %mul3A_50 : i32 to index
      %swap3A_51 = tpu.vector_load %arg17[%swap3A] {strides = array<i32>} : memref<800xf32, #tpu.memory_space<vmem>>, vector<16xf32>,
      tpu.vector_store %arg17[%swap3A], %broadcast_in_dim3A_48 {strides = array<i32>} : memref<800xf32, #tpu.memory_space<vmem>>, vector<16xf32>,
      %scan3A_52 = arith.constant 0 : i32
      scf.yield %scan3A_52 : i32
    }
    %scan3A_8 = arith.constant 50 : i32
    %scan3A_9 = arith.constant 0 : i32
    %scan3A_10 = arith.constant 0 : i32
    %scan3A_11 = arith.constant 8 : i32
    %scan3A_12 = arith.addi %scan3A_10, %scan3A_11 : i32
    %scan3A_13 = arith.constant 1 : i32
    %scan3A_14 = scf.for %scan3A_46 = %scan3A_10 to %scan3A_12 step %scan3A_13 iter_args(%scan3A_47 = %scan3A_9) -> (i32)  : i32 {
      %mul3A_48 = arith.constant 6400 : i32
      %mul3A_49 = arith.muli %arg1, %mul3A_48 : i32
      %mul3A_50 = arith.constant 800 : i32
      %mul3A_51 = arith.muli %scan3A_46, %mul3A_50 : i32
      %add3A_52 = arith.addi %mul3A_49, %mul3A_51 : i32
      "tpu.region"() ({
        %run_scoped3A = tpu.sem_alloc : memref<!tpu.dma_semaphore, #tpu.memory_space<semaphore_mem>>
        %dma_start3A_54 = tpu.memref_slice %arg7[%add3A_52] : memref<102400xf32, #tpu.memory_space<vmem_shared>> -> memref<800xf32, #tpu.memory_space<vmem_shared>>
        %dma_start3A_55 = tpu.memref_slice %arg7[%add3A_52] : memref<102400xf32, #tpu.memory_space<vmem_shared>> -> memref<800xf32, #tpu.memory_space<vmem_shared>>
        tpu.enqueue_dma source(%arg17 : memref<800xf32, #tpu.memory_space<vmem>>) target(%dma_start3A_55 : memref<800xf32, #tpu.memory_space<vmem_shared>>) target_semaphore(%run_scoped3A : memref<!tpu.dma_semaphore, #tpu.memory_space<semaphore_mem>>)
        %dma_wait3A = tpu.memref_slice %arg7[%add3A_52] : memref<102400xf32, #tpu.memory_space<vmem_shared>> -> memref<800xf32, #tpu.memory_space<vmem_shared>>
        %dma_wait3A_56 = tpu.memref_slice %arg7[%add3A_52] : memref<102400xf32, #tpu.memory_space<vmem_shared>> -> memref<800xf32, #tpu.memory_space<vmem_shared>>
        tpu.wait_dma2 semaphore(%run_scoped3A : memref<!tpu.dma_semaphore, #tpu.memory_space<semaphore_mem>>) src(%arg17 : memref<800xf32, #tpu.memory_space<vmem>>) dst(%dma_wait3A_56 : memref<800xf32, #tpu.memory_space<vmem_shared>>)
        tpu.yield
      }) : () -> ()
      %scan3A_53 = arith.constant 0 : i32
      scf.yield %scan3A_53 : i32
    }
    %scan3A_15 = arith.constant 8 : i32
    %barrier3A = arith.constant 0 : index
    tpu.barrier barrier_id(%barrier3A)
    %add3A_16 = arith.constant 0 : i32
    %add3A_17 = arith.addi %mul3A_2, %add3A_16 : i32
    %dma_start3A = tpu.memref_slice %arg2[%add3A_17] : memref<3200000xi32, #tpu.memory_space<hbm>> -> memref<400xi32, #tpu.memory_space<hbm>>
    %dma_start3A_18 = tpu.memref_slice %arg2[%add3A_17] : memref<3200000xi32, #tpu.memory_space<hbm>> -> memref<400xi32, #tpu.memory_space<hbm>>
    tpu.enqueue_dma source(%dma_start3A_18 : memref<400xi32, #tpu.memory_space<hbm>>) target(%arg9 : memref<400xi32, #tpu.memory_space<vmem>>) target_semaphore(%arg18 : memref<!tpu.dma_semaphore, #tpu.memory_space<semaphore_mem>>)
    %dma_start3A_19 = tpu.memref_slice %arg3[%add3A_17] : memref<3200000xi32, #tpu.memory_space<hbm>> -> memref<400xi32, #tpu.memory_space<hbm>>
    %dma_start3A_20 = tpu.memref_slice %arg3[%add3A_17] : memref<3200000xi32, #tpu.memory_space<hbm>> -> memref<400xi32, #tpu.memory_space<hbm>>
    tpu.enqueue_dma source(%dma_start3A_20 : memref<400xi32, #tpu.memory_space<hbm>>) target(%arg10 : memref<400xi32, #tpu.memory_space<vmem>>) target_semaphore(%arg18 : memref<!tpu.dma_semaphore, #tpu.memory_space<semaphore_mem>>)
    %dma_start3A_21 = tpu.memref_slice %arg4[%add3A_17] : memref<3200000xf32, #tpu.memory_space<hbm>> -> memref<400xf32, #tpu.memory_space<hbm>>
    %dma_start3A_22 = tpu.memref_slice %arg4[%add3A_17] : memref<3200000xf32, #tpu.memory_space<hbm>> -> memref<400xf32, #tpu.memory_space<hbm>>
    tpu.enqueue_dma source(%dma_start3A_22 : memref<400xf32, #tpu.memory_space<hbm>>) target(%arg11 : memref<400xf32, #tpu.memory_space<vmem>>) target_semaphore(%arg18 : memref<!tpu.dma_semaphore, #tpu.memory_space<semaphore_mem>>)
    %add3A_23 = arith.constant 400 : i32
    %add3A_24 = arith.addi %mul3A_2, %add3A_23 : i32
    %dma_start3A_25 = tpu.memref_slice %arg2[%add3A_24] : memref<3200000xi32, #tpu.memory_space<hbm>> -> memref<400xi32, #tpu.memory_space<hbm>>
    %dma_start3A_26 = tpu.memref_slice %arg2[%add3A_24] : memref<3200000xi32, #tpu.memory_space<hbm>> -> memref<400xi32, #tpu.memory_space<hbm>>
    tpu.enqueue_dma source(%dma_start3A_26 : memref<400xi32, #tpu.memory_space<hbm>>) target(%arg13 : memref<400xi32, #tpu.memory_space<vmem>>) target_semaphore(%arg19 : memref<!tpu.dma_semaphore, #tpu.memory_space<semaphore_mem>>)
    %dma_start3A_27 = tpu.memref_slice %arg3[%add3A_24] : memref<3200000xi32, #tpu.memory_space<hbm>> -> memref<400xi32, #tpu.memory_space<hbm>>
    %dma_start3A_28 = tpu.memref_slice %arg3[%add3A_24] : memref<3200000xi32, #tpu.memory_space<hbm>> -> memref<400xi32, #tpu.memory_space<hbm>>
    tpu.enqueue_dma source(%dma_start3A_28 : memref<400xi32, #tpu.memory_space<hbm>>) target(%arg14 : memref<400xi32, #tpu.memory_space<vmem>>) target_semaphore(%arg19 : memref<!tpu.dma_semaphore, #tpu.memory_space<semaphore_mem>>)
    %dma_start3A_29 = tpu.memref_slice %arg4[%add3A_24] : memref<3200000xf32, #tpu.memory_space<hbm>> -> memref<400xf32, #tpu.memory_space<hbm>>
    %dma_start3A_30 = tpu.memref_slice %arg4[%add3A_24] : memref<3200000xf32, #tpu.memory_space<hbm>> -> memref<400xf32, #tpu.memory_space<hbm>>
    tpu.enqueue_dma source(%dma_start3A_30 : memref<400xf32, #tpu.memory_space<hbm>>) target(%arg15 : memref<400xf32, #tpu.memory_space<vmem>>) target_semaphore(%arg19 : memref<!tpu.dma_semaphore, #tpu.memory_space<semaphore_mem>>)
    %scan3A_31 = arith.constant 0 : i32
    %scan3A_32 = arith.constant 0 : i32
    %scan3A_33 = arith.constant 125 : i32
    %scan3A_34 = arith.addi %scan3A_32, %scan3A_33 : i32
    %scan3A_35 = arith.constant 1 : i32
    %scan3A_36 = scf.for %scan3A_46 = %scan3A_32 to %scan3A_34 step %scan3A_35 iter_args(%scan3A_47 = %scan3A_31) -> (i32)  : i32 {
      %mul3A_48 = arith.constant 2 : i32
      %mul3A_49 = arith.muli %mul3A_48, %scan3A_46 : i32
      %mul3A_50 = arith.constant 400 : i32
      %mul3A_51 = arith.muli %mul3A_49, %mul3A_50 : i32
      %add3A_52 = arith.addi %mul3A_2, %mul3A_51 : i32
      %dma_wait3A = tpu.memref_slice %arg2[%add3A_52] : memref<3200000xi32, #tpu.memory_space<hbm>> -> memref<400xi32, #tpu.memory_space<hbm>>
      %dma_wait3A_53 = tpu.memref_slice %arg2[%add3A_52] : memref<3200000xi32, #tpu.memory_space<hbm>> -> memref<400xi32, #tpu.memory_space<hbm>>
      tpu.wait_dma2 semaphore(%arg18 : memref<!tpu.dma_semaphore, #tpu.memory_space<semaphore_mem>>) src(%dma_wait3A_53 : memref<400xi32, #tpu.memory_space<hbm>>) dst(%arg9 : memref<400xi32, #tpu.memory_space<vmem>>)
      %dma_wait3A_54 = tpu.memref_slice %arg3[%add3A_52] : memref<3200000xi32, #tpu.memory_space<hbm>> -> memref<400xi32, #tpu.memory_space<hbm>>
      %dma_wait3A_55 = tpu.memref_slice %arg3[%add3A_52] : memref<3200000xi32, #tpu.memory_space<hbm>> -> memref<400xi32, #tpu.memory_space<hbm>>
      tpu.wait_dma2 semaphore(%arg18 : memref<!tpu.dma_semaphore, #tpu.memory_space<semaphore_mem>>) src(%dma_wait3A_55 : memref<400xi32, #tpu.memory_space<hbm>>) dst(%arg10 : memref<400xi32, #tpu.memory_space<vmem>>)
      %dma_wait3A_56 = tpu.memref_slice %arg4[%add3A_52] : memref<3200000xf32, #tpu.memory_space<hbm>> -> memref<400xf32, #tpu.memory_space<hbm>>
      %dma_wait3A_57 = tpu.memref_slice %arg4[%add3A_52] : memref<3200000xf32, #tpu.memory_space<hbm>> -> memref<400xf32, #tpu.memory_space<hbm>>
      tpu.wait_dma2 semaphore(%arg18 : memref<!tpu.dma_semaphore, #tpu.memory_space<semaphore_mem>>) src(%dma_wait3A_57 : memref<400xf32, #tpu.memory_space<hbm>>) dst(%arg11 : memref<400xf32, #tpu.memory_space<vmem>>)
      %scan3A_58 = arith.constant 0 : i32
      %scan3A_59 = arith.constant 0 : i32
      %scan3A_60 = arith.constant 25 : i32
      %scan3A_61 = arith.addi %scan3A_59, %scan3A_60 : i32
      %scan3A_62 = arith.constant 1 : i32
      %scan3A_63 = scf.for %scan3A_95 = %scan3A_59 to %scan3A_61 step %scan3A_62 iter_args(%scan3A_96 = %scan3A_58) -> (i32)  : i32 {
        %mul3A_97 = arith.constant 16 : i32
        %mul3A_98 = arith.muli %scan3A_95, %mul3A_97 : i32
        %get3A = arith.index_cast %mul3A_98 : i32 to index
        %get3A_99 = tpu.vector_load %arg9[%get3A] {strides = array<i32>} : memref<400xi32, #tpu.memory_space<vmem>>, vector<16xi32>,
        %gather3A = tpu.vector_load_idx %arg8[%get3A_99] : memref<102400xf32, #tpu.memory_space<vmem>>[vector<16xi32>], vector<16xf32>,
        %mul3A_100 = arith.constant 16 : i32
        %mul3A_101 = arith.muli %scan3A_95, %mul3A_100 : i32
        %get3A_102 = arith.index_cast %mul3A_101 : i32 to index
        %get3A_103 = tpu.vector_load %arg11[%get3A_102] {strides = array<i32>} : memref<400xf32, #tpu.memory_space<vmem>>, vector<16xf32>,
        %mul3A_104 = arith.mulf %gather3A, %get3A_103 : vector<16xf32>
        %mul3A_105 = arith.constant 16 : i32
        %mul3A_106 = arith.muli %scan3A_95, %mul3A_105 : i32
        %swap3A = arith.index_cast %mul3A_106 : i32 to index
        %swap3A_107 = tpu.vector_load %arg12[%swap3A] {strides = array<i32>} : memref<400xf32, #tpu.memory_space<vmem>>, vector<16xf32>,
        tpu.vector_store %arg12[%swap3A], %mul3A_104 {strides = array<i32>} : memref<400xf32, #tpu.memory_space<vmem>>, vector<16xf32>,
        %scan3A_108 = arith.constant 0 : i32
        scf.yield %scan3A_108 : i32
      }
      %scan3A_64 = arith.constant 25 : i32
      "tpu.region"() ({
        %run_scoped3A = tpu.sem_alloc : memref<!tpu.dma_semaphore, #tpu.memory_space<semaphore_mem>>
        %dma_start3A_95 = arith.constant 0 : i32
        %dma_start3A_96 = tpu.memref_slice %arg7[%dma_start3A_95] : memref<102400xf32, #tpu.memory_space<vmem_shared>> -> memref<102400xf32, #tpu.memory_space<vmem_shared>>
        tpu.enqueue_indirect_dma source(%arg12 : memref<400xf32, #tpu.memory_space<vmem>>) target(%dma_start3A_96 : memref<102400xf32, #tpu.memory_space<vmem_shared>>) offsets(%arg10 : memref<400xi32, #tpu.memory_space<vmem>>) semaphore(%run_scoped3A : memref<!tpu.dma_semaphore, #tpu.memory_space<semaphore_mem>>) {add = true}
        %dma_wait3A_97 = arith.constant 0 : i32
        %dma_wait3A_98 = tpu.memref_slice %arg7[%dma_wait3A_97] : memref<102400xf32, #tpu.memory_space<vmem_shared>> -> memref<102400xf32, #tpu.memory_space<vmem_shared>>
        tpu.wait_indirect_dma semaphore(%run_scoped3A : memref<!tpu.dma_semaphore, #tpu.memory_space<semaphore_mem>>) src(%arg12 : memref<400xf32, #tpu.memory_space<vmem>>) dst(%dma_wait3A_98 : memref<102400xf32, #tpu.memory_space<vmem_shared>>)
        tpu.yield
      }) : () -> ()
      %add3A_65 = arith.constant 2 : i32
      %add3A_66 = arith.addi %mul3A_49, %add3A_65 : i32
      %lt3A = arith.constant 250 : i32
      %lt3A_67 = arith.cmpi slt, %add3A_66, %lt3A : i32
      %convert_element_type3A = arith.extui %lt3A_67 : i1 to i32
      %cond3A = arith.constant 0 : i32
      %cond3A_68 = arith.cmpi ne, %convert_element_type3A, %cond3A : i32
      scf.if %cond3A_68 {
        %add3A_95 = arith.constant 2 : i32
        %add3A_96 = arith.addi %mul3A_49, %add3A_95 : i32
        %mul3A_97 = arith.constant 400 : i32
        %mul3A_98 = arith.muli %add3A_96, %mul3A_97 : i32
        %add3A_99 = arith.addi %mul3A_2, %mul3A_98 : i32
        %dma_start3A_100 = tpu.memref_slice %arg2[%add3A_99] : memref<3200000xi32, #tpu.memory_space<hbm>> -> memref<400xi32, #tpu.memory_space<hbm>>
        %dma_start3A_101 = tpu.memref_slice %arg2[%add3A_99] : memref<3200000xi32, #tpu.memory_space<hbm>> -> memref<400xi32, #tpu.memory_space<hbm>>
        tpu.enqueue_dma source(%dma_start3A_101 : memref<400xi32, #tpu.memory_space<hbm>>) target(%arg9 : memref<400xi32, #tpu.memory_space<vmem>>) target_semaphore(%arg18 : memref<!tpu.dma_semaphore, #tpu.memory_space<semaphore_mem>>)
        %dma_start3A_102 = tpu.memref_slice %arg3[%add3A_99] : memref<3200000xi32, #tpu.memory_space<hbm>> -> memref<400xi32, #tpu.memory_space<hbm>>
        %dma_start3A_103 = tpu.memref_slice %arg3[%add3A_99] : memref<3200000xi32, #tpu.memory_space<hbm>> -> memref<400xi32, #tpu.memory_space<hbm>>
        tpu.enqueue_dma source(%dma_start3A_103 : memref<400xi32, #tpu.memory_space<hbm>>) target(%arg10 : memref<400xi32, #tpu.memory_space<vmem>>) target_semaphore(%arg18 : memref<!tpu.dma_semaphore, #tpu.memory_space<semaphore_mem>>)
        %dma_start3A_104 = tpu.memref_slice %arg4[%add3A_99] : memref<3200000xf32, #tpu.memory_space<hbm>> -> memref<400xf32, #tpu.memory_space<hbm>>
        %dma_start3A_105 = tpu.memref_slice %arg4[%add3A_99] : memref<3200000xf32, #tpu.memory_space<hbm>> -> memref<400xf32, #tpu.memory_space<hbm>>
        tpu.enqueue_dma source(%dma_start3A_105 : memref<400xf32, #tpu.memory_space<hbm>>) target(%arg11 : memref<400xf32, #tpu.memory_space<vmem>>) target_semaphore(%arg18 : memref<!tpu.dma_semaphore, #tpu.memory_space<semaphore_mem>>)
      } else {
      }
      %add3A_69 = arith.constant 1 : i32
      %add3A_70 = arith.addi %mul3A_49, %add3A_69 : i32
      %mul3A_71 = arith.constant 400 : i32
      %mul3A_72 = arith.muli %add3A_70, %mul3A_71 : i32
      %add3A_73 = arith.addi %mul3A_2, %mul3A_72 : i32
      %dma_wait3A_74 = tpu.memref_slice %arg2[%add3A_73] : memref<3200000xi32, #tpu.memory_space<hbm>> -> memref<400xi32, #tpu.memory_space<hbm>>
      %dma_wait3A_75 = tpu.memref_slice %arg2[%add3A_73] : memref<3200000xi32, #tpu.memory_space<hbm>> -> memref<400xi32, #tpu.memory_space<hbm>>
      tpu.wait_dma2 semaphore(%arg19 : memref<!tpu.dma_semaphore, #tpu.memory_space<semaphore_mem>>) src(%dma_wait3A_75 : memref<400xi32, #tpu.memory_space<hbm>>) dst(%arg13 : memref<400xi32, #tpu.memory_space<vmem>>)
      %dma_wait3A_76 = tpu.memref_slice %arg3[%add3A_73] : memref<3200000xi32, #tpu.memory_space<hbm>> -> memref<400xi32, #tpu.memory_space<hbm>>
      %dma_wait3A_77 = tpu.memref_slice %arg3[%add3A_73] : memref<3200000xi32, #tpu.memory_space<hbm>> -> memref<400xi32, #tpu.memory_space<hbm>>
      tpu.wait_dma2 semaphore(%arg19 : memref<!tpu.dma_semaphore, #tpu.memory_space<semaphore_mem>>) src(%dma_wait3A_77 : memref<400xi32, #tpu.memory_space<hbm>>) dst(%arg14 : memref<400xi32, #tpu.memory_space<vmem>>)
      %dma_wait3A_78 = tpu.memref_slice %arg4[%add3A_73] : memref<3200000xf32, #tpu.memory_space<hbm>> -> memref<400xf32, #tpu.memory_space<hbm>>
      %dma_wait3A_79 = tpu.memref_slice %arg4[%add3A_73] : memref<3200000xf32, #tpu.memory_space<hbm>> -> memref<400xf32, #tpu.memory_space<hbm>>
      tpu.wait_dma2 semaphore(%arg19 : memref<!tpu.dma_semaphore, #tpu.memory_space<semaphore_mem>>) src(%dma_wait3A_79 : memref<400xf32, #tpu.memory_space<hbm>>) dst(%arg15 : memref<400xf32, #tpu.memory_space<vmem>>)
      %scan3A_80 = arith.constant 0 : i32
      %scan3A_81 = arith.constant 0 : i32
      %scan3A_82 = arith.constant 25 : i32
      %scan3A_83 = arith.addi %scan3A_81, %scan3A_82 : i32
      %scan3A_84 = arith.constant 1 : i32
      %scan3A_85 = scf.for %scan3A_95 = %scan3A_81 to %scan3A_83 step %scan3A_84 iter_args(%scan3A_96 = %scan3A_80) -> (i32)  : i32 {
        %mul3A_97 = arith.constant 16 : i32
        %mul3A_98 = arith.muli %scan3A_95, %mul3A_97 : i32
        %get3A = arith.index_cast %mul3A_98 : i32 to index
        %get3A_99 = tpu.vector_load %arg13[%get3A] {strides = array<i32>} : memref<400xi32, #tpu.memory_space<vmem>>, vector<16xi32>,
        %gather3A = tpu.vector_load_idx %arg8[%get3A_99] : memref<102400xf32, #tpu.memory_space<vmem>>[vector<16xi32>], vector<16xf32>,
        %mul3A_100 = arith.constant 16 : i32
        %mul3A_101 = arith.muli %scan3A_95, %mul3A_100 : i32
        %get3A_102 = arith.index_cast %mul3A_101 : i32 to index
        %get3A_103 = tpu.vector_load %arg15[%get3A_102] {strides = array<i32>} : memref<400xf32, #tpu.memory_space<vmem>>, vector<16xf32>,
        %mul3A_104 = arith.mulf %gather3A, %get3A_103 : vector<16xf32>
        %mul3A_105 = arith.constant 16 : i32
        %mul3A_106 = arith.muli %scan3A_95, %mul3A_105 : i32
        %swap3A = arith.index_cast %mul3A_106 : i32 to index
        %swap3A_107 = tpu.vector_load %arg16[%swap3A] {strides = array<i32>} : memref<400xf32, #tpu.memory_space<vmem>>, vector<16xf32>,
        tpu.vector_store %arg16[%swap3A], %mul3A_104 {strides = array<i32>} : memref<400xf32, #tpu.memory_space<vmem>>, vector<16xf32>,
        %scan3A_108 = arith.constant 0 : i32
        scf.yield %scan3A_108 : i32
      }
      %scan3A_86 = arith.constant 25 : i32
      "tpu.region"() ({
        %run_scoped3A = tpu.sem_alloc : memref<!tpu.dma_semaphore, #tpu.memory_space<semaphore_mem>>
        %dma_start3A_95 = arith.constant 0 : i32
        %dma_start3A_96 = tpu.memref_slice %arg7[%dma_start3A_95] : memref<102400xf32, #tpu.memory_space<vmem_shared>> -> memref<102400xf32, #tpu.memory_space<vmem_shared>>
        tpu.enqueue_indirect_dma source(%arg16 : memref<400xf32, #tpu.memory_space<vmem>>) target(%dma_start3A_96 : memref<102400xf32, #tpu.memory_space<vmem_shared>>) offsets(%arg14 : memref<400xi32, #tpu.memory_space<vmem>>) semaphore(%run_scoped3A : memref<!tpu.dma_semaphore, #tpu.memory_space<semaphore_mem>>) {add = true}
        %dma_wait3A_97 = arith.constant 0 : i32
        %dma_wait3A_98 = tpu.memref_slice %arg7[%dma_wait3A_97] : memref<102400xf32, #tpu.memory_space<vmem_shared>> -> memref<102400xf32, #tpu.memory_space<vmem_shared>>
        tpu.wait_indirect_dma semaphore(%run_scoped3A : memref<!tpu.dma_semaphore, #tpu.memory_space<semaphore_mem>>) src(%arg16 : memref<400xf32, #tpu.memory_space<vmem>>) dst(%dma_wait3A_98 : memref<102400xf32, #tpu.memory_space<vmem_shared>>)
        tpu.yield
      }) : () -> ()
      %add3A_87 = arith.constant 3 : i32
      %add3A_88 = arith.addi %mul3A_49, %add3A_87 : i32
      %lt3A_89 = arith.constant 250 : i32
      %lt3A_90 = arith.cmpi slt, %add3A_88, %lt3A_89 : i32
      %convert_element_type3A_91 = arith.extui %lt3A_90 : i1 to i32
      %cond3A_92 = arith.constant 0 : i32
      %cond3A_93 = arith.cmpi ne, %convert_element_type3A_91, %cond3A_92 : i32
      scf.if %cond3A_93 {
        %add3A_95 = arith.constant 3 : i32
        %add3A_96 = arith.addi %mul3A_49, %add3A_95 : i32
        %mul3A_97 = arith.constant 400 : i32
        %mul3A_98 = arith.muli %add3A_96, %mul3A_97 : i32
        %add3A_99 = arith.addi %mul3A_2, %mul3A_98 : i32
        %dma_start3A_100 = tpu.memref_slice %arg2[%add3A_99] : memref<3200000xi32, #tpu.memory_space<hbm>> -> memref<400xi32, #tpu.memory_space<hbm>>
        %dma_start3A_101 = tpu.memref_slice %arg2[%add3A_99] : memref<3200000xi32, #tpu.memory_space<hbm>> -> memref<400xi32, #tpu.memory_space<hbm>>
        tpu.enqueue_dma source(%dma_start3A_101 : memref<400xi32, #tpu.memory_space<hbm>>) target(%arg13 : memref<400xi32, #tpu.memory_space<vmem>>) target_semaphore(%arg19 : memref<!tpu.dma_semaphore, #tpu.memory_space<semaphore_mem>>)
        %dma_start3A_102 = tpu.memref_slice %arg3[%add3A_99] : memref<3200000xi32, #tpu.memory_space<hbm>> -> memref<400xi32, #tpu.memory_space<hbm>>
        %dma_start3A_103 = tpu.memref_slice %arg3[%add3A_99] : memref<3200000xi32, #tpu.memory_space<hbm>> -> memref<400xi32, #tpu.memory_space<hbm>>
        tpu.enqueue_dma source(%dma_start3A_103 : memref<400xi32, #tpu.memory_space<hbm>>) target(%arg14 : memref<400xi32, #tpu.memory_space<vmem>>) target_semaphore(%arg19 : memref<!tpu.dma_semaphore, #tpu.memory_space<semaphore_mem>>)
        %dma_start3A_104 = tpu.memref_slice %arg4[%add3A_99] : memref<3200000xf32, #tpu.memory_space<hbm>> -> memref<400xf32, #tpu.memory_space<hbm>>
        %dma_start3A_105 = tpu.memref_slice %arg4[%add3A_99] : memref<3200000xf32, #tpu.memory_space<hbm>> -> memref<400xf32, #tpu.memory_space<hbm>>
        tpu.enqueue_dma source(%dma_start3A_105 : memref<400xf32, #tpu.memory_space<hbm>>) target(%arg15 : memref<400xf32, #tpu.memory_space<vmem>>) target_semaphore(%arg19 : memref<!tpu.dma_semaphore, #tpu.memory_space<semaphore_mem>>)
      } else {
      }
      %scan3A_94 = arith.constant 0 : i32
      scf.yield %scan3A_94 : i32
    }
    %scan3A_37 = arith.constant 125 : i32
    %barrier3A_38 = arith.constant 0 : index
    tpu.barrier barrier_id(%barrier3A_38)
    %scan3A_39 = arith.constant 0 : i32
    %scan3A_40 = arith.constant 0 : i32
    %scan3A_41 = arith.constant 8 : i32
    %scan3A_42 = arith.addi %scan3A_40, %scan3A_41 : i32
    %scan3A_43 = arith.constant 1 : i32
    %scan3A_44 = scf.for %scan3A_46 = %scan3A_40 to %scan3A_42 step %scan3A_43 iter_args(%scan3A_47 = %scan3A_39) -> (i32)  : i32 {
      %mul3A_48 = arith.constant 6400 : i32
      %mul3A_49 = arith.muli %arg1, %mul3A_48 : i32
      %mul3A_50 = arith.constant 800 : i32
      %mul3A_51 = arith.muli %scan3A_46, %mul3A_50 : i32
      %add3A_52 = arith.addi %mul3A_49, %mul3A_51 : i32
      "tpu.region"() ({
        %run_scoped3A = tpu.sem_alloc : memref<!tpu.dma_semaphore, #tpu.memory_space<semaphore_mem>>
        %dma_start3A_57 = tpu.memref_slice %arg7[%add3A_52] : memref<102400xf32, #tpu.memory_space<vmem_shared>> -> memref<800xf32, #tpu.memory_space<vmem_shared>>
        %dma_start3A_58 = tpu.memref_slice %arg7[%add3A_52] : memref<102400xf32, #tpu.memory_space<vmem_shared>> -> memref<800xf32, #tpu.memory_space<vmem_shared>>
        tpu.enqueue_dma source(%dma_start3A_58 : memref<800xf32, #tpu.memory_space<vmem_shared>>) target(%arg17 : memref<800xf32, #tpu.memory_space<vmem>>) target_semaphore(%run_scoped3A : memref<!tpu.dma_semaphore, #tpu.memory_space<semaphore_mem>>)
        %dma_wait3A = tpu.memref_slice %arg7[%add3A_52] : memref<102400xf32, #tpu.memory_space<vmem_shared>> -> memref<800xf32, #tpu.memory_space<vmem_shared>>
        %dma_wait3A_59 = tpu.memref_slice %arg7[%add3A_52] : memref<102400xf32, #tpu.memory_space<vmem_shared>> -> memref<800xf32, #tpu.memory_space<vmem_shared>>
        tpu.wait_dma2 semaphore(%run_scoped3A : memref<!tpu.dma_semaphore, #tpu.memory_space<semaphore_mem>>) src(%dma_wait3A_59 : memref<800xf32, #tpu.memory_space<vmem_shared>>) dst(%arg17 : memref<800xf32, #tpu.memory_space<vmem>>)
        tpu.yield
      }) : () -> ()
      %mul3A_53 = arith.constant 102400 : i32
      %mul3A_54 = arith.muli %arg0, %mul3A_53 : i32
      %add3A_55 = arith.addi %mul3A_54, %add3A_52 : i32
      "tpu.region"() ({
        %run_scoped3A = tpu.sem_alloc : memref<!tpu.dma_semaphore, #tpu.memory_space<semaphore_mem>>
        %dma_start3A_57 = tpu.memref_slice %arg6[%add3A_55] : memref<204800xf32, #tpu.memory_space<hbm>> -> memref<800xf32, #tpu.memory_space<hbm>>
        %dma_start3A_58 = tpu.memref_slice %arg6[%add3A_55] : memref<204800xf32, #tpu.memory_space<hbm>> -> memref<800xf32, #tpu.memory_space<hbm>>
        tpu.enqueue_dma source(%arg17 : memref<800xf32, #tpu.memory_space<vmem>>) target(%dma_start3A_58 : memref<800xf32, #tpu.memory_space<hbm>>) target_semaphore(%run_scoped3A : memref<!tpu.dma_semaphore, #tpu.memory_space<semaphore_mem>>)
        %dma_wait3A = tpu.memref_slice %arg6[%add3A_55] : memref<204800xf32, #tpu.memory_space<hbm>> -> memref<800xf32, #tpu.memory_space<hbm>>
        %dma_wait3A_59 = tpu.memref_slice %arg6[%add3A_55] : memref<204800xf32, #tpu.memory_space<hbm>> -> memref<800xf32, #tpu.memory_space<hbm>>
        tpu.wait_dma2 semaphore(%run_scoped3A : memref<!tpu.dma_semaphore, #tpu.memory_space<semaphore_mem>>) src(%arg17 : memref<800xf32, #tpu.memory_space<vmem>>) dst(%dma_wait3A_59 : memref<800xf32, #tpu.memory_space<hbm>>)
        tpu.yield
      }) : () -> ()
      %scan3A_56 = arith.constant 0 : i32
      scf.yield %scan3A_56 : i32
    }
    %scan3A_45 = arith.constant 8 : i32
    return
  }
}

module attributes {stable_mosaic.version = 14 : i64} {
  func.func @_t1_body(%arg0: i32, %arg1: memref<204800xf32, #tpu.memory_space<vmem>>, %arg2: memref<204800xf32, #tpu.memory_space<vmem>>, %arg3: memref<1600x128xf32, #tpu.memory_space<vmem>>, %arg4: memref<128x128xf32, #tpu.memory_space<vmem>>, %arg5: memref<1600x128xf32, #tpu.memory_space<vmem>>, %arg6: memref<204800xf32, #tpu.memory_space<vmem>>) attributes {dimension_semantics = [#tpu.dimension_semantics<arbitrary>], iteration_bounds = array<i64: 8>, scalar_prefetch = 0 : i64, scratch_operands = 0 : i64, tpu.core_type = #tpu.core_type<tc>, window_params = [{transform_indices = @transform_0, window_bounds = array<i64: 204800>}, {transform_indices = @transform_1, window_bounds = array<i64: 204800>}, {transform_indices = @transform_2, window_bounds = array<i64: 1600, 128>}, {pipeline_mode = #tpu.pipeline_mode<synchronous>, transform_indices = @transform_3, window_bounds = array<i64: 128, 128>}, {transform_indices = @transform_4, window_bounds = array<i64: 1600, 128>}, {transform_indices = @transform_5, window_bounds = array<i64: 204800>}]} {
    %get3A = arith.constant 0 : index
    %get3A_0 = vector.load %arg1[%get3A] : memref<204800xf32, #tpu.memory_space<vmem>>, vector<204800xf32>
    %get3A_1 = arith.constant 0 : index
    %get3A_2 = vector.load %arg2[%get3A_1] : memref<204800xf32, #tpu.memory_space<vmem>>, vector<204800xf32>
    %add3A = arith.addf %get3A_0, %get3A_2 : vector<204800xf32>
    %add3A_3 = arith.constant 2.000000e+00 : f32
    %add3A_4 = vector.broadcast %add3A_3 : f32 to vector<204800xf32>
    %add3A_5 = arith.addf %add3A, %add3A_4 : vector<204800xf32>
    %gt3A = arith.constant 0.000000e+00 : f32
    %gt3A_6 = vector.broadcast %gt3A : f32 to vector<204800xf32>
    %gt3A_7 = arith.cmpf ogt, %add3A_5, %gt3A_6 : vector<204800xf32>
    %rsqrt3A = math.rsqrt %add3A_5 : vector<204800xf32>
    %jit3A = arith.constant 0.000000e+00 : f32
    %broadcast_in_dim3A = vector.broadcast %jit3A : f32 to vector<204800xf32>
    %select_n3A = arith.select %gt3A_7, %rsqrt3A, %broadcast_in_dim3A : vector<204800xi1>, vector<204800xf32>
    %reshape3A = vector.shape_cast %select_n3A : vector<204800xf32> to vector<1600x128xf32>
    %swap3A = arith.constant 0 : index
    %swap3A_8 = arith.constant 0 : index
    %swap3A_9 = vector.load %arg5[%swap3A, %swap3A_8] : memref<1600x128xf32, #tpu.memory_space<vmem>>, vector<1600x128xf32>
    tpu.vector_store %arg5[%swap3A, %swap3A_8], %reshape3A {strides = array<i32>} : memref<1600x128xf32, #tpu.memory_space<vmem>>, vector<1600x128xf32>,
    %get3A_10 = arith.constant 0 : index
    %get3A_11 = arith.constant 0 : index
    %get3A_12 = vector.load %arg3[%get3A_10, %get3A_11] : memref<1600x128xf32, #tpu.memory_space<vmem>>, vector<1600x128xf32>
    %get3A_13 = arith.constant 0 : index
    %get3A_14 = arith.constant 0 : index
    %get3A_15 = vector.load %arg4[%get3A_13, %get3A_14] : memref<128x128xf32, #tpu.memory_space<vmem>>, vector<128x128xf32>
    %dot_general3A = arith.constant dense<0.000000e+00> : vector<1600x128xf32>
    %dot_general3A_16 = tpu.matmul %get3A_12, %get3A_15, %dot_general3A {dimension_numbers = #tpu.dot_dimension_numbers<[1], [0], [0], [1], [0, 0, 1, 1], [], []>, transpose_lhs_hint = false} : vector<1600x128xf32>, vector<128x128xf32>, vector<1600x128xf32> -> vector<1600x128xf32>
    %mul3A = arith.mulf %reshape3A, %dot_general3A_16 : vector<1600x128xf32>
    %reshape3A_17 = vector.shape_cast %mul3A : vector<1600x128xf32> to vector<204800xf32>
    %swap3A_18 = arith.constant 0 : index
    %swap3A_19 = vector.load %arg6[%swap3A_18] : memref<204800xf32, #tpu.memory_space<vmem>>, vector<204800xf32>
    tpu.vector_store %arg6[%swap3A_18], %reshape3A_17 {strides = array<i32>} : memref<204800xf32, #tpu.memory_space<vmem>>, vector<204800xf32>,
    return
  }
  func.func @transform_0(%arg0: i32) -> i32 {
    %c0_i32 = arith.constant 0 : i32
    return %arg0 : i32
  }
  func.func @transform_1(%arg0: i32) -> i32 {
    %add3A = arith.constant 8 : i32
    %add3A_0 = arith.addi %add3A, %arg0 : i32
    %c0_i32 = arith.constant 0 : i32
    return %add3A_0 : i32
  }
  func.func @transform_2(%arg0: i32) -> (i32, i32) {
    %c0_i32 = arith.constant 0 : i32
    %c0_i32_0 = arith.constant 0 : i32
    return %arg0, %c0_i32 : i32, i32
  }
  func.func @transform_3(%arg0: i32) -> (i32, i32) {
    %c0_i32 = arith.constant 0 : i32
    %c0_i32_0 = arith.constant 0 : i32
    %c0_i32_1 = arith.constant 0 : i32
    return %c0_i32, %c0_i32_0 : i32, i32
  }
  func.func @transform_4(%arg0: i32) -> (i32, i32) {
    %c0_i32 = arith.constant 0 : i32
    %c0_i32_0 = arith.constant 0 : i32
    return %arg0, %c0_i32 : i32, i32
  }
  func.func @transform_5(%arg0: i32) -> i32 {
    %c0_i32 = arith.constant 0 : i32
    return %arg0 : i32
  }
}

module attributes {stable_mosaic.version = 14 : i64} {
  func.func @_t2_body(%arg0: i32, %arg1: memref<204800xf32, #tpu.memory_space<vmem>>, %arg2: memref<204800xf32, #tpu.memory_space<vmem>>, %arg3: memref<204800xf32, #tpu.memory_space<vmem>>, %arg4: memref<1600x128xf32, #tpu.memory_space<vmem>>, %arg5: memref<1x128xf32, #tpu.memory_space<vmem>>, %arg6: memref<128x128xf32, #tpu.memory_space<vmem>>, %arg7: memref<204800xf32, #tpu.memory_space<vmem>>) attributes {dimension_semantics = [#tpu.dimension_semantics<arbitrary>], iteration_bounds = array<i64: 8>, scalar_prefetch = 0 : i64, scratch_operands = 0 : i64, tpu.core_type = #tpu.core_type<tc>, window_params = [{transform_indices = @transform_0, window_bounds = array<i64: 204800>}, {transform_indices = @transform_1, window_bounds = array<i64: 204800>}, {transform_indices = @transform_2, window_bounds = array<i64: 204800>}, {transform_indices = @transform_3, window_bounds = array<i64: 1600, 128>}, {pipeline_mode = #tpu.pipeline_mode<synchronous>, transform_indices = @transform_4, window_bounds = array<i64: 1, 128>}, {pipeline_mode = #tpu.pipeline_mode<synchronous>, transform_indices = @transform_5, window_bounds = array<i64: 128, 128>}, {transform_indices = @transform_6, window_bounds = array<i64: 204800>}]} {
    %get3A = arith.constant 0 : index
    %get3A_0 = arith.constant 0 : index
    %get3A_1 = vector.load %arg4[%get3A, %get3A_0] : memref<1600x128xf32, #tpu.memory_space<vmem>>, vector<1600x128xf32>
    %get3A_2 = arith.constant 0 : index
    %get3A_3 = vector.load %arg1[%get3A_2] : memref<204800xf32, #tpu.memory_space<vmem>>, vector<204800xf32>
    %get3A_4 = arith.constant 0 : index
    %get3A_5 = vector.load %arg2[%get3A_4] : memref<204800xf32, #tpu.memory_space<vmem>>, vector<204800xf32>
    %add3A = arith.addf %get3A_3, %get3A_5 : vector<204800xf32>
    %get3A_6 = arith.constant 0 : index
    %get3A_7 = vector.load %arg3[%get3A_6] : memref<204800xf32, #tpu.memory_space<vmem>>, vector<204800xf32>
    %mul3A = arith.constant 2.000000e+00 : f32
    %mul3A_8 = vector.broadcast %mul3A : f32 to vector<204800xf32>
    %mul3A_9 = arith.mulf %mul3A_8, %get3A_7 : vector<204800xf32>
    %add3A_10 = arith.addf %add3A, %mul3A_9 : vector<204800xf32>
    %reshape3A = vector.shape_cast %add3A_10 : vector<204800xf32> to vector<1600x128xf32>
    %mul3A_11 = arith.mulf %get3A_1, %reshape3A : vector<1600x128xf32>
    %get3A_12 = arith.constant 0 : index
    %get3A_13 = arith.constant 0 : index
    %get3A_14 = vector.load %arg5[%get3A_12, %get3A_13] : memref<1x128xf32, #tpu.memory_space<vmem>>, vector<1x128xf32>
    %add3A_15 = vector.broadcast %get3A_14 : vector<1x128xf32> to vector<1600x128xf32>
    %add3A_16 = arith.addf %mul3A_11, %add3A_15 : vector<1600x128xf32>
    %max3A = arith.constant 0.000000e+00 : f32
    %max3A_17 = vector.broadcast %max3A : f32 to vector<1600x128xf32>
    %max3A_18 = arith.maximumf %add3A_16, %max3A_17 : vector<1600x128xf32>
    %get3A_19 = arith.constant 0 : index
    %get3A_20 = arith.constant 0 : index
    %get3A_21 = vector.load %arg6[%get3A_19, %get3A_20] : memref<128x128xf32, #tpu.memory_space<vmem>>, vector<128x128xf32>
    %dot_general3A = arith.constant dense<0.000000e+00> : vector<1600x128xf32>
    %dot_general3A_22 = tpu.matmul %max3A_18, %get3A_21, %dot_general3A {dimension_numbers = #tpu.dot_dimension_numbers<[1], [0], [0], [1], [0, 0, 1, 1], [], []>, transpose_lhs_hint = false} : vector<1600x128xf32>, vector<128x128xf32>, vector<1600x128xf32> -> vector<1600x128xf32>
    %mul3A_23 = arith.mulf %get3A_1, %dot_general3A_22 : vector<1600x128xf32>
    %reshape3A_24 = vector.shape_cast %mul3A_23 : vector<1600x128xf32> to vector<204800xf32>
    %swap3A = arith.constant 0 : index
    %swap3A_25 = vector.load %arg7[%swap3A] : memref<204800xf32, #tpu.memory_space<vmem>>, vector<204800xf32>
    tpu.vector_store %arg7[%swap3A], %reshape3A_24 {strides = array<i32>} : memref<204800xf32, #tpu.memory_space<vmem>>, vector<204800xf32>,
    return
  }
  func.func @transform_0(%arg0: i32) -> i32 {
    %c0_i32 = arith.constant 0 : i32
    return %arg0 : i32
  }
  func.func @transform_1(%arg0: i32) -> i32 {
    %add3A = arith.constant 8 : i32
    %add3A_0 = arith.addi %add3A, %arg0 : i32
    %c0_i32 = arith.constant 0 : i32
    return %add3A_0 : i32
  }
  func.func @transform_2(%arg0: i32) -> i32 {
    %c0_i32 = arith.constant 0 : i32
    return %arg0 : i32
  }
  func.func @transform_3(%arg0: i32) -> (i32, i32) {
    %c0_i32 = arith.constant 0 : i32
    %c0_i32_0 = arith.constant 0 : i32
    return %arg0, %c0_i32 : i32, i32
  }
  func.func @transform_4(%arg0: i32) -> (i32, i32) {
    %c0_i32 = arith.constant 0 : i32
    %c0_i32_0 = arith.constant 0 : i32
    %c0_i32_1 = arith.constant 0 : i32
    return %c0_i32, %c0_i32_0 : i32, i32
  }
  func.func @transform_5(%arg0: i32) -> (i32, i32) {
    %c0_i32 = arith.constant 0 : i32
    %c0_i32_0 = arith.constant 0 : i32
    %c0_i32_1 = arith.constant 0 : i32
    return %c0_i32, %c0_i32_0 : i32, i32
  }
  func.func @transform_6(%arg0: i32) -> i32 {
    %c0_i32 = arith.constant 0 : i32
    return %arg0 : i32
  }
}

module attributes {stable_mosaic.version = 14 : i64} {
  func.func @_t3_body(%arg0: i32, %arg1: memref<204800xf32, #tpu.memory_space<vmem>>, %arg2: memref<204800xf32, #tpu.memory_space<vmem>>, %arg3: memref<204800xf32, #tpu.memory_space<vmem>>, %arg4: memref<1600x128xf32, #tpu.memory_space<vmem>>, %arg5: memref<1x128xf32, #tpu.memory_space<vmem>>, %arg6: memref<128x128xf32, #tpu.memory_space<vmem>>, %arg7: memref<204800xf32, #tpu.memory_space<vmem>>, %arg8: memref<1x128xf32, #tpu.memory_space<vmem>>) attributes {dimension_semantics = [#tpu.dimension_semantics<arbitrary>], iteration_bounds = array<i64: 8>, scalar_prefetch = 0 : i64, scratch_operands = 0 : i64, tpu.core_type = #tpu.core_type<tc>, window_params = [{transform_indices = @transform_0, window_bounds = array<i64: 204800>}, {transform_indices = @transform_1, window_bounds = array<i64: 204800>}, {transform_indices = @transform_2, window_bounds = array<i64: 204800>}, {transform_indices = @transform_3, window_bounds = array<i64: 1600, 128>}, {pipeline_mode = #tpu.pipeline_mode<synchronous>, transform_indices = @transform_4, window_bounds = array<i64: 1, 128>}, {pipeline_mode = #tpu.pipeline_mode<synchronous>, transform_indices = @transform_5, window_bounds = array<i64: 128, 128>}, {transform_indices = @transform_6, window_bounds = array<i64: 204800>}, {pipeline_mode = #tpu.pipeline_mode<synchronous>, transform_indices = @transform_7, window_bounds = array<i64: 1, 128>}]} {
    %get3A = arith.constant 0 : index
    %get3A_0 = arith.constant 0 : index
    %get3A_1 = vector.load %arg4[%get3A, %get3A_0] : memref<1600x128xf32, #tpu.memory_space<vmem>>, vector<1600x128xf32>
    %get3A_2 = arith.constant 0 : index
    %get3A_3 = vector.load %arg1[%get3A_2] : memref<204800xf32, #tpu.memory_space<vmem>>, vector<204800xf32>
    %get3A_4 = arith.constant 0 : index
    %get3A_5 = vector.load %arg2[%get3A_4] : memref<204800xf32, #tpu.memory_space<vmem>>, vector<204800xf32>
    %add3A = arith.addf %get3A_3, %get3A_5 : vector<204800xf32>
    %get3A_6 = arith.constant 0 : index
    %get3A_7 = vector.load %arg3[%get3A_6] : memref<204800xf32, #tpu.memory_space<vmem>>, vector<204800xf32>
    %mul3A = arith.constant 2.000000e+00 : f32
    %mul3A_8 = vector.broadcast %mul3A : f32 to vector<204800xf32>
    %mul3A_9 = arith.mulf %mul3A_8, %get3A_7 : vector<204800xf32>
    %add3A_10 = arith.addf %add3A, %mul3A_9 : vector<204800xf32>
    %reshape3A = vector.shape_cast %add3A_10 : vector<204800xf32> to vector<1600x128xf32>
    %mul3A_11 = arith.mulf %get3A_1, %reshape3A : vector<1600x128xf32>
    %get3A_12 = arith.constant 0 : index
    %get3A_13 = arith.constant 0 : index
    %get3A_14 = vector.load %arg5[%get3A_12, %get3A_13] : memref<1x128xf32, #tpu.memory_space<vmem>>, vector<1x128xf32>
    %add3A_15 = vector.broadcast %get3A_14 : vector<1x128xf32> to vector<1600x128xf32>
    %add3A_16 = arith.addf %mul3A_11, %add3A_15 : vector<1600x128xf32>
    %max3A = arith.constant 0.000000e+00 : f32
    %max3A_17 = vector.broadcast %max3A : f32 to vector<1600x128xf32>
    %max3A_18 = arith.maximumf %add3A_16, %max3A_17 : vector<1600x128xf32>
    %iota3A = tpu.iota {dimensions = array<i32: 0>} : vector<1600x128xi32>
    %mul3A_19 = arith.constant 1600 : i32
    %mul3A_20 = arith.muli %arg0, %mul3A_19 : i32
    %add3A_21 = vector.broadcast %mul3A_20 : i32 to vector<1600x128xi32>
    %add3A_22 = arith.addi %iota3A, %add3A_21 : vector<1600x128xi32>
    %iota3A_23 = tpu.iota {dimensions = array<i32: 1>} : vector<1600x128xi32>
    %mul3A_24 = arith.constant 8 : i32
    %mul3A_25 = vector.broadcast %mul3A_24 : i32 to vector<1600x128xi32>
    %mul3A_26 = arith.muli %add3A_22, %mul3A_25 : vector<1600x128xi32>
    %jit3A = arith.constant 16 : i32
    %div3A = vector.broadcast %jit3A : i32 to vector<1600x128xi32>
    %div3A_27 = arith.divsi %iota3A_23, %div3A : vector<1600x128xi32>
    %sign3A = arith.constant 0 : i32
    %sign3A_28 = vector.broadcast %sign3A : i32 to vector<1600x128xi32>
    %sign3A_29 = arith.cmpi sgt, %iota3A_23, %sign3A_28 : vector<1600x128xi32>
    %sign3A_30 = arith.extui %sign3A_29 : vector<1600x128xi1> to vector<1600x128xi32>
    %sign3A_31 = arith.constant 0 : i32
    %sign3A_32 = vector.broadcast %sign3A_31 : i32 to vector<1600x128xi32>
    %sign3A_33 = arith.cmpi slt, %iota3A_23, %sign3A_32 : vector<1600x128xi32>
    %sign3A_34 = arith.extui %sign3A_33 : vector<1600x128xi1> to vector<1600x128xi32>
    %sign3A_35 = arith.subi %sign3A_30, %sign3A_34 : vector<1600x128xi32>
    %sign3A_36 = arith.constant 0 : i32
    %sign3A_37 = arith.cmpi sgt, %jit3A, %sign3A_36 : i32
    %sign3A_38 = arith.extui %sign3A_37 : i1 to i32
    %sign3A_39 = arith.constant 0 : i32
    %sign3A_40 = arith.cmpi slt, %jit3A, %sign3A_39 : i32
    %sign3A_41 = arith.extui %sign3A_40 : i1 to i32
    %sign3A_42 = arith.subi %sign3A_38, %sign3A_41 : i32
    %ne3A = vector.broadcast %sign3A_42 : i32 to vector<1600x128xi32>
    %ne3A_43 = arith.cmpi ne, %sign3A_35, %ne3A : vector<1600x128xi32>
    %rem3A = vector.broadcast %jit3A : i32 to vector<1600x128xi32>
    %rem3A_44 = arith.remsi %iota3A_23, %rem3A : vector<1600x128xi32>
    %ne3A_45 = arith.constant 0 : i32
    %ne3A_46 = vector.broadcast %ne3A_45 : i32 to vector<1600x128xi32>
    %ne3A_47 = arith.cmpi ne, %rem3A_44, %ne3A_46 : vector<1600x128xi32>
    %and3A = arith.andi %ne3A_43, %ne3A_47 : vector<1600x128xi1>
    %sub3A = arith.constant 1 : i32
    %sub3A_48 = vector.broadcast %sub3A : i32 to vector<1600x128xi32>
    %sub3A_49 = arith.subi %div3A_27, %sub3A_48 : vector<1600x128xi32>
    %select_n3A = arith.select %and3A, %sub3A_49, %div3A_27 : vector<1600x128xi1>, vector<1600x128xi32>
    %add3A_50 = arith.addi %mul3A_26, %select_n3A : vector<1600x128xi32>
    %lt3A = arith.constant 100000 : i32
    %lt3A_51 = vector.broadcast %lt3A : i32 to vector<1600x128xi32>
    %lt3A_52 = arith.cmpi slt, %add3A_50, %lt3A_51 : vector<1600x128xi32>
    %jit3A_53 = arith.constant 0.000000e+00 : f32
    %broadcast_in_dim3A = vector.broadcast %jit3A_53 : f32 to vector<1600x128xf32>
    %select_n3A_54 = arith.select %lt3A_52, %max3A_18, %broadcast_in_dim3A : vector<1600x128xi1>, vector<1600x128xf32>
    %get3A_55 = arith.constant 0 : index
    %get3A_56 = arith.constant 0 : index
    %get3A_57 = vector.load %arg6[%get3A_55, %get3A_56] : memref<128x128xf32, #tpu.memory_space<vmem>>, vector<128x128xf32>
    %dot_general3A = arith.constant dense<0.000000e+00> : vector<1600x128xf32>
    %dot_general3A_58 = tpu.matmul %max3A_18, %get3A_57, %dot_general3A {dimension_numbers = #tpu.dot_dimension_numbers<[1], [0], [0], [1], [0, 0, 1, 1], [], []>, transpose_lhs_hint = false} : vector<1600x128xf32>, vector<128x128xf32>, vector<1600x128xf32> -> vector<1600x128xf32>
    %mul3A_59 = arith.mulf %get3A_1, %dot_general3A_58 : vector<1600x128xf32>
    %reshape3A_60 = vector.shape_cast %mul3A_59 : vector<1600x128xf32> to vector<204800xf32>
    %swap3A = arith.constant 0 : index
    %swap3A_61 = vector.load %arg7[%swap3A] : memref<204800xf32, #tpu.memory_space<vmem>>, vector<204800xf32>
    tpu.vector_store %arg7[%swap3A], %reshape3A_60 {strides = array<i32>} : memref<204800xf32, #tpu.memory_space<vmem>>, vector<204800xf32>,
    %eq3A = arith.constant 0 : i32
    %eq3A_62 = arith.cmpi eq, %arg0, %eq3A : i32
    %convert_element_type3A = arith.extui %eq3A_62 : i1 to i32
    %cond3A = arith.constant 0 : i32
    %cond3A_63 = arith.cmpi ne, %convert_element_type3A, %cond3A : i32
    scf.if %cond3A_63 {
      %broadcast_in_dim3A_73 = arith.constant 0.000000e+00 : f32
      %broadcast_in_dim3A_74 = vector.broadcast %broadcast_in_dim3A_73 : f32 to vector<1x128xf32>
      %swap3A_75 = arith.constant 0 : index
      %swap3A_76 = arith.constant 0 : index
      %swap3A_77 = vector.load %arg8[%swap3A_75, %swap3A_76] : memref<1x128xf32, #tpu.memory_space<vmem>>, vector<1x128xf32>
      tpu.vector_store %arg8[%swap3A_75, %swap3A_76], %broadcast_in_dim3A_74 {strides = array<i32>} : memref<1x128xf32, #tpu.memory_space<vmem>>, vector<1x128xf32>,
    } else {
    }
    %get3A_64 = arith.constant 0 : index
    %get3A_65 = arith.constant 0 : index
    %get3A_66 = vector.load %arg8[%get3A_64, %get3A_65] : memref<1x128xf32, #tpu.memory_space<vmem>>, vector<1x128xf32>
    %reduce_sum3A = arith.constant dense<0.000000e+00> : vector<128xf32>
    %reduce_sum3A_67 = vector.multi_reduction <add>, %select_n3A_54, %reduce_sum3A [0] : vector<1600x128xf32> to vector<128xf32>
    %broadcast_in_dim3A_68 = vector.shape_cast %reduce_sum3A_67 : vector<128xf32> to vector<1x128xf32>
    %add3A_69 = arith.addf %get3A_66, %broadcast_in_dim3A_68 : vector<1x128xf32>
    %swap3A_70 = arith.constant 0 : index
    %swap3A_71 = arith.constant 0 : index
    %swap3A_72 = vector.load %arg8[%swap3A_70, %swap3A_71] : memref<1x128xf32, #tpu.memory_space<vmem>>, vector<1x128xf32>
    tpu.vector_store %arg8[%swap3A_70, %swap3A_71], %add3A_69 {strides = array<i32>} : memref<1x128xf32, #tpu.memory_space<vmem>>, vector<1x128xf32>,
    return
  }
  func.func @transform_0(%arg0: i32) -> i32 {
    %c0_i32 = arith.constant 0 : i32
    return %arg0 : i32
  }
  func.func @transform_1(%arg0: i32) -> i32 {
    %add3A = arith.constant 8 : i32
    %add3A_0 = arith.addi %add3A, %arg0 : i32
    %c0_i32 = arith.constant 0 : i32
    return %add3A_0 : i32
  }
  func.func @transform_2(%arg0: i32) -> i32 {
    %c0_i32 = arith.constant 0 : i32
    return %arg0 : i32
  }
  func.func @transform_3(%arg0: i32) -> (i32, i32) {
    %c0_i32 = arith.constant 0 : i32
    %c0_i32_0 = arith.constant 0 : i32
    return %arg0, %c0_i32 : i32, i32
  }
  func.func @transform_4(%arg0: i32) -> (i32, i32) {
    %c0_i32 = arith.constant 0 : i32
    %c0_i32_0 = arith.constant 0 : i32
    %c0_i32_1 = arith.constant 0 : i32
    return %c0_i32, %c0_i32_0 : i32, i32
  }
  func.func @transform_5(%arg0: i32) -> (i32, i32) {
    %c0_i32 = arith.constant 0 : i32
    %c0_i32_0 = arith.constant 0 : i32
    %c0_i32_1 = arith.constant 0 : i32
    return %c0_i32, %c0_i32_0 : i32, i32
  }
  func.func @transform_6(%arg0: i32) -> i32 {
    %c0_i32 = arith.constant 0 : i32
    return %arg0 : i32
  }
  func.func @transform_7(%arg0: i32) -> (i32, i32) {
    %c0_i32 = arith.constant 0 : i32
    %c0_i32_0 = arith.constant 0 : i32
    %c0_i32_1 = arith.constant 0 : i32
    return %c0_i32, %c0_i32_0 : i32, i32
  }
}

module attributes {stable_mosaic.version = 14 : i64} {
  func.func @_ke_body(%arg0: i32, %arg1: memref<200x128xf32, #tpu.memory_space<vmem>>, %arg2: memref<1x1xf32, #tpu.memory_space<vmem>>, %arg3: memref<200x128xf32, #tpu.memory_space<vmem>>, %arg4: memref<1x1xf32, #tpu.memory_space<vmem>>) attributes {dimension_semantics = [#tpu.dimension_semantics<arbitrary>], iteration_bounds = array<i64: 4>, scalar_prefetch = 0 : i64, scratch_operands = 0 : i64, tpu.core_type = #tpu.core_type<tc>, window_params = [{transform_indices = @transform_0, window_bounds = array<i64: 200, 128>}, {pipeline_mode = #tpu.pipeline_mode<synchronous>, transform_indices = @transform_1, window_bounds = array<i64: 1, 1>}, {transform_indices = @transform_2, window_bounds = array<i64: 200, 128>}, {pipeline_mode = #tpu.pipeline_mode<synchronous>, transform_indices = @transform_3, window_bounds = array<i64: 1, 1>}]} {
    %get3A = arith.constant 0 : index
    %get3A_0 = arith.constant 0 : index
    %get3A_1 = vector.load %arg1[%get3A, %get3A_0] : memref<200x128xf32, #tpu.memory_space<vmem>>, vector<200x128xf32>
    %get3A_2 = arith.constant 0 : index
    %get3A_3 = arith.constant 0 : index
    %get3A_4 = vector.load %arg2[%get3A_2, %get3A_3] : memref<1x1xf32, #tpu.memory_space<vmem>>, vector<1x1xf32>
    %sub3A = vector.broadcast %get3A_4 : vector<1x1xf32> to vector<200x128xf32>
    %sub3A_5 = arith.subf %get3A_1, %sub3A : vector<200x128xf32>
    %exp3A = math.exp %sub3A_5 : vector<200x128xf32>
    %swap3A = arith.constant 0 : index
    %swap3A_6 = arith.constant 0 : index
    %swap3A_7 = vector.load %arg3[%swap3A, %swap3A_6] : memref<200x128xf32, #tpu.memory_space<vmem>>, vector<200x128xf32>
    tpu.vector_store %arg3[%swap3A, %swap3A_6], %exp3A {strides = array<i32>} : memref<200x128xf32, #tpu.memory_space<vmem>>, vector<200x128xf32>,
    %eq3A = arith.constant 0 : i32
    %eq3A_8 = arith.cmpi eq, %arg0, %eq3A : i32
    %convert_element_type3A = arith.extui %eq3A_8 : i1 to i32
    %cond3A = arith.constant 0 : i32
    %cond3A_9 = arith.cmpi ne, %convert_element_type3A, %cond3A : i32
    scf.if %cond3A_9 {
      %broadcast_in_dim3A_20 = arith.constant 0.000000e+00 : f32
      %broadcast_in_dim3A_21 = vector.broadcast %broadcast_in_dim3A_20 : f32 to vector<1x1xf32>
      %swap3A_22 = arith.constant 0 : index
      %swap3A_23 = arith.constant 0 : index
      %swap3A_24 = vector.load %arg4[%swap3A_22, %swap3A_23] : memref<1x1xf32, #tpu.memory_space<vmem>>, vector<1x1xf32>
      tpu.vector_store %arg4[%swap3A_22, %swap3A_23], %broadcast_in_dim3A_21 {strides = array<i32>} : memref<1x1xf32, #tpu.memory_space<vmem>>, vector<1x1xf32>,
    } else {
    }
    %get3A_10 = arith.constant 0 : index
    %get3A_11 = arith.constant 0 : index
    %get3A_12 = vector.load %arg4[%get3A_10, %get3A_11] : memref<1x1xf32, #tpu.memory_space<vmem>>, vector<1x1xf32>
    %reduce_sum3A = vector.shape_cast %exp3A : vector<200x128xf32> to vector<1x200x128xf32>
    %reduce_sum3A_13 = arith.constant dense<0.000000e+00> : vector<1xf32>
    %reduce_sum3A_14 = vector.multi_reduction <add>, %reduce_sum3A, %reduce_sum3A_13 [1, 2] : vector<1x200x128xf32> to vector<1xf32>
    %reduce_sum3A_15 = vector.shape_cast %reduce_sum3A_14 : vector<1xf32> to vector<1x1x1xf32>
    %reduce_sum3A_16 = vector.extract %reduce_sum3A_15[0, 0, 0] : f32 from vector<1x1x1xf32>
    %broadcast_in_dim3A = vector.broadcast %reduce_sum3A_16 : f32 to vector<1x1xf32>
    %add3A = arith.addf %get3A_12, %broadcast_in_dim3A : vector<1x1xf32>
    %swap3A_17 = arith.constant 0 : index
    %swap3A_18 = arith.constant 0 : index
    %swap3A_19 = vector.load %arg4[%swap3A_17, %swap3A_18] : memref<1x1xf32, #tpu.memory_space<vmem>>, vector<1x1xf32>
    tpu.vector_store %arg4[%swap3A_17, %swap3A_18], %add3A {strides = array<i32>} : memref<1x1xf32, #tpu.memory_space<vmem>>, vector<1x1xf32>,
    return
  }
  func.func @transform_0(%arg0: i32) -> (i32, i32) {
    %c0_i32 = arith.constant 0 : i32
    %c0_i32_0 = arith.constant 0 : i32
    return %arg0, %c0_i32 : i32, i32
  }
  func.func @transform_1(%arg0: i32) -> (i32, i32) {
    %c0_i32 = arith.constant 0 : i32
    %c0_i32_0 = arith.constant 0 : i32
    %c0_i32_1 = arith.constant 0 : i32
    return %c0_i32, %c0_i32_0 : i32, i32
  }
  func.func @transform_2(%arg0: i32) -> (i32, i32) {
    %c0_i32 = arith.constant 0 : i32
    %c0_i32_0 = arith.constant 0 : i32
    return %arg0, %c0_i32 : i32, i32
  }
  func.func @transform_3(%arg0: i32) -> (i32, i32) {
    %c0_i32 = arith.constant 0 : i32
    %c0_i32_0 = arith.constant 0 : i32
    %c0_i32_1 = arith.constant 0 : i32
    return %c0_i32, %c0_i32_0 : i32, i32
  }
}

module attributes {stable_mosaic.version = 14 : i64} {
  func.func @_kf_body(%arg0: i32, %arg1: memref<200x128xf32, #tpu.memory_space<vmem>>, %arg2: memref<1x1xf32, #tpu.memory_space<vmem>>, %arg3: memref<200x128xi32, #tpu.memory_space<vmem>>, %arg4: memref<1x128xf32, #tpu.memory_space<vmem>>, %arg5: memref<1x128xf32, #tpu.memory_space<vmem>>, %arg6: memref<1x1xf32, #tpu.memory_space<vmem>>, %arg7: memref<200x128xf32, #tpu.memory_space<vmem>>, %arg8: memref<1x1xf32, #tpu.memory_space<vmem>>) attributes {dimension_semantics = [#tpu.dimension_semantics<arbitrary>], iteration_bounds = array<i64: 4>, scalar_prefetch = 0 : i64, scratch_operands = 0 : i64, tpu.core_type = #tpu.core_type<tc>, window_params = [{transform_indices = @transform_0, window_bounds = array<i64: 200, 128>}, {pipeline_mode = #tpu.pipeline_mode<synchronous>, transform_indices = @transform_1, window_bounds = array<i64: 1, 1>}, {transform_indices = @transform_2, window_bounds = array<i64: 200, 128>}, {pipeline_mode = #tpu.pipeline_mode<synchronous>, transform_indices = @transform_3, window_bounds = array<i64: 1, 128>}, {pipeline_mode = #tpu.pipeline_mode<synchronous>, transform_indices = @transform_4, window_bounds = array<i64: 1, 128>}, {pipeline_mode = #tpu.pipeline_mode<synchronous>, transform_indices = @transform_5, window_bounds = array<i64: 1, 1>}, {transform_indices = @transform_6, window_bounds = array<i64: 200, 128>}, {pipeline_mode = #tpu.pipeline_mode<synchronous>, transform_indices = @transform_7, window_bounds = array<i64: 1, 1>}]} {
    %get3A = arith.constant 0 : index
    %get3A_0 = arith.constant 0 : index
    %get3A_1 = vector.load %arg1[%get3A, %get3A_0] : memref<200x128xf32, #tpu.memory_space<vmem>>, vector<200x128xf32>
    %get3A_2 = arith.constant 0 : index
    %get3A_3 = arith.constant 0 : index
    %get3A_4 = vector.load %arg2[%get3A_2, %get3A_3] : memref<1x1xf32, #tpu.memory_space<vmem>>, vector<1x1xf32>
    %div3A = vector.broadcast %get3A_4 : vector<1x1xf32> to vector<200x128xf32>
    %div3A_5 = arith.divf %get3A_1, %div3A : vector<200x128xf32>
    %get3A_6 = arith.constant 0 : index
    %get3A_7 = arith.constant 0 : index
    %get3A_8 = vector.load %arg3[%get3A_6, %get3A_7] : memref<200x128xi32, #tpu.memory_space<vmem>>, vector<200x128xi32>
    %get3A_9 = arith.constant dense<0> : vector<200x128xi32>
    %get3A_10 = arith.cmpi ne, %get3A_8, %get3A_9 : vector<200x128xi32>
    %jit3A = arith.constant 0.000000e+00 : f32
    %broadcast_in_dim3A = vector.broadcast %jit3A : f32 to vector<200x128xf32>
    %select_n3A = arith.select %get3A_10, %div3A_5, %broadcast_in_dim3A : vector<200x128xi1>, vector<200x128xf32>
    %swap3A = arith.constant 0 : index
    %swap3A_11 = arith.constant 0 : index
    %swap3A_12 = vector.load %arg7[%swap3A, %swap3A_11] : memref<200x128xf32, #tpu.memory_space<vmem>>, vector<200x128xf32>
    tpu.vector_store %arg7[%swap3A, %swap3A_11], %select_n3A {strides = array<i32>} : memref<200x128xf32, #tpu.memory_space<vmem>>, vector<200x128xf32>,
    %eq3A = arith.constant 0 : i32
    %eq3A_13 = arith.cmpi eq, %arg0, %eq3A : i32
    %convert_element_type3A = arith.extui %eq3A_13 : i1 to i32
    %cond3A = arith.constant 0 : i32
    %cond3A_14 = arith.cmpi ne, %convert_element_type3A, %cond3A : i32
    scf.if %cond3A_14 {
      %get3A_15 = arith.constant 0 : index
      %get3A_16 = arith.constant 0 : index
      %get3A_17 = vector.load %arg4[%get3A_15, %get3A_16] : memref<1x128xf32, #tpu.memory_space<vmem>>, vector<1x128xf32>
      %get3A_18 = arith.constant 0 : index
      %get3A_19 = arith.constant 0 : index
      %get3A_20 = vector.load %arg5[%get3A_18, %get3A_19] : memref<1x128xf32, #tpu.memory_space<vmem>>, vector<1x128xf32>
      %mul3A = arith.mulf %get3A_17, %get3A_20 : vector<1x128xf32>
      %reduce_sum3A = vector.shape_cast %mul3A : vector<1x128xf32> to vector<1x1x128xf32>
      %reduce_sum3A_21 = arith.constant dense<0.000000e+00> : vector<1xf32>
      %reduce_sum3A_22 = vector.multi_reduction <add>, %reduce_sum3A, %reduce_sum3A_21 [1, 2] : vector<1x1x128xf32> to vector<1xf32>
      %reduce_sum3A_23 = vector.shape_cast %reduce_sum3A_22 : vector<1xf32> to vector<1x1x1xf32>
      %reduce_sum3A_24 = vector.extract %reduce_sum3A_23[0, 0, 0] : f32 from vector<1x1x1xf32>
      %broadcast_in_dim3A_25 = vector.broadcast %reduce_sum3A_24 : f32 to vector<1x1xf32>
      %mul3A_26 = arith.constant 9.99999974E-6 : f32
      %mul3A_27 = vector.broadcast %mul3A_26 : f32 to vector<1x1xf32>
      %mul3A_28 = arith.mulf %broadcast_in_dim3A_25, %mul3A_27 : vector<1x1xf32>
      %get3A_29 = arith.constant 0 : index
      %get3A_30 = arith.constant 0 : index
      %get3A_31 = vector.load %arg6[%get3A_29, %get3A_30] : memref<1x1xf32, #tpu.memory_space<vmem>>, vector<1x1xf32>
      %add3A = arith.addf %mul3A_28, %get3A_31 : vector<1x1xf32>
      %swap3A_32 = arith.constant 0 : index
      %swap3A_33 = arith.constant 0 : index
      %swap3A_34 = vector.load %arg8[%swap3A_32, %swap3A_33] : memref<1x1xf32, #tpu.memory_space<vmem>>, vector<1x1xf32>
      tpu.vector_store %arg8[%swap3A_32, %swap3A_33], %add3A {strides = array<i32>} : memref<1x1xf32, #tpu.memory_space<vmem>>, vector<1x1xf32>,
    } else {
    }
    return
  }
  func.func @transform_0(%arg0: i32) -> (i32, i32) {
    %c0_i32 = arith.constant 0 : i32
    %c0_i32_0 = arith.constant 0 : i32
    return %arg0, %c0_i32 : i32, i32
  }
  func.func @transform_1(%arg0: i32) -> (i32, i32) {
    %c0_i32 = arith.constant 0 : i32
    %c0_i32_0 = arith.constant 0 : i32
    %c0_i32_1 = arith.constant 0 : i32
    return %c0_i32, %c0_i32_0 : i32, i32
  }
  func.func @transform_2(%arg0: i32) -> (i32, i32) {
    %c0_i32 = arith.constant 0 : i32
    %c0_i32_0 = arith.constant 0 : i32
    return %arg0, %c0_i32 : i32, i32
  }
  func.func @transform_3(%arg0: i32) -> (i32, i32) {
    %c0_i32 = arith.constant 0 : i32
    %c0_i32_0 = arith.constant 0 : i32
    %c0_i32_1 = arith.constant 0 : i32
    return %c0_i32, %c0_i32_0 : i32, i32
  }
  func.func @transform_4(%arg0: i32) -> (i32, i32) {
    %c0_i32 = arith.constant 0 : i32
    %c0_i32_0 = arith.constant 0 : i32
    %c0_i32_1 = arith.constant 0 : i32
    return %c0_i32, %c0_i32_0 : i32, i32
  }
  func.func @transform_5(%arg0: i32) -> (i32, i32) {
    %c0_i32 = arith.constant 0 : i32
    %c0_i32_0 = arith.constant 0 : i32
    %c0_i32_1 = arith.constant 0 : i32
    return %c0_i32, %c0_i32_0 : i32, i32
  }
  func.func @transform_6(%arg0: i32) -> (i32, i32) {
    %c0_i32 = arith.constant 0 : i32
    %c0_i32_0 = arith.constant 0 : i32
    return %arg0, %c0_i32 : i32, i32
  }
  func.func @transform_7(%arg0: i32) -> (i32, i32) {
    %c0_i32 = arith.constant 0 : i32
    %c0_i32_0 = arith.constant 0 : i32
    %c0_i32_1 = arith.constant 0 : i32
    return %c0_i32, %c0_i32_0 : i32, i32
  }
}

module attributes {stable_mosaic.version = 14 : i64} {
  func.func @_kc_body(%arg0: i32, %arg1: memref<200x128xf32, #tpu.memory_space<vmem>>, %arg2: memref<200x128xf32, #tpu.memory_space<vmem>>, %arg3: memref<200x128xf32, #tpu.memory_space<vmem>>, %arg4: memref<200x128xf32, #tpu.memory_space<vmem>>, %arg5: memref<200x128xf32, #tpu.memory_space<vmem>>, %arg6: memref<1x1xf32, #tpu.memory_space<vmem>>, %arg7: memref<200x128xi32, #tpu.memory_space<vmem>>, %arg8: memref<200x128xf32, #tpu.memory_space<vmem>>, %arg9: memref<1x1xf32, #tpu.memory_space<vmem>>) attributes {dimension_semantics = [#tpu.dimension_semantics<arbitrary>], iteration_bounds = array<i64: 4>, scalar_prefetch = 0 : i64, scratch_operands = 0 : i64, tpu.core_type = #tpu.core_type<tc>, window_params = [{transform_indices = @transform_0, window_bounds = array<i64: 200, 128>}, {transform_indices = @transform_1, window_bounds = array<i64: 200, 128>}, {transform_indices = @transform_2, window_bounds = array<i64: 200, 128>}, {transform_indices = @transform_3, window_bounds = array<i64: 200, 128>}, {transform_indices = @transform_4, window_bounds = array<i64: 200, 128>}, {pipeline_mode = #tpu.pipeline_mode<synchronous>, transform_indices = @transform_5, window_bounds = array<i64: 1, 1>}, {transform_indices = @transform_6, window_bounds = array<i64: 200, 128>}, {transform_indices = @transform_7, window_bounds = array<i64: 200, 128>}, {pipeline_mode = #tpu.pipeline_mode<synchronous>, transform_indices = @transform_8, window_bounds = array<i64: 1, 1>}]} {
    %get3A = arith.constant 0 : index
    %get3A_0 = arith.constant 0 : index
    %get3A_1 = vector.load %arg4[%get3A, %get3A_0] : memref<200x128xf32, #tpu.memory_space<vmem>>, vector<200x128xf32>
    %get3A_2 = arith.constant 0 : index
    %get3A_3 = arith.constant 0 : index
    %get3A_4 = vector.load %arg5[%get3A_2, %get3A_3] : memref<200x128xf32, #tpu.memory_space<vmem>>, vector<200x128xf32>
    %add3A = arith.addf %get3A_1, %get3A_4 : vector<200x128xf32>
    %add3A_5 = arith.constant 2.000000e+00 : f32
    %add3A_6 = vector.broadcast %add3A_5 : f32 to vector<200x128xf32>
    %add3A_7 = arith.addf %add3A, %add3A_6 : vector<200x128xf32>
    %gt3A = arith.constant 0.000000e+00 : f32
    %gt3A_8 = vector.broadcast %gt3A : f32 to vector<200x128xf32>
    %gt3A_9 = arith.cmpf ogt, %add3A_7, %gt3A_8 : vector<200x128xf32>
    %rsqrt3A = math.rsqrt %add3A_7 : vector<200x128xf32>
    %jit3A = arith.constant 0.000000e+00 : f32
    %broadcast_in_dim3A = vector.broadcast %jit3A : f32 to vector<200x128xf32>
    %select_n3A = arith.select %gt3A_9, %rsqrt3A, %broadcast_in_dim3A : vector<200x128xi1>, vector<200x128xf32>
    %get3A_10 = arith.constant 0 : index
    %get3A_11 = arith.constant 0 : index
    %get3A_12 = vector.load %arg1[%get3A_10, %get3A_11] : memref<200x128xf32, #tpu.memory_space<vmem>>, vector<200x128xf32>
    %get3A_13 = arith.constant 0 : index
    %get3A_14 = arith.constant 0 : index
    %get3A_15 = vector.load %arg2[%get3A_13, %get3A_14] : memref<200x128xf32, #tpu.memory_space<vmem>>, vector<200x128xf32>
    %add3A_16 = arith.addf %get3A_12, %get3A_15 : vector<200x128xf32>
    %get3A_17 = arith.constant 0 : index
    %get3A_18 = arith.constant 0 : index
    %get3A_19 = vector.load %arg3[%get3A_17, %get3A_18] : memref<200x128xf32, #tpu.memory_space<vmem>>, vector<200x128xf32>
    %mul3A = arith.constant 2.000000e+00 : f32
    %mul3A_20 = vector.broadcast %mul3A : f32 to vector<200x128xf32>
    %mul3A_21 = arith.mulf %mul3A_20, %get3A_19 : vector<200x128xf32>
    %add3A_22 = arith.addf %add3A_16, %mul3A_21 : vector<200x128xf32>
    %mul3A_23 = arith.mulf %select_n3A, %add3A_22 : vector<200x128xf32>
    %get3A_24 = arith.constant 0 : index
    %get3A_25 = arith.constant 0 : index
    %get3A_26 = vector.load %arg6[%get3A_24, %get3A_25] : memref<1x1xf32, #tpu.memory_space<vmem>>, vector<1x1xf32>
    %add3A_27 = vector.broadcast %get3A_26 : vector<1x1xf32> to vector<200x128xf32>
    %add3A_28 = arith.addf %mul3A_23, %add3A_27 : vector<200x128xf32>
    %get3A_29 = arith.constant 0 : index
    %get3A_30 = arith.constant 0 : index
    %get3A_31 = vector.load %arg7[%get3A_29, %get3A_30] : memref<200x128xi32, #tpu.memory_space<vmem>>, vector<200x128xi32>
    %get3A_32 = arith.constant dense<0> : vector<200x128xi32>
    %get3A_33 = arith.cmpi ne, %get3A_31, %get3A_32 : vector<200x128xi32>
    %jit3A_34 = arith.constant -1.000000e+09 : f32
    %broadcast_in_dim3A_35 = vector.broadcast %jit3A_34 : f32 to vector<200x128xf32>
    %select_n3A_36 = arith.select %get3A_33, %add3A_28, %broadcast_in_dim3A_35 : vector<200x128xi1>, vector<200x128xf32>
    %swap3A = arith.constant 0 : index
    %swap3A_37 = arith.constant 0 : index
    %swap3A_38 = vector.load %arg8[%swap3A, %swap3A_37] : memref<200x128xf32, #tpu.memory_space<vmem>>, vector<200x128xf32>
    tpu.vector_store %arg8[%swap3A, %swap3A_37], %select_n3A_36 {strides = array<i32>} : memref<200x128xf32, #tpu.memory_space<vmem>>, vector<200x128xf32>,
    %eq3A = arith.constant 0 : i32
    %eq3A_39 = arith.cmpi eq, %arg0, %eq3A : i32
    %convert_element_type3A = arith.extui %eq3A_39 : i1 to i32
    %cond3A = arith.constant 0 : i32
    %cond3A_40 = arith.cmpi ne, %convert_element_type3A, %cond3A : i32
    scf.if %cond3A_40 {
      %broadcast_in_dim3A_52 = arith.constant -3.000000e+38 : f32
      %broadcast_in_dim3A_53 = vector.broadcast %broadcast_in_dim3A_52 : f32 to vector<1x1xf32>
      %swap3A_54 = arith.constant 0 : index
      %swap3A_55 = arith.constant 0 : index
      %swap3A_56 = vector.load %arg9[%swap3A_54, %swap3A_55] : memref<1x1xf32, #tpu.memory_space<vmem>>, vector<1x1xf32>
      tpu.vector_store %arg9[%swap3A_54, %swap3A_55], %broadcast_in_dim3A_53 {strides = array<i32>} : memref<1x1xf32, #tpu.memory_space<vmem>>, vector<1x1xf32>,
    } else {
    }
    %get3A_41 = arith.constant 0 : index
    %get3A_42 = arith.constant 0 : index
    %get3A_43 = vector.load %arg9[%get3A_41, %get3A_42] : memref<1x1xf32, #tpu.memory_space<vmem>>, vector<1x1xf32>
    %reduce_max3A = vector.shape_cast %select_n3A_36 : vector<200x128xf32> to vector<1x200x128xf32>
    %reduce_max3A_44 = arith.constant dense<0xFF800000> : vector<1xf32>
    %reduce_max3A_45 = vector.multi_reduction <maximumf>, %reduce_max3A, %reduce_max3A_44 [1, 2] : vector<1x200x128xf32> to vector<1xf32>
    %reduce_max3A_46 = vector.shape_cast %reduce_max3A_45 : vector<1xf32> to vector<1x1x1xf32>
    %reduce_max3A_47 = vector.extract %reduce_max3A_46[0, 0, 0] : f32 from vector<1x1x1xf32>
    %broadcast_in_dim3A_48 = vector.broadcast %reduce_max3A_47 : f32 to vector<1x1xf32>
    %max3A = arith.maximumf %get3A_43, %broadcast_in_dim3A_48 : vector<1x1xf32>
    %swap3A_49 = arith.constant 0 : index
    %swap3A_50 = arith.constant 0 : index
    %swap3A_51 = vector.load %arg9[%swap3A_49, %swap3A_50] : memref<1x1xf32, #tpu.memory_space<vmem>>, vector<1x1xf32>
    tpu.vector_store %arg9[%swap3A_49, %swap3A_50], %max3A {strides = array<i32>} : memref<1x1xf32, #tpu.memory_space<vmem>>, vector<1x1xf32>,
    return
  }
  func.func @transform_0(%arg0: i32) -> (i32, i32) {
    %c0_i32 = arith.constant 0 : i32
    %c0_i32_0 = arith.constant 0 : i32
    return %arg0, %c0_i32 : i32, i32
  }
  func.func @transform_1(%arg0: i32) -> (i32, i32) {
    %c0_i32 = arith.constant 0 : i32
    %c0_i32_0 = arith.constant 0 : i32
    return %arg0, %c0_i32 : i32, i32
  }
  func.func @transform_2(%arg0: i32) -> (i32, i32) {
    %c0_i32 = arith.constant 0 : i32
    %c0_i32_0 = arith.constant 0 : i32
    return %arg0, %c0_i32 : i32, i32
  }
  func.func @transform_3(%arg0: i32) -> (i32, i32) {
    %c0_i32 = arith.constant 0 : i32
    %c0_i32_0 = arith.constant 0 : i32
    return %arg0, %c0_i32 : i32, i32
  }
  func.func @transform_4(%arg0: i32) -> (i32, i32) {
    %c0_i32 = arith.constant 0 : i32
    %c0_i32_0 = arith.constant 0 : i32
    return %arg0, %c0_i32 : i32, i32
  }
  func.func @transform_5(%arg0: i32) -> (i32, i32) {
    %c0_i32 = arith.constant 0 : i32
    %c0_i32_0 = arith.constant 0 : i32
    %c0_i32_1 = arith.constant 0 : i32
    return %c0_i32, %c0_i32_0 : i32, i32
  }
  func.func @transform_6(%arg0: i32) -> (i32, i32) {
    %c0_i32 = arith.constant 0 : i32
    %c0_i32_0 = arith.constant 0 : i32
    return %arg0, %c0_i32 : i32, i32
  }
  func.func @transform_7(%arg0: i32) -> (i32, i32) {
    %c0_i32 = arith.constant 0 : i32
    %c0_i32_0 = arith.constant 0 : i32
    return %arg0, %c0_i32 : i32, i32
  }
  func.func @transform_8(%arg0: i32) -> (i32, i32) {
    %c0_i32 = arith.constant 0 : i32
    %c0_i32_0 = arith.constant 0 : i32
    %c0_i32_1 = arith.constant 0 : i32
    return %c0_i32, %c0_i32_0 : i32, i32
  }
}

</mosaic_0001>

<sc_bundles>
// kernel: _run.12.cloned.1.call-start
scs
__scs_entry_jumppad:
0x0: {  	(pc) =	sbr.rel $0x88, $3  }
0x1: {  	(tag) =	ssettag $0x0;
	lr =	simm.s32 $0x1  }
0x2: {  	[smem:$0x3F95] =	sst lr;
	_ =	strace $0xD0000000  }
0x3: {  	_ = 	snop  }
0x4: {  	_ = 	snop  }
0x5: {  	_ = 	snop  }
0x6: {  	_ = 	snop  }
0x7: {  	_ = 	snop  }
__scs_overlays_trampoline_lowered:
0x8: {  	[smem:$0x3FA4] =	sst s0  }
0x9: {  	[smem:$0x3FA5] =	sst s1  }
0xa: {  	[smem:$0x3FA6] =	sst s2  }
0xb: {  	[smem:$0x3FA7] =	sst s3  }
0xc: {  	[smem:$0x3FA8] =	sst s4  }
0xd: {  	[smem:$0x3FA9] =	sst s5  }
0xe: {  	[smem:$0x3FAA] =	sst s6  }
0xf: {  	[smem:$0x3FAB] =	sst s7  }
0x10: {  	[smem:$0x3FAC] =	sst s8  }
0x11: {  	[smem:$0x3FAD] =	sst s9;
	s0 =	simm.s32 @!p0 $0x0  }
0x12: {  	s1 =	sld [smem:$0x3F93];
	s0 =	simm.s32 @p0 $0x1  }
0x13: {  	[smem:$0x3FAE] =	sst s0;
	s0 =	simm.s32 @!p1 $0x0  }
0x14: {  	s2 =	sld [smem:$0x3F92];
	s0 =	simm.s32 @p1 $0x1  }
0x15: {  	[smem:$0x3FAF] =	sst s0;
	s0 =	simm.s32 @!p2 $0x0  }
0x16: {  	s3 =	sld [smem:$0x3FDB];
	s0 =	simm.s32 @p2 $0x1  }
0x17: {  	s4 =	simm.s32 $0x1BF5;
	[smem:$0x3FB1] =	sst s0  }
0x18: {  	s0 =	sld [smem:$0x3F94];
	_ =	swait.ge [sflag:s4], $0x0  }
0x19: {  	s7 =	sld [smem:$0x3F95]  }
0x1a: {  	s8 =	sadd.s32 $0xFFFFE003, lr  }
0x1b: {  	s9 =	sadd.s32 $0xFFFFFEF7, lr;
	s5 =	simm.s32 $0xFFFFFFFF;
	p2 =	slt.u32 s8, $0xFFFFF086  }
0x1c: {  	p1 =	slt.u32 s9, $0xF7A;
	s5 =	simm.s32 @!p2 $0x0  }
0x1d: {  	s5 =	simm.s32 @p1 $0x1;
	p0 =	seq.s32 s7, s2  }
0x1e: {  	s7 =	smul.u32 @!p0 $0xF7A, s2;
	p2 =	seq.s32 @!p0 s5, $0x0  }
0x1f: {  	s9 =	smul.u32 $0xF7A, s1;
	s8 =	simm.s32 @!p0 $0x1BF5;
	p2 =	por !p2, p0  }
0x20: {  	[sflag:s8] =	ssyncset.s32 @!p0 $0xFFFFF086;
	s6 =	sadd.s32 @!p0 s3, s7;
	s7 =	simm.s32 @!p0 $0x108  }
0x21: {  	s3 =	sadd.s32 s3, s9;
	s6 =	sadd.s32 @!p0 $0x88, s6;
	s7 =	simm.s32 @p2 $0x1082  }
0x22: {  	[simem:s7], [sflag:s8] =	dma.local @!p0 [hbm:s6], $0xF7A  }
0x23: {  	s9 =	sor.u32 $0xD0000000, s2;
	s6 =	simm.s32 $0x108;
	_ =	swait.ge @!p0 [sflag:s8], $0x0  }
0x24: {  	s3 =	sadd.s32 $0x88, s3;
	s6 =	simm.s32 @!p1 $0x1082;
	[sflag:s4] =	ssyncset.s32 $0xFFFFF086  }
0x25: {  	[simem:s6], [sflag:s4] =	dma.local [hbm:s3], $0xF7A  }
0x26: {  	[smem:$0x3F95] =	sst s1;
	(tag) =	ssettag s2;
	_ =	strace s9  }
0x27: {  	s1 =	sld [smem:$0x3FA5]  }
0x28: {  	s2 =	sld [smem:$0x3FA6]  }
0x29: {  	s4 =	sld [smem:$0x3FA8]  }
0x2a: {  	p0 =	seq.s32 s5, $0x0;
	s5 =	sld [smem:$0x3FA9]  }
0x2b: {  	s6 =	sld [smem:$0x3FAA]  }
0x2c: {  	s7 =	sld [smem:$0x3FAB]  }
0x2d: {  	s3 =	simm.s32 $0x108;
	s8 =	sld [smem:$0x3FAC]  }
0x2e: {  	s3 =	simm.s32 @!p0 $0x1082;
	s9 =	sld [smem:$0x3FAD]  }
0x2f: {  	lr =	sadd.s32 s0, s3;
	s0 =	sld [smem:$0x3FA4]  }
0x30: {  	s3 =	sld [smem:$0x3FA7]  }
0x31: {  	[smem:$0x3FB0] =	sst s10  }
0x32: {  	s10 =	sld [smem:$0x3FAE];
	_ =	sdelay $0x3  }
0x33: {  	p0 =	seq.s32 s10, $0x1;
	s10 =	sld [smem:$0x3FB0];
	_ =	sdelay $0x3  }
0x34: {  	[smem:$0x3FB0] =	sst s10  }
0x35: {  	s10 =	sld [smem:$0x3FAF];
	_ =	sdelay $0x3  }
0x36: {  	p1 =	seq.s32 s10, $0x1;
	s10 =	sld [smem:$0x3FB0];
	_ =	sdelay $0x3  }
0x37: {  	[smem:$0x3FB0] =	sst s10  }
0x38: {  	s10 =	sld [smem:$0x3FB1]  }
0x39: {  	_ = 	snop;
	(pc) =	sbr.ind lr, $3  }
0x3a: {  	_ = 	snop  }
0x3b: {  	_ = 	snop  }
0x3c: {  	p2 =	seq.s32 s10, $0x1;
	s10 =	sld [smem:$0x3FB0]  }
0x3d: {  	_ =	shalt  }
0x3e: {  	_ =	shalt  }
0x3f: {  	_ =	shalt  }
0x40: {  	_ =	shalt  }
0x41: {  	_ =	shalt  }
0x42: {  	_ =	shalt  }
0x43: {  	_ =	shalt  }
0x44: {  	_ =	shalt  }
0x45: {  	_ =	shalt  }
0x46: {  	_ =	shalt  }
0x47: {  	_ =	shalt  }
0x48: {  	_ =	shalt  }
0x49: {  	_ =	shalt  }
0x4a: {  	_ =	shalt  }
0x4b: {  	_ =	shalt  }
0x4c: {  	_ =	shalt  }
0x4d: {  	_ =	shalt  }
0x4e: {  	_ =	shalt  }
0x4f: {  	_ =	shalt  }
0x50: {  	_ =	shalt  }
0x51: {  	_ =	shalt  }
0x52: {  	_ =	shalt  }
0x53: {  	_ =	shalt  }
0x54: {  	_ =	shalt  }
0x55: {  	_ =	shalt  }
0x56: {  	_ =	shalt  }
0x57: {  	_ =	shalt  }
0x58: {  	_ =	shalt  }
0x59: {  	_ =	shalt  }
0x5a: {  	_ =	shalt  }
0x5b: {  	_ =	shalt  }
0x5c: {  	_ =	shalt  }
0x5d: {  	_ =	shalt  }
0x5e: {  	_ =	shalt  }
0x5f: {  	_ =	shalt  }
0x60: {  	_ =	shalt  }
0x61: {  	_ =	shalt  }
0x62: {  	_ =	shalt  }
0x63: {  	_ =	shalt  }
0x64: {  	_ =	shalt  }
0x65: {  	_ =	shalt  }
0x66: {  	_ =	shalt  }
0x67: {  	_ =	shalt  }
0x68: {  	_ =	shalt  }
0x69: {  	_ =	shalt  }
0x6a: {  	_ =	shalt  }
0x6b: {  	_ =	shalt  }
0x6c: {  	_ =	shalt  }
0x6d: {  	_ =	shalt  }
0x6e: {  	_ =	shalt  }
0x6f: {  	_ =	shalt  }
0x70: {  	_ =	shalt  }
0x71: {  	_ =	shalt  }
0x72: {  	_ =	shalt  }
0x73: {  	_ =	shalt  }
0x74: {  	_ =	shalt  }
0x75: {  	_ =	shalt  }
0x76: {  	_ =	shalt  }
0x77: {  	_ =	shalt  }
0x78: {  	_ =	shalt  }
0x79: {  	_ =	shalt  }
0x7a: {  	_ =	shalt  }
0x7b: {  	_ =	shalt  }
0x7c: {  	_ =	shalt  }
0x7d: {  	_ =	shalt  }
0x7e: {  	_ =	shalt  }
0x7f: {  	_ =	shalt  }
0x80: {  	_ =	shalt  }
0x81: {  	_ =	shalt  }
0x82: {  	_ =	shalt  }
0x83: {  	_ =	shalt  }
0x84: {  	_ =	shalt  }
0x85: {  	_ =	shalt  }
0x86: {  	_ =	shalt  }
0x87: {  	_ =	shalt  }
.Lfunc_end0:
.L_simem_size_0:
called_computation_lowered:
.L_overlay_start_0:
0x88: {  	s2 =	sld [smem:$0x3FD9]  }
0x89: {  	s3 =	sld [smem:$0x3FFE];
	_ =	sdelay $0x1  }
0x8a: {  	s1 =	srdreg.scid  }
0x8b: {  	s0 =	sand.u32 $0x1, s1  }
0x8c: {  	s17 =	sshll.u32 s0, $0xA;
	s2 =	sadd.s32 s3, s2  }
0x8d: {  	s2 =	sadd.s32 s2, s17  }
0x8e: {  	[smem:$0x3FBC] =	sst s2  }
0x8f: {  	_ = 	snop  }
0x90: {  	s2 =	sld [smem:$0x3FC8];
	(tm) =	ssettm $0x1  }
0x91: {  	s18 =	sld [smem:$0x3FFB];
	_ =	sdelay $0x3  }
0x92: {  	_ =	strace s18  }
0x93: {  	s3 =	sld [smem:$0x3FFC];
	_ =	sdelay $0x3  }
0x94: {  	_ =	strace s3  }
0x95: {  	s3 =	sld [smem:$0x3FFD];
	_ =	sdelay $0x3  }
0x96: {  	_ =	strace s3  }
0x97: {  	_ =	strace $0x8FFFFFFF  }
0x98: {  	s19 =	sld [smem:$0x3FDB];
	_ =	sdelay $0x1  }
0x99: {  	s4 =	simm.s32 $_scs_section_size  }
0x9a: {  	s5 =	simm.s32 $_size__tile_overlayer_lowered;
	s6 =	simm.s32 $_tile_overlayer_lowered  }
0x9b: {  	s22 =	simm.s32 $0x1BFF;
	s21 =	sshll.u32 s6, $0x1;
	s3 =	sadd.s32 s4, s19  }
0x9c: {  	s7 =	simm.s32 $0x0;
	s20 =	sshll.u32 s5, $0x1;
	s5 =	sadd.s32 s21, s3  }
0x9d: {  	[timem:s7], [sflag:s22] =	dma.local [hbm:s5], s20  }
0x9e: {  	_ =	swait.ge [sflag:s22], s20  }
0x9f: {  	s4 =	ssub.s32 $0x0, s20;
	[sflag:s22] =	ssyncset.done $0x0  }
0xa0: {  	[sflag:s22] =	ssyncadd.s32 s4;
	_ =	sdelay $0x1  }
0xa1: {  	s23 =	simm.s32 $0x1B8B  }
0xa2: {  	_ =	swait.ge [sflag:s23], $0x1  }
0xa3: {  	[sflag:s23] =	ssyncset.done $0x0  }
0xa4: {  	s25 =	simm.s32 $0x1B8E;
	s24 =	sld [smem:$0x3FFE];
	[sflag:s23] =	ssyncadd.s32 $0xFFFFFFFF  }
0xa5: {  	s26 =	simm.s32 $execute0_lowered;
	[smem:$0x3FD2] =	sst s25  }
0xa6: {  	s5 =	sshll.u32 s26, $0x1;
	_ =	strace $0x80000046;
	[dreg:$0x1] =	wrdreg $0xFFFFFFFF  }
0xa7: {  	s28 =	simm.s32 $_size_execute0_lowered;
	s3 =	sadd.s32 s3, s5;
	[dreg:$0x0] =	wrdreg $0x0  }
0xa8: {  	s5 =	sshll.u32 s28, $0x1;
	[dreg:$0x2] =	wrdreg s3  }
0xa9: {  	[dreg:$0x3] =	wrdreg s5  }
0xaa: {  	[dreg:$0x4] =	wrdreg $0xC0  }
0xab: {  	_ =	task [dreg:s7], $0x5FFFF  }
0xac: {  	[dreg:$0x1] =	wrdreg $0xFFFFFFFF  }
0xad: {  	[dreg:$0x0] =	wrdreg $0x60  }
0xae: {  	[dreg:$0x2] =	wrdreg s24  }
0xaf: {  	[dreg:$0x3] =	wrdreg s2  }
0xb0: {  	[dreg:$0x4] =	wrdreg $0x0  }
0xb1: {  	[dreg:$0x5] =	wrdreg $0x9  }
0xb2: {  	_ =	task.clear_ibuf [dreg:s7], $0x6FFFF;
	_ =	strace $0x90000046  }
0xb3: {  	s29 =	simm.s32 $0x9;
	_ =	strace $0x80000048  }
0xb4: {  	_ =	swait.ge [sflag:s29], $0x1  }
0xb5: {  	[sflag:s29] =	ssyncadd.s32 $0xFFFFFFFF  }
0xb6: {  	_ =	strace $0x90000048  }
0xb7: {  	_ =	sfence  }
0xb8: {  	s30 =	sld [smem:$0x0];
	_ =	sdelay $0x2  }
0xb9: {  	s31 =	sshll.u32 s1, $0xD;
	s1 =	sshrl.u32 s1, $0x2  }
0xba: {  	s3 =	sand.u32 $0x4000, s31;
	s1 =	sadd.s32 s1, s30  }
0xbb: {  	s0 =	sor.u32 s3, s0;
	s1 =	sshll.u32 s1, $0x11  }
0xbc: {  	s0 =	sor.u32 s1, s0  }
0xbd: {  	s0 =	sadd.s32 $0x8F2B, s0  }
0xbe: {  	[sflag:s0] =	ssyncadd.remote.s32 $0x1  }
0xbf: {  	_ =	sfence.sel $0xFFFF  }
0xc0: {  	[dreg:$0x0] =	wrdreg $0xFFFFFFFF;
	(pc) =	sbr.abs _section_cstart, $3  }
0xc1: {  	[dreg:$0x1] =	wrdreg $0xFFFFFFFF  }
0xc2: {  	_ =	task.clear_ibuf [dreg:s7], $0x2FFFF;
	_ =	strace $0x9FFFFFFF  }
0xc3: {  	(tm) =	ssettm $0x7FFFFFFF  }
tec
execute0_lowered:
.L_overlay_start_1:
0x0: {  	(tag) =	ssettag $0x1  }
0x1: {  	s0 =	rddreg [dreg:$0x0]  }
0x2: {  	s1 =	rddreg [dreg:$0x1]  }
0x3: {  	s2 =	rddreg [dreg:$0x2]  }
0x4: {  	s4 =	simm.s32 $0x0;
	s3 =	srdreg.scid;
	s12 =	stileid.u32  }
0x5: {  	s28 =	simm.s32 $0x3;
	s29 =	simm.s32 $0x1900;
	s30 =	simm.s32 $0x1A90  }
0x6: {  	s31 =	simm.s32 $0x1C20;
	[smem:$0x7FF] =	sst s4;
	s5 =	sadd.s32 $0x3C00, s0  }
0x7: {  	s3 =	sand.u32 $0x1, s3;
	s6 =	sshll.u32 s12, $0x1;
	s9 =	smul.u32 $0x6400, s12  }
0x8: {  	_ =	strace $0x80000047;
	s7 =	sor.u32 s3, s6;
	s17 =	smul.u32 $0x186A0, s3  }
0x9: {  	s8 =	ssub.s32 $0x2, s3;
	s6 =	sadd.s32 $0xC7400, s0;
	s11 =	smul.u32 $0x186A0, s7  }
0xa: {  	s10 =	sshrl.u32 s8, $0x1;
	s13 =	sshrl.u32 s9, $0x2;
	s9 =	smul.u32 $0x1900, s12  }
0xb: {  	s7 =	sadd.s32 $0x12B400, s0;
	s12 =	smul.u32 $0x30D40, s12;
	s26 =	ssub.s32 s8, s10  }
0xc: {  	s8 =	sadd.s32 s13, s2;
	s13 =	simm.s32 $0x0;
	s14 =	sshrl.u32 s11, $0x3  }
0xd: {  	s0 =	smax.u32 s26, $0x1;
	s18 =	sadd.s32 $0x320, s8;
	s19 =	sadd.s32 $0x640, s8  }
0xe: {  	s20 =	sadd.s32 s17, s12;
	s23 =	sadd.s32 $0x960, s8;
	[dreg:$0x8] =	wrdreg s0  }
0xf: {  	s24 =	sadd.s32 $0xC80, s8;
	s26 =	sadd.s32 $0xFA0, s8;
	[dreg:$0x9] =	wrdreg s18  }
0x10: {  	s21 =	sadd.s32 $0x12C0, s8;
	s22 =	sadd.s32 $0x15E0, s8;
	[dreg:$0xa] =	wrdreg s19  }
0x11: {  	s12 =	simm.s32 $0x2260;
	s11 =	sadd.s32 s5, s14;
	[dreg:$0xb] =	wrdreg s23  }
0x12: {  	s15 =	sadd.s32 $0x32, s14;
	s10 =	sadd.s32 s1, s14;
	[dreg:$0xc] =	wrdreg s24  }
0x13: {  	s14 =	smul.u32 $0x19000, s3;
	s25 =	sadd.s32 $0x4B0, s20;
	[dreg:$0xd] =	wrdreg s26  }
0x14: {  	s26 =	simm.s32 $0x1F40;
	s0 =	simm.s32 $0x1DB0;
	[dreg:$0x4] =	wrdreg s11  }
0x15: {  	[dreg:$0x5] =	wrdreg s10;
	s16 =	sadd.s32 s5, s15;
	s11 =	sadd.s32 s1, s15  }
0x16: {  	s3 =	sshrl.u32 s25, $0x3;
	s25 =	sadd.s32 $0x320, s20;
	[dreg:$0x6] =	wrdreg s16  }
0x17: {  	s10 =	simm.s32 $0x190;
	[dreg:$0x7] =	wrdreg s11;
	s23 =	sadd.s32 s3, s1  }
0x18: {  	v0 =	vimm.f32 $0.0e+00;
	s24 =	sadd.s32 s3, s5;
	s3 =	simm.s32 $0x1;
	s11 =	simm.s32 $0x2  }
.LBB2_1:
0x19: {  	s15 =	simm.s32 $0x40;
	s16 =	simm.s32 $0x0  }
.LBB2_2:
0x1a: {  	p0 =	sne.s32 s15, $0xC40;
	[tilespmem:s16+$0x1F40] =	vst v0;
	s16 =	smov.u32 s15;
	s15 =	sadd.s32 $0x40, s15  }
.Ltmp0:
0x1b: {  	(pc) =	sbr.rel @p0 .LBB2_2-.Ltmp0, $2  }
0x1c: {  	_ =	sdelay $0x2  }
0x1d: {  	s16 =	sshra.s32 s16, $0x2  }
0x1e: {  	[tilespmem:s16+$0x1F40] =	vst v0  }
0x1f: {  	[spmem:s8] =	stream.linear.scatter [tilespmem:s26], [sflag:$0x3], $0x320, $0x38;
	[tilespmem:$0x5460] =	vst v63  }
0x20: {  	_ =	swait.ge [sflag:s28], $0x320  }
0x21: {  	[sflag:s28] =	ssyncset.done $0x0  }
0x22: {  	s15 =	rddreg [dreg:$0x9];
	[sflag:s28] =	ssyncadd.s32 $0xFFFFFCE0  }
0x23: {  	[spmem:s15] =	stream.linear.scatter [tilespmem:s26], [sflag:$0x3], $0x320, $0x38;
	[tilespmem:$0x5460] =	vst v63  }
0x24: {  	_ =	swait.ge [sflag:s28], $0x320  }
0x25: {  	[sflag:s28] =	ssyncset.done $0x0  }
0x26: {  	s19 =	rddreg [dreg:$0xa];
	[sflag:s28] =	ssyncadd.s32 $0xFFFFFCE0  }
0x27: {  	[spmem:s19] =	stream.linear.scatter [tilespmem:s26], [sflag:$0x3], $0x320, $0x38;
	[tilespmem:$0x5460] =	vst v63  }
0x28: {  	_ =	swait.ge [sflag:s28], $0x320  }
0x29: {  	[sflag:s28] =	ssyncset.done $0x0  }
0x2a: {  	s20 =	rddreg [dreg:$0xb];
	[sflag:s28] =	ssyncadd.s32 $0xFFFFFCE0  }
0x2b: {  	[spmem:s20] =	stream.linear.scatter [tilespmem:s26], [sflag:$0x3], $0x320, $0x38;
	[tilespmem:$0x5460] =	vst v63  }
0x2c: {  	_ =	swait.ge [sflag:s28], $0x320  }
0x2d: {  	[sflag:s28] =	ssyncset.done $0x0  }
0x2e: {  	s16 =	rddreg [dreg:$0xc];
	[sflag:s28] =	ssyncadd.s32 $0xFFFFFCE0  }
0x2f: {  	[spmem:s16] =	stream.linear.scatter [tilespmem:s26], [sflag:$0x3], $0x320, $0x38;
	[tilespmem:$0x5460] =	vst v63  }
0x30: {  	_ =	swait.ge [sflag:s28], $0x320  }
0x31: {  	[sflag:s28] =	ssyncset.done $0x0  }
0x32: {  	s17 =	rddreg [dreg:$0xd];
	[sflag:s28] =	ssyncadd.s32 $0xFFFFFCE0  }
0x33: {  	[spmem:s17] =	stream.linear.scatter [tilespmem:s26], [sflag:$0x3], $0x320, $0x38;
	[tilespmem:$0x5460] =	vst v63  }
0x34: {  	_ =	swait.ge [sflag:s28], $0x320  }
0x35: {  	[sflag:s28] =	ssyncset.done $0x0  }
0x36: {  	[sflag:s28] =	ssyncadd.s32 $0xFFFFFCE0  }
0x37: {  	[spmem:s21] =	stream.linear.scatter [tilespmem:s26], [sflag:$0x3], $0x320, $0x38;
	[tilespmem:$0x5460] =	vst v63  }
0x38: {  	_ =	swait.ge [sflag:s28], $0x320  }
0x39: {  	[sflag:s28] =	ssyncset.done $0x0  }
0x3a: {  	[sflag:s28] =	ssyncadd.s32 $0xFFFFFCE0  }
0x3b: {  	[spmem:s22] =	stream.linear.scatter [tilespmem:s26], [sflag:$0x3], $0x320, $0x38;
	[tilespmem:$0x5460] =	vst v63  }
0x3c: {  	_ =	swait.ge [sflag:s28], $0x320  }
0x3d: {  	[sflag:s28] =	ssyncset.done $0x0  }
0x3e: {  	[sflag:s28] =	ssyncadd.s32 $0xFFFFFCE0  }
0x3f: {  	[bflag:$0x0] =	sbarrier.arrive $0xFFFF  }
0x40: {  	s15 =	simm.s32 $0x0;
	s18 =	rddreg [dreg:$0x4]  }
0x41: {  	[tilespmem:s29], [sflag:$0x1] =	stream.linear.gather [hbm4b:s18+s15], $0x190, $0x38;
	[tilespmem:$0x5460] =	vst v63  }
0x42: {  	s19 =	rddreg [dreg:$0x5]  }
0x43: {  	[tilespmem:s30], [sflag:$0x1] =	stream.linear.gather [hbm4b:s19+s15], $0x190, $0x38;
	[tilespmem:$0x5460] =	vst v63  }
0x44: {  	s20 =	rddreg [dreg:$0x6]  }
0x45: {  	[tilespmem:s31], [sflag:$0x2] =	stream.linear.gather [hbm4b:s20+s15], $0x190, $0x38;
	[tilespmem:$0x5460] =	vst v63  }
0x46: {  	s17 =	rddreg [dreg:$0x7]  }
0x47: {  	[tilespmem:s0], [sflag:$0x2] =	stream.linear.gather [hbm4b:s17+s15], $0x190, $0x38;
	[tilespmem:$0x5460] =	vst v63  }
0x48: {  	_ =	swait.ge [sflag:s3], $0x190  }
0x49: {  	[sflag:s3] =	ssyncset.done $0x0  }
0x4a: {  	[sflag:s3] =	ssyncadd.s32 $0xFFFFFE70  }
0x4b: {  	_ =	swait.ge [sflag:s3], $0x190  }
0x4c: {  	[sflag:s3] =	ssyncset.done $0x0  }
0x4d: {  	[sflag:s3] =	ssyncadd.s32 $0xFFFFFE70  }
0x4e: {  	[spmem:s2] =	stream.indirect.scatter.add.f32 [tilespmem:s30], [sflag:$0x3], $0x1, s29, s10, $0xb8;
	[tilespmem:$0x5460] =	vst v63  }
0x4f: {  	_ =	swait.ge [sflag:s28], $0x190  }
0x50: {  	s18 =	sshrl.u32 s25, $0x3;
	[sflag:s28] =	ssyncset.done $0x0  }
0x51: {  	s19 =	sadd.s32 s5, s18;
	[sflag:s28] =	ssyncadd.s32 $0xFFFFFE70  }
0x52: {  	[tilespmem:s29], [sflag:$0x1] =	stream.linear.gather [hbm4b:s19+s4], $0x190, $0x38;
	[tilespmem:$0x5460] =	vst v63  }
0x53: {  	s15 =	sadd.s32 s1, s18  }
0x54: {  	[tilespmem:s30], [sflag:$0x1] =	stream.linear.gather [hbm4b:s15+s4], $0x190, $0x38;
	[tilespmem:$0x5460] =	vst v63  }
0x55: {  	_ =	swait.ge [sflag:s11], $0x190  }
0x56: {  	[sflag:s11] =	ssyncset.done $0x0  }
0x57: {  	[sflag:s11] =	ssyncadd.s32 $0xFFFFFE70  }
0x58: {  	_ =	swait.ge [sflag:s11], $0x190  }
0x59: {  	[sflag:s11] =	ssyncset.done $0x0  }
0x5a: {  	[sflag:s11] =	ssyncadd.s32 $0xFFFFFE70  }
0x5b: {  	[spmem:s2] =	stream.indirect.scatter.add.f32 [tilespmem:s0], [sflag:$0x3], $0x1, s31, s10, $0xb8;
	[tilespmem:$0x5460] =	vst v63  }
0x5c: {  	_ =	swait.ge [sflag:s28], $0x190  }
0x5d: {  	s16 =	sadd.s32 $0x320, s25;
	s20 =	sadd.s32 $0x0, s24;
	[sflag:s28] =	ssyncset.done $0x0  }
0x5e: {  	s17 =	sadd.s32 $0x0, s23;
	s15 =	simm.s32 $0x64;
	[sflag:s28] =	ssyncadd.s32 $0xFFFFFE70  }
0x5f: {  	[tilespmem:s31], [sflag:$0x2] =	stream.linear.gather [hbm4b:s20+s4], $0x190, $0x38;
	[tilespmem:$0x5460] =	vst v63  }
.LBB2_4:
0x60: {  	[tilespmem:s0], [sflag:$0x2] =	stream.linear.gather [hbm4b:s17+s4], $0x190, $0x38;
	[tilespmem:$0x5460] =	vst v63  }
0x61: {  	s17 =	smov.u32 s15  }
0x62: {  	p0 =	sne.s32 s15, $0x300C;
	s15 =	sadd.s32 $0x64, s15;
	_ =	swait.ge [sflag:s3], $0x190  }
0x63: {  	[sflag:s3] =	ssyncset.done $0x0  }
0x64: {  	[sflag:s3] =	ssyncadd.s32 $0xFFFFFE70  }
0x65: {  	_ =	swait.ge [sflag:s3], $0x190  }
0x66: {  	[sflag:s3] =	ssyncset.done $0x0  }
0x67: {  	[sflag:s3] =	ssyncadd.s32 $0xFFFFFE70  }
0x68: {  	[spmem:s2] =	stream.indirect.scatter.add.f32 [tilespmem:s30], [sflag:$0x3], $0x1, s29, s10, $0xb8;
	[tilespmem:$0x5460] =	vst v63  }
0x69: {  	_ =	swait.ge [sflag:s28], $0x190  }
0x6a: {  	s18 =	sshrl.u32 s16, $0x3;
	[sflag:s28] =	ssyncset.done $0x0  }
0x6b: {  	s19 =	sadd.s32 s5, s18;
	[sflag:s28] =	ssyncadd.s32 $0xFFFFFE70  }
0x6c: {  	[tilespmem:s29], [sflag:$0x1] =	stream.linear.gather [hbm4b:s19+s4], $0x190, $0x38;
	[tilespmem:$0x5460] =	vst v63  }
0x6d: {  	s18 =	sadd.s32 s1, s18  }
0x6e: {  	[tilespmem:s30], [sflag:$0x1] =	stream.linear.gather [hbm4b:s18+s4], $0x190, $0x38;
	[tilespmem:$0x5460] =	vst v63  }
0x6f: {  	_ =	swait.ge [sflag:s11], $0x190  }
0x70: {  	[sflag:s11] =	ssyncset.done $0x0  }
0x71: {  	[sflag:s11] =	ssyncadd.s32 $0xFFFFFE70  }
0x72: {  	_ =	swait.ge [sflag:s11], $0x190  }
0x73: {  	[sflag:s11] =	ssyncset.done $0x0  }
0x74: {  	[sflag:s11] =	ssyncadd.s32 $0xFFFFFE70  }
0x75: {  	[spmem:s2] =	stream.indirect.scatter.add.f32 [tilespmem:s0], [sflag:$0x3], $0x1, s31, s10, $0xb8;
	[tilespmem:$0x5460] =	vst v63  }
.Ltmp1:
0x76: {  	_ =	swait.ge [sflag:s28], $0x190;
	(pc) =	sbr.rel @p0 .LBB2_4-.Ltmp1, $4  }
0x77: {  	[sflag:s28] =	ssyncset.done $0x0  }
0x78: {  	s18 =	sadd.s32 s17, s24;
	[sflag:s28] =	ssyncadd.s32 $0xFFFFFE70  }
0x79: {  	[tilespmem:s31], [sflag:$0x2] =	stream.linear.gather [hbm4b:s18+s4], $0x190, $0x38;
	[tilespmem:$0x5460] =	vst v63  }
0x7a: {  	s16 =	sadd.s32 $0x320, s16;
	s17 =	sadd.s32 s17, s23  }
0x7b: {  	[tilespmem:s0], [sflag:$0x2] =	stream.linear.gather [hbm4b:s17+s4], $0x190, $0x38;
	[tilespmem:$0x5460] =	vst v63  }
0x7c: {  	_ =	swait.ge [sflag:s3], $0x190  }
0x7d: {  	[sflag:s3] =	ssyncset.done $0x0  }
0x7e: {  	[sflag:s3] =	ssyncadd.s32 $0xFFFFFE70  }
0x7f: {  	_ =	swait.ge [sflag:s3], $0x190  }
0x80: {  	[sflag:s3] =	ssyncset.done $0x0  }
0x81: {  	[sflag:s3] =	ssyncadd.s32 $0xFFFFFE70  }
0x82: {  	[spmem:s2] =	stream.indirect.scatter.add.f32 [tilespmem:s30], [sflag:$0x3], $0x1, s29, s10, $0xb8;
	[tilespmem:$0x5460] =	vst v63  }
0x83: {  	_ =	swait.ge [sflag:s28], $0x190  }
0x84: {  	[sflag:s28] =	ssyncset.done $0x0  }
0x85: {  	[sflag:s28] =	ssyncadd.s32 $0xFFFFFE70  }
0x86: {  	_ =	swait.ge [sflag:s11], $0x190  }
0x87: {  	[sflag:s11] =	ssyncset.done $0x0  }
0x88: {  	[sflag:s11] =	ssyncadd.s32 $0xFFFFFE70  }
0x89: {  	_ =	swait.ge [sflag:s11], $0x190  }
0x8a: {  	[sflag:s11] =	ssyncset.done $0x0  }
0x8b: {  	[sflag:s11] =	ssyncadd.s32 $0xFFFFFE70  }
0x8c: {  	[spmem:s2] =	stream.indirect.scatter.add.f32 [tilespmem:s0], [sflag:$0x3], $0x1, s31, s10, $0xb8;
	[tilespmem:$0x5460] =	vst v63  }
0x8d: {  	_ =	swait.ge [sflag:s28], $0x190  }
0x8e: {  	[sflag:s28] =	ssyncset.done $0x0  }
0x8f: {  	[sflag:s28] =	ssyncadd.s32 $0xFFFFFE70  }
0x90: {  	s15 =	simm.s32 $0x0;
	s16 =	simm.s32 $0x0;
	[bflag:$0x0] =	sbarrier.arrive $0xFFFF  }
.LBB2_6:
0x91: {  	s17 =	smul.u32 $0x320, s16;
	_ =	sdelay $0x1  }
0x92: {  	s17 =	sadd.s32 s9, s17  }
0x93: {  	s18 =	sadd.s32 s17, s2  }
0x94: {  	[tilespmem:s26], [sflag:$0x3] =	stream.linear.gather [spmem:s18], $0x320, $0x38;
	[tilespmem:$0x5460] =	vst v63  }
0x95: {  	s17 =	sadd.s32 s14, s17;
	_ =	swait.ge [sflag:s28], $0x320  }
0x96: {  	s19 =	sshrl.u32 s17, $0x3;
	[sflag:s28] =	ssyncset.done $0x0  }
0x97: {  	s18 =	sadd.s32 s7, s19;
	[sflag:s28] =	ssyncadd.s32 $0xFFFFFCE0  }
0x98: {  	[hbm4b:s18+s15] =	stream.linear.scatter [tilespmem:s26], [sflag:$0x3], $0x320, $0x38;
	[tilespmem:$0x5460] =	vst v63  }
0x99: {  	_ =	swait.ge [sflag:s28], $0x320  }
0x9a: {  	[sflag:s28] =	ssyncset.done $0x0  }
0x9b: {  	s20 =	simm.s32 $0x0;
	[sflag:s28] =	ssyncadd.s32 $0xFFFFFCE0  }
0x9c: {  	v1 =	vld [tilespmem:s20+$0x1F40];
	_ =	sdelay $0x4  }
0x9d: {  	v2 =	vbroadcast v1, $0x0  }
0x9e: {  	s18 =	simm.s32 $0x22E0;
	v3 =	vbroadcast v1, $0x1  }
0x9f: {  	v4 =	vbroadcast v1, $0x2;
	[tilespmem:s18+$0xFFFFFF80] =	vst v2  }
0xa0: {  	v60 =	vbroadcast v1, $0x5;
	[tilespmem:s18+$0xFFFFFF90] =	vst v3  }
0xa1: {  	v61 =	vbroadcast v1, $0x8;
	[tilespmem:s18+$0xFFFFFFA0] =	vst v4  }
0xa2: {  	v62 =	vbroadcast v1, $0xB;
	[tilespmem:s18+$0xFFFFFFD0] =	vst v60  }
0xa3: {  	v63 =	vbroadcast v1, $0xE;
	[tilespmem:s18+$0x0] =	vst v61  }
0xa4: {  	v2 =	vbroadcast v1, $0x3;
	[tilespmem:s18+$0x30] =	vst v62  }
0xa5: {  	v3 =	vbroadcast v1, $0x4;
	[tilespmem:s18+$0x60] =	vst v63  }
0xa6: {  	[tilespmem:s18+$0xFFFFFFB0] =	vst v2;
	v2 =	vbroadcast v1, $0x6  }
0xa7: {  	[tilespmem:s18+$0xFFFFFFC0] =	vst v3;
	v3 =	vbroadcast v1, $0x7  }
0xa8: {  	[tilespmem:s18+$0xFFFFFFE0] =	vst v2;
	v2 =	vbroadcast v1, $0x9  }
0xa9: {  	[tilespmem:s18+$0xFFFFFFF0] =	vst v3;
	v3 =	vbroadcast v1, $0xA  }
0xaa: {  	[tilespmem:s18+$0x10] =	vst v2;
	v2 =	vbroadcast v1, $0xC  }
0xab: {  	[tilespmem:s18+$0x20] =	vst v3;
	v3 =	vbroadcast v1, $0xD  }
0xac: {  	v1 =	vbroadcast v1, $0xF;
	[tilespmem:s18+$0x40] =	vst v2  }
0xad: {  	[tilespmem:s18+$0x50] =	vst v3  }
0xae: {  	s19 =	simm.s32 $0x80;
	s20 =	simm.s32 $0x10;
	[tilespmem:s18+$0x70] =	vst v1  }
.LBB2_7:
0xaf: {  	p0 =	sne.s32 s19, $0xC40;
	v1 =	vld [tilespmem:s20+$0x1F40];
	_ =	sdelay $0x4  }
0xb0: {  	v2 =	vbroadcast v1, $0x0;
	v3 =	vbroadcast v1, $0x1  }
0xb1: {  	s18 =	sadd.s32 $0x100, s18;
	v4 =	vbroadcast v1, $0x2;
	v5 =	vbroadcast v1, $0x3  }
0xb2: {  	v6 =	vbroadcast v1, $0x5;
	[tilespmem:s18+$0xFFFFFF80] =	vst v2;
	v2 =	vbroadcast v1, $0x4  }
0xb3: {  	v7 =	vbroadcast v1, $0x7;
	[tilespmem:s18+$0xFFFFFF90] =	vst v3;
	v3 =	vbroadcast v1, $0x6  }
0xb4: {  	v8 =	vbroadcast v1, $0x9;
	[tilespmem:s18+$0xFFFFFFA0] =	vst v4;
	v4 =	vbroadcast v1, $0x8  }
0xb5: {  	v9 =	vbroadcast v1, $0xB;
	[tilespmem:s18+$0xFFFFFFB0] =	vst v5;
	v5 =	vbroadcast v1, $0xA  }
0xb6: {  	v10 =	vbroadcast v1, $0xD;
	[tilespmem:s18+$0xFFFFFFC0] =	vst v2;
	v2 =	vbroadcast v1, $0xC  }
0xb7: {  	[tilespmem:s18+$0xFFFFFFD0] =	vst v6;
	v6 =	vbroadcast v1, $0xE;
	v1 =	vbroadcast v1, $0xF  }
0xb8: {  	[tilespmem:s18+$0xFFFFFFE0] =	vst v3  }
0xb9: {  	[tilespmem:s18+$0xFFFFFFF0] =	vst v7  }
0xba: {  	[tilespmem:s18+$0x0] =	vst v4  }
0xbb: {  	[tilespmem:s18+$0x10] =	vst v8  }
0xbc: {  	[tilespmem:s18+$0x20] =	vst v5  }
.Ltmp2:
0xbd: {  	[tilespmem:s18+$0x30] =	vst v9;
	(pc) =	sbr.rel @p0 .LBB2_7-.Ltmp2, $4  }
0xbe: {  	[tilespmem:s18+$0x40] =	vst v2  }
0xbf: {  	[tilespmem:s18+$0x50] =	vst v10  }
0xc0: {  	[tilespmem:s18+$0x60] =	vst v6  }
0xc1: {  	s20 =	sshra.s32 s19, $0x2;
	s19 =	sadd.s32 $0x40, s19;
	[tilespmem:s18+$0x70] =	vst v1  }
0xc2: {  	v1 =	vld [tilespmem:s20+$0x1F40];
	_ =	sdelay $0x4  }
0xc3: {  	v2 =	vbroadcast v1, $0x0  }
0xc4: {  	s18 =	sadd.s32 $0x100, s18;
	v3 =	vbroadcast v1, $0x1  }
0xc5: {  	v4 =	vbroadcast v1, $0x2;
	[tilespmem:s18+$0xFFFFFF80] =	vst v2  }
0xc6: {  	v60 =	vbroadcast v1, $0x5;
	[tilespmem:s18+$0xFFFFFF90] =	vst v3  }
0xc7: {  	v61 =	vbroadcast v1, $0x8;
	[tilespmem:s18+$0xFFFFFFA0] =	vst v4  }
0xc8: {  	v62 =	vbroadcast v1, $0xB;
	[tilespmem:s18+$0xFFFFFFD0] =	vst v60  }
0xc9: {  	v63 =	vbroadcast v1, $0xE;
	[tilespmem:s18+$0x0] =	vst v61  }
0xca: {  	v2 =	vbroadcast v1, $0x3;
	[tilespmem:s18+$0x30] =	vst v62  }
0xcb: {  	v3 =	vbroadcast v1, $0x4;
	[tilespmem:s18+$0x60] =	vst v63  }
0xcc: {  	[tilespmem:s18+$0xFFFFFFB0] =	vst v2;
	v2 =	vbroadcast v1, $0x6  }
0xcd: {  	[tilespmem:s18+$0xFFFFFFC0] =	vst v3;
	v3 =	vbroadcast v1, $0x7  }
0xce: {  	[tilespmem:s18+$0xFFFFFFE0] =	vst v2;
	v2 =	vbroadcast v1, $0x9  }
0xcf: {  	[tilespmem:s18+$0xFFFFFFF0] =	vst v3;
	v3 =	vbroadcast v1, $0xA  }
0xd0: {  	[tilespmem:s18+$0x10] =	vst v2;
	v2 =	vbroadcast v1, $0xC  }
0xd1: {  	[tilespmem:s18+$0x20] =	vst v3;
	v3 =	vbroadcast v1, $0xD  }
0xd2: {  	s16 =	sadd.s32 $0x1, s16;
	v1 =	vbroadcast v1, $0xF;
	[tilespmem:s18+$0x40] =	vst v2  }
0xd3: {  	s17 =	sshll.u32 s17, $0x1;
	p0 =	sne.s32 s16, $0x8;
	[tilespmem:s18+$0x50] =	vst v3  }
.Ltmp3:
0xd4: {  	s17 =	sadd.s32 s6, s17;
	[tilespmem:s18+$0x70] =	vst v1;
	(pc) =	sbr.rel @p0 .LBB2_6-.Ltmp3, $4  }
0xd5: {  	[hbm4b:s17+s4] =	stream.linear.scatter [tilespmem:s12], [sflag:$0x3], $0x3200, $0x38;
	[tilespmem:$0x5460] =	vst v63  }
0xd6: {  	_ =	swait.ge [sflag:s28], $0x3200  }
0xd7: {  	[sflag:s28] =	ssyncset.done $0x0  }
0xd8: {  	[sflag:s28] =	ssyncadd.s32 $0xFFFFCE00  }
0xd9: {  	s13 =	sadd.s32 $0x1, s13;
	s15 =	rddreg [dreg:$0x8]  }
0xda: {  	p0 =	sne.s32 s13, s15  }
.Ltmp4:
0xdb: {  	_ = 	snop;
	(pc) =	sbr.rel @p0 .LBB2_1-.Ltmp4, $1  }
0xdc: {  	_ =	sdelay $0x3  }
0xdd: {  	_ =	sfence.sel $0x180000  }
0xde: {  	[bflag:$0x0] =	sbarrier.arrive $0xFFFF  }
0xdf: {  	_ =	strace $0x90000047  }
0xe0: {  	s0 =	stileid.u32;
	[bflag:$0x2] =	sbarrier.arrive $0xFFFF  }
0xe1: {  	p0 =	sne.s32 s0, $0x0;
	s0 =	rddreg [dreg:$0x3]  }
0xe2: {  	s0 =	sadd.s32 @!p0 $0x100000, s0  }
0xe3: {  	[sflag:s0] =	ssyncadd.tile.s32 @!p0 $0x1;
	_ =	shalt  }
.Lfunc_end2:
_tile_overlayer_lowered:
.L_overlay_start_2:
0xe4: {  	(tag) =	ssettag $0x2  }
0xe5: {  	s0 =	rddreg [dreg:$0x0];
	s2 =	stileid.u32  }
0xe6: {  	s1 =	rddreg [dreg:$0x1];
	p0 =	sne.s32 s2, $0x0  }
0xe7: {  	s3 =	rddreg [dreg:$0x2];
	[bflag:$0x3] =	sbarrier.arrive $0xFFFF;
	s2 =	simm.s32 @!p0 $0x1C03  }
0xe8: {  	[timem:s3], [sflag:s2] =	dma.local @!p0 [hbm:s0], s1  }
0xe9: {  	s0 =	simm.s32 @!p0 $0x3  }
0xea: {  	_ =	swait.ge @!p0 [sflag:s0], s1  }
0xeb: {  	s1 =	ssub.s32 @!p0 $0x0, s1;
	[sflag:s0] =	ssyncset.done @!p0 $0x0  }
0xec: {  	[sflag:s0] =	ssyncadd.s32 @!p0 s1  }
0xed: {  	[bflag:$0x3] =	sbarrier.arrive $0xFFFF  }
0xee: {  	_ =	shalt  }

// kernel: _run.15.cloned.1.call-start
scs
__scs_entry_jumppad:
0x0: {  	(pc) =	sbr.rel $0x88, $3  }
0x1: {  	(tag) =	ssettag $0x0;
	lr =	simm.s32 $0x1  }
0x2: {  	[smem:$0x3F95] =	sst lr;
	_ =	strace $0xD0000000  }
0x3: {  	_ = 	snop  }
0x4: {  	_ = 	snop  }
0x5: {  	_ = 	snop  }
0x6: {  	_ = 	snop  }
0x7: {  	_ = 	snop  }
__scs_overlays_trampoline_lowered:
0x8: {  	[smem:$0x3FA4] =	sst s0  }
0x9: {  	[smem:$0x3FA5] =	sst s1  }
0xa: {  	[smem:$0x3FA6] =	sst s2  }
0xb: {  	[smem:$0x3FA7] =	sst s3  }
0xc: {  	[smem:$0x3FA8] =	sst s4  }
0xd: {  	[smem:$0x3FA9] =	sst s5  }
0xe: {  	[smem:$0x3FAA] =	sst s6  }
0xf: {  	[smem:$0x3FAB] =	sst s7  }
0x10: {  	[smem:$0x3FAC] =	sst s8  }
0x11: {  	[smem:$0x3FAD] =	sst s9;
	s0 =	simm.s32 @!p0 $0x0  }
0x12: {  	s1 =	sld [smem:$0x3F93];
	s0 =	simm.s32 @p0 $0x1  }
0x13: {  	[smem:$0x3FAE] =	sst s0;
	s0 =	simm.s32 @!p1 $0x0  }
0x14: {  	s2 =	sld [smem:$0x3F92];
	s0 =	simm.s32 @p1 $0x1  }
0x15: {  	[smem:$0x3FAF] =	sst s0;
	s0 =	simm.s32 @!p2 $0x0  }
0x16: {  	s3 =	sld [smem:$0x3FDB];
	s0 =	simm.s32 @p2 $0x1  }
0x17: {  	s4 =	simm.s32 $0x1BF5;
	[smem:$0x3FB1] =	sst s0  }
0x18: {  	s0 =	sld [smem:$0x3F94];
	_ =	swait.ge [sflag:s4], $0x0  }
0x19: {  	s7 =	sld [smem:$0x3F95]  }
0x1a: {  	s8 =	sadd.s32 $0xFFFFE003, lr  }
0x1b: {  	s9 =	sadd.s32 $0xFFFFFEF7, lr;
	s5 =	simm.s32 $0xFFFFFFFF;
	p2 =	slt.u32 s8, $0xFFFFF086  }
0x1c: {  	p1 =	slt.u32 s9, $0xF7A;
	s5 =	simm.s32 @!p2 $0x0  }
0x1d: {  	s5 =	simm.s32 @p1 $0x1;
	p0 =	seq.s32 s7, s2  }
0x1e: {  	s7 =	smul.u32 @!p0 $0xF7A, s2;
	p2 =	seq.s32 @!p0 s5, $0x0  }
0x1f: {  	s9 =	smul.u32 $0xF7A, s1;
	s8 =	simm.s32 @!p0 $0x1BF5;
	p2 =	por !p2, p0  }
0x20: {  	[sflag:s8] =	ssyncset.s32 @!p0 $0xFFFFF086;
	s6 =	sadd.s32 @!p0 s3, s7;
	s7 =	simm.s32 @!p0 $0x108  }
0x21: {  	s3 =	sadd.s32 s3, s9;
	s6 =	sadd.s32 @!p0 $0x88, s6;
	s7 =	simm.s32 @p2 $0x1082  }
0x22: {  	[simem:s7], [sflag:s8] =	dma.local @!p0 [hbm:s6], $0xF7A  }
0x23: {  	s9 =	sor.u32 $0xD0000000, s2;
	s6 =	simm.s32 $0x108;
	_ =	swait.ge @!p0 [sflag:s8], $0x0  }
0x24: {  	s3 =	sadd.s32 $0x88, s3;
	s6 =	simm.s32 @!p1 $0x1082;
	[sflag:s4] =	ssyncset.s32 $0xFFFFF086  }
0x25: {  	[simem:s6], [sflag:s4] =	dma.local [hbm:s3], $0xF7A  }
0x26: {  	[smem:$0x3F95] =	sst s1;
	(tag) =	ssettag s2;
	_ =	strace s9  }
0x27: {  	s1 =	sld [smem:$0x3FA5]  }
0x28: {  	s2 =	sld [smem:$0x3FA6]  }
0x29: {  	s4 =	sld [smem:$0x3FA8]  }
0x2a: {  	p0 =	seq.s32 s5, $0x0;
	s5 =	sld [smem:$0x3FA9]  }
0x2b: {  	s6 =	sld [smem:$0x3FAA]  }
0x2c: {  	s7 =	sld [smem:$0x3FAB]  }
0x2d: {  	s3 =	simm.s32 $0x108;
	s8 =	sld [smem:$0x3FAC]  }
0x2e: {  	s3 =	simm.s32 @!p0 $0x1082;
	s9 =	sld [smem:$0x3FAD]  }
0x2f: {  	lr =	sadd.s32 s0, s3;
	s0 =	sld [smem:$0x3FA4]  }
0x30: {  	s3 =	sld [smem:$0x3FA7]  }
0x31: {  	[smem:$0x3FB0] =	sst s10  }
0x32: {  	s10 =	sld [smem:$0x3FAE];
	_ =	sdelay $0x3  }
0x33: {  	p0 =	seq.s32 s10, $0x1;
	s10 =	sld [smem:$0x3FB0];
	_ =	sdelay $0x3  }
0x34: {  	[smem:$0x3FB0] =	sst s10  }
0x35: {  	s10 =	sld [smem:$0x3FAF];
	_ =	sdelay $0x3  }
0x36: {  	p1 =	seq.s32 s10, $0x1;
	s10 =	sld [smem:$0x3FB0];
	_ =	sdelay $0x3  }
0x37: {  	[smem:$0x3FB0] =	sst s10  }
0x38: {  	s10 =	sld [smem:$0x3FB1]  }
0x39: {  	_ = 	snop;
	(pc) =	sbr.ind lr, $3  }
0x3a: {  	_ = 	snop  }
0x3b: {  	_ = 	snop  }
0x3c: {  	p2 =	seq.s32 s10, $0x1;
	s10 =	sld [smem:$0x3FB0]  }
0x3d: {  	_ =	shalt  }
0x3e: {  	_ =	shalt  }
0x3f: {  	_ =	shalt  }
0x40: {  	_ =	shalt  }
0x41: {  	_ =	shalt  }
0x42: {  	_ =	shalt  }
0x43: {  	_ =	shalt  }
0x44: {  	_ =	shalt  }
0x45: {  	_ =	shalt  }
0x46: {  	_ =	shalt  }
0x47: {  	_ =	shalt  }
0x48: {  	_ =	shalt  }
0x49: {  	_ =	shalt  }
0x4a: {  	_ =	shalt  }
0x4b: {  	_ =	shalt  }
0x4c: {  	_ =	shalt  }
0x4d: {  	_ =	shalt  }
0x4e: {  	_ =	shalt  }
0x4f: {  	_ =	shalt  }
0x50: {  	_ =	shalt  }
0x51: {  	_ =	shalt  }
0x52: {  	_ =	shalt  }
0x53: {  	_ =	shalt  }
0x54: {  	_ =	shalt  }
0x55: {  	_ =	shalt  }
0x56: {  	_ =	shalt  }
0x57: {  	_ =	shalt  }
0x58: {  	_ =	shalt  }
0x59: {  	_ =	shalt  }
0x5a: {  	_ =	shalt  }
0x5b: {  	_ =	shalt  }
0x5c: {  	_ =	shalt  }
0x5d: {  	_ =	shalt  }
0x5e: {  	_ =	shalt  }
0x5f: {  	_ =	shalt  }
0x60: {  	_ =	shalt  }
0x61: {  	_ =	shalt  }
0x62: {  	_ =	shalt  }
0x63: {  	_ =	shalt  }
0x64: {  	_ =	shalt  }
0x65: {  	_ =	shalt  }
0x66: {  	_ =	shalt  }
0x67: {  	_ =	shalt  }
0x68: {  	_ =	shalt  }
0x69: {  	_ =	shalt  }
0x6a: {  	_ =	shalt  }
0x6b: {  	_ =	shalt  }
0x6c: {  	_ =	shalt  }
0x6d: {  	_ =	shalt  }
0x6e: {  	_ =	shalt  }
0x6f: {  	_ =	shalt  }
0x70: {  	_ =	shalt  }
0x71: {  	_ =	shalt  }
0x72: {  	_ =	shalt  }
0x73: {  	_ =	shalt  }
0x74: {  	_ =	shalt  }
0x75: {  	_ =	shalt  }
0x76: {  	_ =	shalt  }
0x77: {  	_ =	shalt  }
0x78: {  	_ =	shalt  }
0x79: {  	_ =	shalt  }
0x7a: {  	_ =	shalt  }
0x7b: {  	_ =	shalt  }
0x7c: {  	_ =	shalt  }
0x7d: {  	_ =	shalt  }
0x7e: {  	_ =	shalt  }
0x7f: {  	_ =	shalt  }
0x80: {  	_ =	shalt  }
0x81: {  	_ =	shalt  }
0x82: {  	_ =	shalt  }
0x83: {  	_ =	shalt  }
0x84: {  	_ =	shalt  }
0x85: {  	_ =	shalt  }
0x86: {  	_ =	shalt  }
0x87: {  	_ =	shalt  }
.Lfunc_end0:
.L_simem_size_0:
called_computation.1_lowered:
.L_overlay_start_0:
0x88: {  	s2 =	sld [smem:$0x3FD9]  }
0x89: {  	s3 =	sld [smem:$0x3FFE];
	_ =	sdelay $0x1  }
0x8a: {  	s1 =	srdreg.scid  }
0x8b: {  	s0 =	sand.u32 $0x1, s1  }
0x8c: {  	s17 =	sshll.u32 s0, $0xA;
	s2 =	sadd.s32 s3, s2  }
0x8d: {  	s2 =	sadd.s32 s2, s17  }
0x8e: {  	[smem:$0x3FBC] =	sst s2  }
0x8f: {  	_ = 	snop  }
0x90: {  	s2 =	sld [smem:$0x3FC8];
	(tm) =	ssettm $0x1  }
0x91: {  	s18 =	sld [smem:$0x3FFB];
	_ =	sdelay $0x3  }
0x92: {  	_ =	strace s18  }
0x93: {  	s3 =	sld [smem:$0x3FFC];
	_ =	sdelay $0x3  }
0x94: {  	_ =	strace s3  }
0x95: {  	s3 =	sld [smem:$0x3FFD];
	_ =	sdelay $0x3  }
0x96: {  	_ =	strace s3  }
0x97: {  	_ =	strace $0x8FFFFFFF  }
0x98: {  	s19 =	sld [smem:$0x3FDB];
	_ =	sdelay $0x1  }
0x99: {  	s4 =	simm.s32 $_scs_section_size  }
0x9a: {  	s5 =	simm.s32 $_size__tile_overlayer_lowered;
	s6 =	simm.s32 $_tile_overlayer_lowered  }
0x9b: {  	s22 =	simm.s32 $0x1BFF;
	s21 =	sshll.u32 s6, $0x1;
	s3 =	sadd.s32 s4, s19  }
0x9c: {  	s7 =	simm.s32 $0x0;
	s20 =	sshll.u32 s5, $0x1;
	s5 =	sadd.s32 s21, s3  }
0x9d: {  	[timem:s7], [sflag:s22] =	dma.local [hbm:s5], s20  }
0x9e: {  	_ =	swait.ge [sflag:s22], s20  }
0x9f: {  	s4 =	ssub.s32 $0x0, s20;
	[sflag:s22] =	ssyncset.done $0x0  }
0xa0: {  	[sflag:s22] =	ssyncadd.s32 s4;
	_ =	sdelay $0x1  }
0xa1: {  	s23 =	simm.s32 $0x1B8B  }
0xa2: {  	_ =	swait.ge [sflag:s23], $0x1  }
0xa3: {  	[sflag:s23] =	ssyncset.done $0x0  }
0xa4: {  	s25 =	simm.s32 $0x1B8E;
	s24 =	sld [smem:$0x3FFE];
	[sflag:s23] =	ssyncadd.s32 $0xFFFFFFFF  }
0xa5: {  	s26 =	simm.s32 $execute0_lowered;
	[smem:$0x3FD2] =	sst s25  }
0xa6: {  	s5 =	sshll.u32 s26, $0x1;
	_ =	strace $0x80000049;
	[dreg:$0x1] =	wrdreg $0xFFFFFFFF  }
0xa7: {  	s28 =	simm.s32 $_size_execute0_lowered;
	s3 =	sadd.s32 s3, s5;
	[dreg:$0x0] =	wrdreg $0x0  }
0xa8: {  	s5 =	sshll.u32 s28, $0x1;
	[dreg:$0x2] =	wrdreg s3  }
0xa9: {  	[dreg:$0x3] =	wrdreg s5  }
0xaa: {  	[dreg:$0x4] =	wrdreg $0xC0  }
0xab: {  	_ =	task [dreg:s7], $0x5FFFF  }
0xac: {  	[dreg:$0x1] =	wrdreg $0xFFFFFFFF  }
0xad: {  	[dreg:$0x0] =	wrdreg $0x60  }
0xae: {  	[dreg:$0x2] =	wrdreg s24  }
0xaf: {  	[dreg:$0x3] =	wrdreg s2  }
0xb0: {  	[dreg:$0x4] =	wrdreg $0x0  }
0xb1: {  	[dreg:$0x5] =	wrdreg $0x9  }
0xb2: {  	_ =	task.clear_ibuf [dreg:s7], $0x6FFFF;
	_ =	strace $0x90000049  }
0xb3: {  	s29 =	simm.s32 $0x9;
	_ =	strace $0x8000004B  }
0xb4: {  	_ =	swait.ge [sflag:s29], $0x1  }
0xb5: {  	[sflag:s29] =	ssyncadd.s32 $0xFFFFFFFF  }
0xb6: {  	_ =	strace $0x9000004B  }
0xb7: {  	_ =	sfence  }
0xb8: {  	s30 =	sld [smem:$0x0];
	_ =	sdelay $0x2  }
0xb9: {  	s31 =	sshll.u32 s1, $0xD;
	s1 =	sshrl.u32 s1, $0x2  }
0xba: {  	s3 =	sand.u32 $0x4000, s31;
	s1 =	sadd.s32 s1, s30  }
0xbb: {  	s0 =	sor.u32 s3, s0;
	s1 =	sshll.u32 s1, $0x11  }
0xbc: {  	s0 =	sor.u32 s1, s0  }
0xbd: {  	s0 =	sadd.s32 $0x8F2B, s0  }
0xbe: {  	[sflag:s0] =	ssyncadd.remote.s32 $0x1  }
0xbf: {  	_ =	sfence.sel $0xFFFF  }
0xc0: {  	[dreg:$0x0] =	wrdreg $0xFFFFFFFF;
	(pc) =	sbr.abs _section_cstart, $3  }
0xc1: {  	[dreg:$0x1] =	wrdreg $0xFFFFFFFF  }
0xc2: {  	_ =	task.clear_ibuf [dreg:s7], $0x2FFFF;
	_ =	strace $0x9FFFFFFF  }
0xc3: {  	(tm) =	ssettm $0x7FFFFFFF  }
tec
execute0_lowered:
.L_overlay_start_1:
0x0: {  	(tag) =	ssettag $0x1  }
0x1: {  	s0 =	rddreg [dreg:$0x0]  }
0x2: {  	s2 =	rddreg [dreg:$0x1]  }
0x3: {  	s3 =	rddreg [dreg:$0x2]  }
0x4: {  	s1 =	srdreg.scid;
	s12 =	stileid.u32  }
0x5: {  	s4 =	simm.s32 $0x0;
	s1 =	sand.u32 $0x1, s1;
	s5 =	sshll.u32 s12, $0x1  }
0x6: {  	s6 =	sor.u32 s1, s5;
	s9 =	smul.u32 $0x32000, s1;
	s1 =	ssub.s32 $0x2, s1  }
0x7: {  	[smem:$0x7FF] =	sst s4;
	s8 =	smul.u32 $0x186A0, s6;
	s10 =	sshrl.u32 s1, $0x1  }
0x8: {  	s7 =	sadd.s32 $0xC7400, s0;
	_ =	strace $0x8000004A;
	s1 =	ssub.s32 s1, s10  }
0x9: {  	s5 =	sadd.s32 $0x65800, s0;
	s11 =	sshrl.u32 s8, $0x3;
	s1 =	smax.u32 s1, $0x1  }
0xa: {  	s6 =	sadd.s32 $0x3C00, s0;
	s25 =	sadd.s32 s5, s11;
	[dreg:$0xa] =	wrdreg s1  }
0xb: {  	s29 =	smul.u32 $0x64000, s12;
	s26 =	sadd.s32 s6, s11;
	[dreg:$0x4] =	wrdreg s25  }
0xc: {  	s28 =	sadd.s32 $0x32, s11;
	s11 =	sadd.s32 s2, s11;
	[dreg:$0x5] =	wrdreg s26  }
0xd: {  	s0 =	sadd.s32 s9, s0;
	[dreg:$0x6] =	wrdreg s11;
	s30 =	sadd.s32 s5, s28  }
0xe: {  	s31 =	sadd.s32 s6, s28;
	s11 =	sshrl.u32 s29, $0x2;
	[dreg:$0x7] =	wrdreg s30  }
0xf: {  	s9 =	sadd.s32 s2, s28;
	[dreg:$0x8] =	wrdreg s31;
	s17 =	sadd.s32 s11, s3  }
0x10: {  	[dreg:$0x9] =	wrdreg s9;
	s13 =	sadd.s32 $0x1900, s17  }
0x11: {  	s16 =	sadd.s32 $0x3200, s17;
	[dreg:$0xb] =	wrdreg s13  }
0x12: {  	s19 =	sadd.s32 $0x4B00, s17;
	[dreg:$0xc] =	wrdreg s16  }
0x13: {  	s20 =	sadd.s32 $0x6400, s17;
	[dreg:$0xd] =	wrdreg s19  }
0x14: {  	s18 =	smul.u32 $0x3200, s12;
	s21 =	sadd.s32 $0x7D00, s17;
	[dreg:$0xe] =	wrdreg s20  }
0x15: {  	s12 =	simm.s32 $0x19190;
	s22 =	sadd.s32 $0x9600, s17;
	[dreg:$0xf] =	wrdreg s21  }
0x16: {  	s10 =	simm.s32 $0x5;
	s23 =	sadd.s32 $0xAF00, s17;
	[dreg:$0x10] =	wrdreg s22  }
0x17: {  	s14 =	sadd.s32 $0x320, s8;
	s24 =	sadd.s32 $0xC800, s17;
	[dreg:$0x11] =	wrdreg s23  }
0x18: {  	s15 =	sadd.s32 $0x4B0, s8;
	s26 =	sadd.s32 $0xE100, s17;
	[dreg:$0x12] =	wrdreg s24  }
0x19: {  	s0 =	sadd.s32 s18, s0;
	s28 =	sadd.s32 $0xFA00, s17;
	[dreg:$0x13] =	wrdreg s26  }
0x1a: {  	s18 =	simm.s32 $0x1B0D0;
	s29 =	sadd.s32 $0x11300, s17;
	[dreg:$0x14] =	wrdreg s28  }
0x1b: {  	s25 =	sadd.s32 $0x131800, s0;
	s30 =	sadd.s32 $0x12C00, s17;
	[dreg:$0x15] =	wrdreg s29  }
0x1c: {  	s9 =	simm.s32 $0x194B0;
	s31 =	sadd.s32 $0x14500, s17;
	[dreg:$0x16] =	wrdreg s30  }
0x1d: {  	s1 =	sadd.s32 $0x15E00, s17;
	s8 =	sadd.s32 $0x17700, s17;
	[dreg:$0x17] =	wrdreg s31  }
0x1e: {  	s13 =	simm.s32 $0x1ADB0;
	s16 =	simm.s32 $0x1AF40;
	s19 =	simm.s32 $0x1  }
0x1f: {  	s20 =	simm.s32 $0x190;
	s21 =	simm.s32 $0x2;
	s22 =	simm.s32 $0x1B260  }
0x20: {  	v0 =	vimm.f32 $0.0e+00;
	s23 =	simm.s32 $0x3;
	s24 =	simm.s32 $0x4;
	s26 =	simm.s32 $0x0  }
.LBB2_1:
0x21: {  	s11 =	simm.s32 $0x40;
	s28 =	simm.s32 $0x0  }
.LBB2_2:
0x22: {  	p0 =	sne.s32 s11, $0x63C0;
	[tilespmem:s28+$0x194B0] =	vst v0;
	s28 =	smov.u32 s11;
	s11 =	sadd.s32 $0x40, s11  }
.Ltmp0:
0x23: {  	(pc) =	sbr.rel @p0 .LBB2_2-.Ltmp0, $2  }
0x24: {  	_ =	sdelay $0x2  }
0x25: {  	s28 =	sshra.s32 s28, $0x2  }
0x26: {  	[tilespmem:s28+$0x194B0] =	vst v0  }
0x27: {  	[spmem:s17] =	stream.linear.scatter [tilespmem:s9], [sflag:$0x5], $0x1900, $0x38;
	[tilespmem:$0x1CB60] =	vst v63  }
0x28: {  	_ =	swait.ge [sflag:s10], $0x1900  }
0x29: {  	[sflag:s10] =	ssyncset.done $0x0  }
0x2a: {  	s0 =	rddreg [dreg:$0xb];
	[sflag:s10] =	ssyncadd.s32 $0xFFFFE700  }
0x2b: {  	[spmem:s0] =	stream.linear.scatter [tilespmem:s9], [sflag:$0x5], $0x1900, $0x38;
	[tilespmem:$0x1CB60] =	vst v63  }
0x2c: {  	_ =	swait.ge [sflag:s10], $0x1900  }
0x2d: {  	[sflag:s10] =	ssyncset.done $0x0  }
0x2e: {  	s29 =	rddreg [dreg:$0xc];
	[sflag:s10] =	ssyncadd.s32 $0xFFFFE700  }
0x2f: {  	[spmem:s29] =	stream.linear.scatter [tilespmem:s9], [sflag:$0x5], $0x1900, $0x38;
	[tilespmem:$0x1CB60] =	vst v63  }
0x30: {  	_ =	swait.ge [sflag:s10], $0x1900  }
0x31: {  	[sflag:s10] =	ssyncset.done $0x0  }
0x32: {  	s30 =	rddreg [dreg:$0xd];
	[sflag:s10] =	ssyncadd.s32 $0xFFFFE700  }
0x33: {  	[spmem:s30] =	stream.linear.scatter [tilespmem:s9], [sflag:$0x5], $0x1900, $0x38;
	[tilespmem:$0x1CB60] =	vst v63  }
0x34: {  	_ =	swait.ge [sflag:s10], $0x1900  }
0x35: {  	[sflag:s10] =	ssyncset.done $0x0  }
0x36: {  	s31 =	rddreg [dreg:$0xe];
	[sflag:s10] =	ssyncadd.s32 $0xFFFFE700  }
0x37: {  	[spmem:s31] =	stream.linear.scatter [tilespmem:s9], [sflag:$0x5], $0x1900, $0x38;
	[tilespmem:$0x1CB60] =	vst v63  }
0x38: {  	_ =	swait.ge [sflag:s10], $0x1900  }
0x39: {  	[sflag:s10] =	ssyncset.done $0x0  }
0x3a: {  	s11 =	rddreg [dreg:$0xf];
	[sflag:s10] =	ssyncadd.s32 $0xFFFFE700  }
0x3b: {  	[spmem:s11] =	stream.linear.scatter [tilespmem:s9], [sflag:$0x5], $0x1900, $0x38;
	[tilespmem:$0x1CB60] =	vst v63  }
0x3c: {  	_ =	swait.ge [sflag:s10], $0x1900  }
0x3d: {  	[sflag:s10] =	ssyncset.done $0x0  }
0x3e: {  	s29 =	rddreg [dreg:$0x10];
	[sflag:s10] =	ssyncadd.s32 $0xFFFFE700  }
0x3f: {  	[spmem:s29] =	stream.linear.scatter [tilespmem:s9], [sflag:$0x5], $0x1900, $0x38;
	[tilespmem:$0x1CB60] =	vst v63  }
0x40: {  	_ =	swait.ge [sflag:s10], $0x1900  }
0x41: {  	[sflag:s10] =	ssyncset.done $0x0  }
0x42: {  	s30 =	rddreg [dreg:$0x11];
	[sflag:s10] =	ssyncadd.s32 $0xFFFFE700  }
0x43: {  	[spmem:s30] =	stream.linear.scatter [tilespmem:s9], [sflag:$0x5], $0x1900, $0x38;
	[tilespmem:$0x1CB60] =	vst v63  }
0x44: {  	_ =	swait.ge [sflag:s10], $0x1900  }
0x45: {  	[sflag:s10] =	ssyncset.done $0x0  }
0x46: {  	s31 =	rddreg [dreg:$0x12];
	[sflag:s10] =	ssyncadd.s32 $0xFFFFE700  }
0x47: {  	[spmem:s31] =	stream.linear.scatter [tilespmem:s9], [sflag:$0x5], $0x1900, $0x38;
	[tilespmem:$0x1CB60] =	vst v63  }
0x48: {  	_ =	swait.ge [sflag:s10], $0x1900  }
0x49: {  	[sflag:s10] =	ssyncset.done $0x0  }
0x4a: {  	s11 =	rddreg [dreg:$0x13];
	[sflag:s10] =	ssyncadd.s32 $0xFFFFE700  }
0x4b: {  	[spmem:s11] =	stream.linear.scatter [tilespmem:s9], [sflag:$0x5], $0x1900, $0x38;
	[tilespmem:$0x1CB60] =	vst v63  }
0x4c: {  	_ =	swait.ge [sflag:s10], $0x1900  }
0x4d: {  	[sflag:s10] =	ssyncset.done $0x0  }
0x4e: {  	s29 =	rddreg [dreg:$0x14];
	[sflag:s10] =	ssyncadd.s32 $0xFFFFE700  }
0x4f: {  	[spmem:s29] =	stream.linear.scatter [tilespmem:s9], [sflag:$0x5], $0x1900, $0x38;
	[tilespmem:$0x1CB60] =	vst v63  }
0x50: {  	_ =	swait.ge [sflag:s10], $0x1900  }
0x51: {  	[sflag:s10] =	ssyncset.done $0x0  }
0x52: {  	s30 =	rddreg [dreg:$0x15];
	[sflag:s10] =	ssyncadd.s32 $0xFFFFE700  }
0x53: {  	[spmem:s30] =	stream.linear.scatter [tilespmem:s9], [sflag:$0x5], $0x1900, $0x38;
	[tilespmem:$0x1CB60] =	vst v63  }
0x54: {  	_ =	swait.ge [sflag:s10], $0x1900  }
0x55: {  	[sflag:s10] =	ssyncset.done $0x0  }
0x56: {  	s31 =	rddreg [dreg:$0x16];
	[sflag:s10] =	ssyncadd.s32 $0xFFFFE700  }
0x57: {  	[spmem:s31] =	stream.linear.scatter [tilespmem:s9], [sflag:$0x5], $0x1900, $0x38;
	[tilespmem:$0x1CB60] =	vst v63  }
0x58: {  	_ =	swait.ge [sflag:s10], $0x1900  }
0x59: {  	[sflag:s10] =	ssyncset.done $0x0  }
0x5a: {  	s11 =	rddreg [dreg:$0x17];
	[sflag:s10] =	ssyncadd.s32 $0xFFFFE700  }
0x5b: {  	[spmem:s11] =	stream.linear.scatter [tilespmem:s9], [sflag:$0x5], $0x1900, $0x38;
	[tilespmem:$0x1CB60] =	vst v63  }
0x5c: {  	_ =	swait.ge [sflag:s10], $0x1900  }
0x5d: {  	[sflag:s10] =	ssyncset.done $0x0  }
0x5e: {  	[sflag:s10] =	ssyncadd.s32 $0xFFFFE700  }
0x5f: {  	[spmem:s1] =	stream.linear.scatter [tilespmem:s9], [sflag:$0x5], $0x1900, $0x38;
	[tilespmem:$0x1CB60] =	vst v63  }
0x60: {  	_ =	swait.ge [sflag:s10], $0x1900  }
0x61: {  	[sflag:s10] =	ssyncset.done $0x0  }
0x62: {  	[sflag:s10] =	ssyncadd.s32 $0xFFFFE700  }
0x63: {  	[spmem:s8] =	stream.linear.scatter [tilespmem:s9], [sflag:$0x5], $0x1900, $0x38;
	[tilespmem:$0x1CB60] =	vst v63  }
0x64: {  	_ =	swait.ge [sflag:s10], $0x1900  }
0x65: {  	[sflag:s10] =	ssyncset.done $0x0  }
0x66: {  	[sflag:s10] =	ssyncadd.s32 $0xFFFFE700  }
0x67: {  	[bflag:$0x0] =	sbarrier.arrive $0xFFFF  }
0x68: {  	s28 =	simm.s32 $0x0;
	s11 =	simm.s32 $0x19000;
	s29 =	rddreg [dreg:$0x4]  }
0x69: {  	[tilespmem:s11], [sflag:$0x1] =	stream.linear.gather [hbm4b:s29+s28], $0x190, $0x38;
	[tilespmem:$0x1CB60] =	vst v63  }
0x6a: {  	s30 =	rddreg [dreg:$0x5]  }
0x6b: {  	[tilespmem:s12], [sflag:$0x1] =	stream.linear.gather [hbm4b:s30+s28], $0x190, $0x38;
	[tilespmem:$0x1CB60] =	vst v63  }
0x6c: {  	s31 =	rddreg [dreg:$0x6];
	s29 =	simm.s32 $0x19320  }
0x6d: {  	[tilespmem:s29], [sflag:$0x1] =	stream.linear.gather [hbm4b:s31+s28], $0x190, $0x38;
	[tilespmem:$0x1CB60] =	vst v63  }
0x6e: {  	s29 =	rddreg [dreg:$0x7]  }
0x6f: {  	[tilespmem:s13], [sflag:$0x2] =	stream.linear.gather [hbm4b:s29+s28], $0x190, $0x38;
	[tilespmem:$0x1CB60] =	vst v63  }
0x70: {  	s30 =	rddreg [dreg:$0x8]  }
0x71: {  	[tilespmem:s16], [sflag:$0x2] =	stream.linear.gather [hbm4b:s30+s28], $0x190, $0x38;
	[tilespmem:$0x1CB60] =	vst v63  }
0x72: {  	s31 =	rddreg [dreg:$0x9]  }
0x73: {  	[tilespmem:s18], [sflag:$0x2] =	stream.linear.gather [hbm4b:s31+s28], $0x190, $0x38;
	[tilespmem:$0x1CB60] =	vst v63  }
0x74: {  	_ =	swait.ge [sflag:s19], $0x190  }
0x75: {  	[sflag:s19] =	ssyncset.done $0x0  }
0x76: {  	[sflag:s19] =	ssyncadd.s32 $0xFFFFFE70  }
0x77: {  	_ =	swait.ge [sflag:s19], $0x190  }
0x78: {  	[sflag:s19] =	ssyncset.done $0x0  }
0x79: {  	[sflag:s19] =	ssyncadd.s32 $0xFFFFFE70  }
0x7a: {  	_ =	swait.ge [sflag:s19], $0x190  }
0x7b: {  	[sflag:s19] =	ssyncset.done $0x0  }
0x7c: {  	[sflag:s19] =	ssyncadd.s32 $0xFFFFFE70  }
0x7d: {  	[tilespmem:s9], [sflag:$0x3] =	stream.indirect.gather [hbm4b:s7+s20], $0x10, s11, s20, $0xb8;
	[tilespmem:$0x1CB60] =	vst v63  }
.LBB2_4:
0x7e: {  	_ =	swait.ge [sflag:s21], $0x190  }
0x7f: {  	[sflag:s21] =	ssyncset.done $0x0  }
0x80: {  	[sflag:s21] =	ssyncadd.s32 $0xFFFFFE70  }
0x81: {  	_ =	swait.ge [sflag:s21], $0x190  }
0x82: {  	[sflag:s21] =	ssyncset.done $0x0  }
0x83: {  	[sflag:s21] =	ssyncadd.s32 $0xFFFFFE70  }
0x84: {  	_ =	swait.ge [sflag:s21], $0x190  }
0x85: {  	[sflag:s21] =	ssyncset.done $0x0  }
0x86: {  	[sflag:s21] =	ssyncadd.s32 $0xFFFFFE70  }
0x87: {  	[tilespmem:s22], [sflag:$0x4] =	stream.indirect.gather [hbm4b:s7+s20], $0x10, s13, s20, $0xb8;
	[tilespmem:$0x1CB60] =	vst v63  }
0x88: {  	_ =	swait.ge [sflag:s23], $0x1900  }
0x89: {  	[sflag:s23] =	ssyncset.done $0x0  }
0x8a: {  	s11 =	simm.s32 $0x19530;
	[sflag:s23] =	ssyncadd.s32 $0xFFFFE700  }
0x8b: {  	s31 =	simm.s32 $0x0;
	s30 =	simm.s32 $0x40;
	s29 =	simm.s32 $0x19530;
	v1 =	vld [tilespmem:s11+$0xFFFFFFB0]  }
.LBB2_5:
0x8c: {  	p0 =	sne.s32 s30, $0x600;
	v2 =	vld [tilespmem:s31+$0x19320]  }
0x8d: {  	v3 =	vld [tilespmem:s11+$0xFFFFFF90]  }
0x8e: {  	v4 =	vld [tilespmem:s11+$0xFFFFFF80]  }
0x8f: {  	v5 =	vld [tilespmem:s11+$0xFFFFFFA0]  }
0x90: {  	v6 =	vld [tilespmem:s11+$0xFFFFFFF0]  }
0x91: {  	v7 =	vbroadcast v2, $0x0;
	v8 =	vbroadcast v2, $0x1;
	v9 =	vld [tilespmem:s11+$0xFFFFFFD0]  }
0x92: {  	v10 =	vbroadcast v2, $0x2;
	v11 =	vbroadcast v2, $0x3;
	v12 =	vld [tilespmem:s11+$0xFFFFFFC0]  }
0x93: {  	v4 =	vmul.f32 v7, v4;
	v3 =	vmul.f32 v3, v8;
	v7 =	vld [tilespmem:s11+$0xFFFFFFE0]  }
0x94: {  	v1 =	vmul.f32 v1, v11;
	v5 =	vmul.f32 v5, v10;
	v8 =	vld [tilespmem:s11+$0x30]  }
0x95: {  	v10 =	vbroadcast v2, $0x5;
	[tilespmem:s11+$0xFFFFFF80] =	vst v4;
	v4 =	vbroadcast v2, $0x4;
	v11 =	vld [tilespmem:s11+$0x10]  }
0x96: {  	v13 =	vbroadcast v2, $0x7;
	[tilespmem:s11+$0xFFFFFF90] =	vst v3;
	v3 =	vbroadcast v2, $0x6;
	v14 =	vld [tilespmem:s11+$0x0]  }
0x97: {  	[tilespmem:s11+$0xFFFFFFA0] =	vst v5;
	v4 =	vmul.f32 v12, v4;
	v5 =	vmul.f32 v9, v10;
	v9 =	vld [tilespmem:s11+$0x20]  }
0x98: {  	[tilespmem:s11+$0xFFFFFFB0] =	vst v1;
	v1 =	vmul.f32 v7, v3;
	v3 =	vmul.f32 v6, v13;
	v6 =	vld [tilespmem:s11+$0x70]  }
0x99: {  	v7 =	vbroadcast v2, $0x9;
	[tilespmem:s11+$0xFFFFFFC0] =	vst v4;
	v4 =	vbroadcast v2, $0x8;
	v10 =	vld [tilespmem:s11+$0x50]  }
0x9a: {  	v12 =	vbroadcast v2, $0xB;
	[tilespmem:s11+$0xFFFFFFD0] =	vst v5;
	v5 =	vbroadcast v2, $0xA;
	v13 =	vld [tilespmem:s11+$0x40]  }
0x9b: {  	[tilespmem:s11+$0xFFFFFFE0] =	vst v1;
	v1 =	vmul.f32 v14, v4;
	v4 =	vmul.f32 v11, v7;
	v7 =	vld [tilespmem:s11+$0x60]  }
0x9c: {  	[tilespmem:s11+$0xFFFFFFF0] =	vst v3;
	v3 =	vmul.f32 v9, v5;
	v5 =	vmul.f32 v8, v12  }
0x9d: {  	v8 =	vbroadcast v2, $0xD;
	[tilespmem:s11+$0x0] =	vst v1;
	v1 =	vbroadcast v2, $0xC  }
0x9e: {  	[tilespmem:s11+$0x10] =	vst v4;
	v4 =	vbroadcast v2, $0xE;
	v2 =	vbroadcast v2, $0xF  }
0x9f: {  	[tilespmem:s11+$0x20] =	vst v3;
	v1 =	vmul.f32 v13, v1;
	v3 =	vmul.f32 v10, v8  }
.Ltmp1:
0xa0: {  	[tilespmem:s11+$0x30] =	vst v5;
	v4 =	vmul.f32 v7, v4;
	v2 =	vmul.f32 v6, v2;
	(pc) =	sbr.rel @p0 .LBB2_5-.Ltmp1, $4  }
0xa1: {  	[tilespmem:s11+$0x40] =	vst v1  }
0xa2: {  	[tilespmem:s11+$0x50] =	vst v3  }
0xa3: {  	s11 =	sadd.s32 $0x100, s11;
	[tilespmem:s29+$0x60] =	vst v4  }
0xa4: {  	s31 =	sshra.s32 s30, $0x2;
	s30 =	sadd.s32 $0x40, s30;
	v1 =	vld [tilespmem:s11+$0xFFFFFFB0];
	[tilespmem:s29+$0x70] =	vst v2;
	s29 =	smov.u32 s11  }
0xa5: {  	v2 =	vld [tilespmem:s31+$0x19320];
	_ =	sdelay $0x1  }
0xa6: {  	v3 =	vld [tilespmem:s11+$0xFFFFFF80]  }
0xa7: {  	v4 =	vld [tilespmem:s11+$0xFFFFFF90]  }
0xa8: {  	v5 =	vld [tilespmem:s11+$0xFFFFFFA0]  }
0xa9: {  	v6 =	vbroadcast v2, $0x0  }
0xaa: {  	v9 =	vld [tilespmem:s11+$0xFFFFFFD0];
	v7 =	vbroadcast v2, $0x1  }
0xab: {  	v8 =	vld [tilespmem:s11+$0xFFFFFFC0];
	v10 =	vbroadcast v2, $0x2;
	v3 =	vmul.f32 v6, v3  }
0xac: {  	v48 =	vld [tilespmem:s11+$0xFFFFFFE0];
	v47 =	vbroadcast v2, $0x3;
	v4 =	vmul.f32 v4, v7  }
0xad: {  	v51 =	vld [tilespmem:s11+$0x10];
	v49 =	vbroadcast v2, $0x5;
	v5 =	vmul.f32 v5, v10;
	[tilespmem:s11+$0xFFFFFF80] =	vst v3  }
0xae: {  	v11 =	vld [tilespmem:s11+$0xFFFFFFF0];
	v1 =	vmul.f32 v1, v47;
	v3 =	vbroadcast v2, $0x4;
	[tilespmem:s11+$0xFFFFFF90] =	vst v4  }
0xaf: {  	v50 =	vld [tilespmem:s11+$0x0];
	v12 =	vbroadcast v2, $0x6;
	v6 =	vmul.f32 v9, v49;
	[tilespmem:s11+$0xFFFFFFA0] =	vst v5  }
0xb0: {  	v56 =	vld [tilespmem:s11+$0x50];
	v54 =	vbroadcast v2, $0x9;
	[tilespmem:s11+$0xFFFFFFB0] =	vst v1;
	v3 =	vmul.f32 v8, v3  }
0xb1: {  	v53 =	vld [tilespmem:s11+$0x20];
	v52 =	vbroadcast v2, $0x7;
	v7 =	vmul.f32 v48, v12;
	[tilespmem:s11+$0xFFFFFFD0] =	vst v6  }
0xb2: {  	v59 =	vmul.f32 v51, v54;
	v1 =	vld [tilespmem:s11+$0x30];
	[tilespmem:s11+$0xFFFFFFC0] =	vst v3;
	v3 =	vbroadcast v2, $0x8  }
0xb3: {  	v55 =	vld [tilespmem:s11+$0x40];
	v62 =	vbroadcast v2, $0xD;
	v5 =	vmul.f32 v11, v52;
	[tilespmem:s11+$0xFFFFFFE0] =	vst v7  }
0xb4: {  	v60 =	vld [tilespmem:s11+$0x60];
	v57 =	vbroadcast v2, $0xA;
	[tilespmem:s11+$0x10] =	vst v59;
	v3 =	vmul.f32 v50, v3  }
0xb5: {  	v61 =	vld [tilespmem:s11+$0x70];
	v58 =	vbroadcast v2, $0xB;
	v4 =	vmul.f32 v56, v62;
	[tilespmem:s11+$0xFFFFFFF0] =	vst v5  }
0xb6: {  	v8 =	vmul.f32 v53, v57;
	[tilespmem:s11+$0x0] =	vst v3;
	v3 =	vbroadcast v2, $0xC  }
0xb7: {  	v63 =	vbroadcast v2, $0xE;
	[tilespmem:s11+$0x50] =	vst v4;
	v1 =	vmul.f32 v1, v58  }
0xb8: {  	[tilespmem:s11+$0x20] =	vst v8;
	v2 =	vbroadcast v2, $0xF;
	v3 =	vmul.f32 v55, v3  }
0xb9: {  	[tilespmem:s11+$0x30] =	vst v1;
	v1 =	vmul.f32 v60, v63  }
0xba: {  	v2 =	vmul.f32 v61, v2;
	[tilespmem:s11+$0x40] =	vst v3  }
0xbb: {  	p0 =	seq.s32 s28, $0x7C;
	[tilespmem:s29+$0x60] =	vst v1  }
0xbc: {  	s11 =	smul.u32 @!p0 $0x320, s28;
	[tilespmem:s29+$0x70] =	vst v2  }
0xbd: {  	[spmem:s3] =	stream.indirect.scatter.add.f32 [tilespmem:s9], [sflag:$0x5], $0x10, s12, s20, $0xb8;
	[tilespmem:$0x1CB60] =	vst v63  }
0xbe: {  	s11 =	sadd.s32 @!p0 s11, s14;
	_ =	swait.ge [sflag:s10], $0x1900  }
0xbf: {  	s30 =	simm.s32 @!p0 $0x0;
	s11 =	sshrl.u32 @!p0 s11, $0x3;
	[sflag:s10] =	ssyncset.done $0x0  }
0xc0: {  	s31 =	simm.s32 @!p0 $0x19000;
	s29 =	sadd.s32 @!p0 s5, s11;
	[sflag:s10] =	ssyncadd.s32 $0xFFFFE700  }
0xc1: {  	[tilespmem:s31], [sflag:$0x1] =	stream.linear.gather @!p0 [hbm4b:s29+s30], $0x190, $0x38;
	[tilespmem:$0x1CB60] =	vst v63  }
0xc2: {  	s0 =	simm.s32 @!p0 $0x19190;
	s29 =	sadd.s32 @!p0 s6, s11  }
0xc3: {  	[tilespmem:s0], [sflag:$0x1] =	stream.linear.gather @!p0 [hbm4b:s29+s30], $0x190, $0x38;
	[tilespmem:$0x1CB60] =	vst v63  }
0xc4: {  	s0 =	sadd.s32 @!p0 s2, s11;
	s11 =	simm.s32 @!p0 $0x19320  }
0xc5: {  	[tilespmem:s11], [sflag:$0x1] =	stream.linear.gather @!p0 [hbm4b:s0+s30], $0x190, $0x38;
	[tilespmem:$0x1CB60] =	vst v63  }
0xc6: {  	s0 =	simm.s32 @!p0 $0x1  }
0xc7: {  	_ =	swait.ge @!p0 [sflag:s0], $0x190  }
0xc8: {  	[sflag:s0] =	ssyncset.done @!p0 $0x0  }
0xc9: {  	[sflag:s0] =	ssyncadd.s32 @!p0 $0xFFFFFE70  }
0xca: {  	_ =	swait.ge @!p0 [sflag:s0], $0x190  }
0xcb: {  	[sflag:s0] =	ssyncset.done @!p0 $0x0  }
0xcc: {  	[sflag:s0] =	ssyncadd.s32 @!p0 $0xFFFFFE70  }
0xcd: {  	_ =	swait.ge @!p0 [sflag:s0], $0x190  }
0xce: {  	[sflag:s0] =	ssyncset.done @!p0 $0x0  }
0xcf: {  	s11 =	simm.s32 @!p0 $0x194B0;
	[sflag:s0] =	ssyncadd.s32 @!p0 $0xFFFFFE70;
	s0 =	simm.s32 @!p0 $0x190  }
0xd0: {  	[tilespmem:s11], [sflag:$0x3] =	stream.indirect.gather @!p0 [hbm4b:s7+s0], $0x10, s31, s0, $0xb8;
	[tilespmem:$0x1CB60] =	vst v63  }
0xd1: {  	_ =	swait.ge [sflag:s24], $0x1900  }
0xd2: {  	[sflag:s24] =	ssyncset.done $0x0  }
0xd3: {  	s11 =	simm.s32 $0x1B2E0;
	[sflag:s24] =	ssyncadd.s32 $0xFFFFE700  }
0xd4: {  	s29 =	simm.s32 $0x1B2E0;
	s30 =	simm.s32 $0x40;
	s31 =	simm.s32 $0x0;
	v1 =	vld [tilespmem:s11+$0xFFFFFFB0]  }
.LBB2_7:
0xd5: {  	p1 =	sne.s32 s30, $0x600;
	v2 =	vld [tilespmem:s31+$0x1B0D0]  }
0xd6: {  	v3 =	vld [tilespmem:s11+$0xFFFFFF90]  }
0xd7: {  	v4 =	vld [tilespmem:s11+$0xFFFFFF80]  }
0xd8: {  	v5 =	vld [tilespmem:s11+$0xFFFFFFA0]  }
0xd9: {  	v6 =	vld [tilespmem:s11+$0xFFFFFFF0]  }
0xda: {  	v7 =	vbroadcast v2, $0x0;
	v8 =	vbroadcast v2, $0x1;
	v9 =	vld [tilespmem:s11+$0xFFFFFFD0]  }
0xdb: {  	v10 =	vbroadcast v2, $0x2;
	v11 =	vbroadcast v2, $0x3;
	v12 =	vld [tilespmem:s11+$0xFFFFFFC0]  }
0xdc: {  	v4 =	vmul.f32 v7, v4;
	v3 =	vmul.f32 v3, v8;
	v7 =	vld [tilespmem:s11+$0xFFFFFFE0]  }
0xdd: {  	v1 =	vmul.f32 v1, v11;
	v5 =	vmul.f32 v5, v10;
	v8 =	vld [tilespmem:s11+$0x30]  }
0xde: {  	v10 =	vbroadcast v2, $0x5;
	[tilespmem:s11+$0xFFFFFF80] =	vst v4;
	v4 =	vbroadcast v2, $0x4;
	v11 =	vld [tilespmem:s11+$0x10]  }
0xdf: {  	v13 =	vbroadcast v2, $0x7;
	[tilespmem:s11+$0xFFFFFF90] =	vst v3;
	v3 =	vbroadcast v2, $0x6;
	v14 =	vld [tilespmem:s11+$0x0]  }
0xe0: {  	[tilespmem:s11+$0xFFFFFFA0] =	vst v5;
	v4 =	vmul.f32 v12, v4;
	v5 =	vmul.f32 v9, v10;
	v9 =	vld [tilespmem:s11+$0x20]  }
0xe1: {  	[tilespmem:s11+$0xFFFFFFB0] =	vst v1;
	v1 =	vmul.f32 v7, v3;
	v3 =	vmul.f32 v6, v13;
	v6 =	vld [tilespmem:s11+$0x70]  }
0xe2: {  	v7 =	vbroadcast v2, $0x9;
	[tilespmem:s11+$0xFFFFFFC0] =	vst v4;
	v4 =	vbroadcast v2, $0x8;
	v10 =	vld [tilespmem:s11+$0x50]  }
0xe3: {  	v12 =	vbroadcast v2, $0xB;
	[tilespmem:s11+$0xFFFFFFD0] =	vst v5;
	v5 =	vbroadcast v2, $0xA;
	v13 =	vld [tilespmem:s11+$0x40]  }
0xe4: {  	[tilespmem:s11+$0xFFFFFFE0] =	vst v1;
	v1 =	vmul.f32 v14, v4;
	v4 =	vmul.f32 v11, v7;
	v7 =	vld [tilespmem:s11+$0x60]  }
0xe5: {  	[tilespmem:s11+$0xFFFFFFF0] =	vst v3;
	v3 =	vmul.f32 v9, v5;
	v5 =	vmul.f32 v8, v12  }
0xe6: {  	v8 =	vbroadcast v2, $0xD;
	[tilespmem:s11+$0x0] =	vst v1;
	v1 =	vbroadcast v2, $0xC  }
0xe7: {  	[tilespmem:s11+$0x10] =	vst v4;
	v4 =	vbroadcast v2, $0xE;
	v2 =	vbroadcast v2, $0xF  }
0xe8: {  	[tilespmem:s11+$0x20] =	vst v3;
	v1 =	vmul.f32 v13, v1;
	v3 =	vmul.f32 v10, v8  }
.Ltmp2:
0xe9: {  	[tilespmem:s11+$0x30] =	vst v5;
	v4 =	vmul.f32 v7, v4;
	v2 =	vmul.f32 v6, v2;
	(pc) =	sbr.rel @p1 .LBB2_7-.Ltmp2, $4  }
0xea: {  	[tilespmem:s11+$0x40] =	vst v1  }
0xeb: {  	[tilespmem:s11+$0x50] =	vst v3  }
0xec: {  	s11 =	sadd.s32 $0x100, s11;
	[tilespmem:s29+$0x60] =	vst v4  }
0xed: {  	s31 =	sshra.s32 s30, $0x2;
	s30 =	sadd.s32 $0x40, s30;
	v1 =	vld [tilespmem:s11+$0xFFFFFFB0];
	[tilespmem:s29+$0x70] =	vst v2;
	s29 =	smov.u32 s11  }
0xee: {  	v2 =	vld [tilespmem:s31+$0x1B0D0];
	_ =	sdelay $0x1  }
0xef: {  	v3 =	vld [tilespmem:s11+$0xFFFFFF80]  }
0xf0: {  	v4 =	vld [tilespmem:s11+$0xFFFFFF90]  }
0xf1: {  	v5 =	vld [tilespmem:s11+$0xFFFFFFA0]  }
0xf2: {  	v6 =	vbroadcast v2, $0x0  }
0xf3: {  	v9 =	vld [tilespmem:s11+$0xFFFFFFD0];
	v7 =	vbroadcast v2, $0x1  }
0xf4: {  	v8 =	vld [tilespmem:s11+$0xFFFFFFC0];
	v10 =	vbroadcast v2, $0x2;
	v3 =	vmul.f32 v6, v3  }
0xf5: {  	v48 =	vld [tilespmem:s11+$0xFFFFFFE0];
	v47 =	vbroadcast v2, $0x3;
	v4 =	vmul.f32 v4, v7  }
0xf6: {  	v51 =	vld [tilespmem:s11+$0x10];
	v49 =	vbroadcast v2, $0x5;
	v5 =	vmul.f32 v5, v10;
	[tilespmem:s11+$0xFFFFFF80] =	vst v3  }
0xf7: {  	v11 =	vld [tilespmem:s11+$0xFFFFFFF0];
	v1 =	vmul.f32 v1, v47;
	v3 =	vbroadcast v2, $0x4;
	[tilespmem:s11+$0xFFFFFF90] =	vst v4  }
0xf8: {  	v50 =	vld [tilespmem:s11+$0x0];
	v12 =	vbroadcast v2, $0x6;
	v6 =	vmul.f32 v9, v49;
	[tilespmem:s11+$0xFFFFFFA0] =	vst v5  }
0xf9: {  	v56 =	vld [tilespmem:s11+$0x50];
	v54 =	vbroadcast v2, $0x9;
	[tilespmem:s11+$0xFFFFFFB0] =	vst v1;
	v3 =	vmul.f32 v8, v3  }
0xfa: {  	v53 =	vld [tilespmem:s11+$0x20];
	v52 =	vbroadcast v2, $0x7;
	v7 =	vmul.f32 v48, v12;
	[tilespmem:s11+$0xFFFFFFD0] =	vst v6  }
0xfb: {  	v59 =	vmul.f32 v51, v54;
	v1 =	vld [tilespmem:s11+$0x30];
	[tilespmem:s11+$0xFFFFFFC0] =	vst v3;
	v3 =	vbroadcast v2, $0x8  }
0xfc: {  	v55 =	vld [tilespmem:s11+$0x40];
	v62 =	vbroadcast v2, $0xD;
	v5 =	vmul.f32 v11, v52;
	[tilespmem:s11+$0xFFFFFFE0] =	vst v7  }
0xfd: {  	v60 =	vld [tilespmem:s11+$0x60];
	v57 =	vbroadcast v2, $0xA;
	[tilespmem:s11+$0x10] =	vst v59;
	v3 =	vmul.f32 v50, v3  }
0xfe: {  	v61 =	vld [tilespmem:s11+$0x70];
	v58 =	vbroadcast v2, $0xB;
	v4 =	vmul.f32 v56, v62;
	[tilespmem:s11+$0xFFFFFFF0] =	vst v5  }
0xff: {  	v8 =	vmul.f32 v53, v57;
	[tilespmem:s11+$0x0] =	vst v3;
	v3 =	vbroadcast v2, $0xC  }
0x100: {  	v63 =	vbroadcast v2, $0xE;
	[tilespmem:s11+$0x50] =	vst v4;
	v1 =	vmul.f32 v1, v58  }
0x101: {  	[tilespmem:s11+$0x20] =	vst v8;
	v2 =	vbroadcast v2, $0xF;
	v3 =	vmul.f32 v55, v3  }
0x102: {  	[tilespmem:s11+$0x30] =	vst v1;
	v1 =	vmul.f32 v60, v63  }
0x103: {  	v2 =	vmul.f32 v61, v2;
	[tilespmem:s11+$0x40] =	vst v3  }
0x104: {  	[tilespmem:s29+$0x60] =	vst v1  }
.Ltmp3:
0x105: {  	[tilespmem:s29+$0x70] =	vst v2;
	(pc) =	sbr.rel @p0 .LBB2_10-.Ltmp3, $4  }
0x106: {  	[spmem:s3] =	stream.indirect.scatter.add.f32 [tilespmem:s22], [sflag:$0x5], $0x10, s16, s20, $0xb8;
	[tilespmem:$0x1CB60] =	vst v63  }
0x107: {  	_ =	swait.ge [sflag:s10], $0x1900  }
0x108: {  	[sflag:s10] =	ssyncset.done $0x0  }
0x109: {  	[sflag:s10] =	ssyncadd.s32 $0xFFFFE700  }
0x10a: {  	s0 =	smul.u32 $0x320, s28;
	_ =	sdelay $0x1  }
0x10b: {  	s0 =	sadd.s32 s0, s15  }
0x10c: {  	s0 =	sshrl.u32 s0, $0x3  }
0x10d: {  	s11 =	sadd.s32 s5, s0  }
0x10e: {  	[tilespmem:s13], [sflag:$0x2] =	stream.linear.gather [hbm4b:s11+s4], $0x190, $0x38;
	[tilespmem:$0x1CB60] =	vst v63  }
.Ltmp4:
0x10f: {  	_ = 	snop;
	(pc) =	sbr.rel .LBB2_4-.Ltmp4, $4  }
0x110: {  	s31 =	sadd.s32 s6, s0  }
0x111: {  	[tilespmem:s16], [sflag:$0x2] =	stream.linear.gather [hbm4b:s31+s4], $0x190, $0x38;
	[tilespmem:$0x1CB60] =	vst v63  }
0x112: {  	s28 =	sadd.s32 $0x1, s28;
	s0 =	sadd.s32 s2, s0  }
0x113: {  	[tilespmem:s18], [sflag:$0x2] =	stream.linear.gather [hbm4b:s0+s4], $0x190, $0x38;
	[tilespmem:$0x1CB60] =	vst v63  }
.LBB2_10:
0x114: {  	[bflag:$0x0] =	sbarrier.arrive $0xFFFF  }
0x115: {  	[tilespmem:s9], [sflag:$0x5] =	stream.linear.gather [spmem:s17], $0x1900, $0x38;
	[tilespmem:$0x1CB60] =	vst v63  }
0x116: {  	_ =	swait.ge [sflag:s10], $0x1900  }
0x117: {  	[sflag:s10] =	ssyncset.done $0x0  }
0x118: {  	s0 =	sadd.s32 $0x0, s25;
	[sflag:s10] =	ssyncadd.s32 $0xFFFFE700  }
0x119: {  	[hbm4b:s0+s4] =	stream.linear.scatter [tilespmem:s9], [sflag:$0x5], $0x1900, $0x38;
	[tilespmem:$0x1CB60] =	vst v63  }
0x11a: {  	_ =	swait.ge [sflag:s10], $0x1900  }
0x11b: {  	s11 =	simm.s32 $0x320;
	s28 =	smov.u32 s17;
	[sflag:s10] =	ssyncset.done $0x0  }
.LBB2_11:
0x11c: {  	p0 =	sne.s32 s11, $0x2EE0;
	[sflag:s10] =	ssyncadd.s32 $0xFFFFE700;
	s28 =	sadd.s32 $0x1900, s28  }
0x11d: {  	[tilespmem:s9], [sflag:$0x5] =	stream.linear.gather [spmem:s28], $0x1900, $0x38;
	[tilespmem:$0x1CB60] =	vst v63  }
0x11e: {  	s0 =	smov.u32 s11;
	s11 =	sadd.s32 $0x320, s11;
	_ =	swait.ge [sflag:s10], $0x1900  }
.Ltmp5:
0x11f: {  	[sflag:s10] =	ssyncset.done $0x0;
	(pc) =	sbr.rel @p0 .LBB2_11-.Ltmp5, $4  }
0x120: {  	s0 =	sadd.s32 s0, s25;
	[sflag:s10] =	ssyncadd.s32 $0xFFFFE700  }
0x121: {  	[hbm4b:s0+s4] =	stream.linear.scatter [tilespmem:s9], [sflag:$0x5], $0x1900, $0x38;
	[tilespmem:$0x1CB60] =	vst v63  }
0x122: {  	_ =	swait.ge [sflag:s10], $0x1900  }
0x123: {  	[sflag:s10] =	ssyncset.done $0x0  }
0x124: {  	s26 =	sadd.s32 $0x1, s26;
	s0 =	rddreg [dreg:$0xa]  }
0x125: {  	p0 =	sne.s32 s26, s0  }
.Ltmp6:
0x126: {  	_ = 	snop;
	(pc) =	sbr.rel @p0 .LBB2_1-.Ltmp6, $2  }
0x127: {  	_ =	sdelay $0x2  }
0x128: {  	[sflag:s10] =	ssyncadd.s32 $0xFFFFE700  }
0x129: {  	_ =	sfence.sel $0x180000  }
0x12a: {  	[bflag:$0x0] =	sbarrier.arrive $0xFFFF  }
0x12b: {  	_ =	strace $0x9000004A  }
0x12c: {  	s0 =	stileid.u32;
	[bflag:$0x2] =	sbarrier.arrive $0xFFFF  }
0x12d: {  	p0 =	sne.s32 s0, $0x0;
	s0 =	rddreg [dreg:$0x3]  }
0x12e: {  	s0 =	sadd.s32 @!p0 $0x100000, s0  }
0x12f: {  	[sflag:s0] =	ssyncadd.tile.s32 @!p0 $0x1;
	_ =	shalt  }
.Lfunc_end2:
_tile_overlayer_lowered:
.L_overlay_start_2:
0x130: {  	(tag) =	ssettag $0x2  }
0x131: {  	s0 =	rddreg [dreg:$0x0];
	s2 =	stileid.u32  }
0x132: {  	s1 =	rddreg [dreg:$0x1];
	p0 =	sne.s32 s2, $0x0  }
0x133: {  	s3 =	rddreg [dreg:$0x2];
	[bflag:$0x3] =	sbarrier.arrive $0xFFFF;
	s2 =	simm.s32 @!p0 $0x1C05  }
0x134: {  	[timem:s3], [sflag:s2] =	dma.local @!p0 [hbm:s0], s1  }
0x135: {  	s0 =	simm.s32 @!p0 $0x5  }
0x136: {  	_ =	swait.ge @!p0 [sflag:s0], s1  }
0x137: {  	s1 =	ssub.s32 @!p0 $0x0, s1;
	[sflag:s0] =	ssyncset.done @!p0 $0x0  }
0x138: {  	[sflag:s0] =	ssyncadd.s32 @!p0 s1  }
0x139: {  	[bflag:$0x3] =	sbarrier.arrive $0xFFFF  }
0x13a: {  	_ =	shalt  }

// kernel: _run.18.cloned.1.call-start
scs
__scs_entry_jumppad:
0x0: {  	(pc) =	sbr.rel $0x88, $3  }
0x1: {  	(tag) =	ssettag $0x0;
	lr =	simm.s32 $0x1  }
0x2: {  	[smem:$0x3F95] =	sst lr;
	_ =	strace $0xD0000000  }
0x3: {  	_ = 	snop  }
0x4: {  	_ = 	snop  }
0x5: {  	_ = 	snop  }
0x6: {  	_ = 	snop  }
0x7: {  	_ = 	snop  }
__scs_overlays_trampoline_lowered:
0x8: {  	[smem:$0x3FA4] =	sst s0  }
0x9: {  	[smem:$0x3FA5] =	sst s1  }
0xa: {  	[smem:$0x3FA6] =	sst s2  }
0xb: {  	[smem:$0x3FA7] =	sst s3  }
0xc: {  	[smem:$0x3FA8] =	sst s4  }
0xd: {  	[smem:$0x3FA9] =	sst s5  }
0xe: {  	[smem:$0x3FAA] =	sst s6  }
0xf: {  	[smem:$0x3FAB] =	sst s7  }
0x10: {  	[smem:$0x3FAC] =	sst s8  }
0x11: {  	[smem:$0x3FAD] =	sst s9;
	s0 =	simm.s32 @!p0 $0x0  }
0x12: {  	s1 =	sld [smem:$0x3F93];
	s0 =	simm.s32 @p0 $0x1  }
0x13: {  	[smem:$0x3FAE] =	sst s0;
	s0 =	simm.s32 @!p1 $0x0  }
0x14: {  	s2 =	sld [smem:$0x3F92];
	s0 =	simm.s32 @p1 $0x1  }
0x15: {  	[smem:$0x3FAF] =	sst s0;
	s0 =	simm.s32 @!p2 $0x0  }
0x16: {  	s3 =	sld [smem:$0x3FDB];
	s0 =	simm.s32 @p2 $0x1  }
0x17: {  	s4 =	simm.s32 $0x1BF5;
	[smem:$0x3FB1] =	sst s0  }
0x18: {  	s0 =	sld [smem:$0x3F94];
	_ =	swait.ge [sflag:s4], $0x0  }
0x19: {  	s7 =	sld [smem:$0x3F95]  }
0x1a: {  	s8 =	sadd.s32 $0xFFFFE003, lr  }
0x1b: {  	s9 =	sadd.s32 $0xFFFFFEF7, lr;
	s5 =	simm.s32 $0xFFFFFFFF;
	p2 =	slt.u32 s8, $0xFFFFF086  }
0x1c: {  	p1 =	slt.u32 s9, $0xF7A;
	s5 =	simm.s32 @!p2 $0x0  }
0x1d: {  	s5 =	simm.s32 @p1 $0x1;
	p0 =	seq.s32 s7, s2  }
0x1e: {  	s7 =	smul.u32 @!p0 $0xF7A, s2;
	p2 =	seq.s32 @!p0 s5, $0x0  }
0x1f: {  	s9 =	smul.u32 $0xF7A, s1;
	s8 =	simm.s32 @!p0 $0x1BF5;
	p2 =	por !p2, p0  }
0x20: {  	[sflag:s8] =	ssyncset.s32 @!p0 $0xFFFFF086;
	s6 =	sadd.s32 @!p0 s3, s7;
	s7 =	simm.s32 @!p0 $0x108  }
0x21: {  	s3 =	sadd.s32 s3, s9;
	s6 =	sadd.s32 @!p0 $0x88, s6;
	s7 =	simm.s32 @p2 $0x1082  }
0x22: {  	[simem:s7], [sflag:s8] =	dma.local @!p0 [hbm:s6], $0xF7A  }
0x23: {  	s9 =	sor.u32 $0xD0000000, s2;
	s6 =	simm.s32 $0x108;
	_ =	swait.ge @!p0 [sflag:s8], $0x0  }
0x24: {  	s3 =	sadd.s32 $0x88, s3;
	s6 =	simm.s32 @!p1 $0x1082;
	[sflag:s4] =	ssyncset.s32 $0xFFFFF086  }
0x25: {  	[simem:s6], [sflag:s4] =	dma.local [hbm:s3], $0xF7A  }
0x26: {  	[smem:$0x3F95] =	sst s1;
	(tag) =	ssettag s2;
	_ =	strace s9  }
0x27: {  	s1 =	sld [smem:$0x3FA5]  }
0x28: {  	s2 =	sld [smem:$0x3FA6]  }
0x29: {  	s4 =	sld [smem:$0x3FA8]  }
0x2a: {  	p0 =	seq.s32 s5, $0x0;
	s5 =	sld [smem:$0x3FA9]  }
0x2b: {  	s6 =	sld [smem:$0x3FAA]  }
0x2c: {  	s7 =	sld [smem:$0x3FAB]  }
0x2d: {  	s3 =	simm.s32 $0x108;
	s8 =	sld [smem:$0x3FAC]  }
0x2e: {  	s3 =	simm.s32 @!p0 $0x1082;
	s9 =	sld [smem:$0x3FAD]  }
0x2f: {  	lr =	sadd.s32 s0, s3;
	s0 =	sld [smem:$0x3FA4]  }
0x30: {  	s3 =	sld [smem:$0x3FA7]  }
0x31: {  	[smem:$0x3FB0] =	sst s10  }
0x32: {  	s10 =	sld [smem:$0x3FAE];
	_ =	sdelay $0x3  }
0x33: {  	p0 =	seq.s32 s10, $0x1;
	s10 =	sld [smem:$0x3FB0];
	_ =	sdelay $0x3  }
0x34: {  	[smem:$0x3FB0] =	sst s10  }
0x35: {  	s10 =	sld [smem:$0x3FAF];
	_ =	sdelay $0x3  }
0x36: {  	p1 =	seq.s32 s10, $0x1;
	s10 =	sld [smem:$0x3FB0];
	_ =	sdelay $0x3  }
0x37: {  	[smem:$0x3FB0] =	sst s10  }
0x38: {  	s10 =	sld [smem:$0x3FB1]  }
0x39: {  	_ = 	snop;
	(pc) =	sbr.ind lr, $3  }
0x3a: {  	_ = 	snop  }
0x3b: {  	_ = 	snop  }
0x3c: {  	p2 =	seq.s32 s10, $0x1;
	s10 =	sld [smem:$0x3FB0]  }
0x3d: {  	_ =	shalt  }
0x3e: {  	_ =	shalt  }
0x3f: {  	_ =	shalt  }
0x40: {  	_ =	shalt  }
0x41: {  	_ =	shalt  }
0x42: {  	_ =	shalt  }
0x43: {  	_ =	shalt  }
0x44: {  	_ =	shalt  }
0x45: {  	_ =	shalt  }
0x46: {  	_ =	shalt  }
0x47: {  	_ =	shalt  }
0x48: {  	_ =	shalt  }
0x49: {  	_ =	shalt  }
0x4a: {  	_ =	shalt  }
0x4b: {  	_ =	shalt  }
0x4c: {  	_ =	shalt  }
0x4d: {  	_ =	shalt  }
0x4e: {  	_ =	shalt  }
0x4f: {  	_ =	shalt  }
0x50: {  	_ =	shalt  }
0x51: {  	_ =	shalt  }
0x52: {  	_ =	shalt  }
0x53: {  	_ =	shalt  }
0x54: {  	_ =	shalt  }
0x55: {  	_ =	shalt  }
0x56: {  	_ =	shalt  }
0x57: {  	_ =	shalt  }
0x58: {  	_ =	shalt  }
0x59: {  	_ =	shalt  }
0x5a: {  	_ =	shalt  }
0x5b: {  	_ =	shalt  }
0x5c: {  	_ =	shalt  }
0x5d: {  	_ =	shalt  }
0x5e: {  	_ =	shalt  }
0x5f: {  	_ =	shalt  }
0x60: {  	_ =	shalt  }
0x61: {  	_ =	shalt  }
0x62: {  	_ =	shalt  }
0x63: {  	_ =	shalt  }
0x64: {  	_ =	shalt  }
0x65: {  	_ =	shalt  }
0x66: {  	_ =	shalt  }
0x67: {  	_ =	shalt  }
0x68: {  	_ =	shalt  }
0x69: {  	_ =	shalt  }
0x6a: {  	_ =	shalt  }
0x6b: {  	_ =	shalt  }
0x6c: {  	_ =	shalt  }
0x6d: {  	_ =	shalt  }
0x6e: {  	_ =	shalt  }
0x6f: {  	_ =	shalt  }
0x70: {  	_ =	shalt  }
0x71: {  	_ =	shalt  }
0x72: {  	_ =	shalt  }
0x73: {  	_ =	shalt  }
0x74: {  	_ =	shalt  }
0x75: {  	_ =	shalt  }
0x76: {  	_ =	shalt  }
0x77: {  	_ =	shalt  }
0x78: {  	_ =	shalt  }
0x79: {  	_ =	shalt  }
0x7a: {  	_ =	shalt  }
0x7b: {  	_ =	shalt  }
0x7c: {  	_ =	shalt  }
0x7d: {  	_ =	shalt  }
0x7e: {  	_ =	shalt  }
0x7f: {  	_ =	shalt  }
0x80: {  	_ =	shalt  }
0x81: {  	_ =	shalt  }
0x82: {  	_ =	shalt  }
0x83: {  	_ =	shalt  }
0x84: {  	_ =	shalt  }
0x85: {  	_ =	shalt  }
0x86: {  	_ =	shalt  }
0x87: {  	_ =	shalt  }
.Lfunc_end0:
.L_simem_size_0:
called_computation.2_lowered:
.L_overlay_start_0:
0x88: {  	s2 =	sld [smem:$0x3FD9]  }
0x89: {  	s3 =	sld [smem:$0x3FFE];
	_ =	sdelay $0x1  }
0x8a: {  	s1 =	srdreg.scid  }
0x8b: {  	s0 =	sand.u32 $0x1, s1  }
0x8c: {  	s17 =	sshll.u32 s0, $0xA;
	s2 =	sadd.s32 s3, s2  }
0x8d: {  	s2 =	sadd.s32 s2, s17  }
0x8e: {  	[smem:$0x3FBC] =	sst s2  }
0x8f: {  	_ = 	snop  }
0x90: {  	s2 =	sld [smem:$0x3FC8];
	(tm) =	ssettm $0x1  }
0x91: {  	s18 =	sld [smem:$0x3FFB];
	_ =	sdelay $0x3  }
0x92: {  	_ =	strace s18  }
0x93: {  	s3 =	sld [smem:$0x3FFC];
	_ =	sdelay $0x3  }
0x94: {  	_ =	strace s3  }
0x95: {  	s3 =	sld [smem:$0x3FFD];
	_ =	sdelay $0x3  }
0x96: {  	_ =	strace s3  }
0x97: {  	_ =	strace $0x8FFFFFFF  }
0x98: {  	s19 =	sld [smem:$0x3FDB];
	_ =	sdelay $0x1  }
0x99: {  	s4 =	simm.s32 $_scs_section_size  }
0x9a: {  	s5 =	simm.s32 $_size__tile_overlayer_lowered;
	s6 =	simm.s32 $_tile_overlayer_lowered  }
0x9b: {  	s22 =	simm.s32 $0x1BFF;
	s21 =	sshll.u32 s6, $0x1;
	s3 =	sadd.s32 s4, s19  }
0x9c: {  	s7 =	simm.s32 $0x0;
	s20 =	sshll.u32 s5, $0x1;
	s5 =	sadd.s32 s21, s3  }
0x9d: {  	[timem:s7], [sflag:s22] =	dma.local [hbm:s5], s20  }
0x9e: {  	_ =	swait.ge [sflag:s22], s20  }
0x9f: {  	s4 =	ssub.s32 $0x0, s20;
	[sflag:s22] =	ssyncset.done $0x0  }
0xa0: {  	[sflag:s22] =	ssyncadd.s32 s4;
	_ =	sdelay $0x1  }
0xa1: {  	s23 =	simm.s32 $0x1B8B  }
0xa2: {  	_ =	swait.ge [sflag:s23], $0x1  }
0xa3: {  	[sflag:s23] =	ssyncset.done $0x0  }
0xa4: {  	s25 =	simm.s32 $0x1B8E;
	s24 =	sld [smem:$0x3FFE];
	[sflag:s23] =	ssyncadd.s32 $0xFFFFFFFF  }
0xa5: {  	s26 =	simm.s32 $execute0_lowered;
	[smem:$0x3FD2] =	sst s25  }
0xa6: {  	s5 =	sshll.u32 s26, $0x1;
	_ =	strace $0x8000004C;
	[dreg:$0x1] =	wrdreg $0xFFFFFFFF  }
0xa7: {  	s28 =	simm.s32 $_size_execute0_lowered;
	s3 =	sadd.s32 s3, s5;
	[dreg:$0x0] =	wrdreg $0x0  }
0xa8: {  	s5 =	sshll.u32 s28, $0x1;
	[dreg:$0x2] =	wrdreg s3  }
0xa9: {  	[dreg:$0x3] =	wrdreg s5  }
0xaa: {  	[dreg:$0x4] =	wrdreg $0xC0  }
0xab: {  	_ =	task [dreg:s7], $0x5FFFF  }
0xac: {  	[dreg:$0x1] =	wrdreg $0xFFFFFFFF  }
0xad: {  	[dreg:$0x0] =	wrdreg $0x60  }
0xae: {  	[dreg:$0x2] =	wrdreg s24  }
0xaf: {  	[dreg:$0x3] =	wrdreg s2  }
0xb0: {  	[dreg:$0x4] =	wrdreg $0x0  }
0xb1: {  	[dreg:$0x5] =	wrdreg $0x9  }
0xb2: {  	_ =	task.clear_ibuf [dreg:s7], $0x6FFFF;
	_ =	strace $0x9000004C  }
0xb3: {  	s29 =	simm.s32 $0x9;
	_ =	strace $0x8000004E  }
0xb4: {  	_ =	swait.ge [sflag:s29], $0x1  }
0xb5: {  	[sflag:s29] =	ssyncadd.s32 $0xFFFFFFFF  }
0xb6: {  	_ =	strace $0x9000004E  }
0xb7: {  	_ =	sfence  }
0xb8: {  	s30 =	sld [smem:$0x0];
	_ =	sdelay $0x2  }
0xb9: {  	s31 =	sshll.u32 s1, $0xD;
	s1 =	sshrl.u32 s1, $0x2  }
0xba: {  	s3 =	sand.u32 $0x4000, s31;
	s1 =	sadd.s32 s1, s30  }
0xbb: {  	s0 =	sor.u32 s3, s0;
	s1 =	sshll.u32 s1, $0x11  }
0xbc: {  	s0 =	sor.u32 s1, s0  }
0xbd: {  	s0 =	sadd.s32 $0x8F2B, s0  }
0xbe: {  	[sflag:s0] =	ssyncadd.remote.s32 $0x1  }
0xbf: {  	_ =	sfence.sel $0xFFFF  }
0xc0: {  	[dreg:$0x0] =	wrdreg $0xFFFFFFFF;
	(pc) =	sbr.abs _section_cstart, $3  }
0xc1: {  	[dreg:$0x1] =	wrdreg $0xFFFFFFFF  }
0xc2: {  	_ =	task.clear_ibuf [dreg:s7], $0x2FFFF;
	_ =	strace $0x9FFFFFFF  }
0xc3: {  	(tm) =	ssettm $0x7FFFFFFF  }
tec
execute0_lowered:
.L_overlay_start_1:
0x0: {  	(tag) =	ssettag $0x1  }
0x1: {  	s0 =	rddreg [dreg:$0x0]  }
0x2: {  	s2 =	rddreg [dreg:$0x1]  }
0x3: {  	s3 =	rddreg [dreg:$0x2]  }
0x4: {  	s1 =	srdreg.scid;
	s12 =	stileid.u32  }
0x5: {  	s4 =	simm.s32 $0x0;
	s1 =	sand.u32 $0x1, s1;
	s5 =	sshll.u32 s12, $0x1  }
0x6: {  	s6 =	sor.u32 s1, s5;
	s9 =	smul.u32 $0x32000, s1;
	s1 =	ssub.s32 $0x2, s1  }
0x7: {  	[smem:$0x7FF] =	sst s4;
	s8 =	smul.u32 $0x186A0, s6;
	s10 =	sshrl.u32 s1, $0x1  }
0x8: {  	s7 =	sadd.s32 $0xC7400, s0;
	_ =	strace $0x8000004D;
	s1 =	ssub.s32 s1, s10  }
0x9: {  	s5 =	sadd.s32 $0x65800, s0;
	s11 =	sshrl.u32 s8, $0x3;
	s1 =	smax.u32 s1, $0x1  }
0xa: {  	s6 =	sadd.s32 $0x3C00, s0;
	s25 =	sadd.s32 s5, s11;
	[dreg:$0xa] =	wrdreg s1  }
0xb: {  	s29 =	smul.u32 $0x64000, s12;
	s26 =	sadd.s32 s6, s11;
	[dreg:$0x4] =	wrdreg s25  }
0xc: {  	s28 =	sadd.s32 $0x32, s11;
	s11 =	sadd.s32 s2, s11;
	[dreg:$0x5] =	wrdreg s26  }
0xd: {  	s0 =	sadd.s32 s9, s0;
	[dreg:$0x6] =	wrdreg s11;
	s30 =	sadd.s32 s5, s28  }
0xe: {  	s31 =	sadd.s32 s6, s28;
	s11 =	sshrl.u32 s29, $0x2;
	[dreg:$0x7] =	wrdreg s30  }
0xf: {  	s9 =	sadd.s32 s2, s28;
	[dreg:$0x8] =	wrdreg s31;
	s17 =	sadd.s32 s11, s3  }
0x10: {  	[dreg:$0x9] =	wrdreg s9;
	s13 =	sadd.s32 $0x1900, s17  }
0x11: {  	s16 =	sadd.s32 $0x3200, s17;
	[dreg:$0xb] =	wrdreg s13  }
0x12: {  	s19 =	sadd.s32 $0x4B00, s17;
	[dreg:$0xc] =	wrdreg s16  }
0x13: {  	s20 =	sadd.s32 $0x6400, s17;
	[dreg:$0xd] =	wrdreg s19  }
0x14: {  	s18 =	smul.u32 $0x3200, s12;
	s21 =	sadd.s32 $0x7D00, s17;
	[dreg:$0xe] =	wrdreg s20  }
0x15: {  	s12 =	simm.s32 $0x19190;
	s22 =	sadd.s32 $0x9600, s17;
	[dreg:$0xf] =	wrdreg s21  }
0x16: {  	s10 =	simm.s32 $0x5;
	s23 =	sadd.s32 $0xAF00, s17;
	[dreg:$0x10] =	wrdreg s22  }
0x17: {  	s14 =	sadd.s32 $0x320, s8;
	s24 =	sadd.s32 $0xC800, s17;
	[dreg:$0x11] =	wrdreg s23  }
0x18: {  	s15 =	sadd.s32 $0x4B0, s8;
	s26 =	sadd.s32 $0xE100, s17;
	[dreg:$0x12] =	wrdreg s24  }
0x19: {  	s0 =	sadd.s32 s18, s0;
	s28 =	sadd.s32 $0xFA00, s17;
	[dreg:$0x13] =	wrdreg s26  }
0x1a: {  	s18 =	simm.s32 $0x1B0D0;
	s29 =	sadd.s32 $0x11300, s17;
	[dreg:$0x14] =	wrdreg s28  }
0x1b: {  	s25 =	sadd.s32 $0x131800, s0;
	s30 =	sadd.s32 $0x12C00, s17;
	[dreg:$0x15] =	wrdreg s29  }
0x1c: {  	s9 =	simm.s32 $0x194B0;
	s31 =	sadd.s32 $0x14500, s17;
	[dreg:$0x16] =	wrdreg s30  }
0x1d: {  	s1 =	sadd.s32 $0x15E00, s17;
	s8 =	sadd.s32 $0x17700, s17;
	[dreg:$0x17] =	wrdreg s31  }
0x1e: {  	s13 =	simm.s32 $0x1ADB0;
	s16 =	simm.s32 $0x1AF40;
	s19 =	simm.s32 $0x1  }
0x1f: {  	s20 =	simm.s32 $0x190;
	s21 =	simm.s32 $0x2;
	s22 =	simm.s32 $0x1B260  }
0x20: {  	v0 =	vimm.f32 $0.0e+00;
	s23 =	simm.s32 $0x3;
	s24 =	simm.s32 $0x4;
	s26 =	simm.s32 $0x0  }
.LBB2_1:
0x21: {  	s11 =	simm.s32 $0x40;
	s28 =	simm.s32 $0x0  }
.LBB2_2:
0x22: {  	p0 =	sne.s32 s11, $0x63C0;
	[tilespmem:s28+$0x194B0] =	vst v0;
	s28 =	smov.u32 s11;
	s11 =	sadd.s32 $0x40, s11  }
.Ltmp0:
0x23: {  	(pc) =	sbr.rel @p0 .LBB2_2-.Ltmp0, $2  }
0x24: {  	_ =	sdelay $0x2  }
0x25: {  	s28 =	sshra.s32 s28, $0x2  }
0x26: {  	[tilespmem:s28+$0x194B0] =	vst v0  }
0x27: {  	[spmem:s17] =	stream.linear.scatter [tilespmem:s9], [sflag:$0x5], $0x1900, $0x38;
	[tilespmem:$0x1CB60] =	vst v63  }
0x28: {  	_ =	swait.ge [sflag:s10], $0x1900  }
0x29: {  	[sflag:s10] =	ssyncset.done $0x0  }
0x2a: {  	s0 =	rddreg [dreg:$0xb];
	[sflag:s10] =	ssyncadd.s32 $0xFFFFE700  }
0x2b: {  	[spmem:s0] =	stream.linear.scatter [tilespmem:s9], [sflag:$0x5], $0x1900, $0x38;
	[tilespmem:$0x1CB60] =	vst v63  }
0x2c: {  	_ =	swait.ge [sflag:s10], $0x1900  }
0x2d: {  	[sflag:s10] =	ssyncset.done $0x0  }
0x2e: {  	s29 =	rddreg [dreg:$0xc];
	[sflag:s10] =	ssyncadd.s32 $0xFFFFE700  }
0x2f: {  	[spmem:s29] =	stream.linear.scatter [tilespmem:s9], [sflag:$0x5], $0x1900, $0x38;
	[tilespmem:$0x1CB60] =	vst v63  }
0x30: {  	_ =	swait.ge [sflag:s10], $0x1900  }
0x31: {  	[sflag:s10] =	ssyncset.done $0x0  }
0x32: {  	s30 =	rddreg [dreg:$0xd];
	[sflag:s10] =	ssyncadd.s32 $0xFFFFE700  }
0x33: {  	[spmem:s30] =	stream.linear.scatter [tilespmem:s9], [sflag:$0x5], $0x1900, $0x38;
	[tilespmem:$0x1CB60] =	vst v63  }
0x34: {  	_ =	swait.ge [sflag:s10], $0x1900  }
0x35: {  	[sflag:s10] =	ssyncset.done $0x0  }
0x36: {  	s31 =	rddreg [dreg:$0xe];
	[sflag:s10] =	ssyncadd.s32 $0xFFFFE700  }
0x37: {  	[spmem:s31] =	stream.linear.scatter [tilespmem:s9], [sflag:$0x5], $0x1900, $0x38;
	[tilespmem:$0x1CB60] =	vst v63  }
0x38: {  	_ =	swait.ge [sflag:s10], $0x1900  }
0x39: {  	[sflag:s10] =	ssyncset.done $0x0  }
0x3a: {  	s11 =	rddreg [dreg:$0xf];
	[sflag:s10] =	ssyncadd.s32 $0xFFFFE700  }
0x3b: {  	[spmem:s11] =	stream.linear.scatter [tilespmem:s9], [sflag:$0x5], $0x1900, $0x38;
	[tilespmem:$0x1CB60] =	vst v63  }
0x3c: {  	_ =	swait.ge [sflag:s10], $0x1900  }
0x3d: {  	[sflag:s10] =	ssyncset.done $0x0  }
0x3e: {  	s29 =	rddreg [dreg:$0x10];
	[sflag:s10] =	ssyncadd.s32 $0xFFFFE700  }
0x3f: {  	[spmem:s29] =	stream.linear.scatter [tilespmem:s9], [sflag:$0x5], $0x1900, $0x38;
	[tilespmem:$0x1CB60] =	vst v63  }
0x40: {  	_ =	swait.ge [sflag:s10], $0x1900  }
0x41: {  	[sflag:s10] =	ssyncset.done $0x0  }
0x42: {  	s30 =	rddreg [dreg:$0x11];
	[sflag:s10] =	ssyncadd.s32 $0xFFFFE700  }
0x43: {  	[spmem:s30] =	stream.linear.scatter [tilespmem:s9], [sflag:$0x5], $0x1900, $0x38;
	[tilespmem:$0x1CB60] =	vst v63  }
0x44: {  	_ =	swait.ge [sflag:s10], $0x1900  }
0x45: {  	[sflag:s10] =	ssyncset.done $0x0  }
0x46: {  	s31 =	rddreg [dreg:$0x12];
	[sflag:s10] =	ssyncadd.s32 $0xFFFFE700  }
0x47: {  	[spmem:s31] =	stream.linear.scatter [tilespmem:s9], [sflag:$0x5], $0x1900, $0x38;
	[tilespmem:$0x1CB60] =	vst v63  }
0x48: {  	_ =	swait.ge [sflag:s10], $0x1900  }
0x49: {  	[sflag:s10] =	ssyncset.done $0x0  }
0x4a: {  	s11 =	rddreg [dreg:$0x13];
	[sflag:s10] =	ssyncadd.s32 $0xFFFFE700  }
0x4b: {  	[spmem:s11] =	stream.linear.scatter [tilespmem:s9], [sflag:$0x5], $0x1900, $0x38;
	[tilespmem:$0x1CB60] =	vst v63  }
0x4c: {  	_ =	swait.ge [sflag:s10], $0x1900  }
0x4d: {  	[sflag:s10] =	ssyncset.done $0x0  }
0x4e: {  	s29 =	rddreg [dreg:$0x14];
	[sflag:s10] =	ssyncadd.s32 $0xFFFFE700  }
0x4f: {  	[spmem:s29] =	stream.linear.scatter [tilespmem:s9], [sflag:$0x5], $0x1900, $0x38;
	[tilespmem:$0x1CB60] =	vst v63  }
0x50: {  	_ =	swait.ge [sflag:s10], $0x1900  }
0x51: {  	[sflag:s10] =	ssyncset.done $0x0  }
0x52: {  	s30 =	rddreg [dreg:$0x15];
	[sflag:s10] =	ssyncadd.s32 $0xFFFFE700  }
0x53: {  	[spmem:s30] =	stream.linear.scatter [tilespmem:s9], [sflag:$0x5], $0x1900, $0x38;
	[tilespmem:$0x1CB60] =	vst v63  }
0x54: {  	_ =	swait.ge [sflag:s10], $0x1900  }
0x55: {  	[sflag:s10] =	ssyncset.done $0x0  }
0x56: {  	s31 =	rddreg [dreg:$0x16];
	[sflag:s10] =	ssyncadd.s32 $0xFFFFE700  }
0x57: {  	[spmem:s31] =	stream.linear.scatter [tilespmem:s9], [sflag:$0x5], $0x1900, $0x38;
	[tilespmem:$0x1CB60] =	vst v63  }
0x58: {  	_ =	swait.ge [sflag:s10], $0x1900  }
0x59: {  	[sflag:s10] =	ssyncset.done $0x0  }
0x5a: {  	s11 =	rddreg [dreg:$0x17];
	[sflag:s10] =	ssyncadd.s32 $0xFFFFE700  }
0x5b: {  	[spmem:s11] =	stream.linear.scatter [tilespmem:s9], [sflag:$0x5], $0x1900, $0x38;
	[tilespmem:$0x1CB60] =	vst v63  }
0x5c: {  	_ =	swait.ge [sflag:s10], $0x1900  }
0x5d: {  	[sflag:s10] =	ssyncset.done $0x0  }
0x5e: {  	[sflag:s10] =	ssyncadd.s32 $0xFFFFE700  }
0x5f: {  	[spmem:s1] =	stream.linear.scatter [tilespmem:s9], [sflag:$0x5], $0x1900, $0x38;
	[tilespmem:$0x1CB60] =	vst v63  }
0x60: {  	_ =	swait.ge [sflag:s10], $0x1900  }
0x61: {  	[sflag:s10] =	ssyncset.done $0x0  }
0x62: {  	[sflag:s10] =	ssyncadd.s32 $0xFFFFE700  }
0x63: {  	[spmem:s8] =	stream.linear.scatter [tilespmem:s9], [sflag:$0x5], $0x1900, $0x38;
	[tilespmem:$0x1CB60] =	vst v63  }
0x64: {  	_ =	swait.ge [sflag:s10], $0x1900  }
0x65: {  	[sflag:s10] =	ssyncset.done $0x0  }
0x66: {  	[sflag:s10] =	ssyncadd.s32 $0xFFFFE700  }
0x67: {  	[bflag:$0x0] =	sbarrier.arrive $0xFFFF  }
0x68: {  	s28 =	simm.s32 $0x0;
	s11 =	simm.s32 $0x19000;
	s29 =	rddreg [dreg:$0x4]  }
0x69: {  	[tilespmem:s11], [sflag:$0x1] =	stream.linear.gather [hbm4b:s29+s28], $0x190, $0x38;
	[tilespmem:$0x1CB60] =	vst v63  }
0x6a: {  	s30 =	rddreg [dreg:$0x5]  }
0x6b: {  	[tilespmem:s12], [sflag:$0x1] =	stream.linear.gather [hbm4b:s30+s28], $0x190, $0x38;
	[tilespmem:$0x1CB60] =	vst v63  }
0x6c: {  	s31 =	rddreg [dreg:$0x6];
	s29 =	simm.s32 $0x19320  }
0x6d: {  	[tilespmem:s29], [sflag:$0x1] =	stream.linear.gather [hbm4b:s31+s28], $0x190, $0x38;
	[tilespmem:$0x1CB60] =	vst v63  }
0x6e: {  	s29 =	rddreg [dreg:$0x7]  }
0x6f: {  	[tilespmem:s13], [sflag:$0x2] =	stream.linear.gather [hbm4b:s29+s28], $0x190, $0x38;
	[tilespmem:$0x1CB60] =	vst v63  }
0x70: {  	s30 =	rddreg [dreg:$0x8]  }
0x71: {  	[tilespmem:s16], [sflag:$0x2] =	stream.linear.gather [hbm4b:s30+s28], $0x190, $0x38;
	[tilespmem:$0x1CB60] =	vst v63  }
0x72: {  	s31 =	rddreg [dreg:$0x9]  }
0x73: {  	[tilespmem:s18], [sflag:$0x2] =	stream.linear.gather [hbm4b:s31+s28], $0x190, $0x38;
	[tilespmem:$0x1CB60] =	vst v63  }
0x74: {  	_ =	swait.ge [sflag:s19], $0x190  }
0x75: {  	[sflag:s19] =	ssyncset.done $0x0  }
0x76: {  	[sflag:s19] =	ssyncadd.s32 $0xFFFFFE70  }
0x77: {  	_ =	swait.ge [sflag:s19], $0x190  }
0x78: {  	[sflag:s19] =	ssyncset.done $0x0  }
0x79: {  	[sflag:s19] =	ssyncadd.s32 $0xFFFFFE70  }
0x7a: {  	_ =	swait.ge [sflag:s19], $0x190  }
0x7b: {  	[sflag:s19] =	ssyncset.done $0x0  }
0x7c: {  	[sflag:s19] =	ssyncadd.s32 $0xFFFFFE70  }
0x7d: {  	[tilespmem:s9], [sflag:$0x3] =	stream.indirect.gather [hbm4b:s7+s20], $0x10, s11, s20, $0xb8;
	[tilespmem:$0x1CB60] =	vst v63  }
.LBB2_4:
0x7e: {  	_ =	swait.ge [sflag:s21], $0x190  }
0x7f: {  	[sflag:s21] =	ssyncset.done $0x0  }
0x80: {  	[sflag:s21] =	ssyncadd.s32 $0xFFFFFE70  }
0x81: {  	_ =	swait.ge [sflag:s21], $0x190  }
0x82: {  	[sflag:s21] =	ssyncset.done $0x0  }
0x83: {  	[sflag:s21] =	ssyncadd.s32 $0xFFFFFE70  }
0x84: {  	_ =	swait.ge [sflag:s21], $0x190  }
0x85: {  	[sflag:s21] =	ssyncset.done $0x0  }
0x86: {  	[sflag:s21] =	ssyncadd.s32 $0xFFFFFE70  }
0x87: {  	[tilespmem:s22], [sflag:$0x4] =	stream.indirect.gather [hbm4b:s7+s20], $0x10, s13, s20, $0xb8;
	[tilespmem:$0x1CB60] =	vst v63  }
0x88: {  	_ =	swait.ge [sflag:s23], $0x1900  }
0x89: {  	[sflag:s23] =	ssyncset.done $0x0  }
0x8a: {  	s11 =	simm.s32 $0x19530;
	[sflag:s23] =	ssyncadd.s32 $0xFFFFE700  }
0x8b: {  	s31 =	simm.s32 $0x0;
	s30 =	simm.s32 $0x40;
	s29 =	simm.s32 $0x19530;
	v1 =	vld [tilespmem:s11+$0xFFFFFFB0]  }
.LBB2_5:
0x8c: {  	p0 =	sne.s32 s30, $0x600;
	v2 =	vld [tilespmem:s31+$0x19320]  }
0x8d: {  	v3 =	vld [tilespmem:s11+$0xFFFFFF90]  }
0x8e: {  	v4 =	vld [tilespmem:s11+$0xFFFFFF80]  }
0x8f: {  	v5 =	vld [tilespmem:s11+$0xFFFFFFA0]  }
0x90: {  	v6 =	vld [tilespmem:s11+$0xFFFFFFF0]  }
0x91: {  	v7 =	vbroadcast v2, $0x0;
	v8 =	vbroadcast v2, $0x1;
	v9 =	vld [tilespmem:s11+$0xFFFFFFD0]  }
0x92: {  	v10 =	vbroadcast v2, $0x2;
	v11 =	vbroadcast v2, $0x3;
	v12 =	vld [tilespmem:s11+$0xFFFFFFC0]  }
0x93: {  	v4 =	vmul.f32 v7, v4;
	v3 =	vmul.f32 v3, v8;
	v7 =	vld [tilespmem:s11+$0xFFFFFFE0]  }
0x94: {  	v1 =	vmul.f32 v1, v11;
	v5 =	vmul.f32 v5, v10;
	v8 =	vld [tilespmem:s11+$0x30]  }
0x95: {  	v10 =	vbroadcast v2, $0x5;
	[tilespmem:s11+$0xFFFFFF80] =	vst v4;
	v4 =	vbroadcast v2, $0x4;
	v11 =	vld [tilespmem:s11+$0x10]  }
0x96: {  	v13 =	vbroadcast v2, $0x7;
	[tilespmem:s11+$0xFFFFFF90] =	vst v3;
	v3 =	vbroadcast v2, $0x6;
	v14 =	vld [tilespmem:s11+$0x0]  }
0x97: {  	[tilespmem:s11+$0xFFFFFFA0] =	vst v5;
	v4 =	vmul.f32 v12, v4;
	v5 =	vmul.f32 v9, v10;
	v9 =	vld [tilespmem:s11+$0x20]  }
0x98: {  	[tilespmem:s11+$0xFFFFFFB0] =	vst v1;
	v1 =	vmul.f32 v7, v3;
	v3 =	vmul.f32 v6, v13;
	v6 =	vld [tilespmem:s11+$0x70]  }
0x99: {  	v7 =	vbroadcast v2, $0x9;
	[tilespmem:s11+$0xFFFFFFC0] =	vst v4;
	v4 =	vbroadcast v2, $0x8;
	v10 =	vld [tilespmem:s11+$0x50]  }
0x9a: {  	v12 =	vbroadcast v2, $0xB;
	[tilespmem:s11+$0xFFFFFFD0] =	vst v5;
	v5 =	vbroadcast v2, $0xA;
	v13 =	vld [tilespmem:s11+$0x40]  }
0x9b: {  	[tilespmem:s11+$0xFFFFFFE0] =	vst v1;
	v1 =	vmul.f32 v14, v4;
	v4 =	vmul.f32 v11, v7;
	v7 =	vld [tilespmem:s11+$0x60]  }
0x9c: {  	[tilespmem:s11+$0xFFFFFFF0] =	vst v3;
	v3 =	vmul.f32 v9, v5;
	v5 =	vmul.f32 v8, v12  }
0x9d: {  	v8 =	vbroadcast v2, $0xD;
	[tilespmem:s11+$0x0] =	vst v1;
	v1 =	vbroadcast v2, $0xC  }
0x9e: {  	[tilespmem:s11+$0x10] =	vst v4;
	v4 =	vbroadcast v2, $0xE;
	v2 =	vbroadcast v2, $0xF  }
0x9f: {  	[tilespmem:s11+$0x20] =	vst v3;
	v1 =	vmul.f32 v13, v1;
	v3 =	vmul.f32 v10, v8  }
.Ltmp1:
0xa0: {  	[tilespmem:s11+$0x30] =	vst v5;
	v4 =	vmul.f32 v7, v4;
	v2 =	vmul.f32 v6, v2;
	(pc) =	sbr.rel @p0 .LBB2_5-.Ltmp1, $4  }
0xa1: {  	[tilespmem:s11+$0x40] =	vst v1  }
0xa2: {  	[tilespmem:s11+$0x50] =	vst v3  }
0xa3: {  	s11 =	sadd.s32 $0x100, s11;
	[tilespmem:s29+$0x60] =	vst v4  }
0xa4: {  	s31 =	sshra.s32 s30, $0x2;
	s30 =	sadd.s32 $0x40, s30;
	v1 =	vld [tilespmem:s11+$0xFFFFFFB0];
	[tilespmem:s29+$0x70] =	vst v2;
	s29 =	smov.u32 s11  }
0xa5: {  	v2 =	vld [tilespmem:s31+$0x19320];
	_ =	sdelay $0x1  }
0xa6: {  	v3 =	vld [tilespmem:s11+$0xFFFFFF80]  }
0xa7: {  	v4 =	vld [tilespmem:s11+$0xFFFFFF90]  }
0xa8: {  	v5 =	vld [tilespmem:s11+$0xFFFFFFA0]  }
0xa9: {  	v6 =	vbroadcast v2, $0x0  }
0xaa: {  	v9 =	vld [tilespmem:s11+$0xFFFFFFD0];
	v7 =	vbroadcast v2, $0x1  }
0xab: {  	v8 =	vld [tilespmem:s11+$0xFFFFFFC0];
	v10 =	vbroadcast v2, $0x2;
	v3 =	vmul.f32 v6, v3  }
0xac: {  	v48 =	vld [tilespmem:s11+$0xFFFFFFE0];
	v47 =	vbroadcast v2, $0x3;
	v4 =	vmul.f32 v4, v7  }
0xad: {  	v51 =	vld [tilespmem:s11+$0x10];
	v49 =	vbroadcast v2, $0x5;
	v5 =	vmul.f32 v5, v10;
	[tilespmem:s11+$0xFFFFFF80] =	vst v3  }
0xae: {  	v11 =	vld [tilespmem:s11+$0xFFFFFFF0];
	v1 =	vmul.f32 v1, v47;
	v3 =	vbroadcast v2, $0x4;
	[tilespmem:s11+$0xFFFFFF90] =	vst v4  }
0xaf: {  	v50 =	vld [tilespmem:s11+$0x0];
	v12 =	vbroadcast v2, $0x6;
	v6 =	vmul.f32 v9, v49;
	[tilespmem:s11+$0xFFFFFFA0] =	vst v5  }
0xb0: {  	v56 =	vld [tilespmem:s11+$0x50];
	v54 =	vbroadcast v2, $0x9;
	[tilespmem:s11+$0xFFFFFFB0] =	vst v1;
	v3 =	vmul.f32 v8, v3  }
0xb1: {  	v53 =	vld [tilespmem:s11+$0x20];
	v52 =	vbroadcast v2, $0x7;
	v7 =	vmul.f32 v48, v12;
	[tilespmem:s11+$0xFFFFFFD0] =	vst v6  }
0xb2: {  	v59 =	vmul.f32 v51, v54;
	v1 =	vld [tilespmem:s11+$0x30];
	[tilespmem:s11+$0xFFFFFFC0] =	vst v3;
	v3 =	vbroadcast v2, $0x8  }
0xb3: {  	v55 =	vld [tilespmem:s11+$0x40];
	v62 =	vbroadcast v2, $0xD;
	v5 =	vmul.f32 v11, v52;
	[tilespmem:s11+$0xFFFFFFE0] =	vst v7  }
0xb4: {  	v60 =	vld [tilespmem:s11+$0x60];
	v57 =	vbroadcast v2, $0xA;
	[tilespmem:s11+$0x10] =	vst v59;
	v3 =	vmul.f32 v50, v3  }
0xb5: {  	v61 =	vld [tilespmem:s11+$0x70];
	v58 =	vbroadcast v2, $0xB;
	v4 =	vmul.f32 v56, v62;
	[tilespmem:s11+$0xFFFFFFF0] =	vst v5  }
0xb6: {  	v8 =	vmul.f32 v53, v57;
	[tilespmem:s11+$0x0] =	vst v3;
	v3 =	vbroadcast v2, $0xC  }
0xb7: {  	v63 =	vbroadcast v2, $0xE;
	[tilespmem:s11+$0x50] =	vst v4;
	v1 =	vmul.f32 v1, v58  }
0xb8: {  	[tilespmem:s11+$0x20] =	vst v8;
	v2 =	vbroadcast v2, $0xF;
	v3 =	vmul.f32 v55, v3  }
0xb9: {  	[tilespmem:s11+$0x30] =	vst v1;
	v1 =	vmul.f32 v60, v63  }
0xba: {  	v2 =	vmul.f32 v61, v2;
	[tilespmem:s11+$0x40] =	vst v3  }
0xbb: {  	p0 =	seq.s32 s28, $0x7C;
	[tilespmem:s29+$0x60] =	vst v1  }
0xbc: {  	s11 =	smul.u32 @!p0 $0x320, s28;
	[tilespmem:s29+$0x70] =	vst v2  }
0xbd: {  	[spmem:s3] =	stream.indirect.scatter.add.f32 [tilespmem:s9], [sflag:$0x5], $0x10, s12, s20, $0xb8;
	[tilespmem:$0x1CB60] =	vst v63  }
0xbe: {  	s11 =	sadd.s32 @!p0 s11, s14;
	_ =	swait.ge [sflag:s10], $0x1900  }
0xbf: {  	s30 =	simm.s32 @!p0 $0x0;
	s11 =	sshrl.u32 @!p0 s11, $0x3;
	[sflag:s10] =	ssyncset.done $0x0  }
0xc0: {  	s31 =	simm.s32 @!p0 $0x19000;
	s29 =	sadd.s32 @!p0 s5, s11;
	[sflag:s10] =	ssyncadd.s32 $0xFFFFE700  }
0xc1: {  	[tilespmem:s31], [sflag:$0x1] =	stream.linear.gather @!p0 [hbm4b:s29+s30], $0x190, $0x38;
	[tilespmem:$0x1CB60] =	vst v63  }
0xc2: {  	s0 =	simm.s32 @!p0 $0x19190;
	s29 =	sadd.s32 @!p0 s6, s11  }
0xc3: {  	[tilespmem:s0], [sflag:$0x1] =	stream.linear.gather @!p0 [hbm4b:s29+s30], $0x190, $0x38;
	[tilespmem:$0x1CB60] =	vst v63  }
0xc4: {  	s0 =	sadd.s32 @!p0 s2, s11;
	s11 =	simm.s32 @!p0 $0x19320  }
0xc5: {  	[tilespmem:s11], [sflag:$0x1] =	stream.linear.gather @!p0 [hbm4b:s0+s30], $0x190, $0x38;
	[tilespmem:$0x1CB60] =	vst v63  }
0xc6: {  	s0 =	simm.s32 @!p0 $0x1  }
0xc7: {  	_ =	swait.ge @!p0 [sflag:s0], $0x190  }
0xc8: {  	[sflag:s0] =	ssyncset.done @!p0 $0x0  }
0xc9: {  	[sflag:s0] =	ssyncadd.s32 @!p0 $0xFFFFFE70  }
0xca: {  	_ =	swait.ge @!p0 [sflag:s0], $0x190  }
0xcb: {  	[sflag:s0] =	ssyncset.done @!p0 $0x0  }
0xcc: {  	[sflag:s0] =	ssyncadd.s32 @!p0 $0xFFFFFE70  }
0xcd: {  	_ =	swait.ge @!p0 [sflag:s0], $0x190  }
0xce: {  	[sflag:s0] =	ssyncset.done @!p0 $0x0  }
0xcf: {  	s11 =	simm.s32 @!p0 $0x194B0;
	[sflag:s0] =	ssyncadd.s32 @!p0 $0xFFFFFE70;
	s0 =	simm.s32 @!p0 $0x190  }
0xd0: {  	[tilespmem:s11], [sflag:$0x3] =	stream.indirect.gather @!p0 [hbm4b:s7+s0], $0x10, s31, s0, $0xb8;
	[tilespmem:$0x1CB60] =	vst v63  }
0xd1: {  	_ =	swait.ge [sflag:s24], $0x1900  }
0xd2: {  	[sflag:s24] =	ssyncset.done $0x0  }
0xd3: {  	s11 =	simm.s32 $0x1B2E0;
	[sflag:s24] =	ssyncadd.s32 $0xFFFFE700  }
0xd4: {  	s29 =	simm.s32 $0x1B2E0;
	s30 =	simm.s32 $0x40;
	s31 =	simm.s32 $0x0;
	v1 =	vld [tilespmem:s11+$0xFFFFFFB0]  }
.LBB2_7:
0xd5: {  	p1 =	sne.s32 s30, $0x600;
	v2 =	vld [tilespmem:s31+$0x1B0D0]  }
0xd6: {  	v3 =	vld [tilespmem:s11+$0xFFFFFF90]  }
0xd7: {  	v4 =	vld [tilespmem:s11+$0xFFFFFF80]  }
0xd8: {  	v5 =	vld [tilespmem:s11+$0xFFFFFFA0]  }
0xd9: {  	v6 =	vld [tilespmem:s11+$0xFFFFFFF0]  }
0xda: {  	v7 =	vbroadcast v2, $0x0;
	v8 =	vbroadcast v2, $0x1;
	v9 =	vld [tilespmem:s11+$0xFFFFFFD0]  }
0xdb: {  	v10 =	vbroadcast v2, $0x2;
	v11 =	vbroadcast v2, $0x3;
	v12 =	vld [tilespmem:s11+$0xFFFFFFC0]  }
0xdc: {  	v4 =	vmul.f32 v7, v4;
	v3 =	vmul.f32 v3, v8;
	v7 =	vld [tilespmem:s11+$0xFFFFFFE0]  }
0xdd: {  	v1 =	vmul.f32 v1, v11;
	v5 =	vmul.f32 v5, v10;
	v8 =	vld [tilespmem:s11+$0x30]  }
0xde: {  	v10 =	vbroadcast v2, $0x5;
	[tilespmem:s11+$0xFFFFFF80] =	vst v4;
	v4 =	vbroadcast v2, $0x4;
	v11 =	vld [tilespmem:s11+$0x10]  }
0xdf: {  	v13 =	vbroadcast v2, $0x7;
	[tilespmem:s11+$0xFFFFFF90] =	vst v3;
	v3 =	vbroadcast v2, $0x6;
	v14 =	vld [tilespmem:s11+$0x0]  }
0xe0: {  	[tilespmem:s11+$0xFFFFFFA0] =	vst v5;
	v4 =	vmul.f32 v12, v4;
	v5 =	vmul.f32 v9, v10;
	v9 =	vld [tilespmem:s11+$0x20]  }
0xe1: {  	[tilespmem:s11+$0xFFFFFFB0] =	vst v1;
	v1 =	vmul.f32 v7, v3;
	v3 =	vmul.f32 v6, v13;
	v6 =	vld [tilespmem:s11+$0x70]  }
0xe2: {  	v7 =	vbroadcast v2, $0x9;
	[tilespmem:s11+$0xFFFFFFC0] =	vst v4;
	v4 =	vbroadcast v2, $0x8;
	v10 =	vld [tilespmem:s11+$0x50]  }
0xe3: {  	v12 =	vbroadcast v2, $0xB;
	[tilespmem:s11+$0xFFFFFFD0] =	vst v5;
	v5 =	vbroadcast v2, $0xA;
	v13 =	vld [tilespmem:s11+$0x40]  }
0xe4: {  	[tilespmem:s11+$0xFFFFFFE0] =	vst v1;
	v1 =	vmul.f32 v14, v4;
	v4 =	vmul.f32 v11, v7;
	v7 =	vld [tilespmem:s11+$0x60]  }
0xe5: {  	[tilespmem:s11+$0xFFFFFFF0] =	vst v3;
	v3 =	vmul.f32 v9, v5;
	v5 =	vmul.f32 v8, v12  }
0xe6: {  	v8 =	vbroadcast v2, $0xD;
	[tilespmem:s11+$0x0] =	vst v1;
	v1 =	vbroadcast v2, $0xC  }
0xe7: {  	[tilespmem:s11+$0x10] =	vst v4;
	v4 =	vbroadcast v2, $0xE;
	v2 =	vbroadcast v2, $0xF  }
0xe8: {  	[tilespmem:s11+$0x20] =	vst v3;
	v1 =	vmul.f32 v13, v1;
	v3 =	vmul.f32 v10, v8  }
.Ltmp2:
0xe9: {  	[tilespmem:s11+$0x30] =	vst v5;
	v4 =	vmul.f32 v7, v4;
	v2 =	vmul.f32 v6, v2;
	(pc) =	sbr.rel @p1 .LBB2_7-.Ltmp2, $4  }
0xea: {  	[tilespmem:s11+$0x40] =	vst v1  }
0xeb: {  	[tilespmem:s11+$0x50] =	vst v3  }
0xec: {  	s11 =	sadd.s32 $0x100, s11;
	[tilespmem:s29+$0x60] =	vst v4  }
0xed: {  	s31 =	sshra.s32 s30, $0x2;
	s30 =	sadd.s32 $0x40, s30;
	v1 =	vld [tilespmem:s11+$0xFFFFFFB0];
	[tilespmem:s29+$0x70] =	vst v2;
	s29 =	smov.u32 s11  }
0xee: {  	v2 =	vld [tilespmem:s31+$0x1B0D0];
	_ =	sdelay $0x1  }
0xef: {  	v3 =	vld [tilespmem:s11+$0xFFFFFF80]  }
0xf0: {  	v4 =	vld [tilespmem:s11+$0xFFFFFF90]  }
0xf1: {  	v5 =	vld [tilespmem:s11+$0xFFFFFFA0]  }
0xf2: {  	v6 =	vbroadcast v2, $0x0  }
0xf3: {  	v9 =	vld [tilespmem:s11+$0xFFFFFFD0];
	v7 =	vbroadcast v2, $0x1  }
0xf4: {  	v8 =	vld [tilespmem:s11+$0xFFFFFFC0];
	v10 =	vbroadcast v2, $0x2;
	v3 =	vmul.f32 v6, v3  }
0xf5: {  	v48 =	vld [tilespmem:s11+$0xFFFFFFE0];
	v47 =	vbroadcast v2, $0x3;
	v4 =	vmul.f32 v4, v7  }
0xf6: {  	v51 =	vld [tilespmem:s11+$0x10];
	v49 =	vbroadcast v2, $0x5;
	v5 =	vmul.f32 v5, v10;
	[tilespmem:s11+$0xFFFFFF80] =	vst v3  }
0xf7: {  	v11 =	vld [tilespmem:s11+$0xFFFFFFF0];
	v1 =	vmul.f32 v1, v47;
	v3 =	vbroadcast v2, $0x4;
	[tilespmem:s11+$0xFFFFFF90] =	vst v4  }
0xf8: {  	v50 =	vld [tilespmem:s11+$0x0];
	v12 =	vbroadcast v2, $0x6;
	v6 =	vmul.f32 v9, v49;
	[tilespmem:s11+$0xFFFFFFA0] =	vst v5  }
0xf9: {  	v56 =	vld [tilespmem:s11+$0x50];
	v54 =	vbroadcast v2, $0x9;
	[tilespmem:s11+$0xFFFFFFB0] =	vst v1;
	v3 =	vmul.f32 v8, v3  }
0xfa: {  	v53 =	vld [tilespmem:s11+$0x20];
	v52 =	vbroadcast v2, $0x7;
	v7 =	vmul.f32 v48, v12;
	[tilespmem:s11+$0xFFFFFFD0] =	vst v6  }
0xfb: {  	v59 =	vmul.f32 v51, v54;
	v1 =	vld [tilespmem:s11+$0x30];
	[tilespmem:s11+$0xFFFFFFC0] =	vst v3;
	v3 =	vbroadcast v2, $0x8  }
0xfc: {  	v55 =	vld [tilespmem:s11+$0x40];
	v62 =	vbroadcast v2, $0xD;
	v5 =	vmul.f32 v11, v52;
	[tilespmem:s11+$0xFFFFFFE0] =	vst v7  }
0xfd: {  	v60 =	vld [tilespmem:s11+$0x60];
	v57 =	vbroadcast v2, $0xA;
	[tilespmem:s11+$0x10] =	vst v59;
	v3 =	vmul.f32 v50, v3  }
0xfe: {  	v61 =	vld [tilespmem:s11+$0x70];
	v58 =	vbroadcast v2, $0xB;
	v4 =	vmul.f32 v56, v62;
	[tilespmem:s11+$0xFFFFFFF0] =	vst v5  }
0xff: {  	v8 =	vmul.f32 v53, v57;
	[tilespmem:s11+$0x0] =	vst v3;
	v3 =	vbroadcast v2, $0xC  }
0x100: {  	v63 =	vbroadcast v2, $0xE;
	[tilespmem:s11+$0x50] =	vst v4;
	v1 =	vmul.f32 v1, v58  }
0x101: {  	[tilespmem:s11+$0x20] =	vst v8;
	v2 =	vbroadcast v2, $0xF;
	v3 =	vmul.f32 v55, v3  }
0x102: {  	[tilespmem:s11+$0x30] =	vst v1;
	v1 =	vmul.f32 v60, v63  }
0x103: {  	v2 =	vmul.f32 v61, v2;
	[tilespmem:s11+$0x40] =	vst v3  }
0x104: {  	[tilespmem:s29+$0x60] =	vst v1  }
.Ltmp3:
0x105: {  	[tilespmem:s29+$0x70] =	vst v2;
	(pc) =	sbr.rel @p0 .LBB2_10-.Ltmp3, $4  }
0x106: {  	[spmem:s3] =	stream.indirect.scatter.add.f32 [tilespmem:s22], [sflag:$0x5], $0x10, s16, s20, $0xb8;
	[tilespmem:$0x1CB60] =	vst v63  }
0x107: {  	_ =	swait.ge [sflag:s10], $0x1900  }
0x108: {  	[sflag:s10] =	ssyncset.done $0x0  }
0x109: {  	[sflag:s10] =	ssyncadd.s32 $0xFFFFE700  }
0x10a: {  	s0 =	smul.u32 $0x320, s28;
	_ =	sdelay $0x1  }
0x10b: {  	s0 =	sadd.s32 s0, s15  }
0x10c: {  	s0 =	sshrl.u32 s0, $0x3  }
0x10d: {  	s11 =	sadd.s32 s5, s0  }
0x10e: {  	[tilespmem:s13], [sflag:$0x2] =	stream.linear.gather [hbm4b:s11+s4], $0x190, $0x38;
	[tilespmem:$0x1CB60] =	vst v63  }
.Ltmp4:
0x10f: {  	_ = 	snop;
	(pc) =	sbr.rel .LBB2_4-.Ltmp4, $4  }
0x110: {  	s31 =	sadd.s32 s6, s0  }
0x111: {  	[tilespmem:s16], [sflag:$0x2] =	stream.linear.gather [hbm4b:s31+s4], $0x190, $0x38;
	[tilespmem:$0x1CB60] =	vst v63  }
0x112: {  	s28 =	sadd.s32 $0x1, s28;
	s0 =	sadd.s32 s2, s0  }
0x113: {  	[tilespmem:s18], [sflag:$0x2] =	stream.linear.gather [hbm4b:s0+s4], $0x190, $0x38;
	[tilespmem:$0x1CB60] =	vst v63  }
.LBB2_10:
0x114: {  	[bflag:$0x0] =	sbarrier.arrive $0xFFFF  }
0x115: {  	[tilespmem:s9], [sflag:$0x5] =	stream.linear.gather [spmem:s17], $0x1900, $0x38;
	[tilespmem:$0x1CB60] =	vst v63  }
0x116: {  	_ =	swait.ge [sflag:s10], $0x1900  }
0x117: {  	[sflag:s10] =	ssyncset.done $0x0  }
0x118: {  	s0 =	sadd.s32 $0x0, s25;
	[sflag:s10] =	ssyncadd.s32 $0xFFFFE700  }
0x119: {  	[hbm4b:s0+s4] =	stream.linear.scatter [tilespmem:s9], [sflag:$0x5], $0x1900, $0x38;
	[tilespmem:$0x1CB60] =	vst v63  }
0x11a: {  	_ =	swait.ge [sflag:s10], $0x1900  }
0x11b: {  	s11 =	simm.s32 $0x320;
	s28 =	smov.u32 s17;
	[sflag:s10] =	ssyncset.done $0x0  }
.LBB2_11:
0x11c: {  	p0 =	sne.s32 s11, $0x2EE0;
	[sflag:s10] =	ssyncadd.s32 $0xFFFFE700;
	s28 =	sadd.s32 $0x1900, s28  }
0x11d: {  	[tilespmem:s9], [sflag:$0x5] =	stream.linear.gather [spmem:s28], $0x1900, $0x38;
	[tilespmem:$0x1CB60] =	vst v63  }
0x11e: {  	s0 =	smov.u32 s11;
	s11 =	sadd.s32 $0x320, s11;
	_ =	swait.ge [sflag:s10], $0x1900  }
.Ltmp5:
0x11f: {  	[sflag:s10] =	ssyncset.done $0x0;
	(pc) =	sbr.rel @p0 .LBB2_11-.Ltmp5, $4  }
0x120: {  	s0 =	sadd.s32 s0, s25;
	[sflag:s10] =	ssyncadd.s32 $0xFFFFE700  }
0x121: {  	[hbm4b:s0+s4] =	stream.linear.scatter [tilespmem:s9], [sflag:$0x5], $0x1900, $0x38;
	[tilespmem:$0x1CB60] =	vst v63  }
0x122: {  	_ =	swait.ge [sflag:s10], $0x1900  }
0x123: {  	[sflag:s10] =	ssyncset.done $0x0  }
0x124: {  	s26 =	sadd.s32 $0x1, s26;
	s0 =	rddreg [dreg:$0xa]  }
0x125: {  	p0 =	sne.s32 s26, s0  }
.Ltmp6:
0x126: {  	_ = 	snop;
	(pc) =	sbr.rel @p0 .LBB2_1-.Ltmp6, $2  }
0x127: {  	_ =	sdelay $0x2  }
0x128: {  	[sflag:s10] =	ssyncadd.s32 $0xFFFFE700  }
0x129: {  	_ =	sfence.sel $0x180000  }
0x12a: {  	[bflag:$0x0] =	sbarrier.arrive $0xFFFF  }
0x12b: {  	_ =	strace $0x9000004D  }
0x12c: {  	s0 =	stileid.u32;
	[bflag:$0x2] =	sbarrier.arrive $0xFFFF  }
0x12d: {  	p0 =	sne.s32 s0, $0x0;
	s0 =	rddreg [dreg:$0x3]  }
0x12e: {  	s0 =	sadd.s32 @!p0 $0x100000, s0  }
0x12f: {  	[sflag:s0] =	ssyncadd.tile.s32 @!p0 $0x1;
	_ =	shalt  }
.Lfunc_end2:
_tile_overlayer_lowered:
.L_overlay_start_2:
0x130: {  	(tag) =	ssettag $0x2  }
0x131: {  	s0 =	rddreg [dreg:$0x0];
	s2 =	stileid.u32  }
0x132: {  	s1 =	rddreg [dreg:$0x1];
	p0 =	sne.s32 s2, $0x0  }
0x133: {  	s3 =	rddreg [dreg:$0x2];
	[bflag:$0x3] =	sbarrier.arrive $0xFFFF;
	s2 =	simm.s32 @!p0 $0x1C05  }
0x134: {  	[timem:s3], [sflag:s2] =	dma.local @!p0 [hbm:s0], s1  }
0x135: {  	s0 =	simm.s32 @!p0 $0x5  }
0x136: {  	_ =	swait.ge @!p0 [sflag:s0], s1  }
0x137: {  	s1 =	ssub.s32 @!p0 $0x0, s1;
	[sflag:s0] =	ssyncset.done @!p0 $0x0  }
0x138: {  	[sflag:s0] =	ssyncadd.s32 @!p0 s1  }
0x139: {  	[bflag:$0x3] =	sbarrier.arrive $0xFFFF  }
0x13a: {  	_ =	shalt  }

// kernel: _run.21.cloned.1.call-start
scs
__scs_entry_jumppad:
0x0: {  	(pc) =	sbr.rel $0x88, $3  }
0x1: {  	(tag) =	ssettag $0x0;
	lr =	simm.s32 $0x1  }
0x2: {  	[smem:$0x3F95] =	sst lr;
	_ =	strace $0xD0000000  }
0x3: {  	_ = 	snop  }
0x4: {  	_ = 	snop  }
0x5: {  	_ = 	snop  }
0x6: {  	_ = 	snop  }
0x7: {  	_ = 	snop  }
__scs_overlays_trampoline_lowered:
0x8: {  	[smem:$0x3FA4] =	sst s0  }
0x9: {  	[smem:$0x3FA5] =	sst s1  }
0xa: {  	[smem:$0x3FA6] =	sst s2  }
0xb: {  	[smem:$0x3FA7] =	sst s3  }
0xc: {  	[smem:$0x3FA8] =	sst s4  }
0xd: {  	[smem:$0x3FA9] =	sst s5  }
0xe: {  	[smem:$0x3FAA] =	sst s6  }
0xf: {  	[smem:$0x3FAB] =	sst s7  }
0x10: {  	[smem:$0x3FAC] =	sst s8  }
0x11: {  	[smem:$0x3FAD] =	sst s9;
	s0 =	simm.s32 @!p0 $0x0  }
0x12: {  	s1 =	sld [smem:$0x3F93];
	s0 =	simm.s32 @p0 $0x1  }
0x13: {  	[smem:$0x3FAE] =	sst s0;
	s0 =	simm.s32 @!p1 $0x0  }
0x14: {  	s2 =	sld [smem:$0x3F92];
	s0 =	simm.s32 @p1 $0x1  }
0x15: {  	[smem:$0x3FAF] =	sst s0;
	s0 =	simm.s32 @!p2 $0x0  }
0x16: {  	s3 =	sld [smem:$0x3FDB];
	s0 =	simm.s32 @p2 $0x1  }
0x17: {  	s4 =	simm.s32 $0x1BF5;
	[smem:$0x3FB1] =	sst s0  }
0x18: {  	s0 =	sld [smem:$0x3F94];
	_ =	swait.ge [sflag:s4], $0x0  }
0x19: {  	s7 =	sld [smem:$0x3F95]  }
0x1a: {  	s8 =	sadd.s32 $0xFFFFE003, lr  }
0x1b: {  	s9 =	sadd.s32 $0xFFFFFEF7, lr;
	s5 =	simm.s32 $0xFFFFFFFF;
	p2 =	slt.u32 s8, $0xFFFFF086  }
0x1c: {  	p1 =	slt.u32 s9, $0xF7A;
	s5 =	simm.s32 @!p2 $0x0  }
0x1d: {  	s5 =	simm.s32 @p1 $0x1;
	p0 =	seq.s32 s7, s2  }
0x1e: {  	s7 =	smul.u32 @!p0 $0xF7A, s2;
	p2 =	seq.s32 @!p0 s5, $0x0  }
0x1f: {  	s9 =	smul.u32 $0xF7A, s1;
	s8 =	simm.s32 @!p0 $0x1BF5;
	p2 =	por !p2, p0  }
0x20: {  	[sflag:s8] =	ssyncset.s32 @!p0 $0xFFFFF086;
	s6 =	sadd.s32 @!p0 s3, s7;
	s7 =	simm.s32 @!p0 $0x108  }
0x21: {  	s3 =	sadd.s32 s3, s9;
	s6 =	sadd.s32 @!p0 $0x88, s6;
	s7 =	simm.s32 @p2 $0x1082  }
0x22: {  	[simem:s7], [sflag:s8] =	dma.local @!p0 [hbm:s6], $0xF7A  }
0x23: {  	s9 =	sor.u32 $0xD0000000, s2;
	s6 =	simm.s32 $0x108;
	_ =	swait.ge @!p0 [sflag:s8], $0x0  }
0x24: {  	s3 =	sadd.s32 $0x88, s3;
	s6 =	simm.s32 @!p1 $0x1082;
	[sflag:s4] =	ssyncset.s32 $0xFFFFF086  }
0x25: {  	[simem:s6], [sflag:s4] =	dma.local [hbm:s3], $0xF7A  }
0x26: {  	[smem:$0x3F95] =	sst s1;
	(tag) =	ssettag s2;
	_ =	strace s9  }
0x27: {  	s1 =	sld [smem:$0x3FA5]  }
0x28: {  	s2 =	sld [smem:$0x3FA6]  }
0x29: {  	s4 =	sld [smem:$0x3FA8]  }
0x2a: {  	p0 =	seq.s32 s5, $0x0;
	s5 =	sld [smem:$0x3FA9]  }
0x2b: {  	s6 =	sld [smem:$0x3FAA]  }
0x2c: {  	s7 =	sld [smem:$0x3FAB]  }
0x2d: {  	s3 =	simm.s32 $0x108;
	s8 =	sld [smem:$0x3FAC]  }
0x2e: {  	s3 =	simm.s32 @!p0 $0x1082;
	s9 =	sld [smem:$0x3FAD]  }
0x2f: {  	lr =	sadd.s32 s0, s3;
	s0 =	sld [smem:$0x3FA4]  }
0x30: {  	s3 =	sld [smem:$0x3FA7]  }
0x31: {  	[smem:$0x3FB0] =	sst s10  }
0x32: {  	s10 =	sld [smem:$0x3FAE];
	_ =	sdelay $0x3  }
0x33: {  	p0 =	seq.s32 s10, $0x1;
	s10 =	sld [smem:$0x3FB0];
	_ =	sdelay $0x3  }
0x34: {  	[smem:$0x3FB0] =	sst s10  }
0x35: {  	s10 =	sld [smem:$0x3FAF];
	_ =	sdelay $0x3  }
0x36: {  	p1 =	seq.s32 s10, $0x1;
	s10 =	sld [smem:$0x3FB0];
	_ =	sdelay $0x3  }
0x37: {  	[smem:$0x3FB0] =	sst s10  }
0x38: {  	s10 =	sld [smem:$0x3FB1]  }
0x39: {  	_ = 	snop;
	(pc) =	sbr.ind lr, $3  }
0x3a: {  	_ = 	snop  }
0x3b: {  	_ = 	snop  }
0x3c: {  	p2 =	seq.s32 s10, $0x1;
	s10 =	sld [smem:$0x3FB0]  }
0x3d: {  	_ =	shalt  }
0x3e: {  	_ =	shalt  }
0x3f: {  	_ =	shalt  }
0x40: {  	_ =	shalt  }
0x41: {  	_ =	shalt  }
0x42: {  	_ =	shalt  }
0x43: {  	_ =	shalt  }
0x44: {  	_ =	shalt  }
0x45: {  	_ =	shalt  }
0x46: {  	_ =	shalt  }
0x47: {  	_ =	shalt  }
0x48: {  	_ =	shalt  }
0x49: {  	_ =	shalt  }
0x4a: {  	_ =	shalt  }
0x4b: {  	_ =	shalt  }
0x4c: {  	_ =	shalt  }
0x4d: {  	_ =	shalt  }
0x4e: {  	_ =	shalt  }
0x4f: {  	_ =	shalt  }
0x50: {  	_ =	shalt  }
0x51: {  	_ =	shalt  }
0x52: {  	_ =	shalt  }
0x53: {  	_ =	shalt  }
0x54: {  	_ =	shalt  }
0x55: {  	_ =	shalt  }
0x56: {  	_ =	shalt  }
0x57: {  	_ =	shalt  }
0x58: {  	_ =	shalt  }
0x59: {  	_ =	shalt  }
0x5a: {  	_ =	shalt  }
0x5b: {  	_ =	shalt  }
0x5c: {  	_ =	shalt  }
0x5d: {  	_ =	shalt  }
0x5e: {  	_ =	shalt  }
0x5f: {  	_ =	shalt  }
0x60: {  	_ =	shalt  }
0x61: {  	_ =	shalt  }
0x62: {  	_ =	shalt  }
0x63: {  	_ =	shalt  }
0x64: {  	_ =	shalt  }
0x65: {  	_ =	shalt  }
0x66: {  	_ =	shalt  }
0x67: {  	_ =	shalt  }
0x68: {  	_ =	shalt  }
0x69: {  	_ =	shalt  }
0x6a: {  	_ =	shalt  }
0x6b: {  	_ =	shalt  }
0x6c: {  	_ =	shalt  }
0x6d: {  	_ =	shalt  }
0x6e: {  	_ =	shalt  }
0x6f: {  	_ =	shalt  }
0x70: {  	_ =	shalt  }
0x71: {  	_ =	shalt  }
0x72: {  	_ =	shalt  }
0x73: {  	_ =	shalt  }
0x74: {  	_ =	shalt  }
0x75: {  	_ =	shalt  }
0x76: {  	_ =	shalt  }
0x77: {  	_ =	shalt  }
0x78: {  	_ =	shalt  }
0x79: {  	_ =	shalt  }
0x7a: {  	_ =	shalt  }
0x7b: {  	_ =	shalt  }
0x7c: {  	_ =	shalt  }
0x7d: {  	_ =	shalt  }
0x7e: {  	_ =	shalt  }
0x7f: {  	_ =	shalt  }
0x80: {  	_ =	shalt  }
0x81: {  	_ =	shalt  }
0x82: {  	_ =	shalt  }
0x83: {  	_ =	shalt  }
0x84: {  	_ =	shalt  }
0x85: {  	_ =	shalt  }
0x86: {  	_ =	shalt  }
0x87: {  	_ =	shalt  }
.Lfunc_end0:
.L_simem_size_0:
called_computation.3_lowered:
.L_overlay_start_0:
0x88: {  	s2 =	sld [smem:$0x3FD9]  }
0x89: {  	s3 =	sld [smem:$0x3FFE];
	_ =	sdelay $0x1  }
0x8a: {  	s1 =	srdreg.scid  }
0x8b: {  	s0 =	sand.u32 $0x1, s1  }
0x8c: {  	s17 =	sshll.u32 s0, $0xA;
	s2 =	sadd.s32 s3, s2  }
0x8d: {  	s2 =	sadd.s32 s2, s17  }
0x8e: {  	[smem:$0x3FBC] =	sst s2  }
0x8f: {  	_ = 	snop  }
0x90: {  	s2 =	sld [smem:$0x3FC8];
	(tm) =	ssettm $0x1  }
0x91: {  	s18 =	sld [smem:$0x3FFB];
	_ =	sdelay $0x3  }
0x92: {  	_ =	strace s18  }
0x93: {  	s3 =	sld [smem:$0x3FFC];
	_ =	sdelay $0x3  }
0x94: {  	_ =	strace s3  }
0x95: {  	s3 =	sld [smem:$0x3FFD];
	_ =	sdelay $0x3  }
0x96: {  	_ =	strace s3  }
0x97: {  	_ =	strace $0x8FFFFFFF  }
0x98: {  	s19 =	sld [smem:$0x3FDB];
	_ =	sdelay $0x1  }
0x99: {  	s4 =	simm.s32 $_scs_section_size  }
0x9a: {  	s5 =	simm.s32 $_size__tile_overlayer_lowered;
	s6 =	simm.s32 $_tile_overlayer_lowered  }
0x9b: {  	s22 =	simm.s32 $0x1BFF;
	s21 =	sshll.u32 s6, $0x1;
	s3 =	sadd.s32 s4, s19  }
0x9c: {  	s7 =	simm.s32 $0x0;
	s20 =	sshll.u32 s5, $0x1;
	s5 =	sadd.s32 s21, s3  }
0x9d: {  	[timem:s7], [sflag:s22] =	dma.local [hbm:s5], s20  }
0x9e: {  	_ =	swait.ge [sflag:s22], s20  }
0x9f: {  	s4 =	ssub.s32 $0x0, s20;
	[sflag:s22] =	ssyncset.done $0x0  }
0xa0: {  	[sflag:s22] =	ssyncadd.s32 s4;
	_ =	sdelay $0x1  }
0xa1: {  	s23 =	simm.s32 $0x1B8B  }
0xa2: {  	_ =	swait.ge [sflag:s23], $0x1  }
0xa3: {  	[sflag:s23] =	ssyncset.done $0x0  }
0xa4: {  	s25 =	simm.s32 $0x1B8E;
	s24 =	sld [smem:$0x3FFE];
	[sflag:s23] =	ssyncadd.s32 $0xFFFFFFFF  }
0xa5: {  	s26 =	simm.s32 $execute0_lowered;
	[smem:$0x3FD2] =	sst s25  }
0xa6: {  	s5 =	sshll.u32 s26, $0x1;
	_ =	strace $0x8000004F;
	[dreg:$0x1] =	wrdreg $0xFFFFFFFF  }
0xa7: {  	s28 =	simm.s32 $_size_execute0_lowered;
	s3 =	sadd.s32 s3, s5;
	[dreg:$0x0] =	wrdreg $0x0  }
0xa8: {  	s5 =	sshll.u32 s28, $0x1;
	[dreg:$0x2] =	wrdreg s3  }
0xa9: {  	[dreg:$0x3] =	wrdreg s5  }
0xaa: {  	[dreg:$0x4] =	wrdreg $0xC0  }
0xab: {  	_ =	task [dreg:s7], $0x5FFFF  }
0xac: {  	[dreg:$0x1] =	wrdreg $0xFFFFFFFF  }
0xad: {  	[dreg:$0x0] =	wrdreg $0x60  }
0xae: {  	[dreg:$0x2] =	wrdreg s24  }
0xaf: {  	[dreg:$0x3] =	wrdreg s2  }
0xb0: {  	[dreg:$0x4] =	wrdreg $0x0  }
0xb1: {  	[dreg:$0x5] =	wrdreg $0x9  }
0xb2: {  	_ =	task.clear_ibuf [dreg:s7], $0x6FFFF;
	_ =	strace $0x9000004F  }
0xb3: {  	s29 =	simm.s32 $0x9;
	_ =	strace $0x80000051  }
0xb4: {  	_ =	swait.ge [sflag:s29], $0x1  }
0xb5: {  	[sflag:s29] =	ssyncadd.s32 $0xFFFFFFFF  }
0xb6: {  	_ =	strace $0x90000051  }
0xb7: {  	_ =	sfence  }
0xb8: {  	s30 =	sld [smem:$0x0];
	_ =	sdelay $0x2  }
0xb9: {  	s31 =	sshll.u32 s1, $0xD;
	s1 =	sshrl.u32 s1, $0x2  }
0xba: {  	s3 =	sand.u32 $0x4000, s31;
	s1 =	sadd.s32 s1, s30  }
0xbb: {  	s0 =	sor.u32 s3, s0;
	s1 =	sshll.u32 s1, $0x11  }
0xbc: {  	s0 =	sor.u32 s1, s0  }
0xbd: {  	s0 =	sadd.s32 $0x8F2B, s0  }
0xbe: {  	[sflag:s0] =	ssyncadd.remote.s32 $0x1  }
0xbf: {  	_ =	sfence.sel $0xFFFF  }
0xc0: {  	[dreg:$0x0] =	wrdreg $0xFFFFFFFF;
	(pc) =	sbr.abs _section_cstart, $3  }
0xc1: {  	[dreg:$0x1] =	wrdreg $0xFFFFFFFF  }
0xc2: {  	_ =	task.clear_ibuf [dreg:s7], $0x2FFFF;
	_ =	strace $0x9FFFFFFF  }
0xc3: {  	(tm) =	ssettm $0x7FFFFFFF  }
tec
execute0_lowered:
.L_overlay_start_1:
0x0: {  	(tag) =	ssettag $0x1  }
0x1: {  	s0 =	rddreg [dreg:$0x0]  }
0x2: {  	s1 =	rddreg [dreg:$0x1]  }
0x3: {  	s2 =	rddreg [dreg:$0x2];
	s4 =	simm.s32 $0x0  }
0x4: {  	s3 =	srdreg.scid;
	s12 =	stileid.u32;
	s28 =	simm.s32 $0x1ADB0  }
0x5: {  	s29 =	simm.s32 $0x2;
	s30 =	simm.s32 $0x1B3F0;
	s31 =	simm.s32 $0x0  }
0x6: {  	[smem:$0x7FF] =	sst s4;
	s3 =	sand.u32 $0x1, s3;
	s7 =	smul.u32 $0x1900, s12  }
0x7: {  	s5 =	sadd.s32 $0xCA600, s0;
	s9 =	sshll.u32 s12, $0x1;
	s12 =	smul.u32 $0x6400, s12  }
0x8: {  	s6 =	ssub.s32 $0x2, s3;
	s10 =	smul.u32 $0x19000, s3;
	s3 =	sor.u32 s3, s9  }
0x9: {  	_ =	strace $0x80000050;
	s8 =	sshrl.u32 s6, $0x1;
	s3 =	smul.u32 $0x186A0, s3  }
0xa: {  	s15 =	sadd.s32 $0x960, s7;
	s17 =	sadd.s32 $0xC80, s7;
	s18 =	sadd.s32 $0x12C0, s7  }
0xb: {  	s16 =	sshrl.u32 s12, $0x2;
	s6 =	ssub.s32 s6, s8;
	s8 =	sadd.s32 $0x320, s7  }
0xc: {  	s19 =	sadd.s32 s10, s7;
	s13 =	sadd.s32 s10, s15;
	s14 =	sadd.s32 s10, s17  }
0xd: {  	s26 =	sadd.s32 s10, s18;
	s16 =	sadd.s32 s16, s2;
	s15 =	sadd.s32 s15, s2  }
0xe: {  	s17 =	sadd.s32 s17, s2;
	s11 =	sadd.s32 s10, s8;
	s9 =	sshrl.u32 s19, $0x3  }
0xf: {  	s22 =	sshrl.u32 s13, $0x3;
	s23 =	sshrl.u32 s14, $0x3;
	[dreg:$0x17] =	wrdreg s15  }
0x10: {  	s19 =	sadd.s32 $0x15E0, s7;
	[dreg:$0x18] =	wrdreg s17;
	s9 =	sadd.s32 s5, s9  }
0x11: {  	s14 =	sshrl.u32 s26, $0x3;
	[dreg:$0x4] =	wrdreg s9;
	s9 =	sadd.s32 $0x640, s7  }
0x12: {  	s11 =	sshrl.u32 s11, $0x3;
	s24 =	sadd.s32 s5, s23;
	s21 =	sadd.s32 s10, s9  }
0x13: {  	s20 =	sadd.s32 s5, s11;
	[dreg:$0x8] =	wrdreg s24;
	s11 =	sshrl.u32 s21, $0x3  }
0x14: {  	s15 =	simm.s32 $0x1900;
	[dreg:$0x5] =	wrdreg s20;
	s11 =	sadd.s32 s5, s11  }
0x15: {  	s17 =	simm.s32 $0x3;
	[dreg:$0x6] =	wrdreg s11;
	s11 =	sadd.s32 s5, s22  }
0x16: {  	s20 =	sshrl.u32 s3, $0x3;
	[dreg:$0x7] =	wrdreg s11;
	s11 =	sadd.s32 $0xFA0, s7  }
0x17: {  	s12 =	sadd.s32 s9, s2;
	s9 =	sadd.s32 $0xC80, s16;
	s25 =	sadd.s32 s10, s11  }
0x18: {  	s23 =	sadd.s32 s1, s20;
	[dreg:$0x16] =	wrdreg s12;
	s13 =	sshrl.u32 s25, $0x3  }
0x19: {  	[dreg:$0xf] =	wrdreg s23;
	s10 =	sadd.s32 s10, s19;
	s13 =	sadd.s32 s5, s13  }
0x1a: {  	s10 =	sshrl.u32 s10, $0x3;
	[dreg:$0x9] =	wrdreg s13;
	s13 =	sadd.s32 s5, s14  }
0x1b: {  	s24 =	sadd.s32 $0x32, s20;
	s5 =	sadd.s32 s5, s10;
	[dreg:$0xa] =	wrdreg s13  }
0x1c: {  	s14 =	sadd.s32 $0x3C00, s0;
	s10 =	sadd.s32 s8, s2;
	[dreg:$0xb] =	wrdreg s5  }
0x1d: {  	s13 =	sadd.s32 $0x65800, s0;
	s0 =	sadd.s32 $0xC7400, s0;
	[dreg:$0x15] =	wrdreg s10  }
0x1e: {  	s12 =	sadd.s32 $0x15E0, s16;
	s22 =	sadd.s32 s14, s20;
	[dreg:$0xc] =	wrdreg s0  }
0x1f: {  	s23 =	sadd.s32 $0x320, s3;
	s26 =	sadd.s32 s14, s24;
	[dreg:$0xe] =	wrdreg s22  }
0x20: {  	s8 =	sadd.s32 $0x960, s16;
	s5 =	sadd.s32 s7, s2;
	[dreg:$0x11] =	wrdreg s26  }
0x21: {  	s7 =	smax.u32 s6, $0x1;
	s10 =	sadd.s32 $0xFA0, s16;
	[dreg:$0x13] =	wrdreg s5  }
0x22: {  	s21 =	sadd.s32 s13, s20;
	s25 =	sadd.s32 s13, s24;
	[dreg:$0x14] =	wrdreg s7  }
0x23: {  	s0 =	sadd.s32 s1, s24;
	s24 =	sadd.s32 $0x4B0, s3;
	[dreg:$0xd] =	wrdreg s21  }
0x24: {  	s20 =	sadd.s32 s11, s2;
	s22 =	sadd.s32 s19, s2;
	[dreg:$0x10] =	wrdreg s25  }
0x25: {  	s26 =	sadd.s32 $0x640, s16;
	s11 =	sadd.s32 $0x12C0, s16;
	[dreg:$0x12] =	wrdreg s0  }
.Ltmp0:
0x26: {  	s19 =	simm.s32 $0x1AA90;
	[dreg:$0x19] =	wrdreg s20;
	(pc) =	sbr.rel .LBB2_1-.Ltmp0, $4  }
0x27: {  	s21 =	sadd.s32 s18, s2;
	[dreg:$0x1b] =	wrdreg s22;
	s25 =	sadd.s32 $0x320, s16  }
0x28: {  	[dreg:$0x1d] =	wrdreg s26;
	s18 =	simm.s32 $0x1B580;
	s20 =	simm.s32 $0x1AF40  }
0x29: {  	s22 =	simm.s32 $0x1B260;
	s26 =	simm.s32 $0x190;
	[dreg:$0x1a] =	wrdreg s21  }
0x2a: {  	v0 =	vimm.f32 $0.0e+00;
	[dreg:$0x1c] =	wrdreg s25;
	s21 =	simm.s32 $0x1B0D0;
	s25 =	simm.s32 $0x1  }
.LBB2_10:
0x2b: {  	[bflag:$0x0] =	sbarrier.arrive $0xFFFF  }
0x2c: {  	s0 =	rddreg [dreg:$0x13]  }
0x2d: {  	[tilespmem:s18], [sflag:$0x3] =	stream.linear.gather [spmem:s0], $0x320, $0x38;
	[tilespmem:$0x1B8A0] =	vst v63  }
0x2e: {  	_ =	swait.ge [sflag:s17], $0x320  }
0x2f: {  	[sflag:s17] =	ssyncset.done $0x0  }
0x30: {  	s3 =	rddreg [dreg:$0x4];
	[sflag:s17] =	ssyncadd.s32 $0xFFFFFCE0  }
0x31: {  	[hbm4b:s3+s4] =	stream.linear.scatter [tilespmem:s18], [sflag:$0x3], $0x320, $0x38;
	[tilespmem:$0x1B8A0] =	vst v63  }
0x32: {  	_ =	swait.ge [sflag:s17], $0x320  }
0x33: {  	[sflag:s17] =	ssyncset.done $0x0  }
0x34: {  	s5 =	rddreg [dreg:$0x15];
	[sflag:s17] =	ssyncadd.s32 $0xFFFFFCE0  }
0x35: {  	[tilespmem:s18], [sflag:$0x3] =	stream.linear.gather [spmem:s5], $0x320, $0x38;
	[tilespmem:$0x1B8A0] =	vst v63  }
0x36: {  	_ =	swait.ge [sflag:s17], $0x320  }
0x37: {  	[sflag:s17] =	ssyncset.done $0x0  }
0x38: {  	s6 =	rddreg [dreg:$0x5];
	[sflag:s17] =	ssyncadd.s32 $0xFFFFFCE0  }
0x39: {  	[hbm4b:s6+s4] =	stream.linear.scatter [tilespmem:s18], [sflag:$0x3], $0x320, $0x38;
	[tilespmem:$0x1B8A0] =	vst v63  }
0x3a: {  	_ =	swait.ge [sflag:s17], $0x320  }
0x3b: {  	[sflag:s17] =	ssyncset.done $0x0  }
0x3c: {  	s7 =	rddreg [dreg:$0x16];
	[sflag:s17] =	ssyncadd.s32 $0xFFFFFCE0  }
0x3d: {  	[tilespmem:s18], [sflag:$0x3] =	stream.linear.gather [spmem:s7], $0x320, $0x38;
	[tilespmem:$0x1B8A0] =	vst v63  }
0x3e: {  	_ =	swait.ge [sflag:s17], $0x320  }
0x3f: {  	[sflag:s17] =	ssyncset.done $0x0  }
0x40: {  	s3 =	rddreg [dreg:$0x6];
	[sflag:s17] =	ssyncadd.s32 $0xFFFFFCE0  }
0x41: {  	[hbm4b:s3+s4] =	stream.linear.scatter [tilespmem:s18], [sflag:$0x3], $0x320, $0x38;
	[tilespmem:$0x1B8A0] =	vst v63  }
0x42: {  	_ =	swait.ge [sflag:s17], $0x320  }
0x43: {  	[sflag:s17] =	ssyncset.done $0x0  }
0x44: {  	s5 =	rddreg [dreg:$0x17];
	[sflag:s17] =	ssyncadd.s32 $0xFFFFFCE0  }
0x45: {  	[tilespmem:s18], [sflag:$0x3] =	stream.linear.gather [spmem:s5], $0x320, $0x38;
	[tilespmem:$0x1B8A0] =	vst v63  }
0x46: {  	_ =	swait.ge [sflag:s17], $0x320  }
0x47: {  	[sflag:s17] =	ssyncset.done $0x0  }
0x48: {  	s6 =	rddreg [dreg:$0x7];
	[sflag:s17] =	ssyncadd.s32 $0xFFFFFCE0  }
0x49: {  	[hbm4b:s6+s4] =	stream.linear.scatter [tilespmem:s18], [sflag:$0x3], $0x320, $0x38;
	[tilespmem:$0x1B8A0] =	vst v63  }
0x4a: {  	_ =	swait.ge [sflag:s17], $0x320  }
0x4b: {  	[sflag:s17] =	ssyncset.done $0x0  }
0x4c: {  	s7 =	rddreg [dreg:$0x18];
	[sflag:s17] =	ssyncadd.s32 $0xFFFFFCE0  }
0x4d: {  	[tilespmem:s18], [sflag:$0x3] =	stream.linear.gather [spmem:s7], $0x320, $0x38;
	[tilespmem:$0x1B8A0] =	vst v63  }
0x4e: {  	_ =	swait.ge [sflag:s17], $0x320  }
0x4f: {  	[sflag:s17] =	ssyncset.done $0x0  }
0x50: {  	s3 =	rddreg [dreg:$0x8];
	[sflag:s17] =	ssyncadd.s32 $0xFFFFFCE0  }
0x51: {  	[hbm4b:s3+s4] =	stream.linear.scatter [tilespmem:s18], [sflag:$0x3], $0x320, $0x38;
	[tilespmem:$0x1B8A0] =	vst v63  }
0x52: {  	_ =	swait.ge [sflag:s17], $0x320  }
0x53: {  	[sflag:s17] =	ssyncset.done $0x0  }
0x54: {  	s5 =	rddreg [dreg:$0x19];
	[sflag:s17] =	ssyncadd.s32 $0xFFFFFCE0  }
0x55: {  	[tilespmem:s18], [sflag:$0x3] =	stream.linear.gather [spmem:s5], $0x320, $0x38;
	[tilespmem:$0x1B8A0] =	vst v63  }
0x56: {  	_ =	swait.ge [sflag:s17], $0x320  }
0x57: {  	[sflag:s17] =	ssyncset.done $0x0  }
0x58: {  	s6 =	rddreg [dreg:$0x9];
	[sflag:s17] =	ssyncadd.s32 $0xFFFFFCE0  }
0x59: {  	[hbm4b:s6+s4] =	stream.linear.scatter [tilespmem:s18], [sflag:$0x3], $0x320, $0x38;
	[tilespmem:$0x1B8A0] =	vst v63  }
0x5a: {  	_ =	swait.ge [sflag:s17], $0x320  }
0x5b: {  	[sflag:s17] =	ssyncset.done $0x0  }
0x5c: {  	s7 =	rddreg [dreg:$0x1a];
	[sflag:s17] =	ssyncadd.s32 $0xFFFFFCE0  }
0x5d: {  	[tilespmem:s18], [sflag:$0x3] =	stream.linear.gather [spmem:s7], $0x320, $0x38;
	[tilespmem:$0x1B8A0] =	vst v63  }
0x5e: {  	_ =	swait.ge [sflag:s17], $0x320  }
0x5f: {  	[sflag:s17] =	ssyncset.done $0x0  }
0x60: {  	s3 =	rddreg [dreg:$0xa];
	[sflag:s17] =	ssyncadd.s32 $0xFFFFFCE0  }
0x61: {  	[hbm4b:s3+s4] =	stream.linear.scatter [tilespmem:s18], [sflag:$0x3], $0x320, $0x38;
	[tilespmem:$0x1B8A0] =	vst v63  }
0x62: {  	_ =	swait.ge [sflag:s17], $0x320  }
0x63: {  	[sflag:s17] =	ssyncset.done $0x0  }
0x64: {  	s5 =	rddreg [dreg:$0x1b];
	[sflag:s17] =	ssyncadd.s32 $0xFFFFFCE0  }
0x65: {  	[tilespmem:s18], [sflag:$0x3] =	stream.linear.gather [spmem:s5], $0x320, $0x38;
	[tilespmem:$0x1B8A0] =	vst v63  }
0x66: {  	_ =	swait.ge [sflag:s17], $0x320  }
0x67: {  	[sflag:s17] =	ssyncset.done $0x0  }
0x68: {  	s6 =	rddreg [dreg:$0xb];
	[sflag:s17] =	ssyncadd.s32 $0xFFFFFCE0  }
0x69: {  	[hbm4b:s6+s4] =	stream.linear.scatter [tilespmem:s18], [sflag:$0x3], $0x320, $0x38;
	[tilespmem:$0x1B8A0] =	vst v63  }
0x6a: {  	_ =	swait.ge [sflag:s17], $0x320  }
0x6b: {  	s31 =	sadd.s32 $0x1, s31;
	s7 =	rddreg [dreg:$0x14]  }
0x6c: {  	p0 =	sne.s32 s31, s7  }
.Ltmp1:
0x6d: {  	_ = 	snop;
	(pc) =	sbr.rel @!p0 .LBB2_11-.Ltmp1, $3  }
0x6e: {  	_ =	sdelay $0x1  }
0x6f: {  	[sflag:s17] =	ssyncset.done $0x0  }
0x70: {  	[sflag:s17] =	ssyncadd.s32 $0xFFFFFCE0  }
.LBB2_1:
0x71: {  	s0 =	rddreg [dreg:$0xc]  }
0x72: {  	[tilespmem:s15], [sflag:$0x3] =	stream.linear.gather [hbm4b:s0+s4], $0x19000, $0x38;
	[tilespmem:$0x1B8A0] =	vst v63  }
0x73: {  	_ =	swait.ge [sflag:s17], $0x19000  }
0x74: {  	[sflag:s17] =	ssyncset.done $0x0  }
0x75: {  	s3 =	simm.s32 $0x0;
	s0 =	simm.s32 $0x40;
	[sflag:s17] =	ssyncadd.s32 $0xFFFE7000  }
.LBB2_2:
0x76: {  	p0 =	sne.s32 s0, $0xC40;
	[tilespmem:s3+$0x1B580] =	vst v0;
	s3 =	smov.u32 s0;
	s0 =	sadd.s32 $0x40, s0  }
.Ltmp2:
0x77: {  	(pc) =	sbr.rel @p0 .LBB2_2-.Ltmp2, $2  }
0x78: {  	_ =	sdelay $0x2  }
0x79: {  	s3 =	sshra.s32 s3, $0x2  }
0x7a: {  	[tilespmem:s3+$0x1B580] =	vst v0  }
0x7b: {  	[spmem:s16] =	stream.linear.scatter [tilespmem:s18], [sflag:$0x3], $0x320, $0x38;
	[tilespmem:$0x1B8A0] =	vst v63  }
0x7c: {  	_ =	swait.ge [sflag:s17], $0x320  }
0x7d: {  	[sflag:s17] =	ssyncset.done $0x0  }
0x7e: {  	s0 =	rddreg [dreg:$0x1c];
	[sflag:s17] =	ssyncadd.s32 $0xFFFFFCE0  }
0x7f: {  	[spmem:s0] =	stream.linear.scatter [tilespmem:s18], [sflag:$0x3], $0x320, $0x38;
	[tilespmem:$0x1B8A0] =	vst v63  }
0x80: {  	_ =	swait.ge [sflag:s17], $0x320  }
0x81: {  	[sflag:s17] =	ssyncset.done $0x0  }
0x82: {  	s6 =	rddreg [dreg:$0x1d];
	[sflag:s17] =	ssyncadd.s32 $0xFFFFFCE0  }
0x83: {  	[spmem:s6] =	stream.linear.scatter [tilespmem:s18], [sflag:$0x3], $0x320, $0x38;
	[tilespmem:$0x1B8A0] =	vst v63  }
0x84: {  	_ =	swait.ge [sflag:s17], $0x320  }
0x85: {  	[sflag:s17] =	ssyncset.done $0x0  }
0x86: {  	[sflag:s17] =	ssyncadd.s32 $0xFFFFFCE0  }
0x87: {  	[spmem:s8] =	stream.linear.scatter [tilespmem:s18], [sflag:$0x3], $0x320, $0x38;
	[tilespmem:$0x1B8A0] =	vst v63  }
0x88: {  	_ =	swait.ge [sflag:s17], $0x320  }
0x89: {  	[sflag:s17] =	ssyncset.done $0x0  }
0x8a: {  	[sflag:s17] =	ssyncadd.s32 $0xFFFFFCE0  }
0x8b: {  	[spmem:s9] =	stream.linear.scatter [tilespmem:s18], [sflag:$0x3], $0x320, $0x38;
	[tilespmem:$0x1B8A0] =	vst v63  }
0x8c: {  	_ =	swait.ge [sflag:s17], $0x320  }
0x8d: {  	[sflag:s17] =	ssyncset.done $0x0  }
0x8e: {  	[sflag:s17] =	ssyncadd.s32 $0xFFFFFCE0  }
0x8f: {  	[spmem:s10] =	stream.linear.scatter [tilespmem:s18], [sflag:$0x3], $0x320, $0x38;
	[tilespmem:$0x1B8A0] =	vst v63  }
0x90: {  	_ =	swait.ge [sflag:s17], $0x320  }
0x91: {  	[sflag:s17] =	ssyncset.done $0x0  }
0x92: {  	[sflag:s17] =	ssyncadd.s32 $0xFFFFFCE0  }
0x93: {  	[spmem:s11] =	stream.linear.scatter [tilespmem:s18], [sflag:$0x3], $0x320, $0x38;
	[tilespmem:$0x1B8A0] =	vst v63  }
0x94: {  	_ =	swait.ge [sflag:s17], $0x320  }
0x95: {  	[sflag:s17] =	ssyncset.done $0x0  }
0x96: {  	[sflag:s17] =	ssyncadd.s32 $0xFFFFFCE0  }
0x97: {  	[spmem:s12] =	stream.linear.scatter [tilespmem:s18], [sflag:$0x3], $0x320, $0x38;
	[tilespmem:$0x1B8A0] =	vst v63  }
0x98: {  	_ =	swait.ge [sflag:s17], $0x320  }
0x99: {  	[sflag:s17] =	ssyncset.done $0x0  }
0x9a: {  	[sflag:s17] =	ssyncadd.s32 $0xFFFFFCE0  }
0x9b: {  	[bflag:$0x0] =	sbarrier.arrive $0xFFFF  }
0x9c: {  	s5 =	simm.s32 $0x1A900;
	s0 =	simm.s32 $0x0;
	s7 =	rddreg [dreg:$0xd]  }
0x9d: {  	[tilespmem:s5], [sflag:$0x1] =	stream.linear.gather [hbm4b:s7+s0], $0x190, $0x38;
	[tilespmem:$0x1B8A0] =	vst v63  }
0x9e: {  	s5 =	rddreg [dreg:$0xe]  }
0x9f: {  	[tilespmem:s19], [sflag:$0x1] =	stream.linear.gather [hbm4b:s5+s0], $0x190, $0x38;
	[tilespmem:$0x1B8A0] =	vst v63  }
0xa0: {  	s6 =	rddreg [dreg:$0xf];
	s7 =	simm.s32 $0x1AC20  }
0xa1: {  	[tilespmem:s7], [sflag:$0x1] =	stream.linear.gather [hbm4b:s6+s0], $0x190, $0x38;
	[tilespmem:$0x1B8A0] =	vst v63  }
0xa2: {  	s5 =	rddreg [dreg:$0x10]  }
0xa3: {  	[tilespmem:s20], [sflag:$0x2] =	stream.linear.gather [hbm4b:s5+s0], $0x190, $0x38;
	[tilespmem:$0x1B8A0] =	vst v63  }
0xa4: {  	s6 =	rddreg [dreg:$0x11]  }
0xa5: {  	[tilespmem:s21], [sflag:$0x2] =	stream.linear.gather [hbm4b:s6+s0], $0x190, $0x38;
	[tilespmem:$0x1B8A0] =	vst v63  }
0xa6: {  	s7 =	rddreg [dreg:$0x12]  }
0xa7: {  	[tilespmem:s22], [sflag:$0x2] =	stream.linear.gather [hbm4b:s7+s0], $0x190, $0x38;
	[tilespmem:$0x1B8A0] =	vst v63  }
.LBB2_4:
0xa8: {  	_ =	swait.ge [sflag:s25], $0x190  }
0xa9: {  	[sflag:s25] =	ssyncset.done $0x0  }
0xaa: {  	[sflag:s25] =	ssyncadd.s32 $0xFFFFFE70  }
0xab: {  	_ =	swait.ge [sflag:s25], $0x190  }
0xac: {  	[sflag:s25] =	ssyncset.done $0x0  }
0xad: {  	[sflag:s25] =	ssyncadd.s32 $0xFFFFFE70  }
0xae: {  	_ =	swait.ge [sflag:s25], $0x190  }
0xaf: {  	[sflag:s25] =	ssyncset.done $0x0  }
0xb0: {  	s3 =	simm.s32 $0x0;
	[sflag:s25] =	ssyncadd.s32 $0xFFFFFE70  }
0xb1: {  	v2 =	vld [tilespmem:s3+$0x1A900];
	_ =	sdelay $0x6  }
0xb2: {  	v1 =	vld [tilespmem:s3+$0x1AC20]  }
0xb3: {  	s5 =	simm.s32 $0x10;
	s6 =	simm.s32 $0x80;
	v2 =	vld.idx.msk [tilespmem:v2+s15+$0x0], $0xffff  }
.LBB2_5:
0xb4: {  	p0 =	sne.s32 s6, $0x600;
	v3 =	vld [tilespmem:s5+$0x1A900];
	_ =	sdelay $0x3  }
.Ltmp3:
0xb5: {  	(pc) =	sbr.rel @p0 .LBB2_5-.Ltmp3, $3  }
0xb6: {  	v2 =	vmul.f32 v1, v2;
	_ =	sdelay $0x1  }
0xb7: {  	v1 =	vld [tilespmem:s5+$0x1AC20];
	[tilespmem:s3+$0x1ADB0] =	vst v2;
	s3 =	smov.u32 s5  }
0xb8: {  	s5 =	sshra.s32 s6, $0x2;
	s6 =	sadd.s32 $0x40, s6;
	v2 =	vld.idx.msk [tilespmem:v3+s15+$0x0], $0xffff  }
0xb9: {  	v3 =	vld [tilespmem:s5+$0x1A900];
	_ =	sdelay $0x4  }
0xba: {  	v1 =	vmul.f32 v1, v2;
	_ =	sdelay $0x1  }
0xbb: {  	v2 =	vld [tilespmem:s5+$0x1AC20];
	[tilespmem:s3+$0x1ADB0] =	vst v1  }
0xbc: {  	v1 =	vld.idx.msk [tilespmem:v3+s15+$0x0], $0xffff;
	_ =	sdelay $0x4  }
0xbd: {  	v1 =	vmul.f32 v2, v1  }
0xbe: {  	p0 =	seq.s32 s0, $0x7C  }
0xbf: {  	s3 =	smul.u32 @!p0 $0x320, s0;
	[tilespmem:s5+$0x1ADB0] =	vst v1  }
0xc0: {  	[spmem:s2] =	stream.indirect.scatter.add.f32 [tilespmem:s28], [sflag:$0x3], $0x1, s19, s26, $0xb8;
	[tilespmem:$0x1B8A0] =	vst v63  }
0xc1: {  	s3 =	sadd.s32 @!p0 s3, s23;
	_ =	swait.ge [sflag:s17], $0x190  }
0xc2: {  	s6 =	simm.s32 @!p0 $0x0;
	s3 =	sshrl.u32 @!p0 s3, $0x3;
	[sflag:s17] =	ssyncset.done $0x0  }
0xc3: {  	s7 =	simm.s32 @!p0 $0x1A900;
	s5 =	sadd.s32 @!p0 s13, s3;
	[sflag:s17] =	ssyncadd.s32 $0xFFFFFE70  }
0xc4: {  	[tilespmem:s7], [sflag:$0x1] =	stream.linear.gather @!p0 [hbm4b:s5+s6], $0x190, $0x38;
	[tilespmem:$0x1B8A0] =	vst v63  }
0xc5: {  	s5 =	sadd.s32 @!p0 s14, s3;
	s7 =	simm.s32 @!p0 $0x1AA90  }
0xc6: {  	[tilespmem:s7], [sflag:$0x1] =	stream.linear.gather @!p0 [hbm4b:s5+s6], $0x190, $0x38;
	[tilespmem:$0x1B8A0] =	vst v63  }
0xc7: {  	s3 =	sadd.s32 @!p0 s1, s3;
	s5 =	simm.s32 @!p0 $0x1AC20  }
0xc8: {  	[tilespmem:s5], [sflag:$0x1] =	stream.linear.gather @!p0 [hbm4b:s3+s6], $0x190, $0x38;
	[tilespmem:$0x1B8A0] =	vst v63  }
0xc9: {  	_ =	swait.ge [sflag:s29], $0x190  }
0xca: {  	[sflag:s29] =	ssyncset.done $0x0  }
0xcb: {  	[sflag:s29] =	ssyncadd.s32 $0xFFFFFE70  }
0xcc: {  	_ =	swait.ge [sflag:s29], $0x190  }
0xcd: {  	[sflag:s29] =	ssyncset.done $0x0  }
0xce: {  	[sflag:s29] =	ssyncadd.s32 $0xFFFFFE70  }
0xcf: {  	_ =	swait.ge [sflag:s29], $0x190  }
0xd0: {  	[sflag:s29] =	ssyncset.done $0x0  }
0xd1: {  	s3 =	simm.s32 $0x0;
	[sflag:s29] =	ssyncadd.s32 $0xFFFFFE70  }
0xd2: {  	v2 =	vld [tilespmem:s3+$0x1AF40];
	_ =	sdelay $0x6  }
0xd3: {  	v1 =	vld [tilespmem:s3+$0x1B260]  }
0xd4: {  	s5 =	simm.s32 $0x10;
	s6 =	simm.s32 $0x80;
	v2 =	vld.idx.msk [tilespmem:v2+s15+$0x0], $0xffff  }
.LBB2_7:
0xd5: {  	p1 =	sne.s32 s6, $0x600;
	v3 =	vld [tilespmem:s5+$0x1AF40];
	_ =	sdelay $0x3  }
.Ltmp4:
0xd6: {  	(pc) =	sbr.rel @p1 .LBB2_7-.Ltmp4, $3  }
0xd7: {  	v2 =	vmul.f32 v1, v2;
	_ =	sdelay $0x1  }
0xd8: {  	v1 =	vld [tilespmem:s5+$0x1B260];
	[tilespmem:s3+$0x1B3F0] =	vst v2;
	s3 =	smov.u32 s5  }
0xd9: {  	s5 =	sshra.s32 s6, $0x2;
	s6 =	sadd.s32 $0x40, s6;
	v2 =	vld.idx.msk [tilespmem:v3+s15+$0x0], $0xffff  }
0xda: {  	v3 =	vld [tilespmem:s5+$0x1AF40];
	_ =	sdelay $0x4  }
0xdb: {  	v1 =	vmul.f32 v1, v2;
	_ =	sdelay $0x1  }
0xdc: {  	v2 =	vld [tilespmem:s5+$0x1B260];
	[tilespmem:s3+$0x1B3F0] =	vst v1  }
0xdd: {  	v1 =	vld.idx.msk [tilespmem:v3+s15+$0x0], $0xffff;
	_ =	sdelay $0x4  }
0xde: {  	v1 =	vmul.f32 v2, v1;
	_ =	sdelay $0x1  }
.Ltmp5:
0xdf: {  	[tilespmem:s5+$0x1B3F0] =	vst v1;
	(pc) =	sbr.rel @p0 .LBB2_10-.Ltmp5, $4  }
0xe0: {  	[spmem:s2] =	stream.indirect.scatter.add.f32 [tilespmem:s30], [sflag:$0x3], $0x1, s21, s26, $0xb8;
	[tilespmem:$0x1B8A0] =	vst v63  }
0xe1: {  	_ =	swait.ge [sflag:s17], $0x190  }
0xe2: {  	[sflag:s17] =	ssyncset.done $0x0  }
0xe3: {  	[sflag:s17] =	ssyncadd.s32 $0xFFFFFE70  }
0xe4: {  	s3 =	smul.u32 $0x320, s0;
	_ =	sdelay $0x1  }
0xe5: {  	s3 =	sadd.s32 s3, s24  }
0xe6: {  	s3 =	sshrl.u32 s3, $0x3  }
0xe7: {  	s5 =	sadd.s32 s13, s3  }
0xe8: {  	[tilespmem:s20], [sflag:$0x2] =	stream.linear.gather [hbm4b:s5+s4], $0x190, $0x38;
	[tilespmem:$0x1B8A0] =	vst v63  }
.Ltmp6:
0xe9: {  	_ = 	snop;
	(pc) =	sbr.rel .LBB2_4-.Ltmp6, $4  }
0xea: {  	s7 =	sadd.s32 s14, s3  }
0xeb: {  	[tilespmem:s21], [sflag:$0x2] =	stream.linear.gather [hbm4b:s7+s4], $0x190, $0x38;
	[tilespmem:$0x1B8A0] =	vst v63  }
0xec: {  	s0 =	sadd.s32 $0x1, s0;
	s3 =	sadd.s32 s1, s3  }
0xed: {  	[tilespmem:s22], [sflag:$0x2] =	stream.linear.gather [hbm4b:s3+s4], $0x190, $0x38;
	[tilespmem:$0x1B8A0] =	vst v63  }
.LBB2_11:
0xee: {  	_ =	sfence.sel $0x180000  }
0xef: {  	[bflag:$0x0] =	sbarrier.arrive $0xFFFF  }
0xf0: {  	_ =	strace $0x90000050  }
0xf1: {  	s0 =	stileid.u32;
	[bflag:$0x2] =	sbarrier.arrive $0xFFFF  }
0xf2: {  	p0 =	sne.s32 s0, $0x0;
	s0 =	rddreg [dreg:$0x3]  }
0xf3: {  	s0 =	sadd.s32 @!p0 $0x100000, s0  }
0xf4: {  	[sflag:s0] =	ssyncadd.tile.s32 @!p0 $0x1;
	_ =	shalt  }
.Lfunc_end2:
_tile_overlayer_lowered:
.L_overlay_start_2:
0xf5: {  	(tag) =	ssettag $0x2  }
0xf6: {  	s0 =	rddreg [dreg:$0x0];
	s2 =	stileid.u32  }
0xf7: {  	s1 =	rddreg [dreg:$0x1];
	p0 =	sne.s32 s2, $0x0  }
0xf8: {  	s3 =	rddreg [dreg:$0x2];
	[bflag:$0x3] =	sbarrier.arrive $0xFFFF;
	s2 =	simm.s32 @!p0 $0x1C03  }
0xf9: {  	[timem:s3], [sflag:s2] =	dma.local @!p0 [hbm:s0], s1  }
0xfa: {  	s0 =	simm.s32 @!p0 $0x3  }
0xfb: {  	_ =	swait.ge @!p0 [sflag:s0], s1  }
0xfc: {  	s1 =	ssub.s32 @!p0 $0x0, s1;
	[sflag:s0] =	ssyncset.done @!p0 $0x0  }
0xfd: {  	[sflag:s0] =	ssyncadd.s32 @!p0 s1  }
0xfe: {  	[bflag:$0x3] =	sbarrier.arrive $0xFFFF  }
0xff: {  	_ =	shalt  }

</sc_bundles>
